<compile_context>
chip_gen: v7x
topology: tpu7x:2x2x1
jax: 0.10.2.dev20260603
libtpu: 0.0.44.dev20260713+nightly
codegen_flags: <defaults>
</compile_context>

<pallas_src>
import functools

import jax
import jax.numpy as jnp
from jax import lax
from jax.experimental import pallas as pl
from jax.experimental.pallas import tpu as pltpu
from jax.experimental.pallas import tpu_sc as plsc

N = 10000
E = 320000
D = 128
P = 512
MLP_DIM = 256
NACT = 10
LAYERS = 3

NC = 2
NS = 16
CH = 40
NBUF = 4
SUP = 100
NSUP = 5
NCHUNK = SUP * NSUP
EPT = E // NS
NPAD = N
RPT = 624
RPT_LAST = N - (NS - 1) * RPT


def _sc_agg(hs, hf, edges, zeros):
  mesh = plsc.VectorSubcoreMesh(core_axis_name="c", subcore_axis_name="s")

  @functools.partial(
      pl.kernel,
      out_type=[jax.ShapeDtypeStruct((N, D), jnp.float32)] * 2,
      mesh=mesh,
      scratch_types=[
          pltpu.VMEM((SUP * CH,), jnp.int32),
          pltpu.VMEM((SUP * CH,), jnp.int32),
          [pltpu.VMEM((CH, D), jnp.float32)] * NBUF,
          [pltpu.SemaphoreType.DMA] * NBUF,
          [pltpu.SemaphoreType.DMA] * NBUF,
          pltpu.VMEM_SHARED((NPAD, D), jnp.float32),
      ],
  )
  def k(hs_hbm, hf_hbm, se_hbm, de_hbm, z_hbm, aggs_hbm, aggf_hbm,
        gv, sv, bufs, gsems, ssems, agg_sh):
    c = lax.axis_index("c")
    s = lax.axis_index("s")
    base = s * RPT

    @pl.when(s < NS - 1)
    def _():
      pltpu.sync_copy(z_hbm.at[pl.ds(0, RPT)], agg_sh.at[pl.ds(base, RPT)])

    @pl.when(s == NS - 1)
    def _():
      pltpu.sync_copy(z_hbm.at[pl.ds(0, RPT_LAST)],
                      agg_sh.at[pl.ds(base, RPT_LAST)])

    plsc.subcore_barrier()

    def run(h_hbm, ge, se):
      grp = (0, 1), (2, 3)

      def gather(j, b):
        pltpu.async_copy(h_hbm.at[gv.at[pl.ds(j * CH, CH)]], bufs[b],
                         gsems[b])

      def wait_gather(j, b):
        pltpu.make_async_copy(h_hbm.at[gv.at[pl.ds(j * CH, CH)]], bufs[b],
                              gsems[b]).wait()

      def scatter(j, b):
        pltpu.async_copy(bufs[b], agg_sh.at[sv.at[pl.ds(j * CH, CH)]],
                         ssems[b], add=True)

      def wait_scatter(j, b):
        pltpu.make_async_copy(bufs[b], agg_sh.at[sv.at[pl.ds(j * CH, CH)]],
                              ssems[b]).wait()

      def superstep(sup, _):
        off = s * EPT + sup * (SUP * CH)
        pltpu.sync_copy(ge.at[pl.ds(off, SUP * CH)], gv)
        pltpu.sync_copy(se.at[pl.ds(off, SUP * CH)], sv)
        for b in range(NBUF):
          gather(b, b)

        def round_pair(i, _):
          j0 = i * NBUF
          for g in range(2):
            for k in range(2):
              b = grp[g][k]
              wait_gather(j0 + 2 * g + k, b)
              scatter(j0 + 2 * g + k, b)
            for k in range(2):
              b = grp[g][k]
              wait_scatter(j0 + 2 * g + k, b)
              gather(j0 + NBUF + 2 * g + k, b)
          return 0

        lax.fori_loop(0, SUP // NBUF - 1, round_pair, 0)
        j0 = SUP - NBUF
        for g in range(2):
          for k in range(2):
            b = grp[g][k]
            wait_gather(j0 + 2 * g + k, b)
            scatter(j0 + 2 * g + k, b)
        for g in range(2):
          for k in range(2):
            b = grp[g][k]
            wait_scatter(j0 + 2 * g + k, b)
        return 0

      lax.fori_loop(0, NSUP, superstep, 0)

    @pl.when(c == 0)
    def _():
      run(hs_hbm, se_hbm, de_hbm)

    @pl.when(c == 1)
    def _():
      run(hf_hbm, de_hbm, se_hbm)

    plsc.subcore_barrier()

    def copy_out(out_hbm):
      @pl.when(s < NS - 1)
      def _():
        pltpu.sync_copy(agg_sh.at[pl.ds(base, RPT)],
                        out_hbm.at[pl.ds(base, RPT)])

      @pl.when(s == NS - 1)
      def _():
        pltpu.sync_copy(agg_sh.at[pl.ds(base, RPT_LAST)],
                        out_hbm.at[pl.ds(base, RPT_LAST)])

    @pl.when(c == 0)
    def _():
      copy_out(aggs_hbm)

    @pl.when(c == 1)
    def _():
      copy_out(aggf_hbm)

  return k(hs, hf, edges[0], edges[1], zeros)


_BLK = 1000


_PREC = jax.lax.Precision.DEFAULT


def _tc_dense_body(aggs_ref, hs_ref, aggf_ref, hf_ref,
                   wns, wss, bs1, wnf, wsf, bf1, os_ref, of_ref):
  os_ref[...] = jnp.maximum(
      jnp.dot(aggs_ref[...], wns[0], preferred_element_type=jnp.float32,
              precision=_PREC)
      + jnp.dot(hs_ref[...], wss[0], preferred_element_type=jnp.float32,
                precision=_PREC)
      + bs1[0], 0.0)
  of_ref[...] = jnp.maximum(
      jnp.dot(aggf_ref[...], wnf[0], preferred_element_type=jnp.float32,
              precision=_PREC)
      + jnp.dot(hf_ref[...], wsf[0], preferred_element_type=jnp.float32,
                precision=_PREC)
      + bf1[0], 0.0)


def _tc_dense(aggs, hs, aggf, hf, wns, wss, bs, wnf, wsf, bf, l):
  row_spec = pl.BlockSpec((_BLK, D), lambda i: (i, 0))
  w_spec = pl.BlockSpec((1, D, D), lambda i: (l, 0, 0))
  b_spec = pl.BlockSpec((1, 1, D), lambda i: (l, 0, 0))
  return pl.pallas_call(
      _tc_dense_body,
      grid=(N // _BLK,),
      in_specs=[row_spec, row_spec, row_spec, row_spec,
                w_spec, w_spec, b_spec, w_spec, w_spec, b_spec],
      out_specs=[row_spec, row_spec],
      out_shape=[jax.ShapeDtypeStruct((N, D), jnp.float32)] * 2,
  )(aggs, hs, aggf, hf, wns, wss, bs.reshape(LAYERS, 1, D),
    wnf, wsf, bf.reshape(LAYERS, 1, D))


_PPT = P // NS


def _sc_po_gather4(aggs, hs, aggf, hf, pos):
  mesh = plsc.VectorSubcoreMesh(core_axis_name="c", subcore_axis_name="s")

  @functools.partial(
      pl.kernel,
      out_type=[jax.ShapeDtypeStruct((P, D), jnp.float32)] * 4,
      mesh=mesh,
      scratch_types=[
          pltpu.VMEM((_PPT,), jnp.int32),
          pltpu.VMEM((_PPT, D), jnp.float32),
          pltpu.VMEM((_PPT, D), jnp.float32),
          pltpu.SemaphoreType.DMA,
          pltpu.SemaphoreType.DMA,
      ],
  )
  def k(aggs_hbm, hs_hbm, aggf_hbm, hf_hbm, pos_hbm,
        oas_hbm, ohs_hbm, oaf_hbm, ohf_hbm, pidx, rows0, rows1, sem0, sem1):
    c = lax.axis_index("c")
    s = lax.axis_index("s")
    base = s * _PPT
    pltpu.sync_copy(pos_hbm.at[pl.ds(base, _PPT)], pidx)

    def gather2(a_hbm, h_hbm, oa_hbm, oh_hbm):
      pltpu.async_copy(a_hbm.at[pidx], rows0, sem0)
      pltpu.async_copy(h_hbm.at[pidx], rows1, sem1)
      pltpu.make_async_copy(a_hbm.at[pidx], rows0, sem0).wait()
      pltpu.sync_copy(rows0, oa_hbm.at[pl.ds(base, _PPT)])
      pltpu.make_async_copy(h_hbm.at[pidx], rows1, sem1).wait()
      pltpu.sync_copy(rows1, oh_hbm.at[pl.ds(base, _PPT)])

    @pl.when(c == 0)
    def _():
      gather2(aggs_hbm, hs_hbm, oas_hbm, ohs_hbm)

    @pl.when(c == 1)
    def _():
      gather2(aggf_hbm, hf_hbm, oaf_hbm, ohf_hbm)

  return k(aggs, hs, aggf, hf, pos)


def _tc_head_body(as_ref, hs_ref, af_ref, hf_ref, wns, wss, bs1, wnf, wsf, bf1,
                  w1s, w1f, b1r, w2r, b2r, w3r, b3r, out_ref):
  prec = dict(preferred_element_type=jnp.float32, precision=_PREC)
  es = jnp.maximum(jnp.dot(as_ref[...], wns[0], **prec)
                   + jnp.dot(hs_ref[...], wss[0], **prec) + bs1[0], 0.0)
  ef = jnp.maximum(jnp.dot(af_ref[...], wnf[0], **prec)
                   + jnp.dot(hf_ref[...], wsf[0], **prec) + bf1[0], 0.0)
  h = jnp.maximum(jnp.dot(es, w1s[...], **prec)
                  + jnp.dot(ef, w1f[...], **prec) + b1r[...], 0.0)
  h = jnp.maximum(jnp.dot(h, w2r[...], **prec) + b2r[...], 0.0)
  out_ref[...] = jnp.dot(h, w3r[...], **prec) + b3r[...]


def _tc_head(aggs_p, hs_p, aggf_p, hf_p, wns, wss, bs, wnf, wsf, bf,
             w1, b1, w2, b2, w3, b3):
  l = LAYERS - 1
  full = lambda *shape: pl.BlockSpec(shape, lambda i: (0,) * len(shape))
  wl_spec = pl.BlockSpec((1, D, D), lambda i: (l, 0, 0))
  bl_spec = pl.BlockSpec((1, 1, D), lambda i: (l, 0, 0))
  return pl.pallas_call(
      _tc_head_body,
      grid=(1,),
      in_specs=[full(P, D), full(P, D), full(P, D), full(P, D),
                wl_spec, wl_spec, bl_spec, wl_spec, wl_spec, bl_spec,
                pl.BlockSpec((D, MLP_DIM), lambda i: (0, 0)),
                pl.BlockSpec((D, MLP_DIM), lambda i: (1, 0)),
                full(1, MLP_DIM), full(MLP_DIM, MLP_DIM), full(1, MLP_DIM),
                full(MLP_DIM, NACT), full(1, NACT)],
      out_specs=full(P, NACT),
      out_shape=jax.ShapeDtypeStruct((P, NACT), jnp.float32),
  )(aggs_p, hs_p, aggf_p, hf_p,
    wns, wss, bs.reshape(LAYERS, 1, D), wnf, wsf, bf.reshape(LAYERS, 1, D),
    w1, w1, b1.reshape(1, MLP_DIM), w2, b2.reshape(1, MLP_DIM),
    w3, b3.reshape(1, NACT))


def kernel(x, edge_index, POs, Wn_s, Wself_s, b_s, Wn_f, Wself_f, b_f,
           W1, b1, W2, b2, W3, b3):
  zeros = jnp.zeros((RPT_LAST, D), jnp.float32)

  hs = x
  hf = x
  for l in range(LAYERS - 1):
    aggs, aggf = _sc_agg(hs, hf, edge_index, zeros)
    hs, hf = _tc_dense(aggs, hs, aggf, hf,
                       Wn_s, Wself_s, b_s, Wn_f, Wself_f, b_f, l)

  aggs, aggf = _sc_agg(hs, hf, edge_index, zeros)
  aggs_p, hs_p, aggf_p, hf_p = _sc_po_gather4(aggs, hs, aggf, hf, POs)
  return _tc_head(aggs_p, hs_p, aggf_p, hf_p,
                  Wn_s, Wself_s, b_s, Wn_f, Wself_f, b_f,
                  W1, b1, W2, b2, W3, b3)

# --- scband reference (transcript-rebuilt; emitter-appended) ---
"""Pipeline reference for scband-q-net-26843545600405 (READ-ONLY COPY).

The authoritative reference and input builder live on the scoring server;
editing this copy changes nothing except your own understanding.
"""

import jax, jax.numpy as jnp
import numpy as np

N = 10000      # nodes
E = 320000     # edges
D = 128        # ckt_dim
P = 512        # number of POs
MLP_DIM = 256
NACT = 10
LAYERS = 3


def setup_inputs(seed: int = 0) -> dict:
    key = jax.random.key(seed)
    ks = jax.random.split(key, 20)
    x = jax.random.normal(ks[0], (N, D), dtype=jnp.float32)
    edge_index = jax.random.randint(ks[1], (2, E), 0, N, dtype=jnp.int32)
    POs = jax.random.randint(ks[2], (P,), 0, N, dtype=jnp.int32)
    s = 1.0 / np.sqrt(D)
    # structural-stream GNN params (stacked over layers)
    Wn_s = jax.random.normal(ks[3], (LAYERS, D, D), dtype=jnp.float32) * s
    Wself_s = jax.random.normal(ks[4], (LAYERS, D, D), dtype=jnp.float32) * s
    b_s = jnp.zeros((LAYERS, D), dtype=jnp.float32)
    # functional-stream GNN params (reverse edges)
    Wn_f = jax.random.normal(ks[5], (LAYERS, D, D), dtype=jnp.float32) * s
    Wself_f = jax.random.normal(ks[6], (LAYERS, D, D), dtype=jnp.float32) * s
    b_f = jnp.zeros((LAYERS, D), dtype=jnp.float32)
    # MLP head: in = 2*D (concat of hs[POs], hf[POs])
    W1 = jax.random.normal(ks[7], (2 * D, MLP_DIM), dtype=jnp.float32) * (1.0 / np.sqrt(2 * D))
    b1 = jnp.zeros((MLP_DIM,), dtype=jnp.float32)
    W2 = jax.random.normal(ks[8], (MLP_DIM, MLP_DIM), dtype=jnp.float32) * (1.0 / np.sqrt(MLP_DIM))
    b2 = jnp.zeros((MLP_DIM,), dtype=jnp.float32)
    W3 = jax.random.normal(ks[9], (MLP_DIM, NACT), dtype=jnp.float32) * (1.0 / np.sqrt(MLP_DIM))
    b3 = jnp.zeros((NACT,), dtype=jnp.float32)
    return {"x": x, "edge_index": edge_index, "POs": POs,
            "Wn_s": Wn_s, "Wself_s": Wself_s, "b_s": b_s,
            "Wn_f": Wn_f, "Wself_f": Wself_f, "b_f": b_f,
            "W1": W1, "b1": b1, "W2": W2, "b2": b2, "W3": W3, "b3": b3}


def _gnn_stream(x, src, dst, Wn, Wself, b):
    h = x
    for l in range(LAYERS):
        msgs = h[src]                                   # gather  [E, D]
        agg = jax.ops.segment_sum(msgs, dst, num_segments=N)  # scatter-add [N, D]
        h = jax.nn.relu(agg @ Wn[l] + h @ Wself[l] + b[l])
    return h


def reference(x, edge_index, POs, Wn_s, Wself_s, b_s, Wn_f, Wself_f, b_f,
              W1, b1, W2, b2, W3, b3):
    src = edge_index[0]
    dst = edge_index[1]
    # structural embedding: forward direction (src -> dst)
    hs = _gnn_stream(x, src, dst, Wn_s, Wself_s, b_s)
    # functional embedding: reverse direction (dst -> src)
    hf = _gnn_stream(x, dst, src, Wn_f, Wself_f, b_f)
    graph_emb = jnp.concatenate([hs[POs], hf[POs]], axis=1)  # [P, 2D]
    h = jax.nn.relu(graph_emb @ W1 + b1)
    h = jax.nn.relu(h @ W2 + b2)
    y_pred = h @ W3 + b3
    return y_pred

if __name__ == "__main__":
    import jax
    _d = setup_inputs()
    print(jax.jit(kernel)(*tuple(_d.values())))

</pallas_src>

<mosaic_0001>
#map = affine_map<(d0, d1) -> (0, 0)>
#map1 = affine_map<(d0, d1) -> (0)>
module attributes {stable_mosaic.version = 14 : i64} {
  func.func @k(%arg0: i32, %arg1: i32, %arg2: memref<10000x128xf32, #tpu.memory_space<hbm>>, %arg3: memref<10000x128xf32, #tpu.memory_space<hbm>>, %arg4: memref<320000xi32, #tpu.memory_space<hbm>>, %arg5: memref<320000xi32, #tpu.memory_space<hbm>>, %arg6: memref<640x128xf32, #tpu.memory_space<hbm>>, %arg7: memref<10000x128xf32, #tpu.memory_space<hbm>>, %arg8: memref<10000x128xf32, #tpu.memory_space<hbm>>, %arg9: memref<4000xi32, #tpu.memory_space<vmem>>, %arg10: memref<4000xi32, #tpu.memory_space<vmem>>, %arg11: memref<40x128xf32, #tpu.memory_space<vmem>>, %arg12: memref<40x128xf32, #tpu.memory_space<vmem>>, %arg13: memref<40x128xf32, #tpu.memory_space<vmem>>, %arg14: memref<40x128xf32, #tpu.memory_space<vmem>>, %arg15: memref<!tpu.dma_semaphore, #tpu.memory_space<semaphore_mem>>, %arg16: memref<!tpu.dma_semaphore, #tpu.memory_space<semaphore_mem>>, %arg17: memref<!tpu.dma_semaphore, #tpu.memory_space<semaphore_mem>>, %arg18: memref<!tpu.dma_semaphore, #tpu.memory_space<semaphore_mem>>, %arg19: memref<!tpu.dma_semaphore, #tpu.memory_space<semaphore_mem>>, %arg20: memref<!tpu.dma_semaphore, #tpu.memory_space<semaphore_mem>>, %arg21: memref<!tpu.dma_semaphore, #tpu.memory_space<semaphore_mem>>, %arg22: memref<!tpu.dma_semaphore, #tpu.memory_space<semaphore_mem>>, %arg23: memref<10000x128xf32, #tpu.memory_space<vmem_shared>>) attributes {dimension_semantics = [#tpu.dimension_semantics<core_parallel>, #tpu.dimension_semantics<subcore_parallel>], iteration_bounds = array<i64: 2, 16>, scalar_prefetch = 0 : i64, scratch_operands = 15 : i64, tpu.core_type = #tpu.core_type<sc_vector_subcore>, window_params = [{transform_indices = #map}, {transform_indices = #map}, {transform_indices = #map1}, {transform_indices = #map1}, {transform_indices = #map}, {transform_indices = #map}, {transform_indices = #map}]} {
    %mul3A = arith.constant 624 : i32
    %mul3A_0 = arith.muli %arg1, %mul3A : i32
    %lt3A = arith.constant 15 : i32
    %lt3A_1 = arith.cmpi slt, %arg1, %lt3A : i32
    %convert_element_type3A = arith.extui %lt3A_1 : i1 to i32
    %cond3A = arith.constant 0 : i32
    %cond3A_2 = arith.cmpi ne, %convert_element_type3A, %cond3A : i32
    scf.if %cond3A_2 {
      "tpu.region"() ({
        %run_scoped3A = tpu.sem_alloc : memref<!tpu.dma_semaphore, #tpu.memory_space<semaphore_mem>>
        %dma_start3A = arith.constant 0 : i32
        %dma_start3A_28 = tpu.memref_slice %arg23[%mul3A_0, %dma_start3A] : memref<10000x128xf32, #tpu.memory_space<vmem_shared>> -> memref<624x128xf32, #tpu.memory_space<vmem_shared>>
        %dma_start3A_29 = arith.constant 0 : i32
        %dma_start3A_30 = arith.constant 0 : i32
        %dma_start3A_31 = tpu.memref_slice %arg6[%dma_start3A_29, %dma_start3A_30] : memref<640x128xf32, #tpu.memory_space<hbm>> -> memref<624x128xf32, #tpu.memory_space<hbm>>
        tpu.enqueue_dma source(%dma_start3A_31 : memref<624x128xf32, #tpu.memory_space<hbm>>) target(%dma_start3A_28 : memref<624x128xf32, #tpu.memory_space<vmem_shared>>) target_semaphore(%run_scoped3A : memref<!tpu.dma_semaphore, #tpu.memory_space<semaphore_mem>>)
        %dma_wait3A = arith.constant 0 : i32
        %dma_wait3A_32 = tpu.memref_slice %arg23[%mul3A_0, %dma_wait3A] : memref<10000x128xf32, #tpu.memory_space<vmem_shared>> -> memref<624x128xf32, #tpu.memory_space<vmem_shared>>
        %dma_wait3A_33 = arith.constant 0 : i32
        %dma_wait3A_34 = arith.constant 0 : i32
        %dma_wait3A_35 = tpu.memref_slice %arg6[%dma_wait3A_33, %dma_wait3A_34] : memref<640x128xf32, #tpu.memory_space<hbm>> -> memref<624x128xf32, #tpu.memory_space<hbm>>
        tpu.wait_dma2 semaphore(%run_scoped3A : memref<!tpu.dma_semaphore, #tpu.memory_space<semaphore_mem>>) src(%dma_wait3A_35 : memref<624x128xf32, #tpu.memory_space<hbm>>) dst(%dma_wait3A_32 : memref<624x128xf32, #tpu.memory_space<vmem_shared>>)
        tpu.yield
      }) : () -> ()
    } else {
    }
    %eq3A = arith.constant 15 : i32
    %eq3A_3 = arith.cmpi eq, %arg1, %eq3A : i32
    %convert_element_type3A_4 = arith.extui %eq3A_3 : i1 to i32
    %cond3A_5 = arith.constant 0 : i32
    %cond3A_6 = arith.cmpi ne, %convert_element_type3A_4, %cond3A_5 : i32
    scf.if %cond3A_6 {
      "tpu.region"() ({
        %run_scoped3A = tpu.sem_alloc : memref<!tpu.dma_semaphore, #tpu.memory_space<semaphore_mem>>
        %dma_start3A = arith.constant 0 : i32
        %dma_start3A_28 = tpu.memref_slice %arg23[%mul3A_0, %dma_start3A] : memref<10000x128xf32, #tpu.memory_space<vmem_shared>> -> memref<640x128xf32, #tpu.memory_space<vmem_shared>>
        %dma_start3A_29 = arith.constant 0 : i32
        %dma_start3A_30 = arith.constant 0 : i32
        %dma_start3A_31 = tpu.memref_slice %arg6[%dma_start3A_29, %dma_start3A_30] : memref<640x128xf32, #tpu.memory_space<hbm>> -> memref<640x128xf32, #tpu.memory_space<hbm>>
        tpu.enqueue_dma source(%dma_start3A_31 : memref<640x128xf32, #tpu.memory_space<hbm>>) target(%dma_start3A_28 : memref<640x128xf32, #tpu.memory_space<vmem_shared>>) target_semaphore(%run_scoped3A : memref<!tpu.dma_semaphore, #tpu.memory_space<semaphore_mem>>)
        %dma_wait3A = arith.constant 0 : i32
        %dma_wait3A_32 = tpu.memref_slice %arg23[%mul3A_0, %dma_wait3A] : memref<10000x128xf32, #tpu.memory_space<vmem_shared>> -> memref<640x128xf32, #tpu.memory_space<vmem_shared>>
        %dma_wait3A_33 = arith.constant 0 : i32
        %dma_wait3A_34 = arith.constant 0 : i32
        %dma_wait3A_35 = tpu.memref_slice %arg6[%dma_wait3A_33, %dma_wait3A_34] : memref<640x128xf32, #tpu.memory_space<hbm>> -> memref<640x128xf32, #tpu.memory_space<hbm>>
        tpu.wait_dma2 semaphore(%run_scoped3A : memref<!tpu.dma_semaphore, #tpu.memory_space<semaphore_mem>>) src(%dma_wait3A_35 : memref<640x128xf32, #tpu.memory_space<hbm>>) dst(%dma_wait3A_32 : memref<640x128xf32, #tpu.memory_space<vmem_shared>>)
        tpu.yield
      }) : () -> ()
    } else {
    }
    %barrier3A = arith.constant 0 : index
    tpu.barrier barrier_id(%barrier3A)
    %eq3A_7 = arith.constant 0 : i32
    %eq3A_8 = arith.cmpi eq, %arg0, %eq3A_7 : i32
    %convert_element_type3A_9 = arith.extui %eq3A_8 : i1 to i32
    %cond3A_10 = arith.constant 0 : i32
    %cond3A_11 = arith.cmpi ne, %convert_element_type3A_9, %cond3A_10 : i32
    scf.if %cond3A_11 {
      %scan3A = arith.constant 0 : i32
      %scan3A_28 = arith.constant 0 : i32
      %scan3A_29 = arith.constant 5 : i32
      %scan3A_30 = arith.addi %scan3A_28, %scan3A_29 : i32
      %scan3A_31 = arith.constant 1 : i32
      %scan3A_32 = scf.for %scan3A_34 = %scan3A_28 to %scan3A_30 step %scan3A_31 iter_args(%scan3A_35 = %scan3A) -> (i32)  : i32 {
        %mul3A_36 = arith.constant 20000 : i32
        %mul3A_37 = arith.muli %arg1, %mul3A_36 : i32
        %mul3A_38 = arith.constant 4000 : i32
        %mul3A_39 = arith.muli %scan3A_34, %mul3A_38 : i32
        %add3A = arith.addi %mul3A_37, %mul3A_39 : i32
        "tpu.region"() ({
          %run_scoped3A = tpu.sem_alloc : memref<!tpu.dma_semaphore, #tpu.memory_space<semaphore_mem>>
          %dma_start3A_126 = tpu.memref_slice %arg4[%add3A] : memref<320000xi32, #tpu.memory_space<hbm>> -> memref<4000xi32, #tpu.memory_space<hbm>>
          %dma_start3A_127 = tpu.memref_slice %arg4[%add3A] : memref<320000xi32, #tpu.memory_space<hbm>> -> memref<4000xi32, #tpu.memory_space<hbm>>
          tpu.enqueue_dma source(%dma_start3A_127 : memref<4000xi32, #tpu.memory_space<hbm>>) target(%arg9 : memref<4000xi32, #tpu.memory_space<vmem>>) target_semaphore(%run_scoped3A : memref<!tpu.dma_semaphore, #tpu.memory_space<semaphore_mem>>)
          %dma_wait3A_128 = tpu.memref_slice %arg4[%add3A] : memref<320000xi32, #tpu.memory_space<hbm>> -> memref<4000xi32, #tpu.memory_space<hbm>>
          %dma_wait3A_129 = tpu.memref_slice %arg4[%add3A] : memref<320000xi32, #tpu.memory_space<hbm>> -> memref<4000xi32, #tpu.memory_space<hbm>>
          tpu.wait_dma2 semaphore(%run_scoped3A : memref<!tpu.dma_semaphore, #tpu.memory_space<semaphore_mem>>) src(%dma_wait3A_129 : memref<4000xi32, #tpu.memory_space<hbm>>) dst(%arg9 : memref<4000xi32, #tpu.memory_space<vmem>>)
          tpu.yield
        }) : () -> ()
        "tpu.region"() ({
          %run_scoped3A = tpu.sem_alloc : memref<!tpu.dma_semaphore, #tpu.memory_space<semaphore_mem>>
          %dma_start3A_126 = tpu.memref_slice %arg5[%add3A] : memref<320000xi32, #tpu.memory_space<hbm>> -> memref<4000xi32, #tpu.memory_space<hbm>>
          %dma_start3A_127 = tpu.memref_slice %arg5[%add3A] : memref<320000xi32, #tpu.memory_space<hbm>> -> memref<4000xi32, #tpu.memory_space<hbm>>
          tpu.enqueue_dma source(%dma_start3A_127 : memref<4000xi32, #tpu.memory_space<hbm>>) target(%arg10 : memref<4000xi32, #tpu.memory_space<vmem>>) target_semaphore(%run_scoped3A : memref<!tpu.dma_semaphore, #tpu.memory_space<semaphore_mem>>)
          %dma_wait3A_128 = tpu.memref_slice %arg5[%add3A] : memref<320000xi32, #tpu.memory_space<hbm>> -> memref<4000xi32, #tpu.memory_space<hbm>>
          %dma_wait3A_129 = tpu.memref_slice %arg5[%add3A] : memref<320000xi32, #tpu.memory_space<hbm>> -> memref<4000xi32, #tpu.memory_space<hbm>>
          tpu.wait_dma2 semaphore(%run_scoped3A : memref<!tpu.dma_semaphore, #tpu.memory_space<semaphore_mem>>) src(%dma_wait3A_129 : memref<4000xi32, #tpu.memory_space<hbm>>) dst(%arg10 : memref<4000xi32, #tpu.memory_space<vmem>>)
          tpu.yield
        }) : () -> ()
        %dma_start3A = arith.constant 0 : i32
        %dma_start3A_40 = tpu.memref_slice %arg9[%dma_start3A] : memref<4000xi32, #tpu.memory_space<vmem>> -> memref<40xi32, #tpu.memory_space<vmem>>
        %dma_start3A_41 = arith.constant 0 : i32
        %dma_start3A_42 = arith.constant 0 : i32
        %dma_start3A_43 = tpu.memref_slice %arg2[%dma_start3A_41, %dma_start3A_42] : memref<10000x128xf32, #tpu.memory_space<hbm>> -> memref<10000x128xf32, #tpu.memory_space<hbm>>
        tpu.enqueue_indirect_dma source(%dma_start3A_43 : memref<10000x128xf32, #tpu.memory_space<hbm>>) target(%arg11 : memref<40x128xf32, #tpu.memory_space<vmem>>) offsets(%dma_start3A_40 : memref<40xi32, #tpu.memory_space<vmem>>) semaphore(%arg15 : memref<!tpu.dma_semaphore, #tpu.memory_space<semaphore_mem>>)
        %dma_start3A_44 = arith.constant 40 : i32
        %dma_start3A_45 = tpu.memref_slice %arg9[%dma_start3A_44] : memref<4000xi32, #tpu.memory_space<vmem>> -> memref<40xi32, #tpu.memory_space<vmem>>
        %dma_start3A_46 = arith.constant 0 : i32
        %dma_start3A_47 = arith.constant 0 : i32
        %dma_start3A_48 = tpu.memref_slice %arg2[%dma_start3A_46, %dma_start3A_47] : memref<10000x128xf32, #tpu.memory_space<hbm>> -> memref<10000x128xf32, #tpu.memory_space<hbm>>
        tpu.enqueue_indirect_dma source(%dma_start3A_48 : memref<10000x128xf32, #tpu.memory_space<hbm>>) target(%arg12 : memref<40x128xf32, #tpu.memory_space<vmem>>) offsets(%dma_start3A_45 : memref<40xi32, #tpu.memory_space<vmem>>) semaphore(%arg16 : memref<!tpu.dma_semaphore, #tpu.memory_space<semaphore_mem>>)
        %dma_start3A_49 = arith.constant 80 : i32
        %dma_start3A_50 = tpu.memref_slice %arg9[%dma_start3A_49] : memref<4000xi32, #tpu.memory_space<vmem>> -> memref<40xi32, #tpu.memory_space<vmem>>
        %dma_start3A_51 = arith.constant 0 : i32
        %dma_start3A_52 = arith.constant 0 : i32
        %dma_start3A_53 = tpu.memref_slice %arg2[%dma_start3A_51, %dma_start3A_52] : memref<10000x128xf32, #tpu.memory_space<hbm>> -> memref<10000x128xf32, #tpu.memory_space<hbm>>
        tpu.enqueue_indirect_dma source(%dma_start3A_53 : memref<10000x128xf32, #tpu.memory_space<hbm>>) target(%arg13 : memref<40x128xf32, #tpu.memory_space<vmem>>) offsets(%dma_start3A_50 : memref<40xi32, #tpu.memory_space<vmem>>) semaphore(%arg17 : memref<!tpu.dma_semaphore, #tpu.memory_space<semaphore_mem>>)
        %dma_start3A_54 = arith.constant 120 : i32
        %dma_start3A_55 = tpu.memref_slice %arg9[%dma_start3A_54] : memref<4000xi32, #tpu.memory_space<vmem>> -> memref<40xi32, #tpu.memory_space<vmem>>
        %dma_start3A_56 = arith.constant 0 : i32
        %dma_start3A_57 = arith.constant 0 : i32
        %dma_start3A_58 = tpu.memref_slice %arg2[%dma_start3A_56, %dma_start3A_57] : memref<10000x128xf32, #tpu.memory_space<hbm>> -> memref<10000x128xf32, #tpu.memory_space<hbm>>
        tpu.enqueue_indirect_dma source(%dma_start3A_58 : memref<10000x128xf32, #tpu.memory_space<hbm>>) target(%arg14 : memref<40x128xf32, #tpu.memory_space<vmem>>) offsets(%dma_start3A_55 : memref<40xi32, #tpu.memory_space<vmem>>) semaphore(%arg18 : memref<!tpu.dma_semaphore, #tpu.memory_space<semaphore_mem>>)
        %scan3A_59 = arith.constant 0 : i32
        %scan3A_60 = arith.constant 0 : i32
        %scan3A_61 = arith.constant 24 : i32
        %scan3A_62 = arith.addi %scan3A_60, %scan3A_61 : i32
        %scan3A_63 = arith.constant 1 : i32
        %scan3A_64 = scf.for %scan3A_126 = %scan3A_60 to %scan3A_62 step %scan3A_63 iter_args(%scan3A_127 = %scan3A_59) -> (i32)  : i32 {
          %mul3A_128 = arith.constant 4 : i32
          %mul3A_129 = arith.muli %scan3A_126, %mul3A_128 : i32
          %add3A_130 = arith.constant 0 : i32
          %add3A_131 = arith.addi %mul3A_129, %add3A_130 : i32
          %add3A_132 = arith.constant 0 : i32
          %add3A_133 = arith.addi %add3A_131, %add3A_132 : i32
          %mul3A_134 = arith.constant 40 : i32
          %mul3A_135 = arith.muli %add3A_133, %mul3A_134 : i32
          %dma_wait3A_136 = tpu.memref_slice %arg9[%mul3A_135] : memref<4000xi32, #tpu.memory_space<vmem>> -> memref<40xi32, #tpu.memory_space<vmem>>
          %dma_wait3A_137 = arith.constant 0 : i32
          %dma_wait3A_138 = arith.constant 0 : i32
          %dma_wait3A_139 = tpu.memref_slice %arg2[%dma_wait3A_137, %dma_wait3A_138] : memref<10000x128xf32, #tpu.memory_space<hbm>> -> memref<10000x128xf32, #tpu.memory_space<hbm>>
          tpu.wait_indirect_dma semaphore(%arg15 : memref<!tpu.dma_semaphore, #tpu.memory_space<semaphore_mem>>) src(%dma_wait3A_139 : memref<10000x128xf32, #tpu.memory_space<hbm>>) dst(%arg11 : memref<40x128xf32, #tpu.memory_space<vmem>>)
          %add3A_140 = arith.constant 0 : i32
          %add3A_141 = arith.addi %mul3A_129, %add3A_140 : i32
          %add3A_142 = arith.constant 0 : i32
          %add3A_143 = arith.addi %add3A_141, %add3A_142 : i32
          %mul3A_144 = arith.constant 40 : i32
          %mul3A_145 = arith.muli %add3A_143, %mul3A_144 : i32
          %dma_start3A_146 = tpu.memref_slice %arg10[%mul3A_145] : memref<4000xi32, #tpu.memory_space<vmem>> -> memref<40xi32, #tpu.memory_space<vmem>>
          %dma_start3A_147 = arith.constant 0 : i32
          %dma_start3A_148 = arith.constant 0 : i32
          %dma_start3A_149 = tpu.memref_slice %arg23[%dma_start3A_147, %dma_start3A_148] : memref<10000x128xf32, #tpu.memory_space<vmem_shared>> -> memref<10000x128xf32, #tpu.memory_space<vmem_shared>>
          tpu.enqueue_indirect_dma source(%arg11 : memref<40x128xf32, #tpu.memory_space<vmem>>) target(%dma_start3A_149 : memref<10000x128xf32, #tpu.memory_space<vmem_shared>>) offsets(%dma_start3A_146 : memref<40xi32, #tpu.memory_space<vmem>>) semaphore(%arg19 : memref<!tpu.dma_semaphore, #tpu.memory_space<semaphore_mem>>) {add = true}
          %add3A_150 = arith.constant 0 : i32
          %add3A_151 = arith.addi %mul3A_129, %add3A_150 : i32
          %add3A_152 = arith.constant 1 : i32
          %add3A_153 = arith.addi %add3A_151, %add3A_152 : i32
          %mul3A_154 = arith.constant 40 : i32
          %mul3A_155 = arith.muli %add3A_153, %mul3A_154 : i32
          %dma_wait3A_156 = tpu.memref_slice %arg9[%mul3A_155] : memref<4000xi32, #tpu.memory_space<vmem>> -> memref<40xi32, #tpu.memory_space<vmem>>
          %dma_wait3A_157 = arith.constant 0 : i32
          %dma_wait3A_158 = arith.constant 0 : i32
          %dma_wait3A_159 = tpu.memref_slice %arg2[%dma_wait3A_157, %dma_wait3A_158] : memref<10000x128xf32, #tpu.memory_space<hbm>> -> memref<10000x128xf32, #tpu.memory_space<hbm>>
          tpu.wait_indirect_dma semaphore(%arg16 : memref<!tpu.dma_semaphore, #tpu.memory_space<semaphore_mem>>) src(%dma_wait3A_159 : memref<10000x128xf32, #tpu.memory_space<hbm>>) dst(%arg12 : memref<40x128xf32, #tpu.memory_space<vmem>>)
          %add3A_160 = arith.constant 0 : i32
          %add3A_161 = arith.addi %mul3A_129, %add3A_160 : i32
          %add3A_162 = arith.constant 1 : i32
          %add3A_163 = arith.addi %add3A_161, %add3A_162 : i32
          %mul3A_164 = arith.constant 40 : i32
          %mul3A_165 = arith.muli %add3A_163, %mul3A_164 : i32
          %dma_start3A_166 = tpu.memref_slice %arg10[%mul3A_165] : memref<4000xi32, #tpu.memory_space<vmem>> -> memref<40xi32, #tpu.memory_space<vmem>>
          %dma_start3A_167 = arith.constant 0 : i32
          %dma_start3A_168 = arith.constant 0 : i32
          %dma_start3A_169 = tpu.memref_slice %arg23[%dma_start3A_167, %dma_start3A_168] : memref<10000x128xf32, #tpu.memory_space<vmem_shared>> -> memref<10000x128xf32, #tpu.memory_space<vmem_shared>>
          tpu.enqueue_indirect_dma source(%arg12 : memref<40x128xf32, #tpu.memory_space<vmem>>) target(%dma_start3A_169 : memref<10000x128xf32, #tpu.memory_space<vmem_shared>>) offsets(%dma_start3A_166 : memref<40xi32, #tpu.memory_space<vmem>>) semaphore(%arg20 : memref<!tpu.dma_semaphore, #tpu.memory_space<semaphore_mem>>) {add = true}
          %add3A_170 = arith.constant 0 : i32
          %add3A_171 = arith.addi %mul3A_129, %add3A_170 : i32
          %add3A_172 = arith.constant 0 : i32
          %add3A_173 = arith.addi %add3A_171, %add3A_172 : i32
          %mul3A_174 = arith.constant 40 : i32
          %mul3A_175 = arith.muli %add3A_173, %mul3A_174 : i32
          %dma_wait3A_176 = tpu.memref_slice %arg10[%mul3A_175] : memref<4000xi32, #tpu.memory_space<vmem>> -> memref<40xi32, #tpu.memory_space<vmem>>
          %dma_wait3A_177 = arith.constant 0 : i32
          %dma_wait3A_178 = arith.constant 0 : i32
          %dma_wait3A_179 = tpu.memref_slice %arg23[%dma_wait3A_177, %dma_wait3A_178] : memref<10000x128xf32, #tpu.memory_space<vmem_shared>> -> memref<10000x128xf32, #tpu.memory_space<vmem_shared>>
          tpu.wait_indirect_dma semaphore(%arg19 : memref<!tpu.dma_semaphore, #tpu.memory_space<semaphore_mem>>) src(%arg11 : memref<40x128xf32, #tpu.memory_space<vmem>>) dst(%dma_wait3A_179 : memref<10000x128xf32, #tpu.memory_space<vmem_shared>>)
          %add3A_180 = arith.constant 4 : i32
          %add3A_181 = arith.addi %mul3A_129, %add3A_180 : i32
          %add3A_182 = arith.constant 0 : i32
          %add3A_183 = arith.addi %add3A_181, %add3A_182 : i32
          %add3A_184 = arith.constant 0 : i32
          %add3A_185 = arith.addi %add3A_183, %add3A_184 : i32
          %mul3A_186 = arith.constant 40 : i32
          %mul3A_187 = arith.muli %add3A_185, %mul3A_186 : i32
          %dma_start3A_188 = tpu.memref_slice %arg9[%mul3A_187] : memref<4000xi32, #tpu.memory_space<vmem>> -> memref<40xi32, #tpu.memory_space<vmem>>
          %dma_start3A_189 = arith.constant 0 : i32
          %dma_start3A_190 = arith.constant 0 : i32
          %dma_start3A_191 = tpu.memref_slice %arg2[%dma_start3A_189, %dma_start3A_190] : memref<10000x128xf32, #tpu.memory_space<hbm>> -> memref<10000x128xf32, #tpu.memory_space<hbm>>
          tpu.enqueue_indirect_dma source(%dma_start3A_191 : memref<10000x128xf32, #tpu.memory_space<hbm>>) target(%arg11 : memref<40x128xf32, #tpu.memory_space<vmem>>) offsets(%dma_start3A_188 : memref<40xi32, #tpu.memory_space<vmem>>) semaphore(%arg15 : memref<!tpu.dma_semaphore, #tpu.memory_space<semaphore_mem>>)
          %add3A_192 = arith.constant 0 : i32
          %add3A_193 = arith.addi %mul3A_129, %add3A_192 : i32
          %add3A_194 = arith.constant 1 : i32
          %add3A_195 = arith.addi %add3A_193, %add3A_194 : i32
          %mul3A_196 = arith.constant 40 : i32
          %mul3A_197 = arith.muli %add3A_195, %mul3A_196 : i32
          %dma_wait3A_198 = tpu.memref_slice %arg10[%mul3A_197] : memref<4000xi32, #tpu.memory_space<vmem>> -> memref<40xi32, #tpu.memory_space<vmem>>
          %dma_wait3A_199 = arith.constant 0 : i32
          %dma_wait3A_200 = arith.constant 0 : i32
          %dma_wait3A_201 = tpu.memref_slice %arg23[%dma_wait3A_199, %dma_wait3A_200] : memref<10000x128xf32, #tpu.memory_space<vmem_shared>> -> memref<10000x128xf32, #tpu.memory_space<vmem_shared>>
          tpu.wait_indirect_dma semaphore(%arg20 : memref<!tpu.dma_semaphore, #tpu.memory_space<semaphore_mem>>) src(%arg12 : memref<40x128xf32, #tpu.memory_space<vmem>>) dst(%dma_wait3A_201 : memref<10000x128xf32, #tpu.memory_space<vmem_shared>>)
          %add3A_202 = arith.constant 4 : i32
          %add3A_203 = arith.addi %mul3A_129, %add3A_202 : i32
          %add3A_204 = arith.constant 0 : i32
          %add3A_205 = arith.addi %add3A_203, %add3A_204 : i32
          %add3A_206 = arith.constant 1 : i32
          %add3A_207 = arith.addi %add3A_205, %add3A_206 : i32
          %mul3A_208 = arith.constant 40 : i32
          %mul3A_209 = arith.muli %add3A_207, %mul3A_208 : i32
          %dma_start3A_210 = tpu.memref_slice %arg9[%mul3A_209] : memref<4000xi32, #tpu.memory_space<vmem>> -> memref<40xi32, #tpu.memory_space<vmem>>
          %dma_start3A_211 = arith.constant 0 : i32
          %dma_start3A_212 = arith.constant 0 : i32
          %dma_start3A_213 = tpu.memref_slice %arg2[%dma_start3A_211, %dma_start3A_212] : memref<10000x128xf32, #tpu.memory_space<hbm>> -> memref<10000x128xf32, #tpu.memory_space<hbm>>
          tpu.enqueue_indirect_dma source(%dma_start3A_213 : memref<10000x128xf32, #tpu.memory_space<hbm>>) target(%arg12 : memref<40x128xf32, #tpu.memory_space<vmem>>) offsets(%dma_start3A_210 : memref<40xi32, #tpu.memory_space<vmem>>) semaphore(%arg16 : memref<!tpu.dma_semaphore, #tpu.memory_space<semaphore_mem>>)
          %add3A_214 = arith.constant 2 : i32
          %add3A_215 = arith.addi %mul3A_129, %add3A_214 : i32
          %add3A_216 = arith.constant 0 : i32
          %add3A_217 = arith.addi %add3A_215, %add3A_216 : i32
          %mul3A_218 = arith.constant 40 : i32
          %mul3A_219 = arith.muli %add3A_217, %mul3A_218 : i32
          %dma_wait3A_220 = tpu.memref_slice %arg9[%mul3A_219] : memref<4000xi32, #tpu.memory_space<vmem>> -> memref<40xi32, #tpu.memory_space<vmem>>
          %dma_wait3A_221 = arith.constant 0 : i32
          %dma_wait3A_222 = arith.constant 0 : i32
          %dma_wait3A_223 = tpu.memref_slice %arg2[%dma_wait3A_221, %dma_wait3A_222] : memref<10000x128xf32, #tpu.memory_space<hbm>> -> memref<10000x128xf32, #tpu.memory_space<hbm>>
          tpu.wait_indirect_dma semaphore(%arg17 : memref<!tpu.dma_semaphore, #tpu.memory_space<semaphore_mem>>) src(%dma_wait3A_223 : memref<10000x128xf32, #tpu.memory_space<hbm>>) dst(%arg13 : memref<40x128xf32, #tpu.memory_space<vmem>>)
          %add3A_224 = arith.constant 2 : i32
          %add3A_225 = arith.addi %mul3A_129, %add3A_224 : i32
          %add3A_226 = arith.constant 0 : i32
          %add3A_227 = arith.addi %add3A_225, %add3A_226 : i32
          %mul3A_228 = arith.constant 40 : i32
          %mul3A_229 = arith.muli %add3A_227, %mul3A_228 : i32
          %dma_start3A_230 = tpu.memref_slice %arg10[%mul3A_229] : memref<4000xi32, #tpu.memory_space<vmem>> -> memref<40xi32, #tpu.memory_space<vmem>>
          %dma_start3A_231 = arith.constant 0 : i32
          %dma_start3A_232 = arith.constant 0 : i32
          %dma_start3A_233 = tpu.memref_slice %arg23[%dma_start3A_231, %dma_start3A_232] : memref<10000x128xf32, #tpu.memory_space<vmem_shared>> -> memref<10000x128xf32, #tpu.memory_space<vmem_shared>>
          tpu.enqueue_indirect_dma source(%arg13 : memref<40x128xf32, #tpu.memory_space<vmem>>) target(%dma_start3A_233 : memref<10000x128xf32, #tpu.memory_space<vmem_shared>>) offsets(%dma_start3A_230 : memref<40xi32, #tpu.memory_space<vmem>>) semaphore(%arg21 : memref<!tpu.dma_semaphore, #tpu.memory_space<semaphore_mem>>) {add = true}
          %add3A_234 = arith.constant 2 : i32
          %add3A_235 = arith.addi %mul3A_129, %add3A_234 : i32
          %add3A_236 = arith.constant 1 : i32
          %add3A_237 = arith.addi %add3A_235, %add3A_236 : i32
          %mul3A_238 = arith.constant 40 : i32
          %mul3A_239 = arith.muli %add3A_237, %mul3A_238 : i32
          %dma_wait3A_240 = tpu.memref_slice %arg9[%mul3A_239] : memref<4000xi32, #tpu.memory_space<vmem>> -> memref<40xi32, #tpu.memory_space<vmem>>
          %dma_wait3A_241 = arith.constant 0 : i32
          %dma_wait3A_242 = arith.constant 0 : i32
          %dma_wait3A_243 = tpu.memref_slice %arg2[%dma_wait3A_241, %dma_wait3A_242] : memref<10000x128xf32, #tpu.memory_space<hbm>> -> memref<10000x128xf32, #tpu.memory_space<hbm>>
          tpu.wait_indirect_dma semaphore(%arg18 : memref<!tpu.dma_semaphore, #tpu.memory_space<semaphore_mem>>) src(%dma_wait3A_243 : memref<10000x128xf32, #tpu.memory_space<hbm>>) dst(%arg14 : memref<40x128xf32, #tpu.memory_space<vmem>>)
          %add3A_244 = arith.constant 2 : i32
          %add3A_245 = arith.addi %mul3A_129, %add3A_244 : i32
          %add3A_246 = arith.constant 1 : i32
          %add3A_247 = arith.addi %add3A_245, %add3A_246 : i32
          %mul3A_248 = arith.constant 40 : i32
          %mul3A_249 = arith.muli %add3A_247, %mul3A_248 : i32
          %dma_start3A_250 = tpu.memref_slice %arg10[%mul3A_249] : memref<4000xi32, #tpu.memory_space<vmem>> -> memref<40xi32, #tpu.memory_space<vmem>>
          %dma_start3A_251 = arith.constant 0 : i32
          %dma_start3A_252 = arith.constant 0 : i32
          %dma_start3A_253 = tpu.memref_slice %arg23[%dma_start3A_251, %dma_start3A_252] : memref<10000x128xf32, #tpu.memory_space<vmem_shared>> -> memref<10000x128xf32, #tpu.memory_space<vmem_shared>>
          tpu.enqueue_indirect_dma source(%arg14 : memref<40x128xf32, #tpu.memory_space<vmem>>) target(%dma_start3A_253 : memref<10000x128xf32, #tpu.memory_space<vmem_shared>>) offsets(%dma_start3A_250 : memref<40xi32, #tpu.memory_space<vmem>>) semaphore(%arg22 : memref<!tpu.dma_semaphore, #tpu.memory_space<semaphore_mem>>) {add = true}
          %add3A_254 = arith.constant 2 : i32
          %add3A_255 = arith.addi %mul3A_129, %add3A_254 : i32
          %add3A_256 = arith.constant 0 : i32
          %add3A_257 = arith.addi %add3A_255, %add3A_256 : i32
          %mul3A_258 = arith.constant 40 : i32
          %mul3A_259 = arith.muli %add3A_257, %mul3A_258 : i32
          %dma_wait3A_260 = tpu.memref_slice %arg10[%mul3A_259] : memref<4000xi32, #tpu.memory_space<vmem>> -> memref<40xi32, #tpu.memory_space<vmem>>
          %dma_wait3A_261 = arith.constant 0 : i32
          %dma_wait3A_262 = arith.constant 0 : i32
          %dma_wait3A_263 = tpu.memref_slice %arg23[%dma_wait3A_261, %dma_wait3A_262] : memref<10000x128xf32, #tpu.memory_space<vmem_shared>> -> memref<10000x128xf32, #tpu.memory_space<vmem_shared>>
          tpu.wait_indirect_dma semaphore(%arg21 : memref<!tpu.dma_semaphore, #tpu.memory_space<semaphore_mem>>) src(%arg13 : memref<40x128xf32, #tpu.memory_space<vmem>>) dst(%dma_wait3A_263 : memref<10000x128xf32, #tpu.memory_space<vmem_shared>>)
          %add3A_264 = arith.constant 4 : i32
          %add3A_265 = arith.addi %mul3A_129, %add3A_264 : i32
          %add3A_266 = arith.constant 2 : i32
          %add3A_267 = arith.addi %add3A_265, %add3A_266 : i32
          %add3A_268 = arith.constant 0 : i32
          %add3A_269 = arith.addi %add3A_267, %add3A_268 : i32
          %mul3A_270 = arith.constant 40 : i32
          %mul3A_271 = arith.muli %add3A_269, %mul3A_270 : i32
          %dma_start3A_272 = tpu.memref_slice %arg9[%mul3A_271] : memref<4000xi32, #tpu.memory_space<vmem>> -> memref<40xi32, #tpu.memory_space<vmem>>
          %dma_start3A_273 = arith.constant 0 : i32
          %dma_start3A_274 = arith.constant 0 : i32
          %dma_start3A_275 = tpu.memref_slice %arg2[%dma_start3A_273, %dma_start3A_274] : memref<10000x128xf32, #tpu.memory_space<hbm>> -> memref<10000x128xf32, #tpu.memory_space<hbm>>
          tpu.enqueue_indirect_dma source(%dma_start3A_275 : memref<10000x128xf32, #tpu.memory_space<hbm>>) target(%arg13 : memref<40x128xf32, #tpu.memory_space<vmem>>) offsets(%dma_start3A_272 : memref<40xi32, #tpu.memory_space<vmem>>) semaphore(%arg17 : memref<!tpu.dma_semaphore, #tpu.memory_space<semaphore_mem>>)
          %add3A_276 = arith.constant 2 : i32
          %add3A_277 = arith.addi %mul3A_129, %add3A_276 : i32
          %add3A_278 = arith.constant 1 : i32
          %add3A_279 = arith.addi %add3A_277, %add3A_278 : i32
          %mul3A_280 = arith.constant 40 : i32
          %mul3A_281 = arith.muli %add3A_279, %mul3A_280 : i32
          %dma_wait3A_282 = tpu.memref_slice %arg10[%mul3A_281] : memref<4000xi32, #tpu.memory_space<vmem>> -> memref<40xi32, #tpu.memory_space<vmem>>
          %dma_wait3A_283 = arith.constant 0 : i32
          %dma_wait3A_284 = arith.constant 0 : i32
          %dma_wait3A_285 = tpu.memref_slice %arg23[%dma_wait3A_283, %dma_wait3A_284] : memref<10000x128xf32, #tpu.memory_space<vmem_shared>> -> memref<10000x128xf32, #tpu.memory_space<vmem_shared>>
          tpu.wait_indirect_dma semaphore(%arg22 : memref<!tpu.dma_semaphore, #tpu.memory_space<semaphore_mem>>) src(%arg14 : memref<40x128xf32, #tpu.memory_space<vmem>>) dst(%dma_wait3A_285 : memref<10000x128xf32, #tpu.memory_space<vmem_shared>>)
          %add3A_286 = arith.constant 4 : i32
          %add3A_287 = arith.addi %mul3A_129, %add3A_286 : i32
          %add3A_288 = arith.constant 2 : i32
          %add3A_289 = arith.addi %add3A_287, %add3A_288 : i32
          %add3A_290 = arith.constant 1 : i32
          %add3A_291 = arith.addi %add3A_289, %add3A_290 : i32
          %mul3A_292 = arith.constant 40 : i32
          %mul3A_293 = arith.muli %add3A_291, %mul3A_292 : i32
          %dma_start3A_294 = tpu.memref_slice %arg9[%mul3A_293] : memref<4000xi32, #tpu.memory_space<vmem>> -> memref<40xi32, #tpu.memory_space<vmem>>
          %dma_start3A_295 = arith.constant 0 : i32
          %dma_start3A_296 = arith.constant 0 : i32
          %dma_start3A_297 = tpu.memref_slice %arg2[%dma_start3A_295, %dma_start3A_296] : memref<10000x128xf32, #tpu.memory_space<hbm>> -> memref<10000x128xf32, #tpu.memory_space<hbm>>
          tpu.enqueue_indirect_dma source(%dma_start3A_297 : memref<10000x128xf32, #tpu.memory_space<hbm>>) target(%arg14 : memref<40x128xf32, #tpu.memory_space<vmem>>) offsets(%dma_start3A_294 : memref<40xi32, #tpu.memory_space<vmem>>) semaphore(%arg18 : memref<!tpu.dma_semaphore, #tpu.memory_space<semaphore_mem>>)
          %scan3A_298 = arith.constant 0 : i32
          scf.yield %scan3A_298 : i32
        }
        %scan3A_65 = arith.constant 24 : i32
        %dma_wait3A = arith.constant 3840 : i32
        %dma_wait3A_66 = tpu.memref_slice %arg9[%dma_wait3A] : memref<4000xi32, #tpu.memory_space<vmem>> -> memref<40xi32, #tpu.memory_space<vmem>>
        %dma_wait3A_67 = arith.constant 0 : i32
        %dma_wait3A_68 = arith.constant 0 : i32
        %dma_wait3A_69 = tpu.memref_slice %arg2[%dma_wait3A_67, %dma_wait3A_68] : memref<10000x128xf32, #tpu.memory_space<hbm>> -> memref<10000x128xf32, #tpu.memory_space<hbm>>
        tpu.wait_indirect_dma semaphore(%arg15 : memref<!tpu.dma_semaphore, #tpu.memory_space<semaphore_mem>>) src(%dma_wait3A_69 : memref<10000x128xf32, #tpu.memory_space<hbm>>) dst(%arg11 : memref<40x128xf32, #tpu.memory_space<vmem>>)
        %dma_start3A_70 = arith.constant 3840 : i32
        %dma_start3A_71 = tpu.memref_slice %arg10[%dma_start3A_70] : memref<4000xi32, #tpu.memory_space<vmem>> -> memref<40xi32, #tpu.memory_space<vmem>>
        %dma_start3A_72 = arith.constant 0 : i32
        %dma_start3A_73 = arith.constant 0 : i32
        %dma_start3A_74 = tpu.memref_slice %arg23[%dma_start3A_72, %dma_start3A_73] : memref<10000x128xf32, #tpu.memory_space<vmem_shared>> -> memref<10000x128xf32, #tpu.memory_space<vmem_shared>>
        tpu.enqueue_indirect_dma source(%arg11 : memref<40x128xf32, #tpu.memory_space<vmem>>) target(%dma_start3A_74 : memref<10000x128xf32, #tpu.memory_space<vmem_shared>>) offsets(%dma_start3A_71 : memref<40xi32, #tpu.memory_space<vmem>>) semaphore(%arg19 : memref<!tpu.dma_semaphore, #tpu.memory_space<semaphore_mem>>) {add = true}
        %dma_wait3A_75 = arith.constant 3880 : i32
        %dma_wait3A_76 = tpu.memref_slice %arg9[%dma_wait3A_75] : memref<4000xi32, #tpu.memory_space<vmem>> -> memref<40xi32, #tpu.memory_space<vmem>>
        %dma_wait3A_77 = arith.constant 0 : i32
        %dma_wait3A_78 = arith.constant 0 : i32
        %dma_wait3A_79 = tpu.memref_slice %arg2[%dma_wait3A_77, %dma_wait3A_78] : memref<10000x128xf32, #tpu.memory_space<hbm>> -> memref<10000x128xf32, #tpu.memory_space<hbm>>
        tpu.wait_indirect_dma semaphore(%arg16 : memref<!tpu.dma_semaphore, #tpu.memory_space<semaphore_mem>>) src(%dma_wait3A_79 : memref<10000x128xf32, #tpu.memory_space<hbm>>) dst(%arg12 : memref<40x128xf32, #tpu.memory_space<vmem>>)
        %dma_start3A_80 = arith.constant 3880 : i32
        %dma_start3A_81 = tpu.memref_slice %arg10[%dma_start3A_80] : memref<4000xi32, #tpu.memory_space<vmem>> -> memref<40xi32, #tpu.memory_space<vmem>>
        %dma_start3A_82 = arith.constant 0 : i32
        %dma_start3A_83 = arith.constant 0 : i32
        %dma_start3A_84 = tpu.memref_slice %arg23[%dma_start3A_82, %dma_start3A_83] : memref<10000x128xf32, #tpu.memory_space<vmem_shared>> -> memref<10000x128xf32, #tpu.memory_space<vmem_shared>>
        tpu.enqueue_indirect_dma source(%arg12 : memref<40x128xf32, #tpu.memory_space<vmem>>) target(%dma_start3A_84 : memref<10000x128xf32, #tpu.memory_space<vmem_shared>>) offsets(%dma_start3A_81 : memref<40xi32, #tpu.memory_space<vmem>>) semaphore(%arg20 : memref<!tpu.dma_semaphore, #tpu.memory_space<semaphore_mem>>) {add = true}
        %dma_wait3A_85 = arith.constant 3920 : i32
        %dma_wait3A_86 = tpu.memref_slice %arg9[%dma_wait3A_85] : memref<4000xi32, #tpu.memory_space<vmem>> -> memref<40xi32, #tpu.memory_space<vmem>>
        %dma_wait3A_87 = arith.constant 0 : i32
        %dma_wait3A_88 = arith.constant 0 : i32
        %dma_wait3A_89 = tpu.memref_slice %arg2[%dma_wait3A_87, %dma_wait3A_88] : memref<10000x128xf32, #tpu.memory_space<hbm>> -> memref<10000x128xf32, #tpu.memory_space<hbm>>
        tpu.wait_indirect_dma semaphore(%arg17 : memref<!tpu.dma_semaphore, #tpu.memory_space<semaphore_mem>>) src(%dma_wait3A_89 : memref<10000x128xf32, #tpu.memory_space<hbm>>) dst(%arg13 : memref<40x128xf32, #tpu.memory_space<vmem>>)
        %dma_start3A_90 = arith.constant 3920 : i32
        %dma_start3A_91 = tpu.memref_slice %arg10[%dma_start3A_90] : memref<4000xi32, #tpu.memory_space<vmem>> -> memref<40xi32, #tpu.memory_space<vmem>>
        %dma_start3A_92 = arith.constant 0 : i32
        %dma_start3A_93 = arith.constant 0 : i32
        %dma_start3A_94 = tpu.memref_slice %arg23[%dma_start3A_92, %dma_start3A_93] : memref<10000x128xf32, #tpu.memory_space<vmem_shared>> -> memref<10000x128xf32, #tpu.memory_space<vmem_shared>>
        tpu.enqueue_indirect_dma source(%arg13 : memref<40x128xf32, #tpu.memory_space<vmem>>) target(%dma_start3A_94 : memref<10000x128xf32, #tpu.memory_space<vmem_shared>>) offsets(%dma_start3A_91 : memref<40xi32, #tpu.memory_space<vmem>>) semaphore(%arg21 : memref<!tpu.dma_semaphore, #tpu.memory_space<semaphore_mem>>) {add = true}
        %dma_wait3A_95 = arith.constant 3960 : i32
        %dma_wait3A_96 = tpu.memref_slice %arg9[%dma_wait3A_95] : memref<4000xi32, #tpu.memory_space<vmem>> -> memref<40xi32, #tpu.memory_space<vmem>>
        %dma_wait3A_97 = arith.constant 0 : i32
        %dma_wait3A_98 = arith.constant 0 : i32
        %dma_wait3A_99 = tpu.memref_slice %arg2[%dma_wait3A_97, %dma_wait3A_98] : memref<10000x128xf32, #tpu.memory_space<hbm>> -> memref<10000x128xf32, #tpu.memory_space<hbm>>
        tpu.wait_indirect_dma semaphore(%arg18 : memref<!tpu.dma_semaphore, #tpu.memory_space<semaphore_mem>>) src(%dma_wait3A_99 : memref<10000x128xf32, #tpu.memory_space<hbm>>) dst(%arg14 : memref<40x128xf32, #tpu.memory_space<vmem>>)
        %dma_start3A_100 = arith.constant 3960 : i32
        %dma_start3A_101 = tpu.memref_slice %arg10[%dma_start3A_100] : memref<4000xi32, #tpu.memory_space<vmem>> -> memref<40xi32, #tpu.memory_space<vmem>>
        %dma_start3A_102 = arith.constant 0 : i32
        %dma_start3A_103 = arith.constant 0 : i32
        %dma_start3A_104 = tpu.memref_slice %arg23[%dma_start3A_102, %dma_start3A_103] : memref<10000x128xf32, #tpu.memory_space<vmem_shared>> -> memref<10000x128xf32, #tpu.memory_space<vmem_shared>>
        tpu.enqueue_indirect_dma source(%arg14 : memref<40x128xf32, #tpu.memory_space<vmem>>) target(%dma_start3A_104 : memref<10000x128xf32, #tpu.memory_space<vmem_shared>>) offsets(%dma_start3A_101 : memref<40xi32, #tpu.memory_space<vmem>>) semaphore(%arg22 : memref<!tpu.dma_semaphore, #tpu.memory_space<semaphore_mem>>) {add = true}
        %dma_wait3A_105 = arith.constant 3840 : i32
        %dma_wait3A_106 = tpu.memref_slice %arg10[%dma_wait3A_105] : memref<4000xi32, #tpu.memory_space<vmem>> -> memref<40xi32, #tpu.memory_space<vmem>>
        %dma_wait3A_107 = arith.constant 0 : i32
        %dma_wait3A_108 = arith.constant 0 : i32
        %dma_wait3A_109 = tpu.memref_slice %arg23[%dma_wait3A_107, %dma_wait3A_108] : memref<10000x128xf32, #tpu.memory_space<vmem_shared>> -> memref<10000x128xf32, #tpu.memory_space<vmem_shared>>
        tpu.wait_indirect_dma semaphore(%arg19 : memref<!tpu.dma_semaphore, #tpu.memory_space<semaphore_mem>>) src(%arg11 : memref<40x128xf32, #tpu.memory_space<vmem>>) dst(%dma_wait3A_109 : memref<10000x128xf32, #tpu.memory_space<vmem_shared>>)
        %dma_wait3A_110 = arith.constant 3880 : i32
        %dma_wait3A_111 = tpu.memref_slice %arg10[%dma_wait3A_110] : memref<4000xi32, #tpu.memory_space<vmem>> -> memref<40xi32, #tpu.memory_space<vmem>>
        %dma_wait3A_112 = arith.constant 0 : i32
        %dma_wait3A_113 = arith.constant 0 : i32
        %dma_wait3A_114 = tpu.memref_slice %arg23[%dma_wait3A_112, %dma_wait3A_113] : memref<10000x128xf32, #tpu.memory_space<vmem_shared>> -> memref<10000x128xf32, #tpu.memory_space<vmem_shared>>
        tpu.wait_indirect_dma semaphore(%arg20 : memref<!tpu.dma_semaphore, #tpu.memory_space<semaphore_mem>>) src(%arg12 : memref<40x128xf32, #tpu.memory_space<vmem>>) dst(%dma_wait3A_114 : memref<10000x128xf32, #tpu.memory_space<vmem_shared>>)
        %dma_wait3A_115 = arith.constant 3920 : i32
        %dma_wait3A_116 = tpu.memref_slice %arg10[%dma_wait3A_115] : memref<4000xi32, #tpu.memory_space<vmem>> -> memref<40xi32, #tpu.memory_space<vmem>>
        %dma_wait3A_117 = arith.constant 0 : i32
        %dma_wait3A_118 = arith.constant 0 : i32
        %dma_wait3A_119 = tpu.memref_slice %arg23[%dma_wait3A_117, %dma_wait3A_118] : memref<10000x128xf32, #tpu.memory_space<vmem_shared>> -> memref<10000x128xf32, #tpu.memory_space<vmem_shared>>
        tpu.wait_indirect_dma semaphore(%arg21 : memref<!tpu.dma_semaphore, #tpu.memory_space<semaphore_mem>>) src(%arg13 : memref<40x128xf32, #tpu.memory_space<vmem>>) dst(%dma_wait3A_119 : memref<10000x128xf32, #tpu.memory_space<vmem_shared>>)
        %dma_wait3A_120 = arith.constant 3960 : i32
        %dma_wait3A_121 = tpu.memref_slice %arg10[%dma_wait3A_120] : memref<4000xi32, #tpu.memory_space<vmem>> -> memref<40xi32, #tpu.memory_space<vmem>>
        %dma_wait3A_122 = arith.constant 0 : i32
        %dma_wait3A_123 = arith.constant 0 : i32
        %dma_wait3A_124 = tpu.memref_slice %arg23[%dma_wait3A_122, %dma_wait3A_123] : memref<10000x128xf32, #tpu.memory_space<vmem_shared>> -> memref<10000x128xf32, #tpu.memory_space<vmem_shared>>
        tpu.wait_indirect_dma semaphore(%arg22 : memref<!tpu.dma_semaphore, #tpu.memory_space<semaphore_mem>>) src(%arg14 : memref<40x128xf32, #tpu.memory_space<vmem>>) dst(%dma_wait3A_124 : memref<10000x128xf32, #tpu.memory_space<vmem_shared>>)
        %scan3A_125 = arith.constant 0 : i32
        scf.yield %scan3A_125 : i32
      }
      %scan3A_33 = arith.constant 5 : i32
    } else {
    }
    %eq3A_12 = arith.constant 1 : i32
    %eq3A_13 = arith.cmpi eq, %arg0, %eq3A_12 : i32
    %convert_element_type3A_14 = arith.extui %eq3A_13 : i1 to i32
    %cond3A_15 = arith.constant 0 : i32
    %cond3A_16 = arith.cmpi ne, %convert_element_type3A_14, %cond3A_15 : i32
    scf.if %cond3A_16 {
      %scan3A = arith.constant 0 : i32
      %scan3A_28 = arith.constant 0 : i32
      %scan3A_29 = arith.constant 5 : i32
      %scan3A_30 = arith.addi %scan3A_28, %scan3A_29 : i32
      %scan3A_31 = arith.constant 1 : i32
      %scan3A_32 = scf.for %scan3A_34 = %scan3A_28 to %scan3A_30 step %scan3A_31 iter_args(%scan3A_35 = %scan3A) -> (i32)  : i32 {
        %mul3A_36 = arith.constant 20000 : i32
        %mul3A_37 = arith.muli %arg1, %mul3A_36 : i32
        %mul3A_38 = arith.constant 4000 : i32
        %mul3A_39 = arith.muli %scan3A_34, %mul3A_38 : i32
        %add3A = arith.addi %mul3A_37, %mul3A_39 : i32
        "tpu.region"() ({
          %run_scoped3A = tpu.sem_alloc : memref<!tpu.dma_semaphore, #tpu.memory_space<semaphore_mem>>
          %dma_start3A_126 = tpu.memref_slice %arg5[%add3A] : memref<320000xi32, #tpu.memory_space<hbm>> -> memref<4000xi32, #tpu.memory_space<hbm>>
          %dma_start3A_127 = tpu.memref_slice %arg5[%add3A] : memref<320000xi32, #tpu.memory_space<hbm>> -> memref<4000xi32, #tpu.memory_space<hbm>>
          tpu.enqueue_dma source(%dma_start3A_127 : memref<4000xi32, #tpu.memory_space<hbm>>) target(%arg9 : memref<4000xi32, #tpu.memory_space<vmem>>) target_semaphore(%run_scoped3A : memref<!tpu.dma_semaphore, #tpu.memory_space<semaphore_mem>>)
          %dma_wait3A_128 = tpu.memref_slice %arg5[%add3A] : memref<320000xi32, #tpu.memory_space<hbm>> -> memref<4000xi32, #tpu.memory_space<hbm>>
          %dma_wait3A_129 = tpu.memref_slice %arg5[%add3A] : memref<320000xi32, #tpu.memory_space<hbm>> -> memref<4000xi32, #tpu.memory_space<hbm>>
          tpu.wait_dma2 semaphore(%run_scoped3A : memref<!tpu.dma_semaphore, #tpu.memory_space<semaphore_mem>>) src(%dma_wait3A_129 : memref<4000xi32, #tpu.memory_space<hbm>>) dst(%arg9 : memref<4000xi32, #tpu.memory_space<vmem>>)
          tpu.yield
        }) : () -> ()
        "tpu.region"() ({
          %run_scoped3A = tpu.sem_alloc : memref<!tpu.dma_semaphore, #tpu.memory_space<semaphore_mem>>
          %dma_start3A_126 = tpu.memref_slice %arg4[%add3A] : memref<320000xi32, #tpu.memory_space<hbm>> -> memref<4000xi32, #tpu.memory_space<hbm>>
          %dma_start3A_127 = tpu.memref_slice %arg4[%add3A] : memref<320000xi32, #tpu.memory_space<hbm>> -> memref<4000xi32, #tpu.memory_space<hbm>>
          tpu.enqueue_dma source(%dma_start3A_127 : memref<4000xi32, #tpu.memory_space<hbm>>) target(%arg10 : memref<4000xi32, #tpu.memory_space<vmem>>) target_semaphore(%run_scoped3A : memref<!tpu.dma_semaphore, #tpu.memory_space<semaphore_mem>>)
          %dma_wait3A_128 = tpu.memref_slice %arg4[%add3A] : memref<320000xi32, #tpu.memory_space<hbm>> -> memref<4000xi32, #tpu.memory_space<hbm>>
          %dma_wait3A_129 = tpu.memref_slice %arg4[%add3A] : memref<320000xi32, #tpu.memory_space<hbm>> -> memref<4000xi32, #tpu.memory_space<hbm>>
          tpu.wait_dma2 semaphore(%run_scoped3A : memref<!tpu.dma_semaphore, #tpu.memory_space<semaphore_mem>>) src(%dma_wait3A_129 : memref<4000xi32, #tpu.memory_space<hbm>>) dst(%arg10 : memref<4000xi32, #tpu.memory_space<vmem>>)
          tpu.yield
        }) : () -> ()
        %dma_start3A = arith.constant 0 : i32
        %dma_start3A_40 = tpu.memref_slice %arg9[%dma_start3A] : memref<4000xi32, #tpu.memory_space<vmem>> -> memref<40xi32, #tpu.memory_space<vmem>>
        %dma_start3A_41 = arith.constant 0 : i32
        %dma_start3A_42 = arith.constant 0 : i32
        %dma_start3A_43 = tpu.memref_slice %arg3[%dma_start3A_41, %dma_start3A_42] : memref<10000x128xf32, #tpu.memory_space<hbm>> -> memref<10000x128xf32, #tpu.memory_space<hbm>>
        tpu.enqueue_indirect_dma source(%dma_start3A_43 : memref<10000x128xf32, #tpu.memory_space<hbm>>) target(%arg11 : memref<40x128xf32, #tpu.memory_space<vmem>>) offsets(%dma_start3A_40 : memref<40xi32, #tpu.memory_space<vmem>>) semaphore(%arg15 : memref<!tpu.dma_semaphore, #tpu.memory_space<semaphore_mem>>)
        %dma_start3A_44 = arith.constant 40 : i32
        %dma_start3A_45 = tpu.memref_slice %arg9[%dma_start3A_44] : memref<4000xi32, #tpu.memory_space<vmem>> -> memref<40xi32, #tpu.memory_space<vmem>>
        %dma_start3A_46 = arith.constant 0 : i32
        %dma_start3A_47 = arith.constant 0 : i32
        %dma_start3A_48 = tpu.memref_slice %arg3[%dma_start3A_46, %dma_start3A_47] : memref<10000x128xf32, #tpu.memory_space<hbm>> -> memref<10000x128xf32, #tpu.memory_space<hbm>>
        tpu.enqueue_indirect_dma source(%dma_start3A_48 : memref<10000x128xf32, #tpu.memory_space<hbm>>) target(%arg12 : memref<40x128xf32, #tpu.memory_space<vmem>>) offsets(%dma_start3A_45 : memref<40xi32, #tpu.memory_space<vmem>>) semaphore(%arg16 : memref<!tpu.dma_semaphore, #tpu.memory_space<semaphore_mem>>)
        %dma_start3A_49 = arith.constant 80 : i32
        %dma_start3A_50 = tpu.memref_slice %arg9[%dma_start3A_49] : memref<4000xi32, #tpu.memory_space<vmem>> -> memref<40xi32, #tpu.memory_space<vmem>>
        %dma_start3A_51 = arith.constant 0 : i32
        %dma_start3A_52 = arith.constant 0 : i32
        %dma_start3A_53 = tpu.memref_slice %arg3[%dma_start3A_51, %dma_start3A_52] : memref<10000x128xf32, #tpu.memory_space<hbm>> -> memref<10000x128xf32, #tpu.memory_space<hbm>>
        tpu.enqueue_indirect_dma source(%dma_start3A_53 : memref<10000x128xf32, #tpu.memory_space<hbm>>) target(%arg13 : memref<40x128xf32, #tpu.memory_space<vmem>>) offsets(%dma_start3A_50 : memref<40xi32, #tpu.memory_space<vmem>>) semaphore(%arg17 : memref<!tpu.dma_semaphore, #tpu.memory_space<semaphore_mem>>)
        %dma_start3A_54 = arith.constant 120 : i32
        %dma_start3A_55 = tpu.memref_slice %arg9[%dma_start3A_54] : memref<4000xi32, #tpu.memory_space<vmem>> -> memref<40xi32, #tpu.memory_space<vmem>>
        %dma_start3A_56 = arith.constant 0 : i32
        %dma_start3A_57 = arith.constant 0 : i32
        %dma_start3A_58 = tpu.memref_slice %arg3[%dma_start3A_56, %dma_start3A_57] : memref<10000x128xf32, #tpu.memory_space<hbm>> -> memref<10000x128xf32, #tpu.memory_space<hbm>>
        tpu.enqueue_indirect_dma source(%dma_start3A_58 : memref<10000x128xf32, #tpu.memory_space<hbm>>) target(%arg14 : memref<40x128xf32, #tpu.memory_space<vmem>>) offsets(%dma_start3A_55 : memref<40xi32, #tpu.memory_space<vmem>>) semaphore(%arg18 : memref<!tpu.dma_semaphore, #tpu.memory_space<semaphore_mem>>)
        %scan3A_59 = arith.constant 0 : i32
        %scan3A_60 = arith.constant 0 : i32
        %scan3A_61 = arith.constant 24 : i32
        %scan3A_62 = arith.addi %scan3A_60, %scan3A_61 : i32
        %scan3A_63 = arith.constant 1 : i32
        %scan3A_64 = scf.for %scan3A_126 = %scan3A_60 to %scan3A_62 step %scan3A_63 iter_args(%scan3A_127 = %scan3A_59) -> (i32)  : i32 {
          %mul3A_128 = arith.constant 4 : i32
          %mul3A_129 = arith.muli %scan3A_126, %mul3A_128 : i32
          %add3A_130 = arith.constant 0 : i32
          %add3A_131 = arith.addi %mul3A_129, %add3A_130 : i32
          %add3A_132 = arith.constant 0 : i32
          %add3A_133 = arith.addi %add3A_131, %add3A_132 : i32
          %mul3A_134 = arith.constant 40 : i32
          %mul3A_135 = arith.muli %add3A_133, %mul3A_134 : i32
          %dma_wait3A_136 = tpu.memref_slice %arg9[%mul3A_135] : memref<4000xi32, #tpu.memory_space<vmem>> -> memref<40xi32, #tpu.memory_space<vmem>>
          %dma_wait3A_137 = arith.constant 0 : i32
          %dma_wait3A_138 = arith.constant 0 : i32
          %dma_wait3A_139 = tpu.memref_slice %arg3[%dma_wait3A_137, %dma_wait3A_138] : memref<10000x128xf32, #tpu.memory_space<hbm>> -> memref<10000x128xf32, #tpu.memory_space<hbm>>
          tpu.wait_indirect_dma semaphore(%arg15 : memref<!tpu.dma_semaphore, #tpu.memory_space<semaphore_mem>>) src(%dma_wait3A_139 : memref<10000x128xf32, #tpu.memory_space<hbm>>) dst(%arg11 : memref<40x128xf32, #tpu.memory_space<vmem>>)
          %add3A_140 = arith.constant 0 : i32
          %add3A_141 = arith.addi %mul3A_129, %add3A_140 : i32
          %add3A_142 = arith.constant 0 : i32
          %add3A_143 = arith.addi %add3A_141, %add3A_142 : i32
          %mul3A_144 = arith.constant 40 : i32
          %mul3A_145 = arith.muli %add3A_143, %mul3A_144 : i32
          %dma_start3A_146 = tpu.memref_slice %arg10[%mul3A_145] : memref<4000xi32, #tpu.memory_space<vmem>> -> memref<40xi32, #tpu.memory_space<vmem>>
          %dma_start3A_147 = arith.constant 0 : i32
          %dma_start3A_148 = arith.constant 0 : i32
          %dma_start3A_149 = tpu.memref_slice %arg23[%dma_start3A_147, %dma_start3A_148] : memref<10000x128xf32, #tpu.memory_space<vmem_shared>> -> memref<10000x128xf32, #tpu.memory_space<vmem_shared>>
          tpu.enqueue_indirect_dma source(%arg11 : memref<40x128xf32, #tpu.memory_space<vmem>>) target(%dma_start3A_149 : memref<10000x128xf32, #tpu.memory_space<vmem_shared>>) offsets(%dma_start3A_146 : memref<40xi32, #tpu.memory_space<vmem>>) semaphore(%arg19 : memref<!tpu.dma_semaphore, #tpu.memory_space<semaphore_mem>>) {add = true}
          %add3A_150 = arith.constant 0 : i32
          %add3A_151 = arith.addi %mul3A_129, %add3A_150 : i32
          %add3A_152 = arith.constant 1 : i32
          %add3A_153 = arith.addi %add3A_151, %add3A_152 : i32
          %mul3A_154 = arith.constant 40 : i32
          %mul3A_155 = arith.muli %add3A_153, %mul3A_154 : i32
          %dma_wait3A_156 = tpu.memref_slice %arg9[%mul3A_155] : memref<4000xi32, #tpu.memory_space<vmem>> -> memref<40xi32, #tpu.memory_space<vmem>>
          %dma_wait3A_157 = arith.constant 0 : i32
          %dma_wait3A_158 = arith.constant 0 : i32
          %dma_wait3A_159 = tpu.memref_slice %arg3[%dma_wait3A_157, %dma_wait3A_158] : memref<10000x128xf32, #tpu.memory_space<hbm>> -> memref<10000x128xf32, #tpu.memory_space<hbm>>
          tpu.wait_indirect_dma semaphore(%arg16 : memref<!tpu.dma_semaphore, #tpu.memory_space<semaphore_mem>>) src(%dma_wait3A_159 : memref<10000x128xf32, #tpu.memory_space<hbm>>) dst(%arg12 : memref<40x128xf32, #tpu.memory_space<vmem>>)
          %add3A_160 = arith.constant 0 : i32
          %add3A_161 = arith.addi %mul3A_129, %add3A_160 : i32
          %add3A_162 = arith.constant 1 : i32
          %add3A_163 = arith.addi %add3A_161, %add3A_162 : i32
          %mul3A_164 = arith.constant 40 : i32
          %mul3A_165 = arith.muli %add3A_163, %mul3A_164 : i32
          %dma_start3A_166 = tpu.memref_slice %arg10[%mul3A_165] : memref<4000xi32, #tpu.memory_space<vmem>> -> memref<40xi32, #tpu.memory_space<vmem>>
          %dma_start3A_167 = arith.constant 0 : i32
          %dma_start3A_168 = arith.constant 0 : i32
          %dma_start3A_169 = tpu.memref_slice %arg23[%dma_start3A_167, %dma_start3A_168] : memref<10000x128xf32, #tpu.memory_space<vmem_shared>> -> memref<10000x128xf32, #tpu.memory_space<vmem_shared>>
          tpu.enqueue_indirect_dma source(%arg12 : memref<40x128xf32, #tpu.memory_space<vmem>>) target(%dma_start3A_169 : memref<10000x128xf32, #tpu.memory_space<vmem_shared>>) offsets(%dma_start3A_166 : memref<40xi32, #tpu.memory_space<vmem>>) semaphore(%arg20 : memref<!tpu.dma_semaphore, #tpu.memory_space<semaphore_mem>>) {add = true}
          %add3A_170 = arith.constant 0 : i32
          %add3A_171 = arith.addi %mul3A_129, %add3A_170 : i32
          %add3A_172 = arith.constant 0 : i32
          %add3A_173 = arith.addi %add3A_171, %add3A_172 : i32
          %mul3A_174 = arith.constant 40 : i32
          %mul3A_175 = arith.muli %add3A_173, %mul3A_174 : i32
          %dma_wait3A_176 = tpu.memref_slice %arg10[%mul3A_175] : memref<4000xi32, #tpu.memory_space<vmem>> -> memref<40xi32, #tpu.memory_space<vmem>>
          %dma_wait3A_177 = arith.constant 0 : i32
          %dma_wait3A_178 = arith.constant 0 : i32
          %dma_wait3A_179 = tpu.memref_slice %arg23[%dma_wait3A_177, %dma_wait3A_178] : memref<10000x128xf32, #tpu.memory_space<vmem_shared>> -> memref<10000x128xf32, #tpu.memory_space<vmem_shared>>
          tpu.wait_indirect_dma semaphore(%arg19 : memref<!tpu.dma_semaphore, #tpu.memory_space<semaphore_mem>>) src(%arg11 : memref<40x128xf32, #tpu.memory_space<vmem>>) dst(%dma_wait3A_179 : memref<10000x128xf32, #tpu.memory_space<vmem_shared>>)
          %add3A_180 = arith.constant 4 : i32
          %add3A_181 = arith.addi %mul3A_129, %add3A_180 : i32
          %add3A_182 = arith.constant 0 : i32
          %add3A_183 = arith.addi %add3A_181, %add3A_182 : i32
          %add3A_184 = arith.constant 0 : i32
          %add3A_185 = arith.addi %add3A_183, %add3A_184 : i32
          %mul3A_186 = arith.constant 40 : i32
          %mul3A_187 = arith.muli %add3A_185, %mul3A_186 : i32
          %dma_start3A_188 = tpu.memref_slice %arg9[%mul3A_187] : memref<4000xi32, #tpu.memory_space<vmem>> -> memref<40xi32, #tpu.memory_space<vmem>>
          %dma_start3A_189 = arith.constant 0 : i32
          %dma_start3A_190 = arith.constant 0 : i32
          %dma_start3A_191 = tpu.memref_slice %arg3[%dma_start3A_189, %dma_start3A_190] : memref<10000x128xf32, #tpu.memory_space<hbm>> -> memref<10000x128xf32, #tpu.memory_space<hbm>>
          tpu.enqueue_indirect_dma source(%dma_start3A_191 : memref<10000x128xf32, #tpu.memory_space<hbm>>) target(%arg11 : memref<40x128xf32, #tpu.memory_space<vmem>>) offsets(%dma_start3A_188 : memref<40xi32, #tpu.memory_space<vmem>>) semaphore(%arg15 : memref<!tpu.dma_semaphore, #tpu.memory_space<semaphore_mem>>)
          %add3A_192 = arith.constant 0 : i32
          %add3A_193 = arith.addi %mul3A_129, %add3A_192 : i32
          %add3A_194 = arith.constant 1 : i32
          %add3A_195 = arith.addi %add3A_193, %add3A_194 : i32
          %mul3A_196 = arith.constant 40 : i32
          %mul3A_197 = arith.muli %add3A_195, %mul3A_196 : i32
          %dma_wait3A_198 = tpu.memref_slice %arg10[%mul3A_197] : memref<4000xi32, #tpu.memory_space<vmem>> -> memref<40xi32, #tpu.memory_space<vmem>>
          %dma_wait3A_199 = arith.constant 0 : i32
          %dma_wait3A_200 = arith.constant 0 : i32
          %dma_wait3A_201 = tpu.memref_slice %arg23[%dma_wait3A_199, %dma_wait3A_200] : memref<10000x128xf32, #tpu.memory_space<vmem_shared>> -> memref<10000x128xf32, #tpu.memory_space<vmem_shared>>
          tpu.wait_indirect_dma semaphore(%arg20 : memref<!tpu.dma_semaphore, #tpu.memory_space<semaphore_mem>>) src(%arg12 : memref<40x128xf32, #tpu.memory_space<vmem>>) dst(%dma_wait3A_201 : memref<10000x128xf32, #tpu.memory_space<vmem_shared>>)
          %add3A_202 = arith.constant 4 : i32
          %add3A_203 = arith.addi %mul3A_129, %add3A_202 : i32
          %add3A_204 = arith.constant 0 : i32
          %add3A_205 = arith.addi %add3A_203, %add3A_204 : i32
          %add3A_206 = arith.constant 1 : i32
          %add3A_207 = arith.addi %add3A_205, %add3A_206 : i32
          %mul3A_208 = arith.constant 40 : i32
          %mul3A_209 = arith.muli %add3A_207, %mul3A_208 : i32
          %dma_start3A_210 = tpu.memref_slice %arg9[%mul3A_209] : memref<4000xi32, #tpu.memory_space<vmem>> -> memref<40xi32, #tpu.memory_space<vmem>>
          %dma_start3A_211 = arith.constant 0 : i32
          %dma_start3A_212 = arith.constant 0 : i32
          %dma_start3A_213 = tpu.memref_slice %arg3[%dma_start3A_211, %dma_start3A_212] : memref<10000x128xf32, #tpu.memory_space<hbm>> -> memref<10000x128xf32, #tpu.memory_space<hbm>>
          tpu.enqueue_indirect_dma source(%dma_start3A_213 : memref<10000x128xf32, #tpu.memory_space<hbm>>) target(%arg12 : memref<40x128xf32, #tpu.memory_space<vmem>>) offsets(%dma_start3A_210 : memref<40xi32, #tpu.memory_space<vmem>>) semaphore(%arg16 : memref<!tpu.dma_semaphore, #tpu.memory_space<semaphore_mem>>)
          %add3A_214 = arith.constant 2 : i32
          %add3A_215 = arith.addi %mul3A_129, %add3A_214 : i32
          %add3A_216 = arith.constant 0 : i32
          %add3A_217 = arith.addi %add3A_215, %add3A_216 : i32
          %mul3A_218 = arith.constant 40 : i32
          %mul3A_219 = arith.muli %add3A_217, %mul3A_218 : i32
          %dma_wait3A_220 = tpu.memref_slice %arg9[%mul3A_219] : memref<4000xi32, #tpu.memory_space<vmem>> -> memref<40xi32, #tpu.memory_space<vmem>>
          %dma_wait3A_221 = arith.constant 0 : i32
          %dma_wait3A_222 = arith.constant 0 : i32
          %dma_wait3A_223 = tpu.memref_slice %arg3[%dma_wait3A_221, %dma_wait3A_222] : memref<10000x128xf32, #tpu.memory_space<hbm>> -> memref<10000x128xf32, #tpu.memory_space<hbm>>
          tpu.wait_indirect_dma semaphore(%arg17 : memref<!tpu.dma_semaphore, #tpu.memory_space<semaphore_mem>>) src(%dma_wait3A_223 : memref<10000x128xf32, #tpu.memory_space<hbm>>) dst(%arg13 : memref<40x128xf32, #tpu.memory_space<vmem>>)
          %add3A_224 = arith.constant 2 : i32
          %add3A_225 = arith.addi %mul3A_129, %add3A_224 : i32
          %add3A_226 = arith.constant 0 : i32
          %add3A_227 = arith.addi %add3A_225, %add3A_226 : i32
          %mul3A_228 = arith.constant 40 : i32
          %mul3A_229 = arith.muli %add3A_227, %mul3A_228 : i32
          %dma_start3A_230 = tpu.memref_slice %arg10[%mul3A_229] : memref<4000xi32, #tpu.memory_space<vmem>> -> memref<40xi32, #tpu.memory_space<vmem>>
          %dma_start3A_231 = arith.constant 0 : i32
          %dma_start3A_232 = arith.constant 0 : i32
          %dma_start3A_233 = tpu.memref_slice %arg23[%dma_start3A_231, %dma_start3A_232] : memref<10000x128xf32, #tpu.memory_space<vmem_shared>> -> memref<10000x128xf32, #tpu.memory_space<vmem_shared>>
          tpu.enqueue_indirect_dma source(%arg13 : memref<40x128xf32, #tpu.memory_space<vmem>>) target(%dma_start3A_233 : memref<10000x128xf32, #tpu.memory_space<vmem_shared>>) offsets(%dma_start3A_230 : memref<40xi32, #tpu.memory_space<vmem>>) semaphore(%arg21 : memref<!tpu.dma_semaphore, #tpu.memory_space<semaphore_mem>>) {add = true}
          %add3A_234 = arith.constant 2 : i32
          %add3A_235 = arith.addi %mul3A_129, %add3A_234 : i32
          %add3A_236 = arith.constant 1 : i32
          %add3A_237 = arith.addi %add3A_235, %add3A_236 : i32
          %mul3A_238 = arith.constant 40 : i32
          %mul3A_239 = arith.muli %add3A_237, %mul3A_238 : i32
          %dma_wait3A_240 = tpu.memref_slice %arg9[%mul3A_239] : memref<4000xi32, #tpu.memory_space<vmem>> -> memref<40xi32, #tpu.memory_space<vmem>>
          %dma_wait3A_241 = arith.constant 0 : i32
          %dma_wait3A_242 = arith.constant 0 : i32
          %dma_wait3A_243 = tpu.memref_slice %arg3[%dma_wait3A_241, %dma_wait3A_242] : memref<10000x128xf32, #tpu.memory_space<hbm>> -> memref<10000x128xf32, #tpu.memory_space<hbm>>
          tpu.wait_indirect_dma semaphore(%arg18 : memref<!tpu.dma_semaphore, #tpu.memory_space<semaphore_mem>>) src(%dma_wait3A_243 : memref<10000x128xf32, #tpu.memory_space<hbm>>) dst(%arg14 : memref<40x128xf32, #tpu.memory_space<vmem>>)
          %add3A_244 = arith.constant 2 : i32
          %add3A_245 = arith.addi %mul3A_129, %add3A_244 : i32
          %add3A_246 = arith.constant 1 : i32
          %add3A_247 = arith.addi %add3A_245, %add3A_246 : i32
          %mul3A_248 = arith.constant 40 : i32
          %mul3A_249 = arith.muli %add3A_247, %mul3A_248 : i32
          %dma_start3A_250 = tpu.memref_slice %arg10[%mul3A_249] : memref<4000xi32, #tpu.memory_space<vmem>> -> memref<40xi32, #tpu.memory_space<vmem>>
          %dma_start3A_251 = arith.constant 0 : i32
          %dma_start3A_252 = arith.constant 0 : i32
          %dma_start3A_253 = tpu.memref_slice %arg23[%dma_start3A_251, %dma_start3A_252] : memref<10000x128xf32, #tpu.memory_space<vmem_shared>> -> memref<10000x128xf32, #tpu.memory_space<vmem_shared>>
          tpu.enqueue_indirect_dma source(%arg14 : memref<40x128xf32, #tpu.memory_space<vmem>>) target(%dma_start3A_253 : memref<10000x128xf32, #tpu.memory_space<vmem_shared>>) offsets(%dma_start3A_250 : memref<40xi32, #tpu.memory_space<vmem>>) semaphore(%arg22 : memref<!tpu.dma_semaphore, #tpu.memory_space<semaphore_mem>>) {add = true}
          %add3A_254 = arith.constant 2 : i32
          %add3A_255 = arith.addi %mul3A_129, %add3A_254 : i32
          %add3A_256 = arith.constant 0 : i32
          %add3A_257 = arith.addi %add3A_255, %add3A_256 : i32
          %mul3A_258 = arith.constant 40 : i32
          %mul3A_259 = arith.muli %add3A_257, %mul3A_258 : i32
          %dma_wait3A_260 = tpu.memref_slice %arg10[%mul3A_259] : memref<4000xi32, #tpu.memory_space<vmem>> -> memref<40xi32, #tpu.memory_space<vmem>>
          %dma_wait3A_261 = arith.constant 0 : i32
          %dma_wait3A_262 = arith.constant 0 : i32
          %dma_wait3A_263 = tpu.memref_slice %arg23[%dma_wait3A_261, %dma_wait3A_262] : memref<10000x128xf32, #tpu.memory_space<vmem_shared>> -> memref<10000x128xf32, #tpu.memory_space<vmem_shared>>
          tpu.wait_indirect_dma semaphore(%arg21 : memref<!tpu.dma_semaphore, #tpu.memory_space<semaphore_mem>>) src(%arg13 : memref<40x128xf32, #tpu.memory_space<vmem>>) dst(%dma_wait3A_263 : memref<10000x128xf32, #tpu.memory_space<vmem_shared>>)
          %add3A_264 = arith.constant 4 : i32
          %add3A_265 = arith.addi %mul3A_129, %add3A_264 : i32
          %add3A_266 = arith.constant 2 : i32
          %add3A_267 = arith.addi %add3A_265, %add3A_266 : i32
          %add3A_268 = arith.constant 0 : i32
          %add3A_269 = arith.addi %add3A_267, %add3A_268 : i32
          %mul3A_270 = arith.constant 40 : i32
          %mul3A_271 = arith.muli %add3A_269, %mul3A_270 : i32
          %dma_start3A_272 = tpu.memref_slice %arg9[%mul3A_271] : memref<4000xi32, #tpu.memory_space<vmem>> -> memref<40xi32, #tpu.memory_space<vmem>>
          %dma_start3A_273 = arith.constant 0 : i32
          %dma_start3A_274 = arith.constant 0 : i32
          %dma_start3A_275 = tpu.memref_slice %arg3[%dma_start3A_273, %dma_start3A_274] : memref<10000x128xf32, #tpu.memory_space<hbm>> -> memref<10000x128xf32, #tpu.memory_space<hbm>>
          tpu.enqueue_indirect_dma source(%dma_start3A_275 : memref<10000x128xf32, #tpu.memory_space<hbm>>) target(%arg13 : memref<40x128xf32, #tpu.memory_space<vmem>>) offsets(%dma_start3A_272 : memref<40xi32, #tpu.memory_space<vmem>>) semaphore(%arg17 : memref<!tpu.dma_semaphore, #tpu.memory_space<semaphore_mem>>)
          %add3A_276 = arith.constant 2 : i32
          %add3A_277 = arith.addi %mul3A_129, %add3A_276 : i32
          %add3A_278 = arith.constant 1 : i32
          %add3A_279 = arith.addi %add3A_277, %add3A_278 : i32
          %mul3A_280 = arith.constant 40 : i32
          %mul3A_281 = arith.muli %add3A_279, %mul3A_280 : i32
          %dma_wait3A_282 = tpu.memref_slice %arg10[%mul3A_281] : memref<4000xi32, #tpu.memory_space<vmem>> -> memref<40xi32, #tpu.memory_space<vmem>>
          %dma_wait3A_283 = arith.constant 0 : i32
          %dma_wait3A_284 = arith.constant 0 : i32
          %dma_wait3A_285 = tpu.memref_slice %arg23[%dma_wait3A_283, %dma_wait3A_284] : memref<10000x128xf32, #tpu.memory_space<vmem_shared>> -> memref<10000x128xf32, #tpu.memory_space<vmem_shared>>
          tpu.wait_indirect_dma semaphore(%arg22 : memref<!tpu.dma_semaphore, #tpu.memory_space<semaphore_mem>>) src(%arg14 : memref<40x128xf32, #tpu.memory_space<vmem>>) dst(%dma_wait3A_285 : memref<10000x128xf32, #tpu.memory_space<vmem_shared>>)
          %add3A_286 = arith.constant 4 : i32
          %add3A_287 = arith.addi %mul3A_129, %add3A_286 : i32
          %add3A_288 = arith.constant 2 : i32
          %add3A_289 = arith.addi %add3A_287, %add3A_288 : i32
          %add3A_290 = arith.constant 1 : i32
          %add3A_291 = arith.addi %add3A_289, %add3A_290 : i32
          %mul3A_292 = arith.constant 40 : i32
          %mul3A_293 = arith.muli %add3A_291, %mul3A_292 : i32
          %dma_start3A_294 = tpu.memref_slice %arg9[%mul3A_293] : memref<4000xi32, #tpu.memory_space<vmem>> -> memref<40xi32, #tpu.memory_space<vmem>>
          %dma_start3A_295 = arith.constant 0 : i32
          %dma_start3A_296 = arith.constant 0 : i32
          %dma_start3A_297 = tpu.memref_slice %arg3[%dma_start3A_295, %dma_start3A_296] : memref<10000x128xf32, #tpu.memory_space<hbm>> -> memref<10000x128xf32, #tpu.memory_space<hbm>>
          tpu.enqueue_indirect_dma source(%dma_start3A_297 : memref<10000x128xf32, #tpu.memory_space<hbm>>) target(%arg14 : memref<40x128xf32, #tpu.memory_space<vmem>>) offsets(%dma_start3A_294 : memref<40xi32, #tpu.memory_space<vmem>>) semaphore(%arg18 : memref<!tpu.dma_semaphore, #tpu.memory_space<semaphore_mem>>)
          %scan3A_298 = arith.constant 0 : i32
          scf.yield %scan3A_298 : i32
        }
        %scan3A_65 = arith.constant 24 : i32
        %dma_wait3A = arith.constant 3840 : i32
        %dma_wait3A_66 = tpu.memref_slice %arg9[%dma_wait3A] : memref<4000xi32, #tpu.memory_space<vmem>> -> memref<40xi32, #tpu.memory_space<vmem>>
        %dma_wait3A_67 = arith.constant 0 : i32
        %dma_wait3A_68 = arith.constant 0 : i32
        %dma_wait3A_69 = tpu.memref_slice %arg3[%dma_wait3A_67, %dma_wait3A_68] : memref<10000x128xf32, #tpu.memory_space<hbm>> -> memref<10000x128xf32, #tpu.memory_space<hbm>>
        tpu.wait_indirect_dma semaphore(%arg15 : memref<!tpu.dma_semaphore, #tpu.memory_space<semaphore_mem>>) src(%dma_wait3A_69 : memref<10000x128xf32, #tpu.memory_space<hbm>>) dst(%arg11 : memref<40x128xf32, #tpu.memory_space<vmem>>)
        %dma_start3A_70 = arith.constant 3840 : i32
        %dma_start3A_71 = tpu.memref_slice %arg10[%dma_start3A_70] : memref<4000xi32, #tpu.memory_space<vmem>> -> memref<40xi32, #tpu.memory_space<vmem>>
        %dma_start3A_72 = arith.constant 0 : i32
        %dma_start3A_73 = arith.constant 0 : i32
        %dma_start3A_74 = tpu.memref_slice %arg23[%dma_start3A_72, %dma_start3A_73] : memref<10000x128xf32, #tpu.memory_space<vmem_shared>> -> memref<10000x128xf32, #tpu.memory_space<vmem_shared>>
        tpu.enqueue_indirect_dma source(%arg11 : memref<40x128xf32, #tpu.memory_space<vmem>>) target(%dma_start3A_74 : memref<10000x128xf32, #tpu.memory_space<vmem_shared>>) offsets(%dma_start3A_71 : memref<40xi32, #tpu.memory_space<vmem>>) semaphore(%arg19 : memref<!tpu.dma_semaphore, #tpu.memory_space<semaphore_mem>>) {add = true}
        %dma_wait3A_75 = arith.constant 3880 : i32
        %dma_wait3A_76 = tpu.memref_slice %arg9[%dma_wait3A_75] : memref<4000xi32, #tpu.memory_space<vmem>> -> memref<40xi32, #tpu.memory_space<vmem>>
        %dma_wait3A_77 = arith.constant 0 : i32
        %dma_wait3A_78 = arith.constant 0 : i32
        %dma_wait3A_79 = tpu.memref_slice %arg3[%dma_wait3A_77, %dma_wait3A_78] : memref<10000x128xf32, #tpu.memory_space<hbm>> -> memref<10000x128xf32, #tpu.memory_space<hbm>>
        tpu.wait_indirect_dma semaphore(%arg16 : memref<!tpu.dma_semaphore, #tpu.memory_space<semaphore_mem>>) src(%dma_wait3A_79 : memref<10000x128xf32, #tpu.memory_space<hbm>>) dst(%arg12 : memref<40x128xf32, #tpu.memory_space<vmem>>)
        %dma_start3A_80 = arith.constant 3880 : i32
        %dma_start3A_81 = tpu.memref_slice %arg10[%dma_start3A_80] : memref<4000xi32, #tpu.memory_space<vmem>> -> memref<40xi32, #tpu.memory_space<vmem>>
        %dma_start3A_82 = arith.constant 0 : i32
        %dma_start3A_83 = arith.constant 0 : i32
        %dma_start3A_84 = tpu.memref_slice %arg23[%dma_start3A_82, %dma_start3A_83] : memref<10000x128xf32, #tpu.memory_space<vmem_shared>> -> memref<10000x128xf32, #tpu.memory_space<vmem_shared>>
        tpu.enqueue_indirect_dma source(%arg12 : memref<40x128xf32, #tpu.memory_space<vmem>>) target(%dma_start3A_84 : memref<10000x128xf32, #tpu.memory_space<vmem_shared>>) offsets(%dma_start3A_81 : memref<40xi32, #tpu.memory_space<vmem>>) semaphore(%arg20 : memref<!tpu.dma_semaphore, #tpu.memory_space<semaphore_mem>>) {add = true}
        %dma_wait3A_85 = arith.constant 3920 : i32
        %dma_wait3A_86 = tpu.memref_slice %arg9[%dma_wait3A_85] : memref<4000xi32, #tpu.memory_space<vmem>> -> memref<40xi32, #tpu.memory_space<vmem>>
        %dma_wait3A_87 = arith.constant 0 : i32
        %dma_wait3A_88 = arith.constant 0 : i32
        %dma_wait3A_89 = tpu.memref_slice %arg3[%dma_wait3A_87, %dma_wait3A_88] : memref<10000x128xf32, #tpu.memory_space<hbm>> -> memref<10000x128xf32, #tpu.memory_space<hbm>>
        tpu.wait_indirect_dma semaphore(%arg17 : memref<!tpu.dma_semaphore, #tpu.memory_space<semaphore_mem>>) src(%dma_wait3A_89 : memref<10000x128xf32, #tpu.memory_space<hbm>>) dst(%arg13 : memref<40x128xf32, #tpu.memory_space<vmem>>)
        %dma_start3A_90 = arith.constant 3920 : i32
        %dma_start3A_91 = tpu.memref_slice %arg10[%dma_start3A_90] : memref<4000xi32, #tpu.memory_space<vmem>> -> memref<40xi32, #tpu.memory_space<vmem>>
        %dma_start3A_92 = arith.constant 0 : i32
        %dma_start3A_93 = arith.constant 0 : i32
        %dma_start3A_94 = tpu.memref_slice %arg23[%dma_start3A_92, %dma_start3A_93] : memref<10000x128xf32, #tpu.memory_space<vmem_shared>> -> memref<10000x128xf32, #tpu.memory_space<vmem_shared>>
        tpu.enqueue_indirect_dma source(%arg13 : memref<40x128xf32, #tpu.memory_space<vmem>>) target(%dma_start3A_94 : memref<10000x128xf32, #tpu.memory_space<vmem_shared>>) offsets(%dma_start3A_91 : memref<40xi32, #tpu.memory_space<vmem>>) semaphore(%arg21 : memref<!tpu.dma_semaphore, #tpu.memory_space<semaphore_mem>>) {add = true}
        %dma_wait3A_95 = arith.constant 3960 : i32
        %dma_wait3A_96 = tpu.memref_slice %arg9[%dma_wait3A_95] : memref<4000xi32, #tpu.memory_space<vmem>> -> memref<40xi32, #tpu.memory_space<vmem>>
        %dma_wait3A_97 = arith.constant 0 : i32
        %dma_wait3A_98 = arith.constant 0 : i32
        %dma_wait3A_99 = tpu.memref_slice %arg3[%dma_wait3A_97, %dma_wait3A_98] : memref<10000x128xf32, #tpu.memory_space<hbm>> -> memref<10000x128xf32, #tpu.memory_space<hbm>>
        tpu.wait_indirect_dma semaphore(%arg18 : memref<!tpu.dma_semaphore, #tpu.memory_space<semaphore_mem>>) src(%dma_wait3A_99 : memref<10000x128xf32, #tpu.memory_space<hbm>>) dst(%arg14 : memref<40x128xf32, #tpu.memory_space<vmem>>)
        %dma_start3A_100 = arith.constant 3960 : i32
        %dma_start3A_101 = tpu.memref_slice %arg10[%dma_start3A_100] : memref<4000xi32, #tpu.memory_space<vmem>> -> memref<40xi32, #tpu.memory_space<vmem>>
        %dma_start3A_102 = arith.constant 0 : i32
        %dma_start3A_103 = arith.constant 0 : i32
        %dma_start3A_104 = tpu.memref_slice %arg23[%dma_start3A_102, %dma_start3A_103] : memref<10000x128xf32, #tpu.memory_space<vmem_shared>> -> memref<10000x128xf32, #tpu.memory_space<vmem_shared>>
        tpu.enqueue_indirect_dma source(%arg14 : memref<40x128xf32, #tpu.memory_space<vmem>>) target(%dma_start3A_104 : memref<10000x128xf32, #tpu.memory_space<vmem_shared>>) offsets(%dma_start3A_101 : memref<40xi32, #tpu.memory_space<vmem>>) semaphore(%arg22 : memref<!tpu.dma_semaphore, #tpu.memory_space<semaphore_mem>>) {add = true}
        %dma_wait3A_105 = arith.constant 3840 : i32
        %dma_wait3A_106 = tpu.memref_slice %arg10[%dma_wait3A_105] : memref<4000xi32, #tpu.memory_space<vmem>> -> memref<40xi32, #tpu.memory_space<vmem>>
        %dma_wait3A_107 = arith.constant 0 : i32
        %dma_wait3A_108 = arith.constant 0 : i32
        %dma_wait3A_109 = tpu.memref_slice %arg23[%dma_wait3A_107, %dma_wait3A_108] : memref<10000x128xf32, #tpu.memory_space<vmem_shared>> -> memref<10000x128xf32, #tpu.memory_space<vmem_shared>>
        tpu.wait_indirect_dma semaphore(%arg19 : memref<!tpu.dma_semaphore, #tpu.memory_space<semaphore_mem>>) src(%arg11 : memref<40x128xf32, #tpu.memory_space<vmem>>) dst(%dma_wait3A_109 : memref<10000x128xf32, #tpu.memory_space<vmem_shared>>)
        %dma_wait3A_110 = arith.constant 3880 : i32
        %dma_wait3A_111 = tpu.memref_slice %arg10[%dma_wait3A_110] : memref<4000xi32, #tpu.memory_space<vmem>> -> memref<40xi32, #tpu.memory_space<vmem>>
        %dma_wait3A_112 = arith.constant 0 : i32
        %dma_wait3A_113 = arith.constant 0 : i32
        %dma_wait3A_114 = tpu.memref_slice %arg23[%dma_wait3A_112, %dma_wait3A_113] : memref<10000x128xf32, #tpu.memory_space<vmem_shared>> -> memref<10000x128xf32, #tpu.memory_space<vmem_shared>>
        tpu.wait_indirect_dma semaphore(%arg20 : memref<!tpu.dma_semaphore, #tpu.memory_space<semaphore_mem>>) src(%arg12 : memref<40x128xf32, #tpu.memory_space<vmem>>) dst(%dma_wait3A_114 : memref<10000x128xf32, #tpu.memory_space<vmem_shared>>)
        %dma_wait3A_115 = arith.constant 3920 : i32
        %dma_wait3A_116 = tpu.memref_slice %arg10[%dma_wait3A_115] : memref<4000xi32, #tpu.memory_space<vmem>> -> memref<40xi32, #tpu.memory_space<vmem>>
        %dma_wait3A_117 = arith.constant 0 : i32
        %dma_wait3A_118 = arith.constant 0 : i32
        %dma_wait3A_119 = tpu.memref_slice %arg23[%dma_wait3A_117, %dma_wait3A_118] : memref<10000x128xf32, #tpu.memory_space<vmem_shared>> -> memref<10000x128xf32, #tpu.memory_space<vmem_shared>>
        tpu.wait_indirect_dma semaphore(%arg21 : memref<!tpu.dma_semaphore, #tpu.memory_space<semaphore_mem>>) src(%arg13 : memref<40x128xf32, #tpu.memory_space<vmem>>) dst(%dma_wait3A_119 : memref<10000x128xf32, #tpu.memory_space<vmem_shared>>)
        %dma_wait3A_120 = arith.constant 3960 : i32
        %dma_wait3A_121 = tpu.memref_slice %arg10[%dma_wait3A_120] : memref<4000xi32, #tpu.memory_space<vmem>> -> memref<40xi32, #tpu.memory_space<vmem>>
        %dma_wait3A_122 = arith.constant 0 : i32
        %dma_wait3A_123 = arith.constant 0 : i32
        %dma_wait3A_124 = tpu.memref_slice %arg23[%dma_wait3A_122, %dma_wait3A_123] : memref<10000x128xf32, #tpu.memory_space<vmem_shared>> -> memref<10000x128xf32, #tpu.memory_space<vmem_shared>>
        tpu.wait_indirect_dma semaphore(%arg22 : memref<!tpu.dma_semaphore, #tpu.memory_space<semaphore_mem>>) src(%arg14 : memref<40x128xf32, #tpu.memory_space<vmem>>) dst(%dma_wait3A_124 : memref<10000x128xf32, #tpu.memory_space<vmem_shared>>)
        %scan3A_125 = arith.constant 0 : i32
        scf.yield %scan3A_125 : i32
      }
      %scan3A_33 = arith.constant 5 : i32
    } else {
    }
    %barrier3A_17 = arith.constant 0 : index
    tpu.barrier barrier_id(%barrier3A_17)
    %eq3A_18 = arith.constant 0 : i32
    %eq3A_19 = arith.cmpi eq, %arg0, %eq3A_18 : i32
    %convert_element_type3A_20 = arith.extui %eq3A_19 : i1 to i32
    %cond3A_21 = arith.constant 0 : i32
    %cond3A_22 = arith.cmpi ne, %convert_element_type3A_20, %cond3A_21 : i32
    scf.if %cond3A_22 {
      %lt3A_28 = arith.constant 15 : i32
      %lt3A_29 = arith.cmpi slt, %arg1, %lt3A_28 : i32
      %convert_element_type3A_30 = arith.extui %lt3A_29 : i1 to i32
      %cond3A_31 = arith.constant 0 : i32
      %cond3A_32 = arith.cmpi ne, %convert_element_type3A_30, %cond3A_31 : i32
      scf.if %cond3A_32 {
        "tpu.region"() ({
          %run_scoped3A = tpu.sem_alloc : memref<!tpu.dma_semaphore, #tpu.memory_space<semaphore_mem>>
          %dma_start3A = arith.constant 0 : i32
          %dma_start3A_38 = tpu.memref_slice %arg7[%mul3A_0, %dma_start3A] : memref<10000x128xf32, #tpu.memory_space<hbm>> -> memref<624x128xf32, #tpu.memory_space<hbm>>
          %dma_start3A_39 = arith.constant 0 : i32
          %dma_start3A_40 = tpu.memref_slice %arg23[%mul3A_0, %dma_start3A_39] : memref<10000x128xf32, #tpu.memory_space<vmem_shared>> -> memref<624x128xf32, #tpu.memory_space<vmem_shared>>
          tpu.enqueue_dma source(%dma_start3A_40 : memref<624x128xf32, #tpu.memory_space<vmem_shared>>) target(%dma_start3A_38 : memref<624x128xf32, #tpu.memory_space<hbm>>) target_semaphore(%run_scoped3A : memref<!tpu.dma_semaphore, #tpu.memory_space<semaphore_mem>>)
          %dma_wait3A = arith.constant 0 : i32
          %dma_wait3A_41 = tpu.memref_slice %arg7[%mul3A_0, %dma_wait3A] : memref<10000x128xf32, #tpu.memory_space<hbm>> -> memref<624x128xf32, #tpu.memory_space<hbm>>
          %dma_wait3A_42 = arith.constant 0 : i32
          %dma_wait3A_43 = tpu.memref_slice %arg23[%mul3A_0, %dma_wait3A_42] : memref<10000x128xf32, #tpu.memory_space<vmem_shared>> -> memref<624x128xf32, #tpu.memory_space<vmem_shared>>
          tpu.wait_dma2 semaphore(%run_scoped3A : memref<!tpu.dma_semaphore, #tpu.memory_space<semaphore_mem>>) src(%dma_wait3A_43 : memref<624x128xf32, #tpu.memory_space<vmem_shared>>) dst(%dma_wait3A_41 : memref<624x128xf32, #tpu.memory_space<hbm>>)
          tpu.yield
        }) : () -> ()
      } else {
      }
      %eq3A_33 = arith.constant 15 : i32
      %eq3A_34 = arith.cmpi eq, %arg1, %eq3A_33 : i32
      %convert_element_type3A_35 = arith.extui %eq3A_34 : i1 to i32
      %cond3A_36 = arith.constant 0 : i32
      %cond3A_37 = arith.cmpi ne, %convert_element_type3A_35, %cond3A_36 : i32
      scf.if %cond3A_37 {
        "tpu.region"() ({
          %run_scoped3A = tpu.sem_alloc : memref<!tpu.dma_semaphore, #tpu.memory_space<semaphore_mem>>
          %dma_start3A = arith.constant 0 : i32
          %dma_start3A_38 = tpu.memref_slice %arg7[%mul3A_0, %dma_start3A] : memref<10000x128xf32, #tpu.memory_space<hbm>> -> memref<640x128xf32, #tpu.memory_space<hbm>>
          %dma_start3A_39 = arith.constant 0 : i32
          %dma_start3A_40 = tpu.memref_slice %arg23[%mul3A_0, %dma_start3A_39] : memref<10000x128xf32, #tpu.memory_space<vmem_shared>> -> memref<640x128xf32, #tpu.memory_space<vmem_shared>>
          tpu.enqueue_dma source(%dma_start3A_40 : memref<640x128xf32, #tpu.memory_space<vmem_shared>>) target(%dma_start3A_38 : memref<640x128xf32, #tpu.memory_space<hbm>>) target_semaphore(%run_scoped3A : memref<!tpu.dma_semaphore, #tpu.memory_space<semaphore_mem>>)
          %dma_wait3A = arith.constant 0 : i32
          %dma_wait3A_41 = tpu.memref_slice %arg7[%mul3A_0, %dma_wait3A] : memref<10000x128xf32, #tpu.memory_space<hbm>> -> memref<640x128xf32, #tpu.memory_space<hbm>>
          %dma_wait3A_42 = arith.constant 0 : i32
          %dma_wait3A_43 = tpu.memref_slice %arg23[%mul3A_0, %dma_wait3A_42] : memref<10000x128xf32, #tpu.memory_space<vmem_shared>> -> memref<640x128xf32, #tpu.memory_space<vmem_shared>>
          tpu.wait_dma2 semaphore(%run_scoped3A : memref<!tpu.dma_semaphore, #tpu.memory_space<semaphore_mem>>) src(%dma_wait3A_43 : memref<640x128xf32, #tpu.memory_space<vmem_shared>>) dst(%dma_wait3A_41 : memref<640x128xf32, #tpu.memory_space<hbm>>)
          tpu.yield
        }) : () -> ()
      } else {
      }
    } else {
    }
    %eq3A_23 = arith.constant 1 : i32
    %eq3A_24 = arith.cmpi eq, %arg0, %eq3A_23 : i32
    %convert_element_type3A_25 = arith.extui %eq3A_24 : i1 to i32
    %cond3A_26 = arith.constant 0 : i32
    %cond3A_27 = arith.cmpi ne, %convert_element_type3A_25, %cond3A_26 : i32
    scf.if %cond3A_27 {
      %lt3A_28 = arith.constant 15 : i32
      %lt3A_29 = arith.cmpi slt, %arg1, %lt3A_28 : i32
      %convert_element_type3A_30 = arith.extui %lt3A_29 : i1 to i32
      %cond3A_31 = arith.constant 0 : i32
      %cond3A_32 = arith.cmpi ne, %convert_element_type3A_30, %cond3A_31 : i32
      scf.if %cond3A_32 {
        "tpu.region"() ({
          %run_scoped3A = tpu.sem_alloc : memref<!tpu.dma_semaphore, #tpu.memory_space<semaphore_mem>>
          %dma_start3A = arith.constant 0 : i32
          %dma_start3A_38 = tpu.memref_slice %arg8[%mul3A_0, %dma_start3A] : memref<10000x128xf32, #tpu.memory_space<hbm>> -> memref<624x128xf32, #tpu.memory_space<hbm>>
          %dma_start3A_39 = arith.constant 0 : i32
          %dma_start3A_40 = tpu.memref_slice %arg23[%mul3A_0, %dma_start3A_39] : memref<10000x128xf32, #tpu.memory_space<vmem_shared>> -> memref<624x128xf32, #tpu.memory_space<vmem_shared>>
          tpu.enqueue_dma source(%dma_start3A_40 : memref<624x128xf32, #tpu.memory_space<vmem_shared>>) target(%dma_start3A_38 : memref<624x128xf32, #tpu.memory_space<hbm>>) target_semaphore(%run_scoped3A : memref<!tpu.dma_semaphore, #tpu.memory_space<semaphore_mem>>)
          %dma_wait3A = arith.constant 0 : i32
          %dma_wait3A_41 = tpu.memref_slice %arg8[%mul3A_0, %dma_wait3A] : memref<10000x128xf32, #tpu.memory_space<hbm>> -> memref<624x128xf32, #tpu.memory_space<hbm>>
          %dma_wait3A_42 = arith.constant 0 : i32
          %dma_wait3A_43 = tpu.memref_slice %arg23[%mul3A_0, %dma_wait3A_42] : memref<10000x128xf32, #tpu.memory_space<vmem_shared>> -> memref<624x128xf32, #tpu.memory_space<vmem_shared>>
          tpu.wait_dma2 semaphore(%run_scoped3A : memref<!tpu.dma_semaphore, #tpu.memory_space<semaphore_mem>>) src(%dma_wait3A_43 : memref<624x128xf32, #tpu.memory_space<vmem_shared>>) dst(%dma_wait3A_41 : memref<624x128xf32, #tpu.memory_space<hbm>>)
          tpu.yield
        }) : () -> ()
      } else {
      }
      %eq3A_33 = arith.constant 15 : i32
      %eq3A_34 = arith.cmpi eq, %arg1, %eq3A_33 : i32
      %convert_element_type3A_35 = arith.extui %eq3A_34 : i1 to i32
      %cond3A_36 = arith.constant 0 : i32
      %cond3A_37 = arith.cmpi ne, %convert_element_type3A_35, %cond3A_36 : i32
      scf.if %cond3A_37 {
        "tpu.region"() ({
          %run_scoped3A = tpu.sem_alloc : memref<!tpu.dma_semaphore, #tpu.memory_space<semaphore_mem>>
          %dma_start3A = arith.constant 0 : i32
          %dma_start3A_38 = tpu.memref_slice %arg8[%mul3A_0, %dma_start3A] : memref<10000x128xf32, #tpu.memory_space<hbm>> -> memref<640x128xf32, #tpu.memory_space<hbm>>
          %dma_start3A_39 = arith.constant 0 : i32
          %dma_start3A_40 = tpu.memref_slice %arg23[%mul3A_0, %dma_start3A_39] : memref<10000x128xf32, #tpu.memory_space<vmem_shared>> -> memref<640x128xf32, #tpu.memory_space<vmem_shared>>
          tpu.enqueue_dma source(%dma_start3A_40 : memref<640x128xf32, #tpu.memory_space<vmem_shared>>) target(%dma_start3A_38 : memref<640x128xf32, #tpu.memory_space<hbm>>) target_semaphore(%run_scoped3A : memref<!tpu.dma_semaphore, #tpu.memory_space<semaphore_mem>>)
          %dma_wait3A = arith.constant 0 : i32
          %dma_wait3A_41 = tpu.memref_slice %arg8[%mul3A_0, %dma_wait3A] : memref<10000x128xf32, #tpu.memory_space<hbm>> -> memref<640x128xf32, #tpu.memory_space<hbm>>
          %dma_wait3A_42 = arith.constant 0 : i32
          %dma_wait3A_43 = tpu.memref_slice %arg23[%mul3A_0, %dma_wait3A_42] : memref<10000x128xf32, #tpu.memory_space<vmem_shared>> -> memref<640x128xf32, #tpu.memory_space<vmem_shared>>
          tpu.wait_dma2 semaphore(%run_scoped3A : memref<!tpu.dma_semaphore, #tpu.memory_space<semaphore_mem>>) src(%dma_wait3A_43 : memref<640x128xf32, #tpu.memory_space<vmem_shared>>) dst(%dma_wait3A_41 : memref<640x128xf32, #tpu.memory_space<hbm>>)
          tpu.yield
        }) : () -> ()
      } else {
      }
    } else {
    }
    return
  }
}

#map = affine_map<(d0, d1) -> (0, 0)>
#map1 = affine_map<(d0, d1) -> (0)>
module attributes {stable_mosaic.version = 14 : i64} {
  func.func @k(%arg0: i32, %arg1: i32, %arg2: memref<10000x128xf32, #tpu.memory_space<hbm>>, %arg3: memref<10000x128xf32, #tpu.memory_space<hbm>>, %arg4: memref<320000xi32, #tpu.memory_space<hbm>>, %arg5: memref<320000xi32, #tpu.memory_space<hbm>>, %arg6: memref<640x128xf32, #tpu.memory_space<hbm>>, %arg7: memref<10000x128xf32, #tpu.memory_space<hbm>>, %arg8: memref<10000x128xf32, #tpu.memory_space<hbm>>, %arg9: memref<4000xi32, #tpu.memory_space<vmem>>, %arg10: memref<4000xi32, #tpu.memory_space<vmem>>, %arg11: memref<40x128xf32, #tpu.memory_space<vmem>>, %arg12: memref<40x128xf32, #tpu.memory_space<vmem>>, %arg13: memref<40x128xf32, #tpu.memory_space<vmem>>, %arg14: memref<40x128xf32, #tpu.memory_space<vmem>>, %arg15: memref<!tpu.dma_semaphore, #tpu.memory_space<semaphore_mem>>, %arg16: memref<!tpu.dma_semaphore, #tpu.memory_space<semaphore_mem>>, %arg17: memref<!tpu.dma_semaphore, #tpu.memory_space<semaphore_mem>>, %arg18: memref<!tpu.dma_semaphore, #tpu.memory_space<semaphore_mem>>, %arg19: memref<!tpu.dma_semaphore, #tpu.memory_space<semaphore_mem>>, %arg20: memref<!tpu.dma_semaphore, #tpu.memory_space<semaphore_mem>>, %arg21: memref<!tpu.dma_semaphore, #tpu.memory_space<semaphore_mem>>, %arg22: memref<!tpu.dma_semaphore, #tpu.memory_space<semaphore_mem>>, %arg23: memref<10000x128xf32, #tpu.memory_space<vmem_shared>>) attributes {dimension_semantics = [#tpu.dimension_semantics<core_parallel>, #tpu.dimension_semantics<subcore_parallel>], iteration_bounds = array<i64: 2, 16>, scalar_prefetch = 0 : i64, scratch_operands = 15 : i64, tpu.core_type = #tpu.core_type<sc_vector_subcore>, window_params = [{transform_indices = #map}, {transform_indices = #map}, {transform_indices = #map1}, {transform_indices = #map1}, {transform_indices = #map}, {transform_indices = #map}, {transform_indices = #map}]} {
    %mul3A = arith.constant 624 : i32
    %mul3A_0 = arith.muli %arg1, %mul3A : i32
    %lt3A = arith.constant 15 : i32
    %lt3A_1 = arith.cmpi slt, %arg1, %lt3A : i32
    %convert_element_type3A = arith.extui %lt3A_1 : i1 to i32
    %cond3A = arith.constant 0 : i32
    %cond3A_2 = arith.cmpi ne, %convert_element_type3A, %cond3A : i32
    scf.if %cond3A_2 {
      "tpu.region"() ({
        %run_scoped3A = tpu.sem_alloc : memref<!tpu.dma_semaphore, #tpu.memory_space<semaphore_mem>>
        %dma_start3A = arith.constant 0 : i32
        %dma_start3A_28 = tpu.memref_slice %arg23[%mul3A_0, %dma_start3A] : memref<10000x128xf32, #tpu.memory_space<vmem_shared>> -> memref<624x128xf32, #tpu.memory_space<vmem_shared>>
        %dma_start3A_29 = arith.constant 0 : i32
        %dma_start3A_30 = arith.constant 0 : i32
        %dma_start3A_31 = tpu.memref_slice %arg6[%dma_start3A_29, %dma_start3A_30] : memref<640x128xf32, #tpu.memory_space<hbm>> -> memref<624x128xf32, #tpu.memory_space<hbm>>
        tpu.enqueue_dma source(%dma_start3A_31 : memref<624x128xf32, #tpu.memory_space<hbm>>) target(%dma_start3A_28 : memref<624x128xf32, #tpu.memory_space<vmem_shared>>) target_semaphore(%run_scoped3A : memref<!tpu.dma_semaphore, #tpu.memory_space<semaphore_mem>>)
        %dma_wait3A = arith.constant 0 : i32
        %dma_wait3A_32 = tpu.memref_slice %arg23[%mul3A_0, %dma_wait3A] : memref<10000x128xf32, #tpu.memory_space<vmem_shared>> -> memref<624x128xf32, #tpu.memory_space<vmem_shared>>
        %dma_wait3A_33 = arith.constant 0 : i32
        %dma_wait3A_34 = arith.constant 0 : i32
        %dma_wait3A_35 = tpu.memref_slice %arg6[%dma_wait3A_33, %dma_wait3A_34] : memref<640x128xf32, #tpu.memory_space<hbm>> -> memref<624x128xf32, #tpu.memory_space<hbm>>
        tpu.wait_dma2 semaphore(%run_scoped3A : memref<!tpu.dma_semaphore, #tpu.memory_space<semaphore_mem>>) src(%dma_wait3A_35 : memref<624x128xf32, #tpu.memory_space<hbm>>) dst(%dma_wait3A_32 : memref<624x128xf32, #tpu.memory_space<vmem_shared>>)
        tpu.yield
      }) : () -> ()
    } else {
    }
    %eq3A = arith.constant 15 : i32
    %eq3A_3 = arith.cmpi eq, %arg1, %eq3A : i32
    %convert_element_type3A_4 = arith.extui %eq3A_3 : i1 to i32
    %cond3A_5 = arith.constant 0 : i32
    %cond3A_6 = arith.cmpi ne, %convert_element_type3A_4, %cond3A_5 : i32
    scf.if %cond3A_6 {
      "tpu.region"() ({
        %run_scoped3A = tpu.sem_alloc : memref<!tpu.dma_semaphore, #tpu.memory_space<semaphore_mem>>
        %dma_start3A = arith.constant 0 : i32
        %dma_start3A_28 = tpu.memref_slice %arg23[%mul3A_0, %dma_start3A] : memref<10000x128xf32, #tpu.memory_space<vmem_shared>> -> memref<640x128xf32, #tpu.memory_space<vmem_shared>>
        %dma_start3A_29 = arith.constant 0 : i32
        %dma_start3A_30 = arith.constant 0 : i32
        %dma_start3A_31 = tpu.memref_slice %arg6[%dma_start3A_29, %dma_start3A_30] : memref<640x128xf32, #tpu.memory_space<hbm>> -> memref<640x128xf32, #tpu.memory_space<hbm>>
        tpu.enqueue_dma source(%dma_start3A_31 : memref<640x128xf32, #tpu.memory_space<hbm>>) target(%dma_start3A_28 : memref<640x128xf32, #tpu.memory_space<vmem_shared>>) target_semaphore(%run_scoped3A : memref<!tpu.dma_semaphore, #tpu.memory_space<semaphore_mem>>)
        %dma_wait3A = arith.constant 0 : i32
        %dma_wait3A_32 = tpu.memref_slice %arg23[%mul3A_0, %dma_wait3A] : memref<10000x128xf32, #tpu.memory_space<vmem_shared>> -> memref<640x128xf32, #tpu.memory_space<vmem_shared>>
        %dma_wait3A_33 = arith.constant 0 : i32
        %dma_wait3A_34 = arith.constant 0 : i32
        %dma_wait3A_35 = tpu.memref_slice %arg6[%dma_wait3A_33, %dma_wait3A_34] : memref<640x128xf32, #tpu.memory_space<hbm>> -> memref<640x128xf32, #tpu.memory_space<hbm>>
        tpu.wait_dma2 semaphore(%run_scoped3A : memref<!tpu.dma_semaphore, #tpu.memory_space<semaphore_mem>>) src(%dma_wait3A_35 : memref<640x128xf32, #tpu.memory_space<hbm>>) dst(%dma_wait3A_32 : memref<640x128xf32, #tpu.memory_space<vmem_shared>>)
        tpu.yield
      }) : () -> ()
    } else {
    }
    %barrier3A = arith.constant 0 : index
    tpu.barrier barrier_id(%barrier3A)
    %eq3A_7 = arith.constant 0 : i32
    %eq3A_8 = arith.cmpi eq, %arg0, %eq3A_7 : i32
    %convert_element_type3A_9 = arith.extui %eq3A_8 : i1 to i32
    %cond3A_10 = arith.constant 0 : i32
    %cond3A_11 = arith.cmpi ne, %convert_element_type3A_9, %cond3A_10 : i32
    scf.if %cond3A_11 {
      %scan3A = arith.constant 0 : i32
      %scan3A_28 = arith.constant 0 : i32
      %scan3A_29 = arith.constant 5 : i32
      %scan3A_30 = arith.addi %scan3A_28, %scan3A_29 : i32
      %scan3A_31 = arith.constant 1 : i32
      %scan3A_32 = scf.for %scan3A_34 = %scan3A_28 to %scan3A_30 step %scan3A_31 iter_args(%scan3A_35 = %scan3A) -> (i32)  : i32 {
        %mul3A_36 = arith.constant 20000 : i32
        %mul3A_37 = arith.muli %arg1, %mul3A_36 : i32
        %mul3A_38 = arith.constant 4000 : i32
        %mul3A_39 = arith.muli %scan3A_34, %mul3A_38 : i32
        %add3A = arith.addi %mul3A_37, %mul3A_39 : i32
        "tpu.region"() ({
          %run_scoped3A = tpu.sem_alloc : memref<!tpu.dma_semaphore, #tpu.memory_space<semaphore_mem>>
          %dma_start3A_126 = tpu.memref_slice %arg4[%add3A] : memref<320000xi32, #tpu.memory_space<hbm>> -> memref<4000xi32, #tpu.memory_space<hbm>>
          %dma_start3A_127 = tpu.memref_slice %arg4[%add3A] : memref<320000xi32, #tpu.memory_space<hbm>> -> memref<4000xi32, #tpu.memory_space<hbm>>
          tpu.enqueue_dma source(%dma_start3A_127 : memref<4000xi32, #tpu.memory_space<hbm>>) target(%arg9 : memref<4000xi32, #tpu.memory_space<vmem>>) target_semaphore(%run_scoped3A : memref<!tpu.dma_semaphore, #tpu.memory_space<semaphore_mem>>)
          %dma_wait3A_128 = tpu.memref_slice %arg4[%add3A] : memref<320000xi32, #tpu.memory_space<hbm>> -> memref<4000xi32, #tpu.memory_space<hbm>>
          %dma_wait3A_129 = tpu.memref_slice %arg4[%add3A] : memref<320000xi32, #tpu.memory_space<hbm>> -> memref<4000xi32, #tpu.memory_space<hbm>>
          tpu.wait_dma2 semaphore(%run_scoped3A : memref<!tpu.dma_semaphore, #tpu.memory_space<semaphore_mem>>) src(%dma_wait3A_129 : memref<4000xi32, #tpu.memory_space<hbm>>) dst(%arg9 : memref<4000xi32, #tpu.memory_space<vmem>>)
          tpu.yield
        }) : () -> ()
        "tpu.region"() ({
          %run_scoped3A = tpu.sem_alloc : memref<!tpu.dma_semaphore, #tpu.memory_space<semaphore_mem>>
          %dma_start3A_126 = tpu.memref_slice %arg5[%add3A] : memref<320000xi32, #tpu.memory_space<hbm>> -> memref<4000xi32, #tpu.memory_space<hbm>>
          %dma_start3A_127 = tpu.memref_slice %arg5[%add3A] : memref<320000xi32, #tpu.memory_space<hbm>> -> memref<4000xi32, #tpu.memory_space<hbm>>
          tpu.enqueue_dma source(%dma_start3A_127 : memref<4000xi32, #tpu.memory_space<hbm>>) target(%arg10 : memref<4000xi32, #tpu.memory_space<vmem>>) target_semaphore(%run_scoped3A : memref<!tpu.dma_semaphore, #tpu.memory_space<semaphore_mem>>)
          %dma_wait3A_128 = tpu.memref_slice %arg5[%add3A] : memref<320000xi32, #tpu.memory_space<hbm>> -> memref<4000xi32, #tpu.memory_space<hbm>>
          %dma_wait3A_129 = tpu.memref_slice %arg5[%add3A] : memref<320000xi32, #tpu.memory_space<hbm>> -> memref<4000xi32, #tpu.memory_space<hbm>>
          tpu.wait_dma2 semaphore(%run_scoped3A : memref<!tpu.dma_semaphore, #tpu.memory_space<semaphore_mem>>) src(%dma_wait3A_129 : memref<4000xi32, #tpu.memory_space<hbm>>) dst(%arg10 : memref<4000xi32, #tpu.memory_space<vmem>>)
          tpu.yield
        }) : () -> ()
        %dma_start3A = arith.constant 0 : i32
        %dma_start3A_40 = tpu.memref_slice %arg9[%dma_start3A] : memref<4000xi32, #tpu.memory_space<vmem>> -> memref<40xi32, #tpu.memory_space<vmem>>
        %dma_start3A_41 = arith.constant 0 : i32
        %dma_start3A_42 = arith.constant 0 : i32
        %dma_start3A_43 = tpu.memref_slice %arg2[%dma_start3A_41, %dma_start3A_42] : memref<10000x128xf32, #tpu.memory_space<hbm>> -> memref<10000x128xf32, #tpu.memory_space<hbm>>
        tpu.enqueue_indirect_dma source(%dma_start3A_43 : memref<10000x128xf32, #tpu.memory_space<hbm>>) target(%arg11 : memref<40x128xf32, #tpu.memory_space<vmem>>) offsets(%dma_start3A_40 : memref<40xi32, #tpu.memory_space<vmem>>) semaphore(%arg15 : memref<!tpu.dma_semaphore, #tpu.memory_space<semaphore_mem>>)
        %dma_start3A_44 = arith.constant 40 : i32
        %dma_start3A_45 = tpu.memref_slice %arg9[%dma_start3A_44] : memref<4000xi32, #tpu.memory_space<vmem>> -> memref<40xi32, #tpu.memory_space<vmem>>
        %dma_start3A_46 = arith.constant 0 : i32
        %dma_start3A_47 = arith.constant 0 : i32
        %dma_start3A_48 = tpu.memref_slice %arg2[%dma_start3A_46, %dma_start3A_47] : memref<10000x128xf32, #tpu.memory_space<hbm>> -> memref<10000x128xf32, #tpu.memory_space<hbm>>
        tpu.enqueue_indirect_dma source(%dma_start3A_48 : memref<10000x128xf32, #tpu.memory_space<hbm>>) target(%arg12 : memref<40x128xf32, #tpu.memory_space<vmem>>) offsets(%dma_start3A_45 : memref<40xi32, #tpu.memory_space<vmem>>) semaphore(%arg16 : memref<!tpu.dma_semaphore, #tpu.memory_space<semaphore_mem>>)
        %dma_start3A_49 = arith.constant 80 : i32
        %dma_start3A_50 = tpu.memref_slice %arg9[%dma_start3A_49] : memref<4000xi32, #tpu.memory_space<vmem>> -> memref<40xi32, #tpu.memory_space<vmem>>
        %dma_start3A_51 = arith.constant 0 : i32
        %dma_start3A_52 = arith.constant 0 : i32
        %dma_start3A_53 = tpu.memref_slice %arg2[%dma_start3A_51, %dma_start3A_52] : memref<10000x128xf32, #tpu.memory_space<hbm>> -> memref<10000x128xf32, #tpu.memory_space<hbm>>
        tpu.enqueue_indirect_dma source(%dma_start3A_53 : memref<10000x128xf32, #tpu.memory_space<hbm>>) target(%arg13 : memref<40x128xf32, #tpu.memory_space<vmem>>) offsets(%dma_start3A_50 : memref<40xi32, #tpu.memory_space<vmem>>) semaphore(%arg17 : memref<!tpu.dma_semaphore, #tpu.memory_space<semaphore_mem>>)
        %dma_start3A_54 = arith.constant 120 : i32
        %dma_start3A_55 = tpu.memref_slice %arg9[%dma_start3A_54] : memref<4000xi32, #tpu.memory_space<vmem>> -> memref<40xi32, #tpu.memory_space<vmem>>
        %dma_start3A_56 = arith.constant 0 : i32
        %dma_start3A_57 = arith.constant 0 : i32
        %dma_start3A_58 = tpu.memref_slice %arg2[%dma_start3A_56, %dma_start3A_57] : memref<10000x128xf32, #tpu.memory_space<hbm>> -> memref<10000x128xf32, #tpu.memory_space<hbm>>
        tpu.enqueue_indirect_dma source(%dma_start3A_58 : memref<10000x128xf32, #tpu.memory_space<hbm>>) target(%arg14 : memref<40x128xf32, #tpu.memory_space<vmem>>) offsets(%dma_start3A_55 : memref<40xi32, #tpu.memory_space<vmem>>) semaphore(%arg18 : memref<!tpu.dma_semaphore, #tpu.memory_space<semaphore_mem>>)
        %scan3A_59 = arith.constant 0 : i32
        %scan3A_60 = arith.constant 0 : i32
        %scan3A_61 = arith.constant 24 : i32
        %scan3A_62 = arith.addi %scan3A_60, %scan3A_61 : i32
        %scan3A_63 = arith.constant 1 : i32
        %scan3A_64 = scf.for %scan3A_126 = %scan3A_60 to %scan3A_62 step %scan3A_63 iter_args(%scan3A_127 = %scan3A_59) -> (i32)  : i32 {
          %mul3A_128 = arith.constant 4 : i32
          %mul3A_129 = arith.muli %scan3A_126, %mul3A_128 : i32
          %add3A_130 = arith.constant 0 : i32
          %add3A_131 = arith.addi %mul3A_129, %add3A_130 : i32
          %add3A_132 = arith.constant 0 : i32
          %add3A_133 = arith.addi %add3A_131, %add3A_132 : i32
          %mul3A_134 = arith.constant 40 : i32
          %mul3A_135 = arith.muli %add3A_133, %mul3A_134 : i32
          %dma_wait3A_136 = tpu.memref_slice %arg9[%mul3A_135] : memref<4000xi32, #tpu.memory_space<vmem>> -> memref<40xi32, #tpu.memory_space<vmem>>
          %dma_wait3A_137 = arith.constant 0 : i32
          %dma_wait3A_138 = arith.constant 0 : i32
          %dma_wait3A_139 = tpu.memref_slice %arg2[%dma_wait3A_137, %dma_wait3A_138] : memref<10000x128xf32, #tpu.memory_space<hbm>> -> memref<10000x128xf32, #tpu.memory_space<hbm>>
          tpu.wait_indirect_dma semaphore(%arg15 : memref<!tpu.dma_semaphore, #tpu.memory_space<semaphore_mem>>) src(%dma_wait3A_139 : memref<10000x128xf32, #tpu.memory_space<hbm>>) dst(%arg11 : memref<40x128xf32, #tpu.memory_space<vmem>>)
          %add3A_140 = arith.constant 0 : i32
          %add3A_141 = arith.addi %mul3A_129, %add3A_140 : i32
          %add3A_142 = arith.constant 0 : i32
          %add3A_143 = arith.addi %add3A_141, %add3A_142 : i32
          %mul3A_144 = arith.constant 40 : i32
          %mul3A_145 = arith.muli %add3A_143, %mul3A_144 : i32
          %dma_start3A_146 = tpu.memref_slice %arg10[%mul3A_145] : memref<4000xi32, #tpu.memory_space<vmem>> -> memref<40xi32, #tpu.memory_space<vmem>>
          %dma_start3A_147 = arith.constant 0 : i32
          %dma_start3A_148 = arith.constant 0 : i32
          %dma_start3A_149 = tpu.memref_slice %arg23[%dma_start3A_147, %dma_start3A_148] : memref<10000x128xf32, #tpu.memory_space<vmem_shared>> -> memref<10000x128xf32, #tpu.memory_space<vmem_shared>>
          tpu.enqueue_indirect_dma source(%arg11 : memref<40x128xf32, #tpu.memory_space<vmem>>) target(%dma_start3A_149 : memref<10000x128xf32, #tpu.memory_space<vmem_shared>>) offsets(%dma_start3A_146 : memref<40xi32, #tpu.memory_space<vmem>>) semaphore(%arg19 : memref<!tpu.dma_semaphore, #tpu.memory_space<semaphore_mem>>) {add = true}
          %add3A_150 = arith.constant 0 : i32
          %add3A_151 = arith.addi %mul3A_129, %add3A_150 : i32
          %add3A_152 = arith.constant 1 : i32
          %add3A_153 = arith.addi %add3A_151, %add3A_152 : i32
          %mul3A_154 = arith.constant 40 : i32
          %mul3A_155 = arith.muli %add3A_153, %mul3A_154 : i32
          %dma_wait3A_156 = tpu.memref_slice %arg9[%mul3A_155] : memref<4000xi32, #tpu.memory_space<vmem>> -> memref<40xi32, #tpu.memory_space<vmem>>
          %dma_wait3A_157 = arith.constant 0 : i32
          %dma_wait3A_158 = arith.constant 0 : i32
          %dma_wait3A_159 = tpu.memref_slice %arg2[%dma_wait3A_157, %dma_wait3A_158] : memref<10000x128xf32, #tpu.memory_space<hbm>> -> memref<10000x128xf32, #tpu.memory_space<hbm>>
          tpu.wait_indirect_dma semaphore(%arg16 : memref<!tpu.dma_semaphore, #tpu.memory_space<semaphore_mem>>) src(%dma_wait3A_159 : memref<10000x128xf32, #tpu.memory_space<hbm>>) dst(%arg12 : memref<40x128xf32, #tpu.memory_space<vmem>>)
          %add3A_160 = arith.constant 0 : i32
          %add3A_161 = arith.addi %mul3A_129, %add3A_160 : i32
          %add3A_162 = arith.constant 1 : i32
          %add3A_163 = arith.addi %add3A_161, %add3A_162 : i32
          %mul3A_164 = arith.constant 40 : i32
          %mul3A_165 = arith.muli %add3A_163, %mul3A_164 : i32
          %dma_start3A_166 = tpu.memref_slice %arg10[%mul3A_165] : memref<4000xi32, #tpu.memory_space<vmem>> -> memref<40xi32, #tpu.memory_space<vmem>>
          %dma_start3A_167 = arith.constant 0 : i32
          %dma_start3A_168 = arith.constant 0 : i32
          %dma_start3A_169 = tpu.memref_slice %arg23[%dma_start3A_167, %dma_start3A_168] : memref<10000x128xf32, #tpu.memory_space<vmem_shared>> -> memref<10000x128xf32, #tpu.memory_space<vmem_shared>>
          tpu.enqueue_indirect_dma source(%arg12 : memref<40x128xf32, #tpu.memory_space<vmem>>) target(%dma_start3A_169 : memref<10000x128xf32, #tpu.memory_space<vmem_shared>>) offsets(%dma_start3A_166 : memref<40xi32, #tpu.memory_space<vmem>>) semaphore(%arg20 : memref<!tpu.dma_semaphore, #tpu.memory_space<semaphore_mem>>) {add = true}
          %add3A_170 = arith.constant 0 : i32
          %add3A_171 = arith.addi %mul3A_129, %add3A_170 : i32
          %add3A_172 = arith.constant 0 : i32
          %add3A_173 = arith.addi %add3A_171, %add3A_172 : i32
          %mul3A_174 = arith.constant 40 : i32
          %mul3A_175 = arith.muli %add3A_173, %mul3A_174 : i32
          %dma_wait3A_176 = tpu.memref_slice %arg10[%mul3A_175] : memref<4000xi32, #tpu.memory_space<vmem>> -> memref<40xi32, #tpu.memory_space<vmem>>
          %dma_wait3A_177 = arith.constant 0 : i32
          %dma_wait3A_178 = arith.constant 0 : i32
          %dma_wait3A_179 = tpu.memref_slice %arg23[%dma_wait3A_177, %dma_wait3A_178] : memref<10000x128xf32, #tpu.memory_space<vmem_shared>> -> memref<10000x128xf32, #tpu.memory_space<vmem_shared>>
          tpu.wait_indirect_dma semaphore(%arg19 : memref<!tpu.dma_semaphore, #tpu.memory_space<semaphore_mem>>) src(%arg11 : memref<40x128xf32, #tpu.memory_space<vmem>>) dst(%dma_wait3A_179 : memref<10000x128xf32, #tpu.memory_space<vmem_shared>>)
          %add3A_180 = arith.constant 4 : i32
          %add3A_181 = arith.addi %mul3A_129, %add3A_180 : i32
          %add3A_182 = arith.constant 0 : i32
          %add3A_183 = arith.addi %add3A_181, %add3A_182 : i32
          %add3A_184 = arith.constant 0 : i32
          %add3A_185 = arith.addi %add3A_183, %add3A_184 : i32
          %mul3A_186 = arith.constant 40 : i32
          %mul3A_187 = arith.muli %add3A_185, %mul3A_186 : i32
          %dma_start3A_188 = tpu.memref_slice %arg9[%mul3A_187] : memref<4000xi32, #tpu.memory_space<vmem>> -> memref<40xi32, #tpu.memory_space<vmem>>
          %dma_start3A_189 = arith.constant 0 : i32
          %dma_start3A_190 = arith.constant 0 : i32
          %dma_start3A_191 = tpu.memref_slice %arg2[%dma_start3A_189, %dma_start3A_190] : memref<10000x128xf32, #tpu.memory_space<hbm>> -> memref<10000x128xf32, #tpu.memory_space<hbm>>
          tpu.enqueue_indirect_dma source(%dma_start3A_191 : memref<10000x128xf32, #tpu.memory_space<hbm>>) target(%arg11 : memref<40x128xf32, #tpu.memory_space<vmem>>) offsets(%dma_start3A_188 : memref<40xi32, #tpu.memory_space<vmem>>) semaphore(%arg15 : memref<!tpu.dma_semaphore, #tpu.memory_space<semaphore_mem>>)
          %add3A_192 = arith.constant 0 : i32
          %add3A_193 = arith.addi %mul3A_129, %add3A_192 : i32
          %add3A_194 = arith.constant 1 : i32
          %add3A_195 = arith.addi %add3A_193, %add3A_194 : i32
          %mul3A_196 = arith.constant 40 : i32
          %mul3A_197 = arith.muli %add3A_195, %mul3A_196 : i32
          %dma_wait3A_198 = tpu.memref_slice %arg10[%mul3A_197] : memref<4000xi32, #tpu.memory_space<vmem>> -> memref<40xi32, #tpu.memory_space<vmem>>
          %dma_wait3A_199 = arith.constant 0 : i32
          %dma_wait3A_200 = arith.constant 0 : i32
          %dma_wait3A_201 = tpu.memref_slice %arg23[%dma_wait3A_199, %dma_wait3A_200] : memref<10000x128xf32, #tpu.memory_space<vmem_shared>> -> memref<10000x128xf32, #tpu.memory_space<vmem_shared>>
          tpu.wait_indirect_dma semaphore(%arg20 : memref<!tpu.dma_semaphore, #tpu.memory_space<semaphore_mem>>) src(%arg12 : memref<40x128xf32, #tpu.memory_space<vmem>>) dst(%dma_wait3A_201 : memref<10000x128xf32, #tpu.memory_space<vmem_shared>>)
          %add3A_202 = arith.constant 4 : i32
          %add3A_203 = arith.addi %mul3A_129, %add3A_202 : i32
          %add3A_204 = arith.constant 0 : i32
          %add3A_205 = arith.addi %add3A_203, %add3A_204 : i32
          %add3A_206 = arith.constant 1 : i32
          %add3A_207 = arith.addi %add3A_205, %add3A_206 : i32
          %mul3A_208 = arith.constant 40 : i32
          %mul3A_209 = arith.muli %add3A_207, %mul3A_208 : i32
          %dma_start3A_210 = tpu.memref_slice %arg9[%mul3A_209] : memref<4000xi32, #tpu.memory_space<vmem>> -> memref<40xi32, #tpu.memory_space<vmem>>
          %dma_start3A_211 = arith.constant 0 : i32
          %dma_start3A_212 = arith.constant 0 : i32
          %dma_start3A_213 = tpu.memref_slice %arg2[%dma_start3A_211, %dma_start3A_212] : memref<10000x128xf32, #tpu.memory_space<hbm>> -> memref<10000x128xf32, #tpu.memory_space<hbm>>
          tpu.enqueue_indirect_dma source(%dma_start3A_213 : memref<10000x128xf32, #tpu.memory_space<hbm>>) target(%arg12 : memref<40x128xf32, #tpu.memory_space<vmem>>) offsets(%dma_start3A_210 : memref<40xi32, #tpu.memory_space<vmem>>) semaphore(%arg16 : memref<!tpu.dma_semaphore, #tpu.memory_space<semaphore_mem>>)
          %add3A_214 = arith.constant 2 : i32
          %add3A_215 = arith.addi %mul3A_129, %add3A_214 : i32
          %add3A_216 = arith.constant 0 : i32
          %add3A_217 = arith.addi %add3A_215, %add3A_216 : i32
          %mul3A_218 = arith.constant 40 : i32
          %mul3A_219 = arith.muli %add3A_217, %mul3A_218 : i32
          %dma_wait3A_220 = tpu.memref_slice %arg9[%mul3A_219] : memref<4000xi32, #tpu.memory_space<vmem>> -> memref<40xi32, #tpu.memory_space<vmem>>
          %dma_wait3A_221 = arith.constant 0 : i32
          %dma_wait3A_222 = arith.constant 0 : i32
          %dma_wait3A_223 = tpu.memref_slice %arg2[%dma_wait3A_221, %dma_wait3A_222] : memref<10000x128xf32, #tpu.memory_space<hbm>> -> memref<10000x128xf32, #tpu.memory_space<hbm>>
          tpu.wait_indirect_dma semaphore(%arg17 : memref<!tpu.dma_semaphore, #tpu.memory_space<semaphore_mem>>) src(%dma_wait3A_223 : memref<10000x128xf32, #tpu.memory_space<hbm>>) dst(%arg13 : memref<40x128xf32, #tpu.memory_space<vmem>>)
          %add3A_224 = arith.constant 2 : i32
          %add3A_225 = arith.addi %mul3A_129, %add3A_224 : i32
          %add3A_226 = arith.constant 0 : i32
          %add3A_227 = arith.addi %add3A_225, %add3A_226 : i32
          %mul3A_228 = arith.constant 40 : i32
          %mul3A_229 = arith.muli %add3A_227, %mul3A_228 : i32
          %dma_start3A_230 = tpu.memref_slice %arg10[%mul3A_229] : memref<4000xi32, #tpu.memory_space<vmem>> -> memref<40xi32, #tpu.memory_space<vmem>>
          %dma_start3A_231 = arith.constant 0 : i32
          %dma_start3A_232 = arith.constant 0 : i32
          %dma_start3A_233 = tpu.memref_slice %arg23[%dma_start3A_231, %dma_start3A_232] : memref<10000x128xf32, #tpu.memory_space<vmem_shared>> -> memref<10000x128xf32, #tpu.memory_space<vmem_shared>>
          tpu.enqueue_indirect_dma source(%arg13 : memref<40x128xf32, #tpu.memory_space<vmem>>) target(%dma_start3A_233 : memref<10000x128xf32, #tpu.memory_space<vmem_shared>>) offsets(%dma_start3A_230 : memref<40xi32, #tpu.memory_space<vmem>>) semaphore(%arg21 : memref<!tpu.dma_semaphore, #tpu.memory_space<semaphore_mem>>) {add = true}
          %add3A_234 = arith.constant 2 : i32
          %add3A_235 = arith.addi %mul3A_129, %add3A_234 : i32
          %add3A_236 = arith.constant 1 : i32
          %add3A_237 = arith.addi %add3A_235, %add3A_236 : i32
          %mul3A_238 = arith.constant 40 : i32
          %mul3A_239 = arith.muli %add3A_237, %mul3A_238 : i32
          %dma_wait3A_240 = tpu.memref_slice %arg9[%mul3A_239] : memref<4000xi32, #tpu.memory_space<vmem>> -> memref<40xi32, #tpu.memory_space<vmem>>
          %dma_wait3A_241 = arith.constant 0 : i32
          %dma_wait3A_242 = arith.constant 0 : i32
          %dma_wait3A_243 = tpu.memref_slice %arg2[%dma_wait3A_241, %dma_wait3A_242] : memref<10000x128xf32, #tpu.memory_space<hbm>> -> memref<10000x128xf32, #tpu.memory_space<hbm>>
          tpu.wait_indirect_dma semaphore(%arg18 : memref<!tpu.dma_semaphore, #tpu.memory_space<semaphore_mem>>) src(%dma_wait3A_243 : memref<10000x128xf32, #tpu.memory_space<hbm>>) dst(%arg14 : memref<40x128xf32, #tpu.memory_space<vmem>>)
          %add3A_244 = arith.constant 2 : i32
          %add3A_245 = arith.addi %mul3A_129, %add3A_244 : i32
          %add3A_246 = arith.constant 1 : i32
          %add3A_247 = arith.addi %add3A_245, %add3A_246 : i32
          %mul3A_248 = arith.constant 40 : i32
          %mul3A_249 = arith.muli %add3A_247, %mul3A_248 : i32
          %dma_start3A_250 = tpu.memref_slice %arg10[%mul3A_249] : memref<4000xi32, #tpu.memory_space<vmem>> -> memref<40xi32, #tpu.memory_space<vmem>>
          %dma_start3A_251 = arith.constant 0 : i32
          %dma_start3A_252 = arith.constant 0 : i32
          %dma_start3A_253 = tpu.memref_slice %arg23[%dma_start3A_251, %dma_start3A_252] : memref<10000x128xf32, #tpu.memory_space<vmem_shared>> -> memref<10000x128xf32, #tpu.memory_space<vmem_shared>>
          tpu.enqueue_indirect_dma source(%arg14 : memref<40x128xf32, #tpu.memory_space<vmem>>) target(%dma_start3A_253 : memref<10000x128xf32, #tpu.memory_space<vmem_shared>>) offsets(%dma_start3A_250 : memref<40xi32, #tpu.memory_space<vmem>>) semaphore(%arg22 : memref<!tpu.dma_semaphore, #tpu.memory_space<semaphore_mem>>) {add = true}
          %add3A_254 = arith.constant 2 : i32
          %add3A_255 = arith.addi %mul3A_129, %add3A_254 : i32
          %add3A_256 = arith.constant 0 : i32
          %add3A_257 = arith.addi %add3A_255, %add3A_256 : i32
          %mul3A_258 = arith.constant 40 : i32
          %mul3A_259 = arith.muli %add3A_257, %mul3A_258 : i32
          %dma_wait3A_260 = tpu.memref_slice %arg10[%mul3A_259] : memref<4000xi32, #tpu.memory_space<vmem>> -> memref<40xi32, #tpu.memory_space<vmem>>
          %dma_wait3A_261 = arith.constant 0 : i32
          %dma_wait3A_262 = arith.constant 0 : i32
          %dma_wait3A_263 = tpu.memref_slice %arg23[%dma_wait3A_261, %dma_wait3A_262] : memref<10000x128xf32, #tpu.memory_space<vmem_shared>> -> memref<10000x128xf32, #tpu.memory_space<vmem_shared>>
          tpu.wait_indirect_dma semaphore(%arg21 : memref<!tpu.dma_semaphore, #tpu.memory_space<semaphore_mem>>) src(%arg13 : memref<40x128xf32, #tpu.memory_space<vmem>>) dst(%dma_wait3A_263 : memref<10000x128xf32, #tpu.memory_space<vmem_shared>>)
          %add3A_264 = arith.constant 4 : i32
          %add3A_265 = arith.addi %mul3A_129, %add3A_264 : i32
          %add3A_266 = arith.constant 2 : i32
          %add3A_267 = arith.addi %add3A_265, %add3A_266 : i32
          %add3A_268 = arith.constant 0 : i32
          %add3A_269 = arith.addi %add3A_267, %add3A_268 : i32
          %mul3A_270 = arith.constant 40 : i32
          %mul3A_271 = arith.muli %add3A_269, %mul3A_270 : i32
          %dma_start3A_272 = tpu.memref_slice %arg9[%mul3A_271] : memref<4000xi32, #tpu.memory_space<vmem>> -> memref<40xi32, #tpu.memory_space<vmem>>
          %dma_start3A_273 = arith.constant 0 : i32
          %dma_start3A_274 = arith.constant 0 : i32
          %dma_start3A_275 = tpu.memref_slice %arg2[%dma_start3A_273, %dma_start3A_274] : memref<10000x128xf32, #tpu.memory_space<hbm>> -> memref<10000x128xf32, #tpu.memory_space<hbm>>
          tpu.enqueue_indirect_dma source(%dma_start3A_275 : memref<10000x128xf32, #tpu.memory_space<hbm>>) target(%arg13 : memref<40x128xf32, #tpu.memory_space<vmem>>) offsets(%dma_start3A_272 : memref<40xi32, #tpu.memory_space<vmem>>) semaphore(%arg17 : memref<!tpu.dma_semaphore, #tpu.memory_space<semaphore_mem>>)
          %add3A_276 = arith.constant 2 : i32
          %add3A_277 = arith.addi %mul3A_129, %add3A_276 : i32
          %add3A_278 = arith.constant 1 : i32
          %add3A_279 = arith.addi %add3A_277, %add3A_278 : i32
          %mul3A_280 = arith.constant 40 : i32
          %mul3A_281 = arith.muli %add3A_279, %mul3A_280 : i32
          %dma_wait3A_282 = tpu.memref_slice %arg10[%mul3A_281] : memref<4000xi32, #tpu.memory_space<vmem>> -> memref<40xi32, #tpu.memory_space<vmem>>
          %dma_wait3A_283 = arith.constant 0 : i32
          %dma_wait3A_284 = arith.constant 0 : i32
          %dma_wait3A_285 = tpu.memref_slice %arg23[%dma_wait3A_283, %dma_wait3A_284] : memref<10000x128xf32, #tpu.memory_space<vmem_shared>> -> memref<10000x128xf32, #tpu.memory_space<vmem_shared>>
          tpu.wait_indirect_dma semaphore(%arg22 : memref<!tpu.dma_semaphore, #tpu.memory_space<semaphore_mem>>) src(%arg14 : memref<40x128xf32, #tpu.memory_space<vmem>>) dst(%dma_wait3A_285 : memref<10000x128xf32, #tpu.memory_space<vmem_shared>>)
          %add3A_286 = arith.constant 4 : i32
          %add3A_287 = arith.addi %mul3A_129, %add3A_286 : i32
          %add3A_288 = arith.constant 2 : i32
          %add3A_289 = arith.addi %add3A_287, %add3A_288 : i32
          %add3A_290 = arith.constant 1 : i32
          %add3A_291 = arith.addi %add3A_289, %add3A_290 : i32
          %mul3A_292 = arith.constant 40 : i32
          %mul3A_293 = arith.muli %add3A_291, %mul3A_292 : i32
          %dma_start3A_294 = tpu.memref_slice %arg9[%mul3A_293] : memref<4000xi32, #tpu.memory_space<vmem>> -> memref<40xi32, #tpu.memory_space<vmem>>
          %dma_start3A_295 = arith.constant 0 : i32
          %dma_start3A_296 = arith.constant 0 : i32
          %dma_start3A_297 = tpu.memref_slice %arg2[%dma_start3A_295, %dma_start3A_296] : memref<10000x128xf32, #tpu.memory_space<hbm>> -> memref<10000x128xf32, #tpu.memory_space<hbm>>
          tpu.enqueue_indirect_dma source(%dma_start3A_297 : memref<10000x128xf32, #tpu.memory_space<hbm>>) target(%arg14 : memref<40x128xf32, #tpu.memory_space<vmem>>) offsets(%dma_start3A_294 : memref<40xi32, #tpu.memory_space<vmem>>) semaphore(%arg18 : memref<!tpu.dma_semaphore, #tpu.memory_space<semaphore_mem>>)
          %scan3A_298 = arith.constant 0 : i32
          scf.yield %scan3A_298 : i32
        }
        %scan3A_65 = arith.constant 24 : i32
        %dma_wait3A = arith.constant 3840 : i32
        %dma_wait3A_66 = tpu.memref_slice %arg9[%dma_wait3A] : memref<4000xi32, #tpu.memory_space<vmem>> -> memref<40xi32, #tpu.memory_space<vmem>>
        %dma_wait3A_67 = arith.constant 0 : i32
        %dma_wait3A_68 = arith.constant 0 : i32
        %dma_wait3A_69 = tpu.memref_slice %arg2[%dma_wait3A_67, %dma_wait3A_68] : memref<10000x128xf32, #tpu.memory_space<hbm>> -> memref<10000x128xf32, #tpu.memory_space<hbm>>
        tpu.wait_indirect_dma semaphore(%arg15 : memref<!tpu.dma_semaphore, #tpu.memory_space<semaphore_mem>>) src(%dma_wait3A_69 : memref<10000x128xf32, #tpu.memory_space<hbm>>) dst(%arg11 : memref<40x128xf32, #tpu.memory_space<vmem>>)
        %dma_start3A_70 = arith.constant 3840 : i32
        %dma_start3A_71 = tpu.memref_slice %arg10[%dma_start3A_70] : memref<4000xi32, #tpu.memory_space<vmem>> -> memref<40xi32, #tpu.memory_space<vmem>>
        %dma_start3A_72 = arith.constant 0 : i32
        %dma_start3A_73 = arith.constant 0 : i32
        %dma_start3A_74 = tpu.memref_slice %arg23[%dma_start3A_72, %dma_start3A_73] : memref<10000x128xf32, #tpu.memory_space<vmem_shared>> -> memref<10000x128xf32, #tpu.memory_space<vmem_shared>>
        tpu.enqueue_indirect_dma source(%arg11 : memref<40x128xf32, #tpu.memory_space<vmem>>) target(%dma_start3A_74 : memref<10000x128xf32, #tpu.memory_space<vmem_shared>>) offsets(%dma_start3A_71 : memref<40xi32, #tpu.memory_space<vmem>>) semaphore(%arg19 : memref<!tpu.dma_semaphore, #tpu.memory_space<semaphore_mem>>) {add = true}
        %dma_wait3A_75 = arith.constant 3880 : i32
        %dma_wait3A_76 = tpu.memref_slice %arg9[%dma_wait3A_75] : memref<4000xi32, #tpu.memory_space<vmem>> -> memref<40xi32, #tpu.memory_space<vmem>>
        %dma_wait3A_77 = arith.constant 0 : i32
        %dma_wait3A_78 = arith.constant 0 : i32
        %dma_wait3A_79 = tpu.memref_slice %arg2[%dma_wait3A_77, %dma_wait3A_78] : memref<10000x128xf32, #tpu.memory_space<hbm>> -> memref<10000x128xf32, #tpu.memory_space<hbm>>
        tpu.wait_indirect_dma semaphore(%arg16 : memref<!tpu.dma_semaphore, #tpu.memory_space<semaphore_mem>>) src(%dma_wait3A_79 : memref<10000x128xf32, #tpu.memory_space<hbm>>) dst(%arg12 : memref<40x128xf32, #tpu.memory_space<vmem>>)
        %dma_start3A_80 = arith.constant 3880 : i32
        %dma_start3A_81 = tpu.memref_slice %arg10[%dma_start3A_80] : memref<4000xi32, #tpu.memory_space<vmem>> -> memref<40xi32, #tpu.memory_space<vmem>>
        %dma_start3A_82 = arith.constant 0 : i32
        %dma_start3A_83 = arith.constant 0 : i32
        %dma_start3A_84 = tpu.memref_slice %arg23[%dma_start3A_82, %dma_start3A_83] : memref<10000x128xf32, #tpu.memory_space<vmem_shared>> -> memref<10000x128xf32, #tpu.memory_space<vmem_shared>>
        tpu.enqueue_indirect_dma source(%arg12 : memref<40x128xf32, #tpu.memory_space<vmem>>) target(%dma_start3A_84 : memref<10000x128xf32, #tpu.memory_space<vmem_shared>>) offsets(%dma_start3A_81 : memref<40xi32, #tpu.memory_space<vmem>>) semaphore(%arg20 : memref<!tpu.dma_semaphore, #tpu.memory_space<semaphore_mem>>) {add = true}
        %dma_wait3A_85 = arith.constant 3920 : i32
        %dma_wait3A_86 = tpu.memref_slice %arg9[%dma_wait3A_85] : memref<4000xi32, #tpu.memory_space<vmem>> -> memref<40xi32, #tpu.memory_space<vmem>>
        %dma_wait3A_87 = arith.constant 0 : i32
        %dma_wait3A_88 = arith.constant 0 : i32
        %dma_wait3A_89 = tpu.memref_slice %arg2[%dma_wait3A_87, %dma_wait3A_88] : memref<10000x128xf32, #tpu.memory_space<hbm>> -> memref<10000x128xf32, #tpu.memory_space<hbm>>
        tpu.wait_indirect_dma semaphore(%arg17 : memref<!tpu.dma_semaphore, #tpu.memory_space<semaphore_mem>>) src(%dma_wait3A_89 : memref<10000x128xf32, #tpu.memory_space<hbm>>) dst(%arg13 : memref<40x128xf32, #tpu.memory_space<vmem>>)
        %dma_start3A_90 = arith.constant 3920 : i32
        %dma_start3A_91 = tpu.memref_slice %arg10[%dma_start3A_90] : memref<4000xi32, #tpu.memory_space<vmem>> -> memref<40xi32, #tpu.memory_space<vmem>>
        %dma_start3A_92 = arith.constant 0 : i32
        %dma_start3A_93 = arith.constant 0 : i32
        %dma_start3A_94 = tpu.memref_slice %arg23[%dma_start3A_92, %dma_start3A_93] : memref<10000x128xf32, #tpu.memory_space<vmem_shared>> -> memref<10000x128xf32, #tpu.memory_space<vmem_shared>>
        tpu.enqueue_indirect_dma source(%arg13 : memref<40x128xf32, #tpu.memory_space<vmem>>) target(%dma_start3A_94 : memref<10000x128xf32, #tpu.memory_space<vmem_shared>>) offsets(%dma_start3A_91 : memref<40xi32, #tpu.memory_space<vmem>>) semaphore(%arg21 : memref<!tpu.dma_semaphore, #tpu.memory_space<semaphore_mem>>) {add = true}
        %dma_wait3A_95 = arith.constant 3960 : i32
        %dma_wait3A_96 = tpu.memref_slice %arg9[%dma_wait3A_95] : memref<4000xi32, #tpu.memory_space<vmem>> -> memref<40xi32, #tpu.memory_space<vmem>>
        %dma_wait3A_97 = arith.constant 0 : i32
        %dma_wait3A_98 = arith.constant 0 : i32
        %dma_wait3A_99 = tpu.memref_slice %arg2[%dma_wait3A_97, %dma_wait3A_98] : memref<10000x128xf32, #tpu.memory_space<hbm>> -> memref<10000x128xf32, #tpu.memory_space<hbm>>
        tpu.wait_indirect_dma semaphore(%arg18 : memref<!tpu.dma_semaphore, #tpu.memory_space<semaphore_mem>>) src(%dma_wait3A_99 : memref<10000x128xf32, #tpu.memory_space<hbm>>) dst(%arg14 : memref<40x128xf32, #tpu.memory_space<vmem>>)
        %dma_start3A_100 = arith.constant 3960 : i32
        %dma_start3A_101 = tpu.memref_slice %arg10[%dma_start3A_100] : memref<4000xi32, #tpu.memory_space<vmem>> -> memref<40xi32, #tpu.memory_space<vmem>>
        %dma_start3A_102 = arith.constant 0 : i32
        %dma_start3A_103 = arith.constant 0 : i32
        %dma_start3A_104 = tpu.memref_slice %arg23[%dma_start3A_102, %dma_start3A_103] : memref<10000x128xf32, #tpu.memory_space<vmem_shared>> -> memref<10000x128xf32, #tpu.memory_space<vmem_shared>>
        tpu.enqueue_indirect_dma source(%arg14 : memref<40x128xf32, #tpu.memory_space<vmem>>) target(%dma_start3A_104 : memref<10000x128xf32, #tpu.memory_space<vmem_shared>>) offsets(%dma_start3A_101 : memref<40xi32, #tpu.memory_space<vmem>>) semaphore(%arg22 : memref<!tpu.dma_semaphore, #tpu.memory_space<semaphore_mem>>) {add = true}
        %dma_wait3A_105 = arith.constant 3840 : i32
        %dma_wait3A_106 = tpu.memref_slice %arg10[%dma_wait3A_105] : memref<4000xi32, #tpu.memory_space<vmem>> -> memref<40xi32, #tpu.memory_space<vmem>>
        %dma_wait3A_107 = arith.constant 0 : i32
        %dma_wait3A_108 = arith.constant 0 : i32
        %dma_wait3A_109 = tpu.memref_slice %arg23[%dma_wait3A_107, %dma_wait3A_108] : memref<10000x128xf32, #tpu.memory_space<vmem_shared>> -> memref<10000x128xf32, #tpu.memory_space<vmem_shared>>
        tpu.wait_indirect_dma semaphore(%arg19 : memref<!tpu.dma_semaphore, #tpu.memory_space<semaphore_mem>>) src(%arg11 : memref<40x128xf32, #tpu.memory_space<vmem>>) dst(%dma_wait3A_109 : memref<10000x128xf32, #tpu.memory_space<vmem_shared>>)
        %dma_wait3A_110 = arith.constant 3880 : i32
        %dma_wait3A_111 = tpu.memref_slice %arg10[%dma_wait3A_110] : memref<4000xi32, #tpu.memory_space<vmem>> -> memref<40xi32, #tpu.memory_space<vmem>>
        %dma_wait3A_112 = arith.constant 0 : i32
        %dma_wait3A_113 = arith.constant 0 : i32
        %dma_wait3A_114 = tpu.memref_slice %arg23[%dma_wait3A_112, %dma_wait3A_113] : memref<10000x128xf32, #tpu.memory_space<vmem_shared>> -> memref<10000x128xf32, #tpu.memory_space<vmem_shared>>
        tpu.wait_indirect_dma semaphore(%arg20 : memref<!tpu.dma_semaphore, #tpu.memory_space<semaphore_mem>>) src(%arg12 : memref<40x128xf32, #tpu.memory_space<vmem>>) dst(%dma_wait3A_114 : memref<10000x128xf32, #tpu.memory_space<vmem_shared>>)
        %dma_wait3A_115 = arith.constant 3920 : i32
        %dma_wait3A_116 = tpu.memref_slice %arg10[%dma_wait3A_115] : memref<4000xi32, #tpu.memory_space<vmem>> -> memref<40xi32, #tpu.memory_space<vmem>>
        %dma_wait3A_117 = arith.constant 0 : i32
        %dma_wait3A_118 = arith.constant 0 : i32
        %dma_wait3A_119 = tpu.memref_slice %arg23[%dma_wait3A_117, %dma_wait3A_118] : memref<10000x128xf32, #tpu.memory_space<vmem_shared>> -> memref<10000x128xf32, #tpu.memory_space<vmem_shared>>
        tpu.wait_indirect_dma semaphore(%arg21 : memref<!tpu.dma_semaphore, #tpu.memory_space<semaphore_mem>>) src(%arg13 : memref<40x128xf32, #tpu.memory_space<vmem>>) dst(%dma_wait3A_119 : memref<10000x128xf32, #tpu.memory_space<vmem_shared>>)
        %dma_wait3A_120 = arith.constant 3960 : i32
        %dma_wait3A_121 = tpu.memref_slice %arg10[%dma_wait3A_120] : memref<4000xi32, #tpu.memory_space<vmem>> -> memref<40xi32, #tpu.memory_space<vmem>>
        %dma_wait3A_122 = arith.constant 0 : i32
        %dma_wait3A_123 = arith.constant 0 : i32
        %dma_wait3A_124 = tpu.memref_slice %arg23[%dma_wait3A_122, %dma_wait3A_123] : memref<10000x128xf32, #tpu.memory_space<vmem_shared>> -> memref<10000x128xf32, #tpu.memory_space<vmem_shared>>
        tpu.wait_indirect_dma semaphore(%arg22 : memref<!tpu.dma_semaphore, #tpu.memory_space<semaphore_mem>>) src(%arg14 : memref<40x128xf32, #tpu.memory_space<vmem>>) dst(%dma_wait3A_124 : memref<10000x128xf32, #tpu.memory_space<vmem_shared>>)
        %scan3A_125 = arith.constant 0 : i32
        scf.yield %scan3A_125 : i32
      }
      %scan3A_33 = arith.constant 5 : i32
    } else {
    }
    %eq3A_12 = arith.constant 1 : i32
    %eq3A_13 = arith.cmpi eq, %arg0, %eq3A_12 : i32
    %convert_element_type3A_14 = arith.extui %eq3A_13 : i1 to i32
    %cond3A_15 = arith.constant 0 : i32
    %cond3A_16 = arith.cmpi ne, %convert_element_type3A_14, %cond3A_15 : i32
    scf.if %cond3A_16 {
      %scan3A = arith.constant 0 : i32
      %scan3A_28 = arith.constant 0 : i32
      %scan3A_29 = arith.constant 5 : i32
      %scan3A_30 = arith.addi %scan3A_28, %scan3A_29 : i32
      %scan3A_31 = arith.constant 1 : i32
      %scan3A_32 = scf.for %scan3A_34 = %scan3A_28 to %scan3A_30 step %scan3A_31 iter_args(%scan3A_35 = %scan3A) -> (i32)  : i32 {
        %mul3A_36 = arith.constant 20000 : i32
        %mul3A_37 = arith.muli %arg1, %mul3A_36 : i32
        %mul3A_38 = arith.constant 4000 : i32
        %mul3A_39 = arith.muli %scan3A_34, %mul3A_38 : i32
        %add3A = arith.addi %mul3A_37, %mul3A_39 : i32
        "tpu.region"() ({
          %run_scoped3A = tpu.sem_alloc : memref<!tpu.dma_semaphore, #tpu.memory_space<semaphore_mem>>
          %dma_start3A_126 = tpu.memref_slice %arg5[%add3A] : memref<320000xi32, #tpu.memory_space<hbm>> -> memref<4000xi32, #tpu.memory_space<hbm>>
          %dma_start3A_127 = tpu.memref_slice %arg5[%add3A] : memref<320000xi32, #tpu.memory_space<hbm>> -> memref<4000xi32, #tpu.memory_space<hbm>>
          tpu.enqueue_dma source(%dma_start3A_127 : memref<4000xi32, #tpu.memory_space<hbm>>) target(%arg9 : memref<4000xi32, #tpu.memory_space<vmem>>) target_semaphore(%run_scoped3A : memref<!tpu.dma_semaphore, #tpu.memory_space<semaphore_mem>>)
          %dma_wait3A_128 = tpu.memref_slice %arg5[%add3A] : memref<320000xi32, #tpu.memory_space<hbm>> -> memref<4000xi32, #tpu.memory_space<hbm>>
          %dma_wait3A_129 = tpu.memref_slice %arg5[%add3A] : memref<320000xi32, #tpu.memory_space<hbm>> -> memref<4000xi32, #tpu.memory_space<hbm>>
          tpu.wait_dma2 semaphore(%run_scoped3A : memref<!tpu.dma_semaphore, #tpu.memory_space<semaphore_mem>>) src(%dma_wait3A_129 : memref<4000xi32, #tpu.memory_space<hbm>>) dst(%arg9 : memref<4000xi32, #tpu.memory_space<vmem>>)
          tpu.yield
        }) : () -> ()
        "tpu.region"() ({
          %run_scoped3A = tpu.sem_alloc : memref<!tpu.dma_semaphore, #tpu.memory_space<semaphore_mem>>
          %dma_start3A_126 = tpu.memref_slice %arg4[%add3A] : memref<320000xi32, #tpu.memory_space<hbm>> -> memref<4000xi32, #tpu.memory_space<hbm>>
          %dma_start3A_127 = tpu.memref_slice %arg4[%add3A] : memref<320000xi32, #tpu.memory_space<hbm>> -> memref<4000xi32, #tpu.memory_space<hbm>>
          tpu.enqueue_dma source(%dma_start3A_127 : memref<4000xi32, #tpu.memory_space<hbm>>) target(%arg10 : memref<4000xi32, #tpu.memory_space<vmem>>) target_semaphore(%run_scoped3A : memref<!tpu.dma_semaphore, #tpu.memory_space<semaphore_mem>>)
          %dma_wait3A_128 = tpu.memref_slice %arg4[%add3A] : memref<320000xi32, #tpu.memory_space<hbm>> -> memref<4000xi32, #tpu.memory_space<hbm>>
          %dma_wait3A_129 = tpu.memref_slice %arg4[%add3A] : memref<320000xi32, #tpu.memory_space<hbm>> -> memref<4000xi32, #tpu.memory_space<hbm>>
          tpu.wait_dma2 semaphore(%run_scoped3A : memref<!tpu.dma_semaphore, #tpu.memory_space<semaphore_mem>>) src(%dma_wait3A_129 : memref<4000xi32, #tpu.memory_space<hbm>>) dst(%arg10 : memref<4000xi32, #tpu.memory_space<vmem>>)
          tpu.yield
        }) : () -> ()
        %dma_start3A = arith.constant 0 : i32
        %dma_start3A_40 = tpu.memref_slice %arg9[%dma_start3A] : memref<4000xi32, #tpu.memory_space<vmem>> -> memref<40xi32, #tpu.memory_space<vmem>>
        %dma_start3A_41 = arith.constant 0 : i32
        %dma_start3A_42 = arith.constant 0 : i32
        %dma_start3A_43 = tpu.memref_slice %arg3[%dma_start3A_41, %dma_start3A_42] : memref<10000x128xf32, #tpu.memory_space<hbm>> -> memref<10000x128xf32, #tpu.memory_space<hbm>>
        tpu.enqueue_indirect_dma source(%dma_start3A_43 : memref<10000x128xf32, #tpu.memory_space<hbm>>) target(%arg11 : memref<40x128xf32, #tpu.memory_space<vmem>>) offsets(%dma_start3A_40 : memref<40xi32, #tpu.memory_space<vmem>>) semaphore(%arg15 : memref<!tpu.dma_semaphore, #tpu.memory_space<semaphore_mem>>)
        %dma_start3A_44 = arith.constant 40 : i32
        %dma_start3A_45 = tpu.memref_slice %arg9[%dma_start3A_44] : memref<4000xi32, #tpu.memory_space<vmem>> -> memref<40xi32, #tpu.memory_space<vmem>>
        %dma_start3A_46 = arith.constant 0 : i32
        %dma_start3A_47 = arith.constant 0 : i32
        %dma_start3A_48 = tpu.memref_slice %arg3[%dma_start3A_46, %dma_start3A_47] : memref<10000x128xf32, #tpu.memory_space<hbm>> -> memref<10000x128xf32, #tpu.memory_space<hbm>>
        tpu.enqueue_indirect_dma source(%dma_start3A_48 : memref<10000x128xf32, #tpu.memory_space<hbm>>) target(%arg12 : memref<40x128xf32, #tpu.memory_space<vmem>>) offsets(%dma_start3A_45 : memref<40xi32, #tpu.memory_space<vmem>>) semaphore(%arg16 : memref<!tpu.dma_semaphore, #tpu.memory_space<semaphore_mem>>)
        %dma_start3A_49 = arith.constant 80 : i32
        %dma_start3A_50 = tpu.memref_slice %arg9[%dma_start3A_49] : memref<4000xi32, #tpu.memory_space<vmem>> -> memref<40xi32, #tpu.memory_space<vmem>>
        %dma_start3A_51 = arith.constant 0 : i32
        %dma_start3A_52 = arith.constant 0 : i32
        %dma_start3A_53 = tpu.memref_slice %arg3[%dma_start3A_51, %dma_start3A_52] : memref<10000x128xf32, #tpu.memory_space<hbm>> -> memref<10000x128xf32, #tpu.memory_space<hbm>>
        tpu.enqueue_indirect_dma source(%dma_start3A_53 : memref<10000x128xf32, #tpu.memory_space<hbm>>) target(%arg13 : memref<40x128xf32, #tpu.memory_space<vmem>>) offsets(%dma_start3A_50 : memref<40xi32, #tpu.memory_space<vmem>>) semaphore(%arg17 : memref<!tpu.dma_semaphore, #tpu.memory_space<semaphore_mem>>)
        %dma_start3A_54 = arith.constant 120 : i32
        %dma_start3A_55 = tpu.memref_slice %arg9[%dma_start3A_54] : memref<4000xi32, #tpu.memory_space<vmem>> -> memref<40xi32, #tpu.memory_space<vmem>>
        %dma_start3A_56 = arith.constant 0 : i32
        %dma_start3A_57 = arith.constant 0 : i32
        %dma_start3A_58 = tpu.memref_slice %arg3[%dma_start3A_56, %dma_start3A_57] : memref<10000x128xf32, #tpu.memory_space<hbm>> -> memref<10000x128xf32, #tpu.memory_space<hbm>>
        tpu.enqueue_indirect_dma source(%dma_start3A_58 : memref<10000x128xf32, #tpu.memory_space<hbm>>) target(%arg14 : memref<40x128xf32, #tpu.memory_space<vmem>>) offsets(%dma_start3A_55 : memref<40xi32, #tpu.memory_space<vmem>>) semaphore(%arg18 : memref<!tpu.dma_semaphore, #tpu.memory_space<semaphore_mem>>)
        %scan3A_59 = arith.constant 0 : i32
        %scan3A_60 = arith.constant 0 : i32
        %scan3A_61 = arith.constant 24 : i32
        %scan3A_62 = arith.addi %scan3A_60, %scan3A_61 : i32
        %scan3A_63 = arith.constant 1 : i32
        %scan3A_64 = scf.for %scan3A_126 = %scan3A_60 to %scan3A_62 step %scan3A_63 iter_args(%scan3A_127 = %scan3A_59) -> (i32)  : i32 {
          %mul3A_128 = arith.constant 4 : i32
          %mul3A_129 = arith.muli %scan3A_126, %mul3A_128 : i32
          %add3A_130 = arith.constant 0 : i32
          %add3A_131 = arith.addi %mul3A_129, %add3A_130 : i32
          %add3A_132 = arith.constant 0 : i32
          %add3A_133 = arith.addi %add3A_131, %add3A_132 : i32
          %mul3A_134 = arith.constant 40 : i32
          %mul3A_135 = arith.muli %add3A_133, %mul3A_134 : i32
          %dma_wait3A_136 = tpu.memref_slice %arg9[%mul3A_135] : memref<4000xi32, #tpu.memory_space<vmem>> -> memref<40xi32, #tpu.memory_space<vmem>>
          %dma_wait3A_137 = arith.constant 0 : i32
          %dma_wait3A_138 = arith.constant 0 : i32
          %dma_wait3A_139 = tpu.memref_slice %arg3[%dma_wait3A_137, %dma_wait3A_138] : memref<10000x128xf32, #tpu.memory_space<hbm>> -> memref<10000x128xf32, #tpu.memory_space<hbm>>
          tpu.wait_indirect_dma semaphore(%arg15 : memref<!tpu.dma_semaphore, #tpu.memory_space<semaphore_mem>>) src(%dma_wait3A_139 : memref<10000x128xf32, #tpu.memory_space<hbm>>) dst(%arg11 : memref<40x128xf32, #tpu.memory_space<vmem>>)
          %add3A_140 = arith.constant 0 : i32
          %add3A_141 = arith.addi %mul3A_129, %add3A_140 : i32
          %add3A_142 = arith.constant 0 : i32
          %add3A_143 = arith.addi %add3A_141, %add3A_142 : i32
          %mul3A_144 = arith.constant 40 : i32
          %mul3A_145 = arith.muli %add3A_143, %mul3A_144 : i32
          %dma_start3A_146 = tpu.memref_slice %arg10[%mul3A_145] : memref<4000xi32, #tpu.memory_space<vmem>> -> memref<40xi32, #tpu.memory_space<vmem>>
          %dma_start3A_147 = arith.constant 0 : i32
          %dma_start3A_148 = arith.constant 0 : i32
          %dma_start3A_149 = tpu.memref_slice %arg23[%dma_start3A_147, %dma_start3A_148] : memref<10000x128xf32, #tpu.memory_space<vmem_shared>> -> memref<10000x128xf32, #tpu.memory_space<vmem_shared>>
          tpu.enqueue_indirect_dma source(%arg11 : memref<40x128xf32, #tpu.memory_space<vmem>>) target(%dma_start3A_149 : memref<10000x128xf32, #tpu.memory_space<vmem_shared>>) offsets(%dma_start3A_146 : memref<40xi32, #tpu.memory_space<vmem>>) semaphore(%arg19 : memref<!tpu.dma_semaphore, #tpu.memory_space<semaphore_mem>>) {add = true}
          %add3A_150 = arith.constant 0 : i32
          %add3A_151 = arith.addi %mul3A_129, %add3A_150 : i32
          %add3A_152 = arith.constant 1 : i32
          %add3A_153 = arith.addi %add3A_151, %add3A_152 : i32
          %mul3A_154 = arith.constant 40 : i32
          %mul3A_155 = arith.muli %add3A_153, %mul3A_154 : i32
          %dma_wait3A_156 = tpu.memref_slice %arg9[%mul3A_155] : memref<4000xi32, #tpu.memory_space<vmem>> -> memref<40xi32, #tpu.memory_space<vmem>>
          %dma_wait3A_157 = arith.constant 0 : i32
          %dma_wait3A_158 = arith.constant 0 : i32
          %dma_wait3A_159 = tpu.memref_slice %arg3[%dma_wait3A_157, %dma_wait3A_158] : memref<10000x128xf32, #tpu.memory_space<hbm>> -> memref<10000x128xf32, #tpu.memory_space<hbm>>
          tpu.wait_indirect_dma semaphore(%arg16 : memref<!tpu.dma_semaphore, #tpu.memory_space<semaphore_mem>>) src(%dma_wait3A_159 : memref<10000x128xf32, #tpu.memory_space<hbm>>) dst(%arg12 : memref<40x128xf32, #tpu.memory_space<vmem>>)
          %add3A_160 = arith.constant 0 : i32
          %add3A_161 = arith.addi %mul3A_129, %add3A_160 : i32
          %add3A_162 = arith.constant 1 : i32
          %add3A_163 = arith.addi %add3A_161, %add3A_162 : i32
          %mul3A_164 = arith.constant 40 : i32
          %mul3A_165 = arith.muli %add3A_163, %mul3A_164 : i32
          %dma_start3A_166 = tpu.memref_slice %arg10[%mul3A_165] : memref<4000xi32, #tpu.memory_space<vmem>> -> memref<40xi32, #tpu.memory_space<vmem>>
          %dma_start3A_167 = arith.constant 0 : i32
          %dma_start3A_168 = arith.constant 0 : i32
          %dma_start3A_169 = tpu.memref_slice %arg23[%dma_start3A_167, %dma_start3A_168] : memref<10000x128xf32, #tpu.memory_space<vmem_shared>> -> memref<10000x128xf32, #tpu.memory_space<vmem_shared>>
          tpu.enqueue_indirect_dma source(%arg12 : memref<40x128xf32, #tpu.memory_space<vmem>>) target(%dma_start3A_169 : memref<10000x128xf32, #tpu.memory_space<vmem_shared>>) offsets(%dma_start3A_166 : memref<40xi32, #tpu.memory_space<vmem>>) semaphore(%arg20 : memref<!tpu.dma_semaphore, #tpu.memory_space<semaphore_mem>>) {add = true}
          %add3A_170 = arith.constant 0 : i32
          %add3A_171 = arith.addi %mul3A_129, %add3A_170 : i32
          %add3A_172 = arith.constant 0 : i32
          %add3A_173 = arith.addi %add3A_171, %add3A_172 : i32
          %mul3A_174 = arith.constant 40 : i32
          %mul3A_175 = arith.muli %add3A_173, %mul3A_174 : i32
          %dma_wait3A_176 = tpu.memref_slice %arg10[%mul3A_175] : memref<4000xi32, #tpu.memory_space<vmem>> -> memref<40xi32, #tpu.memory_space<vmem>>
          %dma_wait3A_177 = arith.constant 0 : i32
          %dma_wait3A_178 = arith.constant 0 : i32
          %dma_wait3A_179 = tpu.memref_slice %arg23[%dma_wait3A_177, %dma_wait3A_178] : memref<10000x128xf32, #tpu.memory_space<vmem_shared>> -> memref<10000x128xf32, #tpu.memory_space<vmem_shared>>
          tpu.wait_indirect_dma semaphore(%arg19 : memref<!tpu.dma_semaphore, #tpu.memory_space<semaphore_mem>>) src(%arg11 : memref<40x128xf32, #tpu.memory_space<vmem>>) dst(%dma_wait3A_179 : memref<10000x128xf32, #tpu.memory_space<vmem_shared>>)
          %add3A_180 = arith.constant 4 : i32
          %add3A_181 = arith.addi %mul3A_129, %add3A_180 : i32
          %add3A_182 = arith.constant 0 : i32
          %add3A_183 = arith.addi %add3A_181, %add3A_182 : i32
          %add3A_184 = arith.constant 0 : i32
          %add3A_185 = arith.addi %add3A_183, %add3A_184 : i32
          %mul3A_186 = arith.constant 40 : i32
          %mul3A_187 = arith.muli %add3A_185, %mul3A_186 : i32
          %dma_start3A_188 = tpu.memref_slice %arg9[%mul3A_187] : memref<4000xi32, #tpu.memory_space<vmem>> -> memref<40xi32, #tpu.memory_space<vmem>>
          %dma_start3A_189 = arith.constant 0 : i32
          %dma_start3A_190 = arith.constant 0 : i32
          %dma_start3A_191 = tpu.memref_slice %arg3[%dma_start3A_189, %dma_start3A_190] : memref<10000x128xf32, #tpu.memory_space<hbm>> -> memref<10000x128xf32, #tpu.memory_space<hbm>>
          tpu.enqueue_indirect_dma source(%dma_start3A_191 : memref<10000x128xf32, #tpu.memory_space<hbm>>) target(%arg11 : memref<40x128xf32, #tpu.memory_space<vmem>>) offsets(%dma_start3A_188 : memref<40xi32, #tpu.memory_space<vmem>>) semaphore(%arg15 : memref<!tpu.dma_semaphore, #tpu.memory_space<semaphore_mem>>)
          %add3A_192 = arith.constant 0 : i32
          %add3A_193 = arith.addi %mul3A_129, %add3A_192 : i32
          %add3A_194 = arith.constant 1 : i32
          %add3A_195 = arith.addi %add3A_193, %add3A_194 : i32
          %mul3A_196 = arith.constant 40 : i32
          %mul3A_197 = arith.muli %add3A_195, %mul3A_196 : i32
          %dma_wait3A_198 = tpu.memref_slice %arg10[%mul3A_197] : memref<4000xi32, #tpu.memory_space<vmem>> -> memref<40xi32, #tpu.memory_space<vmem>>
          %dma_wait3A_199 = arith.constant 0 : i32
          %dma_wait3A_200 = arith.constant 0 : i32
          %dma_wait3A_201 = tpu.memref_slice %arg23[%dma_wait3A_199, %dma_wait3A_200] : memref<10000x128xf32, #tpu.memory_space<vmem_shared>> -> memref<10000x128xf32, #tpu.memory_space<vmem_shared>>
          tpu.wait_indirect_dma semaphore(%arg20 : memref<!tpu.dma_semaphore, #tpu.memory_space<semaphore_mem>>) src(%arg12 : memref<40x128xf32, #tpu.memory_space<vmem>>) dst(%dma_wait3A_201 : memref<10000x128xf32, #tpu.memory_space<vmem_shared>>)
          %add3A_202 = arith.constant 4 : i32
          %add3A_203 = arith.addi %mul3A_129, %add3A_202 : i32
          %add3A_204 = arith.constant 0 : i32
          %add3A_205 = arith.addi %add3A_203, %add3A_204 : i32
          %add3A_206 = arith.constant 1 : i32
          %add3A_207 = arith.addi %add3A_205, %add3A_206 : i32
          %mul3A_208 = arith.constant 40 : i32
          %mul3A_209 = arith.muli %add3A_207, %mul3A_208 : i32
          %dma_start3A_210 = tpu.memref_slice %arg9[%mul3A_209] : memref<4000xi32, #tpu.memory_space<vmem>> -> memref<40xi32, #tpu.memory_space<vmem>>
          %dma_start3A_211 = arith.constant 0 : i32
          %dma_start3A_212 = arith.constant 0 : i32
          %dma_start3A_213 = tpu.memref_slice %arg3[%dma_start3A_211, %dma_start3A_212] : memref<10000x128xf32, #tpu.memory_space<hbm>> -> memref<10000x128xf32, #tpu.memory_space<hbm>>
          tpu.enqueue_indirect_dma source(%dma_start3A_213 : memref<10000x128xf32, #tpu.memory_space<hbm>>) target(%arg12 : memref<40x128xf32, #tpu.memory_space<vmem>>) offsets(%dma_start3A_210 : memref<40xi32, #tpu.memory_space<vmem>>) semaphore(%arg16 : memref<!tpu.dma_semaphore, #tpu.memory_space<semaphore_mem>>)
          %add3A_214 = arith.constant 2 : i32
          %add3A_215 = arith.addi %mul3A_129, %add3A_214 : i32
          %add3A_216 = arith.constant 0 : i32
          %add3A_217 = arith.addi %add3A_215, %add3A_216 : i32
          %mul3A_218 = arith.constant 40 : i32
          %mul3A_219 = arith.muli %add3A_217, %mul3A_218 : i32
          %dma_wait3A_220 = tpu.memref_slice %arg9[%mul3A_219] : memref<4000xi32, #tpu.memory_space<vmem>> -> memref<40xi32, #tpu.memory_space<vmem>>
          %dma_wait3A_221 = arith.constant 0 : i32
          %dma_wait3A_222 = arith.constant 0 : i32
          %dma_wait3A_223 = tpu.memref_slice %arg3[%dma_wait3A_221, %dma_wait3A_222] : memref<10000x128xf32, #tpu.memory_space<hbm>> -> memref<10000x128xf32, #tpu.memory_space<hbm>>
          tpu.wait_indirect_dma semaphore(%arg17 : memref<!tpu.dma_semaphore, #tpu.memory_space<semaphore_mem>>) src(%dma_wait3A_223 : memref<10000x128xf32, #tpu.memory_space<hbm>>) dst(%arg13 : memref<40x128xf32, #tpu.memory_space<vmem>>)
          %add3A_224 = arith.constant 2 : i32
          %add3A_225 = arith.addi %mul3A_129, %add3A_224 : i32
          %add3A_226 = arith.constant 0 : i32
          %add3A_227 = arith.addi %add3A_225, %add3A_226 : i32
          %mul3A_228 = arith.constant 40 : i32
          %mul3A_229 = arith.muli %add3A_227, %mul3A_228 : i32
          %dma_start3A_230 = tpu.memref_slice %arg10[%mul3A_229] : memref<4000xi32, #tpu.memory_space<vmem>> -> memref<40xi32, #tpu.memory_space<vmem>>
          %dma_start3A_231 = arith.constant 0 : i32
          %dma_start3A_232 = arith.constant 0 : i32
          %dma_start3A_233 = tpu.memref_slice %arg23[%dma_start3A_231, %dma_start3A_232] : memref<10000x128xf32, #tpu.memory_space<vmem_shared>> -> memref<10000x128xf32, #tpu.memory_space<vmem_shared>>
          tpu.enqueue_indirect_dma source(%arg13 : memref<40x128xf32, #tpu.memory_space<vmem>>) target(%dma_start3A_233 : memref<10000x128xf32, #tpu.memory_space<vmem_shared>>) offsets(%dma_start3A_230 : memref<40xi32, #tpu.memory_space<vmem>>) semaphore(%arg21 : memref<!tpu.dma_semaphore, #tpu.memory_space<semaphore_mem>>) {add = true}
          %add3A_234 = arith.constant 2 : i32
          %add3A_235 = arith.addi %mul3A_129, %add3A_234 : i32
          %add3A_236 = arith.constant 1 : i32
          %add3A_237 = arith.addi %add3A_235, %add3A_236 : i32
          %mul3A_238 = arith.constant 40 : i32
          %mul3A_239 = arith.muli %add3A_237, %mul3A_238 : i32
          %dma_wait3A_240 = tpu.memref_slice %arg9[%mul3A_239] : memref<4000xi32, #tpu.memory_space<vmem>> -> memref<40xi32, #tpu.memory_space<vmem>>
          %dma_wait3A_241 = arith.constant 0 : i32
          %dma_wait3A_242 = arith.constant 0 : i32
          %dma_wait3A_243 = tpu.memref_slice %arg3[%dma_wait3A_241, %dma_wait3A_242] : memref<10000x128xf32, #tpu.memory_space<hbm>> -> memref<10000x128xf32, #tpu.memory_space<hbm>>
          tpu.wait_indirect_dma semaphore(%arg18 : memref<!tpu.dma_semaphore, #tpu.memory_space<semaphore_mem>>) src(%dma_wait3A_243 : memref<10000x128xf32, #tpu.memory_space<hbm>>) dst(%arg14 : memref<40x128xf32, #tpu.memory_space<vmem>>)
          %add3A_244 = arith.constant 2 : i32
          %add3A_245 = arith.addi %mul3A_129, %add3A_244 : i32
          %add3A_246 = arith.constant 1 : i32
          %add3A_247 = arith.addi %add3A_245, %add3A_246 : i32
          %mul3A_248 = arith.constant 40 : i32
          %mul3A_249 = arith.muli %add3A_247, %mul3A_248 : i32
          %dma_start3A_250 = tpu.memref_slice %arg10[%mul3A_249] : memref<4000xi32, #tpu.memory_space<vmem>> -> memref<40xi32, #tpu.memory_space<vmem>>
          %dma_start3A_251 = arith.constant 0 : i32
          %dma_start3A_252 = arith.constant 0 : i32
          %dma_start3A_253 = tpu.memref_slice %arg23[%dma_start3A_251, %dma_start3A_252] : memref<10000x128xf32, #tpu.memory_space<vmem_shared>> -> memref<10000x128xf32, #tpu.memory_space<vmem_shared>>
          tpu.enqueue_indirect_dma source(%arg14 : memref<40x128xf32, #tpu.memory_space<vmem>>) target(%dma_start3A_253 : memref<10000x128xf32, #tpu.memory_space<vmem_shared>>) offsets(%dma_start3A_250 : memref<40xi32, #tpu.memory_space<vmem>>) semaphore(%arg22 : memref<!tpu.dma_semaphore, #tpu.memory_space<semaphore_mem>>) {add = true}
          %add3A_254 = arith.constant 2 : i32
          %add3A_255 = arith.addi %mul3A_129, %add3A_254 : i32
          %add3A_256 = arith.constant 0 : i32
          %add3A_257 = arith.addi %add3A_255, %add3A_256 : i32
          %mul3A_258 = arith.constant 40 : i32
          %mul3A_259 = arith.muli %add3A_257, %mul3A_258 : i32
          %dma_wait3A_260 = tpu.memref_slice %arg10[%mul3A_259] : memref<4000xi32, #tpu.memory_space<vmem>> -> memref<40xi32, #tpu.memory_space<vmem>>
          %dma_wait3A_261 = arith.constant 0 : i32
          %dma_wait3A_262 = arith.constant 0 : i32
          %dma_wait3A_263 = tpu.memref_slice %arg23[%dma_wait3A_261, %dma_wait3A_262] : memref<10000x128xf32, #tpu.memory_space<vmem_shared>> -> memref<10000x128xf32, #tpu.memory_space<vmem_shared>>
          tpu.wait_indirect_dma semaphore(%arg21 : memref<!tpu.dma_semaphore, #tpu.memory_space<semaphore_mem>>) src(%arg13 : memref<40x128xf32, #tpu.memory_space<vmem>>) dst(%dma_wait3A_263 : memref<10000x128xf32, #tpu.memory_space<vmem_shared>>)
          %add3A_264 = arith.constant 4 : i32
          %add3A_265 = arith.addi %mul3A_129, %add3A_264 : i32
          %add3A_266 = arith.constant 2 : i32
          %add3A_267 = arith.addi %add3A_265, %add3A_266 : i32
          %add3A_268 = arith.constant 0 : i32
          %add3A_269 = arith.addi %add3A_267, %add3A_268 : i32
          %mul3A_270 = arith.constant 40 : i32
          %mul3A_271 = arith.muli %add3A_269, %mul3A_270 : i32
          %dma_start3A_272 = tpu.memref_slice %arg9[%mul3A_271] : memref<4000xi32, #tpu.memory_space<vmem>> -> memref<40xi32, #tpu.memory_space<vmem>>
          %dma_start3A_273 = arith.constant 0 : i32
          %dma_start3A_274 = arith.constant 0 : i32
          %dma_start3A_275 = tpu.memref_slice %arg3[%dma_start3A_273, %dma_start3A_274] : memref<10000x128xf32, #tpu.memory_space<hbm>> -> memref<10000x128xf32, #tpu.memory_space<hbm>>
          tpu.enqueue_indirect_dma source(%dma_start3A_275 : memref<10000x128xf32, #tpu.memory_space<hbm>>) target(%arg13 : memref<40x128xf32, #tpu.memory_space<vmem>>) offsets(%dma_start3A_272 : memref<40xi32, #tpu.memory_space<vmem>>) semaphore(%arg17 : memref<!tpu.dma_semaphore, #tpu.memory_space<semaphore_mem>>)
          %add3A_276 = arith.constant 2 : i32
          %add3A_277 = arith.addi %mul3A_129, %add3A_276 : i32
          %add3A_278 = arith.constant 1 : i32
          %add3A_279 = arith.addi %add3A_277, %add3A_278 : i32
          %mul3A_280 = arith.constant 40 : i32
          %mul3A_281 = arith.muli %add3A_279, %mul3A_280 : i32
          %dma_wait3A_282 = tpu.memref_slice %arg10[%mul3A_281] : memref<4000xi32, #tpu.memory_space<vmem>> -> memref<40xi32, #tpu.memory_space<vmem>>
          %dma_wait3A_283 = arith.constant 0 : i32
          %dma_wait3A_284 = arith.constant 0 : i32
          %dma_wait3A_285 = tpu.memref_slice %arg23[%dma_wait3A_283, %dma_wait3A_284] : memref<10000x128xf32, #tpu.memory_space<vmem_shared>> -> memref<10000x128xf32, #tpu.memory_space<vmem_shared>>
          tpu.wait_indirect_dma semaphore(%arg22 : memref<!tpu.dma_semaphore, #tpu.memory_space<semaphore_mem>>) src(%arg14 : memref<40x128xf32, #tpu.memory_space<vmem>>) dst(%dma_wait3A_285 : memref<10000x128xf32, #tpu.memory_space<vmem_shared>>)
          %add3A_286 = arith.constant 4 : i32
          %add3A_287 = arith.addi %mul3A_129, %add3A_286 : i32
          %add3A_288 = arith.constant 2 : i32
          %add3A_289 = arith.addi %add3A_287, %add3A_288 : i32
          %add3A_290 = arith.constant 1 : i32
          %add3A_291 = arith.addi %add3A_289, %add3A_290 : i32
          %mul3A_292 = arith.constant 40 : i32
          %mul3A_293 = arith.muli %add3A_291, %mul3A_292 : i32
          %dma_start3A_294 = tpu.memref_slice %arg9[%mul3A_293] : memref<4000xi32, #tpu.memory_space<vmem>> -> memref<40xi32, #tpu.memory_space<vmem>>
          %dma_start3A_295 = arith.constant 0 : i32
          %dma_start3A_296 = arith.constant 0 : i32
          %dma_start3A_297 = tpu.memref_slice %arg3[%dma_start3A_295, %dma_start3A_296] : memref<10000x128xf32, #tpu.memory_space<hbm>> -> memref<10000x128xf32, #tpu.memory_space<hbm>>
          tpu.enqueue_indirect_dma source(%dma_start3A_297 : memref<10000x128xf32, #tpu.memory_space<hbm>>) target(%arg14 : memref<40x128xf32, #tpu.memory_space<vmem>>) offsets(%dma_start3A_294 : memref<40xi32, #tpu.memory_space<vmem>>) semaphore(%arg18 : memref<!tpu.dma_semaphore, #tpu.memory_space<semaphore_mem>>)
          %scan3A_298 = arith.constant 0 : i32
          scf.yield %scan3A_298 : i32
        }
        %scan3A_65 = arith.constant 24 : i32
        %dma_wait3A = arith.constant 3840 : i32
        %dma_wait3A_66 = tpu.memref_slice %arg9[%dma_wait3A] : memref<4000xi32, #tpu.memory_space<vmem>> -> memref<40xi32, #tpu.memory_space<vmem>>
        %dma_wait3A_67 = arith.constant 0 : i32
        %dma_wait3A_68 = arith.constant 0 : i32
        %dma_wait3A_69 = tpu.memref_slice %arg3[%dma_wait3A_67, %dma_wait3A_68] : memref<10000x128xf32, #tpu.memory_space<hbm>> -> memref<10000x128xf32, #tpu.memory_space<hbm>>
        tpu.wait_indirect_dma semaphore(%arg15 : memref<!tpu.dma_semaphore, #tpu.memory_space<semaphore_mem>>) src(%dma_wait3A_69 : memref<10000x128xf32, #tpu.memory_space<hbm>>) dst(%arg11 : memref<40x128xf32, #tpu.memory_space<vmem>>)
        %dma_start3A_70 = arith.constant 3840 : i32
        %dma_start3A_71 = tpu.memref_slice %arg10[%dma_start3A_70] : memref<4000xi32, #tpu.memory_space<vmem>> -> memref<40xi32, #tpu.memory_space<vmem>>
        %dma_start3A_72 = arith.constant 0 : i32
        %dma_start3A_73 = arith.constant 0 : i32
        %dma_start3A_74 = tpu.memref_slice %arg23[%dma_start3A_72, %dma_start3A_73] : memref<10000x128xf32, #tpu.memory_space<vmem_shared>> -> memref<10000x128xf32, #tpu.memory_space<vmem_shared>>
        tpu.enqueue_indirect_dma source(%arg11 : memref<40x128xf32, #tpu.memory_space<vmem>>) target(%dma_start3A_74 : memref<10000x128xf32, #tpu.memory_space<vmem_shared>>) offsets(%dma_start3A_71 : memref<40xi32, #tpu.memory_space<vmem>>) semaphore(%arg19 : memref<!tpu.dma_semaphore, #tpu.memory_space<semaphore_mem>>) {add = true}
        %dma_wait3A_75 = arith.constant 3880 : i32
        %dma_wait3A_76 = tpu.memref_slice %arg9[%dma_wait3A_75] : memref<4000xi32, #tpu.memory_space<vmem>> -> memref<40xi32, #tpu.memory_space<vmem>>
        %dma_wait3A_77 = arith.constant 0 : i32
        %dma_wait3A_78 = arith.constant 0 : i32
        %dma_wait3A_79 = tpu.memref_slice %arg3[%dma_wait3A_77, %dma_wait3A_78] : memref<10000x128xf32, #tpu.memory_space<hbm>> -> memref<10000x128xf32, #tpu.memory_space<hbm>>
        tpu.wait_indirect_dma semaphore(%arg16 : memref<!tpu.dma_semaphore, #tpu.memory_space<semaphore_mem>>) src(%dma_wait3A_79 : memref<10000x128xf32, #tpu.memory_space<hbm>>) dst(%arg12 : memref<40x128xf32, #tpu.memory_space<vmem>>)
        %dma_start3A_80 = arith.constant 3880 : i32
        %dma_start3A_81 = tpu.memref_slice %arg10[%dma_start3A_80] : memref<4000xi32, #tpu.memory_space<vmem>> -> memref<40xi32, #tpu.memory_space<vmem>>
        %dma_start3A_82 = arith.constant 0 : i32
        %dma_start3A_83 = arith.constant 0 : i32
        %dma_start3A_84 = tpu.memref_slice %arg23[%dma_start3A_82, %dma_start3A_83] : memref<10000x128xf32, #tpu.memory_space<vmem_shared>> -> memref<10000x128xf32, #tpu.memory_space<vmem_shared>>
        tpu.enqueue_indirect_dma source(%arg12 : memref<40x128xf32, #tpu.memory_space<vmem>>) target(%dma_start3A_84 : memref<10000x128xf32, #tpu.memory_space<vmem_shared>>) offsets(%dma_start3A_81 : memref<40xi32, #tpu.memory_space<vmem>>) semaphore(%arg20 : memref<!tpu.dma_semaphore, #tpu.memory_space<semaphore_mem>>) {add = true}
        %dma_wait3A_85 = arith.constant 3920 : i32
        %dma_wait3A_86 = tpu.memref_slice %arg9[%dma_wait3A_85] : memref<4000xi32, #tpu.memory_space<vmem>> -> memref<40xi32, #tpu.memory_space<vmem>>
        %dma_wait3A_87 = arith.constant 0 : i32
        %dma_wait3A_88 = arith.constant 0 : i32
        %dma_wait3A_89 = tpu.memref_slice %arg3[%dma_wait3A_87, %dma_wait3A_88] : memref<10000x128xf32, #tpu.memory_space<hbm>> -> memref<10000x128xf32, #tpu.memory_space<hbm>>
        tpu.wait_indirect_dma semaphore(%arg17 : memref<!tpu.dma_semaphore, #tpu.memory_space<semaphore_mem>>) src(%dma_wait3A_89 : memref<10000x128xf32, #tpu.memory_space<hbm>>) dst(%arg13 : memref<40x128xf32, #tpu.memory_space<vmem>>)
        %dma_start3A_90 = arith.constant 3920 : i32
        %dma_start3A_91 = tpu.memref_slice %arg10[%dma_start3A_90] : memref<4000xi32, #tpu.memory_space<vmem>> -> memref<40xi32, #tpu.memory_space<vmem>>
        %dma_start3A_92 = arith.constant 0 : i32
        %dma_start3A_93 = arith.constant 0 : i32
        %dma_start3A_94 = tpu.memref_slice %arg23[%dma_start3A_92, %dma_start3A_93] : memref<10000x128xf32, #tpu.memory_space<vmem_shared>> -> memref<10000x128xf32, #tpu.memory_space<vmem_shared>>
        tpu.enqueue_indirect_dma source(%arg13 : memref<40x128xf32, #tpu.memory_space<vmem>>) target(%dma_start3A_94 : memref<10000x128xf32, #tpu.memory_space<vmem_shared>>) offsets(%dma_start3A_91 : memref<40xi32, #tpu.memory_space<vmem>>) semaphore(%arg21 : memref<!tpu.dma_semaphore, #tpu.memory_space<semaphore_mem>>) {add = true}
        %dma_wait3A_95 = arith.constant 3960 : i32
        %dma_wait3A_96 = tpu.memref_slice %arg9[%dma_wait3A_95] : memref<4000xi32, #tpu.memory_space<vmem>> -> memref<40xi32, #tpu.memory_space<vmem>>
        %dma_wait3A_97 = arith.constant 0 : i32
        %dma_wait3A_98 = arith.constant 0 : i32
        %dma_wait3A_99 = tpu.memref_slice %arg3[%dma_wait3A_97, %dma_wait3A_98] : memref<10000x128xf32, #tpu.memory_space<hbm>> -> memref<10000x128xf32, #tpu.memory_space<hbm>>
        tpu.wait_indirect_dma semaphore(%arg18 : memref<!tpu.dma_semaphore, #tpu.memory_space<semaphore_mem>>) src(%dma_wait3A_99 : memref<10000x128xf32, #tpu.memory_space<hbm>>) dst(%arg14 : memref<40x128xf32, #tpu.memory_space<vmem>>)
        %dma_start3A_100 = arith.constant 3960 : i32
        %dma_start3A_101 = tpu.memref_slice %arg10[%dma_start3A_100] : memref<4000xi32, #tpu.memory_space<vmem>> -> memref<40xi32, #tpu.memory_space<vmem>>
        %dma_start3A_102 = arith.constant 0 : i32
        %dma_start3A_103 = arith.constant 0 : i32
        %dma_start3A_104 = tpu.memref_slice %arg23[%dma_start3A_102, %dma_start3A_103] : memref<10000x128xf32, #tpu.memory_space<vmem_shared>> -> memref<10000x128xf32, #tpu.memory_space<vmem_shared>>
        tpu.enqueue_indirect_dma source(%arg14 : memref<40x128xf32, #tpu.memory_space<vmem>>) target(%dma_start3A_104 : memref<10000x128xf32, #tpu.memory_space<vmem_shared>>) offsets(%dma_start3A_101 : memref<40xi32, #tpu.memory_space<vmem>>) semaphore(%arg22 : memref<!tpu.dma_semaphore, #tpu.memory_space<semaphore_mem>>) {add = true}
        %dma_wait3A_105 = arith.constant 3840 : i32
        %dma_wait3A_106 = tpu.memref_slice %arg10[%dma_wait3A_105] : memref<4000xi32, #tpu.memory_space<vmem>> -> memref<40xi32, #tpu.memory_space<vmem>>
        %dma_wait3A_107 = arith.constant 0 : i32
        %dma_wait3A_108 = arith.constant 0 : i32
        %dma_wait3A_109 = tpu.memref_slice %arg23[%dma_wait3A_107, %dma_wait3A_108] : memref<10000x128xf32, #tpu.memory_space<vmem_shared>> -> memref<10000x128xf32, #tpu.memory_space<vmem_shared>>
        tpu.wait_indirect_dma semaphore(%arg19 : memref<!tpu.dma_semaphore, #tpu.memory_space<semaphore_mem>>) src(%arg11 : memref<40x128xf32, #tpu.memory_space<vmem>>) dst(%dma_wait3A_109 : memref<10000x128xf32, #tpu.memory_space<vmem_shared>>)
        %dma_wait3A_110 = arith.constant 3880 : i32
        %dma_wait3A_111 = tpu.memref_slice %arg10[%dma_wait3A_110] : memref<4000xi32, #tpu.memory_space<vmem>> -> memref<40xi32, #tpu.memory_space<vmem>>
        %dma_wait3A_112 = arith.constant 0 : i32
        %dma_wait3A_113 = arith.constant 0 : i32
        %dma_wait3A_114 = tpu.memref_slice %arg23[%dma_wait3A_112, %dma_wait3A_113] : memref<10000x128xf32, #tpu.memory_space<vmem_shared>> -> memref<10000x128xf32, #tpu.memory_space<vmem_shared>>
        tpu.wait_indirect_dma semaphore(%arg20 : memref<!tpu.dma_semaphore, #tpu.memory_space<semaphore_mem>>) src(%arg12 : memref<40x128xf32, #tpu.memory_space<vmem>>) dst(%dma_wait3A_114 : memref<10000x128xf32, #tpu.memory_space<vmem_shared>>)
        %dma_wait3A_115 = arith.constant 3920 : i32
        %dma_wait3A_116 = tpu.memref_slice %arg10[%dma_wait3A_115] : memref<4000xi32, #tpu.memory_space<vmem>> -> memref<40xi32, #tpu.memory_space<vmem>>
        %dma_wait3A_117 = arith.constant 0 : i32
        %dma_wait3A_118 = arith.constant 0 : i32
        %dma_wait3A_119 = tpu.memref_slice %arg23[%dma_wait3A_117, %dma_wait3A_118] : memref<10000x128xf32, #tpu.memory_space<vmem_shared>> -> memref<10000x128xf32, #tpu.memory_space<vmem_shared>>
        tpu.wait_indirect_dma semaphore(%arg21 : memref<!tpu.dma_semaphore, #tpu.memory_space<semaphore_mem>>) src(%arg13 : memref<40x128xf32, #tpu.memory_space<vmem>>) dst(%dma_wait3A_119 : memref<10000x128xf32, #tpu.memory_space<vmem_shared>>)
        %dma_wait3A_120 = arith.constant 3960 : i32
        %dma_wait3A_121 = tpu.memref_slice %arg10[%dma_wait3A_120] : memref<4000xi32, #tpu.memory_space<vmem>> -> memref<40xi32, #tpu.memory_space<vmem>>
        %dma_wait3A_122 = arith.constant 0 : i32
        %dma_wait3A_123 = arith.constant 0 : i32
        %dma_wait3A_124 = tpu.memref_slice %arg23[%dma_wait3A_122, %dma_wait3A_123] : memref<10000x128xf32, #tpu.memory_space<vmem_shared>> -> memref<10000x128xf32, #tpu.memory_space<vmem_shared>>
        tpu.wait_indirect_dma semaphore(%arg22 : memref<!tpu.dma_semaphore, #tpu.memory_space<semaphore_mem>>) src(%arg14 : memref<40x128xf32, #tpu.memory_space<vmem>>) dst(%dma_wait3A_124 : memref<10000x128xf32, #tpu.memory_space<vmem_shared>>)
        %scan3A_125 = arith.constant 0 : i32
        scf.yield %scan3A_125 : i32
      }
      %scan3A_33 = arith.constant 5 : i32
    } else {
    }
    %barrier3A_17 = arith.constant 0 : index
    tpu.barrier barrier_id(%barrier3A_17)
    %eq3A_18 = arith.constant 0 : i32
    %eq3A_19 = arith.cmpi eq, %arg0, %eq3A_18 : i32
    %convert_element_type3A_20 = arith.extui %eq3A_19 : i1 to i32
    %cond3A_21 = arith.constant 0 : i32
    %cond3A_22 = arith.cmpi ne, %convert_element_type3A_20, %cond3A_21 : i32
    scf.if %cond3A_22 {
      %lt3A_28 = arith.constant 15 : i32
      %lt3A_29 = arith.cmpi slt, %arg1, %lt3A_28 : i32
      %convert_element_type3A_30 = arith.extui %lt3A_29 : i1 to i32
      %cond3A_31 = arith.constant 0 : i32
      %cond3A_32 = arith.cmpi ne, %convert_element_type3A_30, %cond3A_31 : i32
      scf.if %cond3A_32 {
        "tpu.region"() ({
          %run_scoped3A = tpu.sem_alloc : memref<!tpu.dma_semaphore, #tpu.memory_space<semaphore_mem>>
          %dma_start3A = arith.constant 0 : i32
          %dma_start3A_38 = tpu.memref_slice %arg7[%mul3A_0, %dma_start3A] : memref<10000x128xf32, #tpu.memory_space<hbm>> -> memref<624x128xf32, #tpu.memory_space<hbm>>
          %dma_start3A_39 = arith.constant 0 : i32
          %dma_start3A_40 = tpu.memref_slice %arg23[%mul3A_0, %dma_start3A_39] : memref<10000x128xf32, #tpu.memory_space<vmem_shared>> -> memref<624x128xf32, #tpu.memory_space<vmem_shared>>
          tpu.enqueue_dma source(%dma_start3A_40 : memref<624x128xf32, #tpu.memory_space<vmem_shared>>) target(%dma_start3A_38 : memref<624x128xf32, #tpu.memory_space<hbm>>) target_semaphore(%run_scoped3A : memref<!tpu.dma_semaphore, #tpu.memory_space<semaphore_mem>>)
          %dma_wait3A = arith.constant 0 : i32
          %dma_wait3A_41 = tpu.memref_slice %arg7[%mul3A_0, %dma_wait3A] : memref<10000x128xf32, #tpu.memory_space<hbm>> -> memref<624x128xf32, #tpu.memory_space<hbm>>
          %dma_wait3A_42 = arith.constant 0 : i32
          %dma_wait3A_43 = tpu.memref_slice %arg23[%mul3A_0, %dma_wait3A_42] : memref<10000x128xf32, #tpu.memory_space<vmem_shared>> -> memref<624x128xf32, #tpu.memory_space<vmem_shared>>
          tpu.wait_dma2 semaphore(%run_scoped3A : memref<!tpu.dma_semaphore, #tpu.memory_space<semaphore_mem>>) src(%dma_wait3A_43 : memref<624x128xf32, #tpu.memory_space<vmem_shared>>) dst(%dma_wait3A_41 : memref<624x128xf32, #tpu.memory_space<hbm>>)
          tpu.yield
        }) : () -> ()
      } else {
      }
      %eq3A_33 = arith.constant 15 : i32
      %eq3A_34 = arith.cmpi eq, %arg1, %eq3A_33 : i32
      %convert_element_type3A_35 = arith.extui %eq3A_34 : i1 to i32
      %cond3A_36 = arith.constant 0 : i32
      %cond3A_37 = arith.cmpi ne, %convert_element_type3A_35, %cond3A_36 : i32
      scf.if %cond3A_37 {
        "tpu.region"() ({
          %run_scoped3A = tpu.sem_alloc : memref<!tpu.dma_semaphore, #tpu.memory_space<semaphore_mem>>
          %dma_start3A = arith.constant 0 : i32
          %dma_start3A_38 = tpu.memref_slice %arg7[%mul3A_0, %dma_start3A] : memref<10000x128xf32, #tpu.memory_space<hbm>> -> memref<640x128xf32, #tpu.memory_space<hbm>>
          %dma_start3A_39 = arith.constant 0 : i32
          %dma_start3A_40 = tpu.memref_slice %arg23[%mul3A_0, %dma_start3A_39] : memref<10000x128xf32, #tpu.memory_space<vmem_shared>> -> memref<640x128xf32, #tpu.memory_space<vmem_shared>>
          tpu.enqueue_dma source(%dma_start3A_40 : memref<640x128xf32, #tpu.memory_space<vmem_shared>>) target(%dma_start3A_38 : memref<640x128xf32, #tpu.memory_space<hbm>>) target_semaphore(%run_scoped3A : memref<!tpu.dma_semaphore, #tpu.memory_space<semaphore_mem>>)
          %dma_wait3A = arith.constant 0 : i32
          %dma_wait3A_41 = tpu.memref_slice %arg7[%mul3A_0, %dma_wait3A] : memref<10000x128xf32, #tpu.memory_space<hbm>> -> memref<640x128xf32, #tpu.memory_space<hbm>>
          %dma_wait3A_42 = arith.constant 0 : i32
          %dma_wait3A_43 = tpu.memref_slice %arg23[%mul3A_0, %dma_wait3A_42] : memref<10000x128xf32, #tpu.memory_space<vmem_shared>> -> memref<640x128xf32, #tpu.memory_space<vmem_shared>>
          tpu.wait_dma2 semaphore(%run_scoped3A : memref<!tpu.dma_semaphore, #tpu.memory_space<semaphore_mem>>) src(%dma_wait3A_43 : memref<640x128xf32, #tpu.memory_space<vmem_shared>>) dst(%dma_wait3A_41 : memref<640x128xf32, #tpu.memory_space<hbm>>)
          tpu.yield
        }) : () -> ()
      } else {
      }
    } else {
    }
    %eq3A_23 = arith.constant 1 : i32
    %eq3A_24 = arith.cmpi eq, %arg0, %eq3A_23 : i32
    %convert_element_type3A_25 = arith.extui %eq3A_24 : i1 to i32
    %cond3A_26 = arith.constant 0 : i32
    %cond3A_27 = arith.cmpi ne, %convert_element_type3A_25, %cond3A_26 : i32
    scf.if %cond3A_27 {
      %lt3A_28 = arith.constant 15 : i32
      %lt3A_29 = arith.cmpi slt, %arg1, %lt3A_28 : i32
      %convert_element_type3A_30 = arith.extui %lt3A_29 : i1 to i32
      %cond3A_31 = arith.constant 0 : i32
      %cond3A_32 = arith.cmpi ne, %convert_element_type3A_30, %cond3A_31 : i32
      scf.if %cond3A_32 {
        "tpu.region"() ({
          %run_scoped3A = tpu.sem_alloc : memref<!tpu.dma_semaphore, #tpu.memory_space<semaphore_mem>>
          %dma_start3A = arith.constant 0 : i32
          %dma_start3A_38 = tpu.memref_slice %arg8[%mul3A_0, %dma_start3A] : memref<10000x128xf32, #tpu.memory_space<hbm>> -> memref<624x128xf32, #tpu.memory_space<hbm>>
          %dma_start3A_39 = arith.constant 0 : i32
          %dma_start3A_40 = tpu.memref_slice %arg23[%mul3A_0, %dma_start3A_39] : memref<10000x128xf32, #tpu.memory_space<vmem_shared>> -> memref<624x128xf32, #tpu.memory_space<vmem_shared>>
          tpu.enqueue_dma source(%dma_start3A_40 : memref<624x128xf32, #tpu.memory_space<vmem_shared>>) target(%dma_start3A_38 : memref<624x128xf32, #tpu.memory_space<hbm>>) target_semaphore(%run_scoped3A : memref<!tpu.dma_semaphore, #tpu.memory_space<semaphore_mem>>)
          %dma_wait3A = arith.constant 0 : i32
          %dma_wait3A_41 = tpu.memref_slice %arg8[%mul3A_0, %dma_wait3A] : memref<10000x128xf32, #tpu.memory_space<hbm>> -> memref<624x128xf32, #tpu.memory_space<hbm>>
          %dma_wait3A_42 = arith.constant 0 : i32
          %dma_wait3A_43 = tpu.memref_slice %arg23[%mul3A_0, %dma_wait3A_42] : memref<10000x128xf32, #tpu.memory_space<vmem_shared>> -> memref<624x128xf32, #tpu.memory_space<vmem_shared>>
          tpu.wait_dma2 semaphore(%run_scoped3A : memref<!tpu.dma_semaphore, #tpu.memory_space<semaphore_mem>>) src(%dma_wait3A_43 : memref<624x128xf32, #tpu.memory_space<vmem_shared>>) dst(%dma_wait3A_41 : memref<624x128xf32, #tpu.memory_space<hbm>>)
          tpu.yield
        }) : () -> ()
      } else {
      }
      %eq3A_33 = arith.constant 15 : i32
      %eq3A_34 = arith.cmpi eq, %arg1, %eq3A_33 : i32
      %convert_element_type3A_35 = arith.extui %eq3A_34 : i1 to i32
      %cond3A_36 = arith.constant 0 : i32
      %cond3A_37 = arith.cmpi ne, %convert_element_type3A_35, %cond3A_36 : i32
      scf.if %cond3A_37 {
        "tpu.region"() ({
          %run_scoped3A = tpu.sem_alloc : memref<!tpu.dma_semaphore, #tpu.memory_space<semaphore_mem>>
          %dma_start3A = arith.constant 0 : i32
          %dma_start3A_38 = tpu.memref_slice %arg8[%mul3A_0, %dma_start3A] : memref<10000x128xf32, #tpu.memory_space<hbm>> -> memref<640x128xf32, #tpu.memory_space<hbm>>
          %dma_start3A_39 = arith.constant 0 : i32
          %dma_start3A_40 = tpu.memref_slice %arg23[%mul3A_0, %dma_start3A_39] : memref<10000x128xf32, #tpu.memory_space<vmem_shared>> -> memref<640x128xf32, #tpu.memory_space<vmem_shared>>
          tpu.enqueue_dma source(%dma_start3A_40 : memref<640x128xf32, #tpu.memory_space<vmem_shared>>) target(%dma_start3A_38 : memref<640x128xf32, #tpu.memory_space<hbm>>) target_semaphore(%run_scoped3A : memref<!tpu.dma_semaphore, #tpu.memory_space<semaphore_mem>>)
          %dma_wait3A = arith.constant 0 : i32
          %dma_wait3A_41 = tpu.memref_slice %arg8[%mul3A_0, %dma_wait3A] : memref<10000x128xf32, #tpu.memory_space<hbm>> -> memref<640x128xf32, #tpu.memory_space<hbm>>
          %dma_wait3A_42 = arith.constant 0 : i32
          %dma_wait3A_43 = tpu.memref_slice %arg23[%mul3A_0, %dma_wait3A_42] : memref<10000x128xf32, #tpu.memory_space<vmem_shared>> -> memref<640x128xf32, #tpu.memory_space<vmem_shared>>
          tpu.wait_dma2 semaphore(%run_scoped3A : memref<!tpu.dma_semaphore, #tpu.memory_space<semaphore_mem>>) src(%dma_wait3A_43 : memref<640x128xf32, #tpu.memory_space<vmem_shared>>) dst(%dma_wait3A_41 : memref<640x128xf32, #tpu.memory_space<hbm>>)
          tpu.yield
        }) : () -> ()
      } else {
      }
    } else {
    }
    return
  }
}

#map = affine_map<(d0, d1) -> (0, 0)>
#map1 = affine_map<(d0, d1) -> (0)>
module attributes {stable_mosaic.version = 14 : i64} {
  func.func @k(%arg0: i32, %arg1: i32, %arg2: memref<10000x128xf32, #tpu.memory_space<hbm>>, %arg3: memref<10000x128xf32, #tpu.memory_space<hbm>>, %arg4: memref<10000x128xf32, #tpu.memory_space<hbm>>, %arg5: memref<10000x128xf32, #tpu.memory_space<hbm>>, %arg6: memref<512xi32, #tpu.memory_space<hbm>>, %arg7: memref<512x128xf32, #tpu.memory_space<hbm>>, %arg8: memref<512x128xf32, #tpu.memory_space<hbm>>, %arg9: memref<512x128xf32, #tpu.memory_space<hbm>>, %arg10: memref<512x128xf32, #tpu.memory_space<hbm>>, %arg11: memref<32xi32, #tpu.memory_space<vmem>>, %arg12: memref<32x128xf32, #tpu.memory_space<vmem>>, %arg13: memref<32x128xf32, #tpu.memory_space<vmem>>, %arg14: memref<!tpu.dma_semaphore, #tpu.memory_space<semaphore_mem>>, %arg15: memref<!tpu.dma_semaphore, #tpu.memory_space<semaphore_mem>>) attributes {dimension_semantics = [#tpu.dimension_semantics<core_parallel>, #tpu.dimension_semantics<subcore_parallel>], iteration_bounds = array<i64: 2, 16>, scalar_prefetch = 0 : i64, scratch_operands = 5 : i64, tpu.core_type = #tpu.core_type<sc_vector_subcore>, window_params = [{transform_indices = #map}, {transform_indices = #map}, {transform_indices = #map}, {transform_indices = #map}, {transform_indices = #map1}, {transform_indices = #map}, {transform_indices = #map}, {transform_indices = #map}, {transform_indices = #map}]} {
    %mul3A = arith.constant 32 : i32
    %mul3A_0 = arith.muli %arg1, %mul3A : i32
    "tpu.region"() ({
      %run_scoped3A = tpu.sem_alloc : memref<!tpu.dma_semaphore, #tpu.memory_space<semaphore_mem>>
      %dma_start3A = tpu.memref_slice %arg6[%mul3A_0] : memref<512xi32, #tpu.memory_space<hbm>> -> memref<32xi32, #tpu.memory_space<hbm>>
      %dma_start3A_8 = tpu.memref_slice %arg6[%mul3A_0] : memref<512xi32, #tpu.memory_space<hbm>> -> memref<32xi32, #tpu.memory_space<hbm>>
      tpu.enqueue_dma source(%dma_start3A_8 : memref<32xi32, #tpu.memory_space<hbm>>) target(%arg11 : memref<32xi32, #tpu.memory_space<vmem>>) target_semaphore(%run_scoped3A : memref<!tpu.dma_semaphore, #tpu.memory_space<semaphore_mem>>)
      %dma_wait3A = tpu.memref_slice %arg6[%mul3A_0] : memref<512xi32, #tpu.memory_space<hbm>> -> memref<32xi32, #tpu.memory_space<hbm>>
      %dma_wait3A_9 = tpu.memref_slice %arg6[%mul3A_0] : memref<512xi32, #tpu.memory_space<hbm>> -> memref<32xi32, #tpu.memory_space<hbm>>
      tpu.wait_dma2 semaphore(%run_scoped3A : memref<!tpu.dma_semaphore, #tpu.memory_space<semaphore_mem>>) src(%dma_wait3A_9 : memref<32xi32, #tpu.memory_space<hbm>>) dst(%arg11 : memref<32xi32, #tpu.memory_space<vmem>>)
      tpu.yield
    }) : () -> ()
    %eq3A = arith.constant 0 : i32
    %eq3A_1 = arith.cmpi eq, %arg0, %eq3A : i32
    %convert_element_type3A = arith.extui %eq3A_1 : i1 to i32
    %cond3A = arith.constant 0 : i32
    %cond3A_2 = arith.cmpi ne, %convert_element_type3A, %cond3A : i32
    scf.if %cond3A_2 {
      %dma_start3A = arith.constant 0 : i32
      %dma_start3A_8 = arith.constant 0 : i32
      %dma_start3A_9 = tpu.memref_slice %arg2[%dma_start3A, %dma_start3A_8] : memref<10000x128xf32, #tpu.memory_space<hbm>> -> memref<10000x128xf32, #tpu.memory_space<hbm>>
      tpu.enqueue_indirect_dma source(%dma_start3A_9 : memref<10000x128xf32, #tpu.memory_space<hbm>>) target(%arg12 : memref<32x128xf32, #tpu.memory_space<vmem>>) offsets(%arg11 : memref<32xi32, #tpu.memory_space<vmem>>) semaphore(%arg14 : memref<!tpu.dma_semaphore, #tpu.memory_space<semaphore_mem>>)
      %dma_start3A_10 = arith.constant 0 : i32
      %dma_start3A_11 = arith.constant 0 : i32
      %dma_start3A_12 = tpu.memref_slice %arg3[%dma_start3A_10, %dma_start3A_11] : memref<10000x128xf32, #tpu.memory_space<hbm>> -> memref<10000x128xf32, #tpu.memory_space<hbm>>
      tpu.enqueue_indirect_dma source(%dma_start3A_12 : memref<10000x128xf32, #tpu.memory_space<hbm>>) target(%arg13 : memref<32x128xf32, #tpu.memory_space<vmem>>) offsets(%arg11 : memref<32xi32, #tpu.memory_space<vmem>>) semaphore(%arg15 : memref<!tpu.dma_semaphore, #tpu.memory_space<semaphore_mem>>)
      %dma_wait3A = arith.constant 0 : i32
      %dma_wait3A_13 = arith.constant 0 : i32
      %dma_wait3A_14 = tpu.memref_slice %arg2[%dma_wait3A, %dma_wait3A_13] : memref<10000x128xf32, #tpu.memory_space<hbm>> -> memref<10000x128xf32, #tpu.memory_space<hbm>>
      tpu.wait_indirect_dma semaphore(%arg14 : memref<!tpu.dma_semaphore, #tpu.memory_space<semaphore_mem>>) src(%dma_wait3A_14 : memref<10000x128xf32, #tpu.memory_space<hbm>>) dst(%arg12 : memref<32x128xf32, #tpu.memory_space<vmem>>)
      "tpu.region"() ({
        %run_scoped3A = tpu.sem_alloc : memref<!tpu.dma_semaphore, #tpu.memory_space<semaphore_mem>>
        %dma_start3A_18 = arith.constant 0 : i32
        %dma_start3A_19 = tpu.memref_slice %arg7[%mul3A_0, %dma_start3A_18] : memref<512x128xf32, #tpu.memory_space<hbm>> -> memref<32x128xf32, #tpu.memory_space<hbm>>
        %dma_start3A_20 = arith.constant 0 : i32
        %dma_start3A_21 = tpu.memref_slice %arg7[%mul3A_0, %dma_start3A_20] : memref<512x128xf32, #tpu.memory_space<hbm>> -> memref<32x128xf32, #tpu.memory_space<hbm>>
        tpu.enqueue_dma source(%arg12 : memref<32x128xf32, #tpu.memory_space<vmem>>) target(%dma_start3A_21 : memref<32x128xf32, #tpu.memory_space<hbm>>) target_semaphore(%run_scoped3A : memref<!tpu.dma_semaphore, #tpu.memory_space<semaphore_mem>>)
        %dma_wait3A_22 = arith.constant 0 : i32
        %dma_wait3A_23 = tpu.memref_slice %arg7[%mul3A_0, %dma_wait3A_22] : memref<512x128xf32, #tpu.memory_space<hbm>> -> memref<32x128xf32, #tpu.memory_space<hbm>>
        %dma_wait3A_24 = arith.constant 0 : i32
        %dma_wait3A_25 = tpu.memref_slice %arg7[%mul3A_0, %dma_wait3A_24] : memref<512x128xf32, #tpu.memory_space<hbm>> -> memref<32x128xf32, #tpu.memory_space<hbm>>
        tpu.wait_dma2 semaphore(%run_scoped3A : memref<!tpu.dma_semaphore, #tpu.memory_space<semaphore_mem>>) src(%arg12 : memref<32x128xf32, #tpu.memory_space<vmem>>) dst(%dma_wait3A_25 : memref<32x128xf32, #tpu.memory_space<hbm>>)
        tpu.yield
      }) : () -> ()
      %dma_wait3A_15 = arith.constant 0 : i32
      %dma_wait3A_16 = arith.constant 0 : i32
      %dma_wait3A_17 = tpu.memref_slice %arg3[%dma_wait3A_15, %dma_wait3A_16] : memref<10000x128xf32, #tpu.memory_space<hbm>> -> memref<10000x128xf32, #tpu.memory_space<hbm>>
      tpu.wait_indirect_dma semaphore(%arg15 : memref<!tpu.dma_semaphore, #tpu.memory_space<semaphore_mem>>) src(%dma_wait3A_17 : memref<10000x128xf32, #tpu.memory_space<hbm>>) dst(%arg13 : memref<32x128xf32, #tpu.memory_space<vmem>>)
      "tpu.region"() ({
        %run_scoped3A = tpu.sem_alloc : memref<!tpu.dma_semaphore, #tpu.memory_space<semaphore_mem>>
        %dma_start3A_18 = arith.constant 0 : i32
        %dma_start3A_19 = tpu.memref_slice %arg8[%mul3A_0, %dma_start3A_18] : memref<512x128xf32, #tpu.memory_space<hbm>> -> memref<32x128xf32, #tpu.memory_space<hbm>>
        %dma_start3A_20 = arith.constant 0 : i32
        %dma_start3A_21 = tpu.memref_slice %arg8[%mul3A_0, %dma_start3A_20] : memref<512x128xf32, #tpu.memory_space<hbm>> -> memref<32x128xf32, #tpu.memory_space<hbm>>
        tpu.enqueue_dma source(%arg13 : memref<32x128xf32, #tpu.memory_space<vmem>>) target(%dma_start3A_21 : memref<32x128xf32, #tpu.memory_space<hbm>>) target_semaphore(%run_scoped3A : memref<!tpu.dma_semaphore, #tpu.memory_space<semaphore_mem>>)
        %dma_wait3A_22 = arith.constant 0 : i32
        %dma_wait3A_23 = tpu.memref_slice %arg8[%mul3A_0, %dma_wait3A_22] : memref<512x128xf32, #tpu.memory_space<hbm>> -> memref<32x128xf32, #tpu.memory_space<hbm>>
        %dma_wait3A_24 = arith.constant 0 : i32
        %dma_wait3A_25 = tpu.memref_slice %arg8[%mul3A_0, %dma_wait3A_24] : memref<512x128xf32, #tpu.memory_space<hbm>> -> memref<32x128xf32, #tpu.memory_space<hbm>>
        tpu.wait_dma2 semaphore(%run_scoped3A : memref<!tpu.dma_semaphore, #tpu.memory_space<semaphore_mem>>) src(%arg13 : memref<32x128xf32, #tpu.memory_space<vmem>>) dst(%dma_wait3A_25 : memref<32x128xf32, #tpu.memory_space<hbm>>)
        tpu.yield
      }) : () -> ()
    } else {
    }
    %eq3A_3 = arith.constant 1 : i32
    %eq3A_4 = arith.cmpi eq, %arg0, %eq3A_3 : i32
    %convert_element_type3A_5 = arith.extui %eq3A_4 : i1 to i32
    %cond3A_6 = arith.constant 0 : i32
    %cond3A_7 = arith.cmpi ne, %convert_element_type3A_5, %cond3A_6 : i32
    scf.if %cond3A_7 {
      %dma_start3A = arith.constant 0 : i32
      %dma_start3A_8 = arith.constant 0 : i32
      %dma_start3A_9 = tpu.memref_slice %arg4[%dma_start3A, %dma_start3A_8] : memref<10000x128xf32, #tpu.memory_space<hbm>> -> memref<10000x128xf32, #tpu.memory_space<hbm>>
      tpu.enqueue_indirect_dma source(%dma_start3A_9 : memref<10000x128xf32, #tpu.memory_space<hbm>>) target(%arg12 : memref<32x128xf32, #tpu.memory_space<vmem>>) offsets(%arg11 : memref<32xi32, #tpu.memory_space<vmem>>) semaphore(%arg14 : memref<!tpu.dma_semaphore, #tpu.memory_space<semaphore_mem>>)
      %dma_start3A_10 = arith.constant 0 : i32
      %dma_start3A_11 = arith.constant 0 : i32
      %dma_start3A_12 = tpu.memref_slice %arg5[%dma_start3A_10, %dma_start3A_11] : memref<10000x128xf32, #tpu.memory_space<hbm>> -> memref<10000x128xf32, #tpu.memory_space<hbm>>
      tpu.enqueue_indirect_dma source(%dma_start3A_12 : memref<10000x128xf32, #tpu.memory_space<hbm>>) target(%arg13 : memref<32x128xf32, #tpu.memory_space<vmem>>) offsets(%arg11 : memref<32xi32, #tpu.memory_space<vmem>>) semaphore(%arg15 : memref<!tpu.dma_semaphore, #tpu.memory_space<semaphore_mem>>)
      %dma_wait3A = arith.constant 0 : i32
      %dma_wait3A_13 = arith.constant 0 : i32
      %dma_wait3A_14 = tpu.memref_slice %arg4[%dma_wait3A, %dma_wait3A_13] : memref<10000x128xf32, #tpu.memory_space<hbm>> -> memref<10000x128xf32, #tpu.memory_space<hbm>>
      tpu.wait_indirect_dma semaphore(%arg14 : memref<!tpu.dma_semaphore, #tpu.memory_space<semaphore_mem>>) src(%dma_wait3A_14 : memref<10000x128xf32, #tpu.memory_space<hbm>>) dst(%arg12 : memref<32x128xf32, #tpu.memory_space<vmem>>)
      "tpu.region"() ({
        %run_scoped3A = tpu.sem_alloc : memref<!tpu.dma_semaphore, #tpu.memory_space<semaphore_mem>>
        %dma_start3A_18 = arith.constant 0 : i32
        %dma_start3A_19 = tpu.memref_slice %arg9[%mul3A_0, %dma_start3A_18] : memref<512x128xf32, #tpu.memory_space<hbm>> -> memref<32x128xf32, #tpu.memory_space<hbm>>
        %dma_start3A_20 = arith.constant 0 : i32
        %dma_start3A_21 = tpu.memref_slice %arg9[%mul3A_0, %dma_start3A_20] : memref<512x128xf32, #tpu.memory_space<hbm>> -> memref<32x128xf32, #tpu.memory_space<hbm>>
        tpu.enqueue_dma source(%arg12 : memref<32x128xf32, #tpu.memory_space<vmem>>) target(%dma_start3A_21 : memref<32x128xf32, #tpu.memory_space<hbm>>) target_semaphore(%run_scoped3A : memref<!tpu.dma_semaphore, #tpu.memory_space<semaphore_mem>>)
        %dma_wait3A_22 = arith.constant 0 : i32
        %dma_wait3A_23 = tpu.memref_slice %arg9[%mul3A_0, %dma_wait3A_22] : memref<512x128xf32, #tpu.memory_space<hbm>> -> memref<32x128xf32, #tpu.memory_space<hbm>>
        %dma_wait3A_24 = arith.constant 0 : i32
        %dma_wait3A_25 = tpu.memref_slice %arg9[%mul3A_0, %dma_wait3A_24] : memref<512x128xf32, #tpu.memory_space<hbm>> -> memref<32x128xf32, #tpu.memory_space<hbm>>
        tpu.wait_dma2 semaphore(%run_scoped3A : memref<!tpu.dma_semaphore, #tpu.memory_space<semaphore_mem>>) src(%arg12 : memref<32x128xf32, #tpu.memory_space<vmem>>) dst(%dma_wait3A_25 : memref<32x128xf32, #tpu.memory_space<hbm>>)
        tpu.yield
      }) : () -> ()
      %dma_wait3A_15 = arith.constant 0 : i32
      %dma_wait3A_16 = arith.constant 0 : i32
      %dma_wait3A_17 = tpu.memref_slice %arg5[%dma_wait3A_15, %dma_wait3A_16] : memref<10000x128xf32, #tpu.memory_space<hbm>> -> memref<10000x128xf32, #tpu.memory_space<hbm>>
      tpu.wait_indirect_dma semaphore(%arg15 : memref<!tpu.dma_semaphore, #tpu.memory_space<semaphore_mem>>) src(%dma_wait3A_17 : memref<10000x128xf32, #tpu.memory_space<hbm>>) dst(%arg13 : memref<32x128xf32, #tpu.memory_space<vmem>>)
      "tpu.region"() ({
        %run_scoped3A = tpu.sem_alloc : memref<!tpu.dma_semaphore, #tpu.memory_space<semaphore_mem>>
        %dma_start3A_18 = arith.constant 0 : i32
        %dma_start3A_19 = tpu.memref_slice %arg10[%mul3A_0, %dma_start3A_18] : memref<512x128xf32, #tpu.memory_space<hbm>> -> memref<32x128xf32, #tpu.memory_space<hbm>>
        %dma_start3A_20 = arith.constant 0 : i32
        %dma_start3A_21 = tpu.memref_slice %arg10[%mul3A_0, %dma_start3A_20] : memref<512x128xf32, #tpu.memory_space<hbm>> -> memref<32x128xf32, #tpu.memory_space<hbm>>
        tpu.enqueue_dma source(%arg13 : memref<32x128xf32, #tpu.memory_space<vmem>>) target(%dma_start3A_21 : memref<32x128xf32, #tpu.memory_space<hbm>>) target_semaphore(%run_scoped3A : memref<!tpu.dma_semaphore, #tpu.memory_space<semaphore_mem>>)
        %dma_wait3A_22 = arith.constant 0 : i32
        %dma_wait3A_23 = tpu.memref_slice %arg10[%mul3A_0, %dma_wait3A_22] : memref<512x128xf32, #tpu.memory_space<hbm>> -> memref<32x128xf32, #tpu.memory_space<hbm>>
        %dma_wait3A_24 = arith.constant 0 : i32
        %dma_wait3A_25 = tpu.memref_slice %arg10[%mul3A_0, %dma_wait3A_24] : memref<512x128xf32, #tpu.memory_space<hbm>> -> memref<32x128xf32, #tpu.memory_space<hbm>>
        tpu.wait_dma2 semaphore(%run_scoped3A : memref<!tpu.dma_semaphore, #tpu.memory_space<semaphore_mem>>) src(%arg13 : memref<32x128xf32, #tpu.memory_space<vmem>>) dst(%dma_wait3A_25 : memref<32x128xf32, #tpu.memory_space<hbm>>)
        tpu.yield
      }) : () -> ()
    } else {
    }
    return
  }
}

#map = affine_map<(d0, d1) -> (0, 0)>
#map1 = affine_map<(d0, d1) -> (0)>
module attributes {stable_mosaic.version = 14 : i64} {
  func.func @k(%arg0: i32, %arg1: i32, %arg2: memref<10000x128xf32, #tpu.memory_space<hbm>>, %arg3: memref<10000x128xf32, #tpu.memory_space<hbm>>, %arg4: memref<320000xi32, #tpu.memory_space<hbm>>, %arg5: memref<320000xi32, #tpu.memory_space<hbm>>, %arg6: memref<640x128xf32, #tpu.memory_space<hbm>>, %arg7: memref<10000x128xf32, #tpu.memory_space<hbm>>, %arg8: memref<10000x128xf32, #tpu.memory_space<hbm>>, %arg9: memref<4000xi32, #tpu.memory_space<vmem>>, %arg10: memref<4000xi32, #tpu.memory_space<vmem>>, %arg11: memref<40x128xf32, #tpu.memory_space<vmem>>, %arg12: memref<40x128xf32, #tpu.memory_space<vmem>>, %arg13: memref<40x128xf32, #tpu.memory_space<vmem>>, %arg14: memref<40x128xf32, #tpu.memory_space<vmem>>, %arg15: memref<!tpu.dma_semaphore, #tpu.memory_space<semaphore_mem>>, %arg16: memref<!tpu.dma_semaphore, #tpu.memory_space<semaphore_mem>>, %arg17: memref<!tpu.dma_semaphore, #tpu.memory_space<semaphore_mem>>, %arg18: memref<!tpu.dma_semaphore, #tpu.memory_space<semaphore_mem>>, %arg19: memref<!tpu.dma_semaphore, #tpu.memory_space<semaphore_mem>>, %arg20: memref<!tpu.dma_semaphore, #tpu.memory_space<semaphore_mem>>, %arg21: memref<!tpu.dma_semaphore, #tpu.memory_space<semaphore_mem>>, %arg22: memref<!tpu.dma_semaphore, #tpu.memory_space<semaphore_mem>>, %arg23: memref<10000x128xf32, #tpu.memory_space<vmem_shared>>) attributes {dimension_semantics = [#tpu.dimension_semantics<core_parallel>, #tpu.dimension_semantics<subcore_parallel>], iteration_bounds = array<i64: 2, 16>, scalar_prefetch = 0 : i64, scratch_operands = 15 : i64, tpu.core_type = #tpu.core_type<sc_vector_subcore>, window_params = [{transform_indices = #map}, {transform_indices = #map}, {transform_indices = #map1}, {transform_indices = #map1}, {transform_indices = #map}, {transform_indices = #map}, {transform_indices = #map}]} {
    %mul3A = arith.constant 624 : i32
    %mul3A_0 = arith.muli %arg1, %mul3A : i32
    %lt3A = arith.constant 15 : i32
    %lt3A_1 = arith.cmpi slt, %arg1, %lt3A : i32
    %convert_element_type3A = arith.extui %lt3A_1 : i1 to i32
    %cond3A = arith.constant 0 : i32
    %cond3A_2 = arith.cmpi ne, %convert_element_type3A, %cond3A : i32
    scf.if %cond3A_2 {
      "tpu.region"() ({
        %run_scoped3A = tpu.sem_alloc : memref<!tpu.dma_semaphore, #tpu.memory_space<semaphore_mem>>
        %dma_start3A = arith.constant 0 : i32
        %dma_start3A_28 = tpu.memref_slice %arg23[%mul3A_0, %dma_start3A] : memref<10000x128xf32, #tpu.memory_space<vmem_shared>> -> memref<624x128xf32, #tpu.memory_space<vmem_shared>>
        %dma_start3A_29 = arith.constant 0 : i32
        %dma_start3A_30 = arith.constant 0 : i32
        %dma_start3A_31 = tpu.memref_slice %arg6[%dma_start3A_29, %dma_start3A_30] : memref<640x128xf32, #tpu.memory_space<hbm>> -> memref<624x128xf32, #tpu.memory_space<hbm>>
        tpu.enqueue_dma source(%dma_start3A_31 : memref<624x128xf32, #tpu.memory_space<hbm>>) target(%dma_start3A_28 : memref<624x128xf32, #tpu.memory_space<vmem_shared>>) target_semaphore(%run_scoped3A : memref<!tpu.dma_semaphore, #tpu.memory_space<semaphore_mem>>)
        %dma_wait3A = arith.constant 0 : i32
        %dma_wait3A_32 = tpu.memref_slice %arg23[%mul3A_0, %dma_wait3A] : memref<10000x128xf32, #tpu.memory_space<vmem_shared>> -> memref<624x128xf32, #tpu.memory_space<vmem_shared>>
        %dma_wait3A_33 = arith.constant 0 : i32
        %dma_wait3A_34 = arith.constant 0 : i32
        %dma_wait3A_35 = tpu.memref_slice %arg6[%dma_wait3A_33, %dma_wait3A_34] : memref<640x128xf32, #tpu.memory_space<hbm>> -> memref<624x128xf32, #tpu.memory_space<hbm>>
        tpu.wait_dma2 semaphore(%run_scoped3A : memref<!tpu.dma_semaphore, #tpu.memory_space<semaphore_mem>>) src(%dma_wait3A_35 : memref<624x128xf32, #tpu.memory_space<hbm>>) dst(%dma_wait3A_32 : memref<624x128xf32, #tpu.memory_space<vmem_shared>>)
        tpu.yield
      }) : () -> ()
    } else {
    }
    %eq3A = arith.constant 15 : i32
    %eq3A_3 = arith.cmpi eq, %arg1, %eq3A : i32
    %convert_element_type3A_4 = arith.extui %eq3A_3 : i1 to i32
    %cond3A_5 = arith.constant 0 : i32
    %cond3A_6 = arith.cmpi ne, %convert_element_type3A_4, %cond3A_5 : i32
    scf.if %cond3A_6 {
      "tpu.region"() ({
        %run_scoped3A = tpu.sem_alloc : memref<!tpu.dma_semaphore, #tpu.memory_space<semaphore_mem>>
        %dma_start3A = arith.constant 0 : i32
        %dma_start3A_28 = tpu.memref_slice %arg23[%mul3A_0, %dma_start3A] : memref<10000x128xf32, #tpu.memory_space<vmem_shared>> -> memref<640x128xf32, #tpu.memory_space<vmem_shared>>
        %dma_start3A_29 = arith.constant 0 : i32
        %dma_start3A_30 = arith.constant 0 : i32
        %dma_start3A_31 = tpu.memref_slice %arg6[%dma_start3A_29, %dma_start3A_30] : memref<640x128xf32, #tpu.memory_space<hbm>> -> memref<640x128xf32, #tpu.memory_space<hbm>>
        tpu.enqueue_dma source(%dma_start3A_31 : memref<640x128xf32, #tpu.memory_space<hbm>>) target(%dma_start3A_28 : memref<640x128xf32, #tpu.memory_space<vmem_shared>>) target_semaphore(%run_scoped3A : memref<!tpu.dma_semaphore, #tpu.memory_space<semaphore_mem>>)
        %dma_wait3A = arith.constant 0 : i32
        %dma_wait3A_32 = tpu.memref_slice %arg23[%mul3A_0, %dma_wait3A] : memref<10000x128xf32, #tpu.memory_space<vmem_shared>> -> memref<640x128xf32, #tpu.memory_space<vmem_shared>>
        %dma_wait3A_33 = arith.constant 0 : i32
        %dma_wait3A_34 = arith.constant 0 : i32
        %dma_wait3A_35 = tpu.memref_slice %arg6[%dma_wait3A_33, %dma_wait3A_34] : memref<640x128xf32, #tpu.memory_space<hbm>> -> memref<640x128xf32, #tpu.memory_space<hbm>>
        tpu.wait_dma2 semaphore(%run_scoped3A : memref<!tpu.dma_semaphore, #tpu.memory_space<semaphore_mem>>) src(%dma_wait3A_35 : memref<640x128xf32, #tpu.memory_space<hbm>>) dst(%dma_wait3A_32 : memref<640x128xf32, #tpu.memory_space<vmem_shared>>)
        tpu.yield
      }) : () -> ()
    } else {
    }
    %barrier3A = arith.constant 0 : index
    tpu.barrier barrier_id(%barrier3A)
    %eq3A_7 = arith.constant 0 : i32
    %eq3A_8 = arith.cmpi eq, %arg0, %eq3A_7 : i32
    %convert_element_type3A_9 = arith.extui %eq3A_8 : i1 to i32
    %cond3A_10 = arith.constant 0 : i32
    %cond3A_11 = arith.cmpi ne, %convert_element_type3A_9, %cond3A_10 : i32
    scf.if %cond3A_11 {
      %scan3A = arith.constant 0 : i32
      %scan3A_28 = arith.constant 0 : i32
      %scan3A_29 = arith.constant 5 : i32
      %scan3A_30 = arith.addi %scan3A_28, %scan3A_29 : i32
      %scan3A_31 = arith.constant 1 : i32
      %scan3A_32 = scf.for %scan3A_34 = %scan3A_28 to %scan3A_30 step %scan3A_31 iter_args(%scan3A_35 = %scan3A) -> (i32)  : i32 {
        %mul3A_36 = arith.constant 20000 : i32
        %mul3A_37 = arith.muli %arg1, %mul3A_36 : i32
        %mul3A_38 = arith.constant 4000 : i32
        %mul3A_39 = arith.muli %scan3A_34, %mul3A_38 : i32
        %add3A = arith.addi %mul3A_37, %mul3A_39 : i32
        "tpu.region"() ({
          %run_scoped3A = tpu.sem_alloc : memref<!tpu.dma_semaphore, #tpu.memory_space<semaphore_mem>>
          %dma_start3A_126 = tpu.memref_slice %arg4[%add3A] : memref<320000xi32, #tpu.memory_space<hbm>> -> memref<4000xi32, #tpu.memory_space<hbm>>
          %dma_start3A_127 = tpu.memref_slice %arg4[%add3A] : memref<320000xi32, #tpu.memory_space<hbm>> -> memref<4000xi32, #tpu.memory_space<hbm>>
          tpu.enqueue_dma source(%dma_start3A_127 : memref<4000xi32, #tpu.memory_space<hbm>>) target(%arg9 : memref<4000xi32, #tpu.memory_space<vmem>>) target_semaphore(%run_scoped3A : memref<!tpu.dma_semaphore, #tpu.memory_space<semaphore_mem>>)
          %dma_wait3A_128 = tpu.memref_slice %arg4[%add3A] : memref<320000xi32, #tpu.memory_space<hbm>> -> memref<4000xi32, #tpu.memory_space<hbm>>
          %dma_wait3A_129 = tpu.memref_slice %arg4[%add3A] : memref<320000xi32, #tpu.memory_space<hbm>> -> memref<4000xi32, #tpu.memory_space<hbm>>
          tpu.wait_dma2 semaphore(%run_scoped3A : memref<!tpu.dma_semaphore, #tpu.memory_space<semaphore_mem>>) src(%dma_wait3A_129 : memref<4000xi32, #tpu.memory_space<hbm>>) dst(%arg9 : memref<4000xi32, #tpu.memory_space<vmem>>)
          tpu.yield
        }) : () -> ()
        "tpu.region"() ({
          %run_scoped3A = tpu.sem_alloc : memref<!tpu.dma_semaphore, #tpu.memory_space<semaphore_mem>>
          %dma_start3A_126 = tpu.memref_slice %arg5[%add3A] : memref<320000xi32, #tpu.memory_space<hbm>> -> memref<4000xi32, #tpu.memory_space<hbm>>
          %dma_start3A_127 = tpu.memref_slice %arg5[%add3A] : memref<320000xi32, #tpu.memory_space<hbm>> -> memref<4000xi32, #tpu.memory_space<hbm>>
          tpu.enqueue_dma source(%dma_start3A_127 : memref<4000xi32, #tpu.memory_space<hbm>>) target(%arg10 : memref<4000xi32, #tpu.memory_space<vmem>>) target_semaphore(%run_scoped3A : memref<!tpu.dma_semaphore, #tpu.memory_space<semaphore_mem>>)
          %dma_wait3A_128 = tpu.memref_slice %arg5[%add3A] : memref<320000xi32, #tpu.memory_space<hbm>> -> memref<4000xi32, #tpu.memory_space<hbm>>
          %dma_wait3A_129 = tpu.memref_slice %arg5[%add3A] : memref<320000xi32, #tpu.memory_space<hbm>> -> memref<4000xi32, #tpu.memory_space<hbm>>
          tpu.wait_dma2 semaphore(%run_scoped3A : memref<!tpu.dma_semaphore, #tpu.memory_space<semaphore_mem>>) src(%dma_wait3A_129 : memref<4000xi32, #tpu.memory_space<hbm>>) dst(%arg10 : memref<4000xi32, #tpu.memory_space<vmem>>)
          tpu.yield
        }) : () -> ()
        %dma_start3A = arith.constant 0 : i32
        %dma_start3A_40 = tpu.memref_slice %arg9[%dma_start3A] : memref<4000xi32, #tpu.memory_space<vmem>> -> memref<40xi32, #tpu.memory_space<vmem>>
        %dma_start3A_41 = arith.constant 0 : i32
        %dma_start3A_42 = arith.constant 0 : i32
        %dma_start3A_43 = tpu.memref_slice %arg2[%dma_start3A_41, %dma_start3A_42] : memref<10000x128xf32, #tpu.memory_space<hbm>> -> memref<10000x128xf32, #tpu.memory_space<hbm>>
        tpu.enqueue_indirect_dma source(%dma_start3A_43 : memref<10000x128xf32, #tpu.memory_space<hbm>>) target(%arg11 : memref<40x128xf32, #tpu.memory_space<vmem>>) offsets(%dma_start3A_40 : memref<40xi32, #tpu.memory_space<vmem>>) semaphore(%arg15 : memref<!tpu.dma_semaphore, #tpu.memory_space<semaphore_mem>>)
        %dma_start3A_44 = arith.constant 40 : i32
        %dma_start3A_45 = tpu.memref_slice %arg9[%dma_start3A_44] : memref<4000xi32, #tpu.memory_space<vmem>> -> memref<40xi32, #tpu.memory_space<vmem>>
        %dma_start3A_46 = arith.constant 0 : i32
        %dma_start3A_47 = arith.constant 0 : i32
        %dma_start3A_48 = tpu.memref_slice %arg2[%dma_start3A_46, %dma_start3A_47] : memref<10000x128xf32, #tpu.memory_space<hbm>> -> memref<10000x128xf32, #tpu.memory_space<hbm>>
        tpu.enqueue_indirect_dma source(%dma_start3A_48 : memref<10000x128xf32, #tpu.memory_space<hbm>>) target(%arg12 : memref<40x128xf32, #tpu.memory_space<vmem>>) offsets(%dma_start3A_45 : memref<40xi32, #tpu.memory_space<vmem>>) semaphore(%arg16 : memref<!tpu.dma_semaphore, #tpu.memory_space<semaphore_mem>>)
        %dma_start3A_49 = arith.constant 80 : i32
        %dma_start3A_50 = tpu.memref_slice %arg9[%dma_start3A_49] : memref<4000xi32, #tpu.memory_space<vmem>> -> memref<40xi32, #tpu.memory_space<vmem>>
        %dma_start3A_51 = arith.constant 0 : i32
        %dma_start3A_52 = arith.constant 0 : i32
        %dma_start3A_53 = tpu.memref_slice %arg2[%dma_start3A_51, %dma_start3A_52] : memref<10000x128xf32, #tpu.memory_space<hbm>> -> memref<10000x128xf32, #tpu.memory_space<hbm>>
        tpu.enqueue_indirect_dma source(%dma_start3A_53 : memref<10000x128xf32, #tpu.memory_space<hbm>>) target(%arg13 : memref<40x128xf32, #tpu.memory_space<vmem>>) offsets(%dma_start3A_50 : memref<40xi32, #tpu.memory_space<vmem>>) semaphore(%arg17 : memref<!tpu.dma_semaphore, #tpu.memory_space<semaphore_mem>>)
        %dma_start3A_54 = arith.constant 120 : i32
        %dma_start3A_55 = tpu.memref_slice %arg9[%dma_start3A_54] : memref<4000xi32, #tpu.memory_space<vmem>> -> memref<40xi32, #tpu.memory_space<vmem>>
        %dma_start3A_56 = arith.constant 0 : i32
        %dma_start3A_57 = arith.constant 0 : i32
        %dma_start3A_58 = tpu.memref_slice %arg2[%dma_start3A_56, %dma_start3A_57] : memref<10000x128xf32, #tpu.memory_space<hbm>> -> memref<10000x128xf32, #tpu.memory_space<hbm>>
        tpu.enqueue_indirect_dma source(%dma_start3A_58 : memref<10000x128xf32, #tpu.memory_space<hbm>>) target(%arg14 : memref<40x128xf32, #tpu.memory_space<vmem>>) offsets(%dma_start3A_55 : memref<40xi32, #tpu.memory_space<vmem>>) semaphore(%arg18 : memref<!tpu.dma_semaphore, #tpu.memory_space<semaphore_mem>>)
        %scan3A_59 = arith.constant 0 : i32
        %scan3A_60 = arith.constant 0 : i32
        %scan3A_61 = arith.constant 24 : i32
        %scan3A_62 = arith.addi %scan3A_60, %scan3A_61 : i32
        %scan3A_63 = arith.constant 1 : i32
        %scan3A_64 = scf.for %scan3A_126 = %scan3A_60 to %scan3A_62 step %scan3A_63 iter_args(%scan3A_127 = %scan3A_59) -> (i32)  : i32 {
          %mul3A_128 = arith.constant 4 : i32
          %mul3A_129 = arith.muli %scan3A_126, %mul3A_128 : i32
          %add3A_130 = arith.constant 0 : i32
          %add3A_131 = arith.addi %mul3A_129, %add3A_130 : i32
          %add3A_132 = arith.constant 0 : i32
          %add3A_133 = arith.addi %add3A_131, %add3A_132 : i32
          %mul3A_134 = arith.constant 40 : i32
          %mul3A_135 = arith.muli %add3A_133, %mul3A_134 : i32
          %dma_wait3A_136 = tpu.memref_slice %arg9[%mul3A_135] : memref<4000xi32, #tpu.memory_space<vmem>> -> memref<40xi32, #tpu.memory_space<vmem>>
          %dma_wait3A_137 = arith.constant 0 : i32
          %dma_wait3A_138 = arith.constant 0 : i32
          %dma_wait3A_139 = tpu.memref_slice %arg2[%dma_wait3A_137, %dma_wait3A_138] : memref<10000x128xf32, #tpu.memory_space<hbm>> -> memref<10000x128xf32, #tpu.memory_space<hbm>>
          tpu.wait_indirect_dma semaphore(%arg15 : memref<!tpu.dma_semaphore, #tpu.memory_space<semaphore_mem>>) src(%dma_wait3A_139 : memref<10000x128xf32, #tpu.memory_space<hbm>>) dst(%arg11 : memref<40x128xf32, #tpu.memory_space<vmem>>)
          %add3A_140 = arith.constant 0 : i32
          %add3A_141 = arith.addi %mul3A_129, %add3A_140 : i32
          %add3A_142 = arith.constant 0 : i32
          %add3A_143 = arith.addi %add3A_141, %add3A_142 : i32
          %mul3A_144 = arith.constant 40 : i32
          %mul3A_145 = arith.muli %add3A_143, %mul3A_144 : i32
          %dma_start3A_146 = tpu.memref_slice %arg10[%mul3A_145] : memref<4000xi32, #tpu.memory_space<vmem>> -> memref<40xi32, #tpu.memory_space<vmem>>
          %dma_start3A_147 = arith.constant 0 : i32
          %dma_start3A_148 = arith.constant 0 : i32
          %dma_start3A_149 = tpu.memref_slice %arg23[%dma_start3A_147, %dma_start3A_148] : memref<10000x128xf32, #tpu.memory_space<vmem_shared>> -> memref<10000x128xf32, #tpu.memory_space<vmem_shared>>
          tpu.enqueue_indirect_dma source(%arg11 : memref<40x128xf32, #tpu.memory_space<vmem>>) target(%dma_start3A_149 : memref<10000x128xf32, #tpu.memory_space<vmem_shared>>) offsets(%dma_start3A_146 : memref<40xi32, #tpu.memory_space<vmem>>) semaphore(%arg19 : memref<!tpu.dma_semaphore, #tpu.memory_space<semaphore_mem>>) {add = true}
          %add3A_150 = arith.constant 0 : i32
          %add3A_151 = arith.addi %mul3A_129, %add3A_150 : i32
          %add3A_152 = arith.constant 1 : i32
          %add3A_153 = arith.addi %add3A_151, %add3A_152 : i32
          %mul3A_154 = arith.constant 40 : i32
          %mul3A_155 = arith.muli %add3A_153, %mul3A_154 : i32
          %dma_wait3A_156 = tpu.memref_slice %arg9[%mul3A_155] : memref<4000xi32, #tpu.memory_space<vmem>> -> memref<40xi32, #tpu.memory_space<vmem>>
          %dma_wait3A_157 = arith.constant 0 : i32
          %dma_wait3A_158 = arith.constant 0 : i32
          %dma_wait3A_159 = tpu.memref_slice %arg2[%dma_wait3A_157, %dma_wait3A_158] : memref<10000x128xf32, #tpu.memory_space<hbm>> -> memref<10000x128xf32, #tpu.memory_space<hbm>>
          tpu.wait_indirect_dma semaphore(%arg16 : memref<!tpu.dma_semaphore, #tpu.memory_space<semaphore_mem>>) src(%dma_wait3A_159 : memref<10000x128xf32, #tpu.memory_space<hbm>>) dst(%arg12 : memref<40x128xf32, #tpu.memory_space<vmem>>)
          %add3A_160 = arith.constant 0 : i32
          %add3A_161 = arith.addi %mul3A_129, %add3A_160 : i32
          %add3A_162 = arith.constant 1 : i32
          %add3A_163 = arith.addi %add3A_161, %add3A_162 : i32
          %mul3A_164 = arith.constant 40 : i32
          %mul3A_165 = arith.muli %add3A_163, %mul3A_164 : i32
          %dma_start3A_166 = tpu.memref_slice %arg10[%mul3A_165] : memref<4000xi32, #tpu.memory_space<vmem>> -> memref<40xi32, #tpu.memory_space<vmem>>
          %dma_start3A_167 = arith.constant 0 : i32
          %dma_start3A_168 = arith.constant 0 : i32
          %dma_start3A_169 = tpu.memref_slice %arg23[%dma_start3A_167, %dma_start3A_168] : memref<10000x128xf32, #tpu.memory_space<vmem_shared>> -> memref<10000x128xf32, #tpu.memory_space<vmem_shared>>
          tpu.enqueue_indirect_dma source(%arg12 : memref<40x128xf32, #tpu.memory_space<vmem>>) target(%dma_start3A_169 : memref<10000x128xf32, #tpu.memory_space<vmem_shared>>) offsets(%dma_start3A_166 : memref<40xi32, #tpu.memory_space<vmem>>) semaphore(%arg20 : memref<!tpu.dma_semaphore, #tpu.memory_space<semaphore_mem>>) {add = true}
          %add3A_170 = arith.constant 0 : i32
          %add3A_171 = arith.addi %mul3A_129, %add3A_170 : i32
          %add3A_172 = arith.constant 0 : i32
          %add3A_173 = arith.addi %add3A_171, %add3A_172 : i32
          %mul3A_174 = arith.constant 40 : i32
          %mul3A_175 = arith.muli %add3A_173, %mul3A_174 : i32
          %dma_wait3A_176 = tpu.memref_slice %arg10[%mul3A_175] : memref<4000xi32, #tpu.memory_space<vmem>> -> memref<40xi32, #tpu.memory_space<vmem>>
          %dma_wait3A_177 = arith.constant 0 : i32
          %dma_wait3A_178 = arith.constant 0 : i32
          %dma_wait3A_179 = tpu.memref_slice %arg23[%dma_wait3A_177, %dma_wait3A_178] : memref<10000x128xf32, #tpu.memory_space<vmem_shared>> -> memref<10000x128xf32, #tpu.memory_space<vmem_shared>>
          tpu.wait_indirect_dma semaphore(%arg19 : memref<!tpu.dma_semaphore, #tpu.memory_space<semaphore_mem>>) src(%arg11 : memref<40x128xf32, #tpu.memory_space<vmem>>) dst(%dma_wait3A_179 : memref<10000x128xf32, #tpu.memory_space<vmem_shared>>)
          %add3A_180 = arith.constant 4 : i32
          %add3A_181 = arith.addi %mul3A_129, %add3A_180 : i32
          %add3A_182 = arith.constant 0 : i32
          %add3A_183 = arith.addi %add3A_181, %add3A_182 : i32
          %add3A_184 = arith.constant 0 : i32
          %add3A_185 = arith.addi %add3A_183, %add3A_184 : i32
          %mul3A_186 = arith.constant 40 : i32
          %mul3A_187 = arith.muli %add3A_185, %mul3A_186 : i32
          %dma_start3A_188 = tpu.memref_slice %arg9[%mul3A_187] : memref<4000xi32, #tpu.memory_space<vmem>> -> memref<40xi32, #tpu.memory_space<vmem>>
          %dma_start3A_189 = arith.constant 0 : i32
          %dma_start3A_190 = arith.constant 0 : i32
          %dma_start3A_191 = tpu.memref_slice %arg2[%dma_start3A_189, %dma_start3A_190] : memref<10000x128xf32, #tpu.memory_space<hbm>> -> memref<10000x128xf32, #tpu.memory_space<hbm>>
          tpu.enqueue_indirect_dma source(%dma_start3A_191 : memref<10000x128xf32, #tpu.memory_space<hbm>>) target(%arg11 : memref<40x128xf32, #tpu.memory_space<vmem>>) offsets(%dma_start3A_188 : memref<40xi32, #tpu.memory_space<vmem>>) semaphore(%arg15 : memref<!tpu.dma_semaphore, #tpu.memory_space<semaphore_mem>>)
          %add3A_192 = arith.constant 0 : i32
          %add3A_193 = arith.addi %mul3A_129, %add3A_192 : i32
          %add3A_194 = arith.constant 1 : i32
          %add3A_195 = arith.addi %add3A_193, %add3A_194 : i32
          %mul3A_196 = arith.constant 40 : i32
          %mul3A_197 = arith.muli %add3A_195, %mul3A_196 : i32
          %dma_wait3A_198 = tpu.memref_slice %arg10[%mul3A_197] : memref<4000xi32, #tpu.memory_space<vmem>> -> memref<40xi32, #tpu.memory_space<vmem>>
          %dma_wait3A_199 = arith.constant 0 : i32
          %dma_wait3A_200 = arith.constant 0 : i32
          %dma_wait3A_201 = tpu.memref_slice %arg23[%dma_wait3A_199, %dma_wait3A_200] : memref<10000x128xf32, #tpu.memory_space<vmem_shared>> -> memref<10000x128xf32, #tpu.memory_space<vmem_shared>>
          tpu.wait_indirect_dma semaphore(%arg20 : memref<!tpu.dma_semaphore, #tpu.memory_space<semaphore_mem>>) src(%arg12 : memref<40x128xf32, #tpu.memory_space<vmem>>) dst(%dma_wait3A_201 : memref<10000x128xf32, #tpu.memory_space<vmem_shared>>)
          %add3A_202 = arith.constant 4 : i32
          %add3A_203 = arith.addi %mul3A_129, %add3A_202 : i32
          %add3A_204 = arith.constant 0 : i32
          %add3A_205 = arith.addi %add3A_203, %add3A_204 : i32
          %add3A_206 = arith.constant 1 : i32
          %add3A_207 = arith.addi %add3A_205, %add3A_206 : i32
          %mul3A_208 = arith.constant 40 : i32
          %mul3A_209 = arith.muli %add3A_207, %mul3A_208 : i32
          %dma_start3A_210 = tpu.memref_slice %arg9[%mul3A_209] : memref<4000xi32, #tpu.memory_space<vmem>> -> memref<40xi32, #tpu.memory_space<vmem>>
          %dma_start3A_211 = arith.constant 0 : i32
          %dma_start3A_212 = arith.constant 0 : i32
          %dma_start3A_213 = tpu.memref_slice %arg2[%dma_start3A_211, %dma_start3A_212] : memref<10000x128xf32, #tpu.memory_space<hbm>> -> memref<10000x128xf32, #tpu.memory_space<hbm>>
          tpu.enqueue_indirect_dma source(%dma_start3A_213 : memref<10000x128xf32, #tpu.memory_space<hbm>>) target(%arg12 : memref<40x128xf32, #tpu.memory_space<vmem>>) offsets(%dma_start3A_210 : memref<40xi32, #tpu.memory_space<vmem>>) semaphore(%arg16 : memref<!tpu.dma_semaphore, #tpu.memory_space<semaphore_mem>>)
          %add3A_214 = arith.constant 2 : i32
          %add3A_215 = arith.addi %mul3A_129, %add3A_214 : i32
          %add3A_216 = arith.constant 0 : i32
          %add3A_217 = arith.addi %add3A_215, %add3A_216 : i32
          %mul3A_218 = arith.constant 40 : i32
          %mul3A_219 = arith.muli %add3A_217, %mul3A_218 : i32
          %dma_wait3A_220 = tpu.memref_slice %arg9[%mul3A_219] : memref<4000xi32, #tpu.memory_space<vmem>> -> memref<40xi32, #tpu.memory_space<vmem>>
          %dma_wait3A_221 = arith.constant 0 : i32
          %dma_wait3A_222 = arith.constant 0 : i32
          %dma_wait3A_223 = tpu.memref_slice %arg2[%dma_wait3A_221, %dma_wait3A_222] : memref<10000x128xf32, #tpu.memory_space<hbm>> -> memref<10000x128xf32, #tpu.memory_space<hbm>>
          tpu.wait_indirect_dma semaphore(%arg17 : memref<!tpu.dma_semaphore, #tpu.memory_space<semaphore_mem>>) src(%dma_wait3A_223 : memref<10000x128xf32, #tpu.memory_space<hbm>>) dst(%arg13 : memref<40x128xf32, #tpu.memory_space<vmem>>)
          %add3A_224 = arith.constant 2 : i32
          %add3A_225 = arith.addi %mul3A_129, %add3A_224 : i32
          %add3A_226 = arith.constant 0 : i32
          %add3A_227 = arith.addi %add3A_225, %add3A_226 : i32
          %mul3A_228 = arith.constant 40 : i32
          %mul3A_229 = arith.muli %add3A_227, %mul3A_228 : i32
          %dma_start3A_230 = tpu.memref_slice %arg10[%mul3A_229] : memref<4000xi32, #tpu.memory_space<vmem>> -> memref<40xi32, #tpu.memory_space<vmem>>
          %dma_start3A_231 = arith.constant 0 : i32
          %dma_start3A_232 = arith.constant 0 : i32
          %dma_start3A_233 = tpu.memref_slice %arg23[%dma_start3A_231, %dma_start3A_232] : memref<10000x128xf32, #tpu.memory_space<vmem_shared>> -> memref<10000x128xf32, #tpu.memory_space<vmem_shared>>
          tpu.enqueue_indirect_dma source(%arg13 : memref<40x128xf32, #tpu.memory_space<vmem>>) target(%dma_start3A_233 : memref<10000x128xf32, #tpu.memory_space<vmem_shared>>) offsets(%dma_start3A_230 : memref<40xi32, #tpu.memory_space<vmem>>) semaphore(%arg21 : memref<!tpu.dma_semaphore, #tpu.memory_space<semaphore_mem>>) {add = true}
          %add3A_234 = arith.constant 2 : i32
          %add3A_235 = arith.addi %mul3A_129, %add3A_234 : i32
          %add3A_236 = arith.constant 1 : i32
          %add3A_237 = arith.addi %add3A_235, %add3A_236 : i32
          %mul3A_238 = arith.constant 40 : i32
          %mul3A_239 = arith.muli %add3A_237, %mul3A_238 : i32
          %dma_wait3A_240 = tpu.memref_slice %arg9[%mul3A_239] : memref<4000xi32, #tpu.memory_space<vmem>> -> memref<40xi32, #tpu.memory_space<vmem>>
          %dma_wait3A_241 = arith.constant 0 : i32
          %dma_wait3A_242 = arith.constant 0 : i32
          %dma_wait3A_243 = tpu.memref_slice %arg2[%dma_wait3A_241, %dma_wait3A_242] : memref<10000x128xf32, #tpu.memory_space<hbm>> -> memref<10000x128xf32, #tpu.memory_space<hbm>>
          tpu.wait_indirect_dma semaphore(%arg18 : memref<!tpu.dma_semaphore, #tpu.memory_space<semaphore_mem>>) src(%dma_wait3A_243 : memref<10000x128xf32, #tpu.memory_space<hbm>>) dst(%arg14 : memref<40x128xf32, #tpu.memory_space<vmem>>)
          %add3A_244 = arith.constant 2 : i32
          %add3A_245 = arith.addi %mul3A_129, %add3A_244 : i32
          %add3A_246 = arith.constant 1 : i32
          %add3A_247 = arith.addi %add3A_245, %add3A_246 : i32
          %mul3A_248 = arith.constant 40 : i32
          %mul3A_249 = arith.muli %add3A_247, %mul3A_248 : i32
          %dma_start3A_250 = tpu.memref_slice %arg10[%mul3A_249] : memref<4000xi32, #tpu.memory_space<vmem>> -> memref<40xi32, #tpu.memory_space<vmem>>
          %dma_start3A_251 = arith.constant 0 : i32
          %dma_start3A_252 = arith.constant 0 : i32
          %dma_start3A_253 = tpu.memref_slice %arg23[%dma_start3A_251, %dma_start3A_252] : memref<10000x128xf32, #tpu.memory_space<vmem_shared>> -> memref<10000x128xf32, #tpu.memory_space<vmem_shared>>
          tpu.enqueue_indirect_dma source(%arg14 : memref<40x128xf32, #tpu.memory_space<vmem>>) target(%dma_start3A_253 : memref<10000x128xf32, #tpu.memory_space<vmem_shared>>) offsets(%dma_start3A_250 : memref<40xi32, #tpu.memory_space<vmem>>) semaphore(%arg22 : memref<!tpu.dma_semaphore, #tpu.memory_space<semaphore_mem>>) {add = true}
          %add3A_254 = arith.constant 2 : i32
          %add3A_255 = arith.addi %mul3A_129, %add3A_254 : i32
          %add3A_256 = arith.constant 0 : i32
          %add3A_257 = arith.addi %add3A_255, %add3A_256 : i32
          %mul3A_258 = arith.constant 40 : i32
          %mul3A_259 = arith.muli %add3A_257, %mul3A_258 : i32
          %dma_wait3A_260 = tpu.memref_slice %arg10[%mul3A_259] : memref<4000xi32, #tpu.memory_space<vmem>> -> memref<40xi32, #tpu.memory_space<vmem>>
          %dma_wait3A_261 = arith.constant 0 : i32
          %dma_wait3A_262 = arith.constant 0 : i32
          %dma_wait3A_263 = tpu.memref_slice %arg23[%dma_wait3A_261, %dma_wait3A_262] : memref<10000x128xf32, #tpu.memory_space<vmem_shared>> -> memref<10000x128xf32, #tpu.memory_space<vmem_shared>>
          tpu.wait_indirect_dma semaphore(%arg21 : memref<!tpu.dma_semaphore, #tpu.memory_space<semaphore_mem>>) src(%arg13 : memref<40x128xf32, #tpu.memory_space<vmem>>) dst(%dma_wait3A_263 : memref<10000x128xf32, #tpu.memory_space<vmem_shared>>)
          %add3A_264 = arith.constant 4 : i32
          %add3A_265 = arith.addi %mul3A_129, %add3A_264 : i32
          %add3A_266 = arith.constant 2 : i32
          %add3A_267 = arith.addi %add3A_265, %add3A_266 : i32
          %add3A_268 = arith.constant 0 : i32
          %add3A_269 = arith.addi %add3A_267, %add3A_268 : i32
          %mul3A_270 = arith.constant 40 : i32
          %mul3A_271 = arith.muli %add3A_269, %mul3A_270 : i32
          %dma_start3A_272 = tpu.memref_slice %arg9[%mul3A_271] : memref<4000xi32, #tpu.memory_space<vmem>> -> memref<40xi32, #tpu.memory_space<vmem>>
          %dma_start3A_273 = arith.constant 0 : i32
          %dma_start3A_274 = arith.constant 0 : i32
          %dma_start3A_275 = tpu.memref_slice %arg2[%dma_start3A_273, %dma_start3A_274] : memref<10000x128xf32, #tpu.memory_space<hbm>> -> memref<10000x128xf32, #tpu.memory_space<hbm>>
          tpu.enqueue_indirect_dma source(%dma_start3A_275 : memref<10000x128xf32, #tpu.memory_space<hbm>>) target(%arg13 : memref<40x128xf32, #tpu.memory_space<vmem>>) offsets(%dma_start3A_272 : memref<40xi32, #tpu.memory_space<vmem>>) semaphore(%arg17 : memref<!tpu.dma_semaphore, #tpu.memory_space<semaphore_mem>>)
          %add3A_276 = arith.constant 2 : i32
          %add3A_277 = arith.addi %mul3A_129, %add3A_276 : i32
          %add3A_278 = arith.constant 1 : i32
          %add3A_279 = arith.addi %add3A_277, %add3A_278 : i32
          %mul3A_280 = arith.constant 40 : i32
          %mul3A_281 = arith.muli %add3A_279, %mul3A_280 : i32
          %dma_wait3A_282 = tpu.memref_slice %arg10[%mul3A_281] : memref<4000xi32, #tpu.memory_space<vmem>> -> memref<40xi32, #tpu.memory_space<vmem>>
          %dma_wait3A_283 = arith.constant 0 : i32
          %dma_wait3A_284 = arith.constant 0 : i32
          %dma_wait3A_285 = tpu.memref_slice %arg23[%dma_wait3A_283, %dma_wait3A_284] : memref<10000x128xf32, #tpu.memory_space<vmem_shared>> -> memref<10000x128xf32, #tpu.memory_space<vmem_shared>>
          tpu.wait_indirect_dma semaphore(%arg22 : memref<!tpu.dma_semaphore, #tpu.memory_space<semaphore_mem>>) src(%arg14 : memref<40x128xf32, #tpu.memory_space<vmem>>) dst(%dma_wait3A_285 : memref<10000x128xf32, #tpu.memory_space<vmem_shared>>)
          %add3A_286 = arith.constant 4 : i32
          %add3A_287 = arith.addi %mul3A_129, %add3A_286 : i32
          %add3A_288 = arith.constant 2 : i32
          %add3A_289 = arith.addi %add3A_287, %add3A_288 : i32
          %add3A_290 = arith.constant 1 : i32
          %add3A_291 = arith.addi %add3A_289, %add3A_290 : i32
          %mul3A_292 = arith.constant 40 : i32
          %mul3A_293 = arith.muli %add3A_291, %mul3A_292 : i32
          %dma_start3A_294 = tpu.memref_slice %arg9[%mul3A_293] : memref<4000xi32, #tpu.memory_space<vmem>> -> memref<40xi32, #tpu.memory_space<vmem>>
          %dma_start3A_295 = arith.constant 0 : i32
          %dma_start3A_296 = arith.constant 0 : i32
          %dma_start3A_297 = tpu.memref_slice %arg2[%dma_start3A_295, %dma_start3A_296] : memref<10000x128xf32, #tpu.memory_space<hbm>> -> memref<10000x128xf32, #tpu.memory_space<hbm>>
          tpu.enqueue_indirect_dma source(%dma_start3A_297 : memref<10000x128xf32, #tpu.memory_space<hbm>>) target(%arg14 : memref<40x128xf32, #tpu.memory_space<vmem>>) offsets(%dma_start3A_294 : memref<40xi32, #tpu.memory_space<vmem>>) semaphore(%arg18 : memref<!tpu.dma_semaphore, #tpu.memory_space<semaphore_mem>>)
          %scan3A_298 = arith.constant 0 : i32
          scf.yield %scan3A_298 : i32
        }
        %scan3A_65 = arith.constant 24 : i32
        %dma_wait3A = arith.constant 3840 : i32
        %dma_wait3A_66 = tpu.memref_slice %arg9[%dma_wait3A] : memref<4000xi32, #tpu.memory_space<vmem>> -> memref<40xi32, #tpu.memory_space<vmem>>
        %dma_wait3A_67 = arith.constant 0 : i32
        %dma_wait3A_68 = arith.constant 0 : i32
        %dma_wait3A_69 = tpu.memref_slice %arg2[%dma_wait3A_67, %dma_wait3A_68] : memref<10000x128xf32, #tpu.memory_space<hbm>> -> memref<10000x128xf32, #tpu.memory_space<hbm>>
        tpu.wait_indirect_dma semaphore(%arg15 : memref<!tpu.dma_semaphore, #tpu.memory_space<semaphore_mem>>) src(%dma_wait3A_69 : memref<10000x128xf32, #tpu.memory_space<hbm>>) dst(%arg11 : memref<40x128xf32, #tpu.memory_space<vmem>>)
        %dma_start3A_70 = arith.constant 3840 : i32
        %dma_start3A_71 = tpu.memref_slice %arg10[%dma_start3A_70] : memref<4000xi32, #tpu.memory_space<vmem>> -> memref<40xi32, #tpu.memory_space<vmem>>
        %dma_start3A_72 = arith.constant 0 : i32
        %dma_start3A_73 = arith.constant 0 : i32
        %dma_start3A_74 = tpu.memref_slice %arg23[%dma_start3A_72, %dma_start3A_73] : memref<10000x128xf32, #tpu.memory_space<vmem_shared>> -> memref<10000x128xf32, #tpu.memory_space<vmem_shared>>
        tpu.enqueue_indirect_dma source(%arg11 : memref<40x128xf32, #tpu.memory_space<vmem>>) target(%dma_start3A_74 : memref<10000x128xf32, #tpu.memory_space<vmem_shared>>) offsets(%dma_start3A_71 : memref<40xi32, #tpu.memory_space<vmem>>) semaphore(%arg19 : memref<!tpu.dma_semaphore, #tpu.memory_space<semaphore_mem>>) {add = true}
        %dma_wait3A_75 = arith.constant 3880 : i32
        %dma_wait3A_76 = tpu.memref_slice %arg9[%dma_wait3A_75] : memref<4000xi32, #tpu.memory_space<vmem>> -> memref<40xi32, #tpu.memory_space<vmem>>
        %dma_wait3A_77 = arith.constant 0 : i32
        %dma_wait3A_78 = arith.constant 0 : i32
        %dma_wait3A_79 = tpu.memref_slice %arg2[%dma_wait3A_77, %dma_wait3A_78] : memref<10000x128xf32, #tpu.memory_space<hbm>> -> memref<10000x128xf32, #tpu.memory_space<hbm>>
        tpu.wait_indirect_dma semaphore(%arg16 : memref<!tpu.dma_semaphore, #tpu.memory_space<semaphore_mem>>) src(%dma_wait3A_79 : memref<10000x128xf32, #tpu.memory_space<hbm>>) dst(%arg12 : memref<40x128xf32, #tpu.memory_space<vmem>>)
        %dma_start3A_80 = arith.constant 3880 : i32
        %dma_start3A_81 = tpu.memref_slice %arg10[%dma_start3A_80] : memref<4000xi32, #tpu.memory_space<vmem>> -> memref<40xi32, #tpu.memory_space<vmem>>
        %dma_start3A_82 = arith.constant 0 : i32
        %dma_start3A_83 = arith.constant 0 : i32
        %dma_start3A_84 = tpu.memref_slice %arg23[%dma_start3A_82, %dma_start3A_83] : memref<10000x128xf32, #tpu.memory_space<vmem_shared>> -> memref<10000x128xf32, #tpu.memory_space<vmem_shared>>
        tpu.enqueue_indirect_dma source(%arg12 : memref<40x128xf32, #tpu.memory_space<vmem>>) target(%dma_start3A_84 : memref<10000x128xf32, #tpu.memory_space<vmem_shared>>) offsets(%dma_start3A_81 : memref<40xi32, #tpu.memory_space<vmem>>) semaphore(%arg20 : memref<!tpu.dma_semaphore, #tpu.memory_space<semaphore_mem>>) {add = true}
        %dma_wait3A_85 = arith.constant 3920 : i32
        %dma_wait3A_86 = tpu.memref_slice %arg9[%dma_wait3A_85] : memref<4000xi32, #tpu.memory_space<vmem>> -> memref<40xi32, #tpu.memory_space<vmem>>
        %dma_wait3A_87 = arith.constant 0 : i32
        %dma_wait3A_88 = arith.constant 0 : i32
        %dma_wait3A_89 = tpu.memref_slice %arg2[%dma_wait3A_87, %dma_wait3A_88] : memref<10000x128xf32, #tpu.memory_space<hbm>> -> memref<10000x128xf32, #tpu.memory_space<hbm>>
        tpu.wait_indirect_dma semaphore(%arg17 : memref<!tpu.dma_semaphore, #tpu.memory_space<semaphore_mem>>) src(%dma_wait3A_89 : memref<10000x128xf32, #tpu.memory_space<hbm>>) dst(%arg13 : memref<40x128xf32, #tpu.memory_space<vmem>>)
        %dma_start3A_90 = arith.constant 3920 : i32
        %dma_start3A_91 = tpu.memref_slice %arg10[%dma_start3A_90] : memref<4000xi32, #tpu.memory_space<vmem>> -> memref<40xi32, #tpu.memory_space<vmem>>
        %dma_start3A_92 = arith.constant 0 : i32
        %dma_start3A_93 = arith.constant 0 : i32
        %dma_start3A_94 = tpu.memref_slice %arg23[%dma_start3A_92, %dma_start3A_93] : memref<10000x128xf32, #tpu.memory_space<vmem_shared>> -> memref<10000x128xf32, #tpu.memory_space<vmem_shared>>
        tpu.enqueue_indirect_dma source(%arg13 : memref<40x128xf32, #tpu.memory_space<vmem>>) target(%dma_start3A_94 : memref<10000x128xf32, #tpu.memory_space<vmem_shared>>) offsets(%dma_start3A_91 : memref<40xi32, #tpu.memory_space<vmem>>) semaphore(%arg21 : memref<!tpu.dma_semaphore, #tpu.memory_space<semaphore_mem>>) {add = true}
        %dma_wait3A_95 = arith.constant 3960 : i32
        %dma_wait3A_96 = tpu.memref_slice %arg9[%dma_wait3A_95] : memref<4000xi32, #tpu.memory_space<vmem>> -> memref<40xi32, #tpu.memory_space<vmem>>
        %dma_wait3A_97 = arith.constant 0 : i32
        %dma_wait3A_98 = arith.constant 0 : i32
        %dma_wait3A_99 = tpu.memref_slice %arg2[%dma_wait3A_97, %dma_wait3A_98] : memref<10000x128xf32, #tpu.memory_space<hbm>> -> memref<10000x128xf32, #tpu.memory_space<hbm>>
        tpu.wait_indirect_dma semaphore(%arg18 : memref<!tpu.dma_semaphore, #tpu.memory_space<semaphore_mem>>) src(%dma_wait3A_99 : memref<10000x128xf32, #tpu.memory_space<hbm>>) dst(%arg14 : memref<40x128xf32, #tpu.memory_space<vmem>>)
        %dma_start3A_100 = arith.constant 3960 : i32
        %dma_start3A_101 = tpu.memref_slice %arg10[%dma_start3A_100] : memref<4000xi32, #tpu.memory_space<vmem>> -> memref<40xi32, #tpu.memory_space<vmem>>
        %dma_start3A_102 = arith.constant 0 : i32
        %dma_start3A_103 = arith.constant 0 : i32
        %dma_start3A_104 = tpu.memref_slice %arg23[%dma_start3A_102, %dma_start3A_103] : memref<10000x128xf32, #tpu.memory_space<vmem_shared>> -> memref<10000x128xf32, #tpu.memory_space<vmem_shared>>
        tpu.enqueue_indirect_dma source(%arg14 : memref<40x128xf32, #tpu.memory_space<vmem>>) target(%dma_start3A_104 : memref<10000x128xf32, #tpu.memory_space<vmem_shared>>) offsets(%dma_start3A_101 : memref<40xi32, #tpu.memory_space<vmem>>) semaphore(%arg22 : memref<!tpu.dma_semaphore, #tpu.memory_space<semaphore_mem>>) {add = true}
        %dma_wait3A_105 = arith.constant 3840 : i32
        %dma_wait3A_106 = tpu.memref_slice %arg10[%dma_wait3A_105] : memref<4000xi32, #tpu.memory_space<vmem>> -> memref<40xi32, #tpu.memory_space<vmem>>
        %dma_wait3A_107 = arith.constant 0 : i32
        %dma_wait3A_108 = arith.constant 0 : i32
        %dma_wait3A_109 = tpu.memref_slice %arg23[%dma_wait3A_107, %dma_wait3A_108] : memref<10000x128xf32, #tpu.memory_space<vmem_shared>> -> memref<10000x128xf32, #tpu.memory_space<vmem_shared>>
        tpu.wait_indirect_dma semaphore(%arg19 : memref<!tpu.dma_semaphore, #tpu.memory_space<semaphore_mem>>) src(%arg11 : memref<40x128xf32, #tpu.memory_space<vmem>>) dst(%dma_wait3A_109 : memref<10000x128xf32, #tpu.memory_space<vmem_shared>>)
        %dma_wait3A_110 = arith.constant 3880 : i32
        %dma_wait3A_111 = tpu.memref_slice %arg10[%dma_wait3A_110] : memref<4000xi32, #tpu.memory_space<vmem>> -> memref<40xi32, #tpu.memory_space<vmem>>
        %dma_wait3A_112 = arith.constant 0 : i32
        %dma_wait3A_113 = arith.constant 0 : i32
        %dma_wait3A_114 = tpu.memref_slice %arg23[%dma_wait3A_112, %dma_wait3A_113] : memref<10000x128xf32, #tpu.memory_space<vmem_shared>> -> memref<10000x128xf32, #tpu.memory_space<vmem_shared>>
        tpu.wait_indirect_dma semaphore(%arg20 : memref<!tpu.dma_semaphore, #tpu.memory_space<semaphore_mem>>) src(%arg12 : memref<40x128xf32, #tpu.memory_space<vmem>>) dst(%dma_wait3A_114 : memref<10000x128xf32, #tpu.memory_space<vmem_shared>>)
        %dma_wait3A_115 = arith.constant 3920 : i32
        %dma_wait3A_116 = tpu.memref_slice %arg10[%dma_wait3A_115] : memref<4000xi32, #tpu.memory_space<vmem>> -> memref<40xi32, #tpu.memory_space<vmem>>
        %dma_wait3A_117 = arith.constant 0 : i32
        %dma_wait3A_118 = arith.constant 0 : i32
        %dma_wait3A_119 = tpu.memref_slice %arg23[%dma_wait3A_117, %dma_wait3A_118] : memref<10000x128xf32, #tpu.memory_space<vmem_shared>> -> memref<10000x128xf32, #tpu.memory_space<vmem_shared>>
        tpu.wait_indirect_dma semaphore(%arg21 : memref<!tpu.dma_semaphore, #tpu.memory_space<semaphore_mem>>) src(%arg13 : memref<40x128xf32, #tpu.memory_space<vmem>>) dst(%dma_wait3A_119 : memref<10000x128xf32, #tpu.memory_space<vmem_shared>>)
        %dma_wait3A_120 = arith.constant 3960 : i32
        %dma_wait3A_121 = tpu.memref_slice %arg10[%dma_wait3A_120] : memref<4000xi32, #tpu.memory_space<vmem>> -> memref<40xi32, #tpu.memory_space<vmem>>
        %dma_wait3A_122 = arith.constant 0 : i32
        %dma_wait3A_123 = arith.constant 0 : i32
        %dma_wait3A_124 = tpu.memref_slice %arg23[%dma_wait3A_122, %dma_wait3A_123] : memref<10000x128xf32, #tpu.memory_space<vmem_shared>> -> memref<10000x128xf32, #tpu.memory_space<vmem_shared>>
        tpu.wait_indirect_dma semaphore(%arg22 : memref<!tpu.dma_semaphore, #tpu.memory_space<semaphore_mem>>) src(%arg14 : memref<40x128xf32, #tpu.memory_space<vmem>>) dst(%dma_wait3A_124 : memref<10000x128xf32, #tpu.memory_space<vmem_shared>>)
        %scan3A_125 = arith.constant 0 : i32
        scf.yield %scan3A_125 : i32
      }
      %scan3A_33 = arith.constant 5 : i32
    } else {
    }
    %eq3A_12 = arith.constant 1 : i32
    %eq3A_13 = arith.cmpi eq, %arg0, %eq3A_12 : i32
    %convert_element_type3A_14 = arith.extui %eq3A_13 : i1 to i32
    %cond3A_15 = arith.constant 0 : i32
    %cond3A_16 = arith.cmpi ne, %convert_element_type3A_14, %cond3A_15 : i32
    scf.if %cond3A_16 {
      %scan3A = arith.constant 0 : i32
      %scan3A_28 = arith.constant 0 : i32
      %scan3A_29 = arith.constant 5 : i32
      %scan3A_30 = arith.addi %scan3A_28, %scan3A_29 : i32
      %scan3A_31 = arith.constant 1 : i32
      %scan3A_32 = scf.for %scan3A_34 = %scan3A_28 to %scan3A_30 step %scan3A_31 iter_args(%scan3A_35 = %scan3A) -> (i32)  : i32 {
        %mul3A_36 = arith.constant 20000 : i32
        %mul3A_37 = arith.muli %arg1, %mul3A_36 : i32
        %mul3A_38 = arith.constant 4000 : i32
        %mul3A_39 = arith.muli %scan3A_34, %mul3A_38 : i32
        %add3A = arith.addi %mul3A_37, %mul3A_39 : i32
        "tpu.region"() ({
          %run_scoped3A = tpu.sem_alloc : memref<!tpu.dma_semaphore, #tpu.memory_space<semaphore_mem>>
          %dma_start3A_126 = tpu.memref_slice %arg5[%add3A] : memref<320000xi32, #tpu.memory_space<hbm>> -> memref<4000xi32, #tpu.memory_space<hbm>>
          %dma_start3A_127 = tpu.memref_slice %arg5[%add3A] : memref<320000xi32, #tpu.memory_space<hbm>> -> memref<4000xi32, #tpu.memory_space<hbm>>
          tpu.enqueue_dma source(%dma_start3A_127 : memref<4000xi32, #tpu.memory_space<hbm>>) target(%arg9 : memref<4000xi32, #tpu.memory_space<vmem>>) target_semaphore(%run_scoped3A : memref<!tpu.dma_semaphore, #tpu.memory_space<semaphore_mem>>)
          %dma_wait3A_128 = tpu.memref_slice %arg5[%add3A] : memref<320000xi32, #tpu.memory_space<hbm>> -> memref<4000xi32, #tpu.memory_space<hbm>>
          %dma_wait3A_129 = tpu.memref_slice %arg5[%add3A] : memref<320000xi32, #tpu.memory_space<hbm>> -> memref<4000xi32, #tpu.memory_space<hbm>>
          tpu.wait_dma2 semaphore(%run_scoped3A : memref<!tpu.dma_semaphore, #tpu.memory_space<semaphore_mem>>) src(%dma_wait3A_129 : memref<4000xi32, #tpu.memory_space<hbm>>) dst(%arg9 : memref<4000xi32, #tpu.memory_space<vmem>>)
          tpu.yield
        }) : () -> ()
        "tpu.region"() ({
          %run_scoped3A = tpu.sem_alloc : memref<!tpu.dma_semaphore, #tpu.memory_space<semaphore_mem>>
          %dma_start3A_126 = tpu.memref_slice %arg4[%add3A] : memref<320000xi32, #tpu.memory_space<hbm>> -> memref<4000xi32, #tpu.memory_space<hbm>>
          %dma_start3A_127 = tpu.memref_slice %arg4[%add3A] : memref<320000xi32, #tpu.memory_space<hbm>> -> memref<4000xi32, #tpu.memory_space<hbm>>
          tpu.enqueue_dma source(%dma_start3A_127 : memref<4000xi32, #tpu.memory_space<hbm>>) target(%arg10 : memref<4000xi32, #tpu.memory_space<vmem>>) target_semaphore(%run_scoped3A : memref<!tpu.dma_semaphore, #tpu.memory_space<semaphore_mem>>)
          %dma_wait3A_128 = tpu.memref_slice %arg4[%add3A] : memref<320000xi32, #tpu.memory_space<hbm>> -> memref<4000xi32, #tpu.memory_space<hbm>>
          %dma_wait3A_129 = tpu.memref_slice %arg4[%add3A] : memref<320000xi32, #tpu.memory_space<hbm>> -> memref<4000xi32, #tpu.memory_space<hbm>>
          tpu.wait_dma2 semaphore(%run_scoped3A : memref<!tpu.dma_semaphore, #tpu.memory_space<semaphore_mem>>) src(%dma_wait3A_129 : memref<4000xi32, #tpu.memory_space<hbm>>) dst(%arg10 : memref<4000xi32, #tpu.memory_space<vmem>>)
          tpu.yield
        }) : () -> ()
        %dma_start3A = arith.constant 0 : i32
        %dma_start3A_40 = tpu.memref_slice %arg9[%dma_start3A] : memref<4000xi32, #tpu.memory_space<vmem>> -> memref<40xi32, #tpu.memory_space<vmem>>
        %dma_start3A_41 = arith.constant 0 : i32
        %dma_start3A_42 = arith.constant 0 : i32
        %dma_start3A_43 = tpu.memref_slice %arg3[%dma_start3A_41, %dma_start3A_42] : memref<10000x128xf32, #tpu.memory_space<hbm>> -> memref<10000x128xf32, #tpu.memory_space<hbm>>
        tpu.enqueue_indirect_dma source(%dma_start3A_43 : memref<10000x128xf32, #tpu.memory_space<hbm>>) target(%arg11 : memref<40x128xf32, #tpu.memory_space<vmem>>) offsets(%dma_start3A_40 : memref<40xi32, #tpu.memory_space<vmem>>) semaphore(%arg15 : memref<!tpu.dma_semaphore, #tpu.memory_space<semaphore_mem>>)
        %dma_start3A_44 = arith.constant 40 : i32
        %dma_start3A_45 = tpu.memref_slice %arg9[%dma_start3A_44] : memref<4000xi32, #tpu.memory_space<vmem>> -> memref<40xi32, #tpu.memory_space<vmem>>
        %dma_start3A_46 = arith.constant 0 : i32
        %dma_start3A_47 = arith.constant 0 : i32
        %dma_start3A_48 = tpu.memref_slice %arg3[%dma_start3A_46, %dma_start3A_47] : memref<10000x128xf32, #tpu.memory_space<hbm>> -> memref<10000x128xf32, #tpu.memory_space<hbm>>
        tpu.enqueue_indirect_dma source(%dma_start3A_48 : memref<10000x128xf32, #tpu.memory_space<hbm>>) target(%arg12 : memref<40x128xf32, #tpu.memory_space<vmem>>) offsets(%dma_start3A_45 : memref<40xi32, #tpu.memory_space<vmem>>) semaphore(%arg16 : memref<!tpu.dma_semaphore, #tpu.memory_space<semaphore_mem>>)
        %dma_start3A_49 = arith.constant 80 : i32
        %dma_start3A_50 = tpu.memref_slice %arg9[%dma_start3A_49] : memref<4000xi32, #tpu.memory_space<vmem>> -> memref<40xi32, #tpu.memory_space<vmem>>
        %dma_start3A_51 = arith.constant 0 : i32
        %dma_start3A_52 = arith.constant 0 : i32
        %dma_start3A_53 = tpu.memref_slice %arg3[%dma_start3A_51, %dma_start3A_52] : memref<10000x128xf32, #tpu.memory_space<hbm>> -> memref<10000x128xf32, #tpu.memory_space<hbm>>
        tpu.enqueue_indirect_dma source(%dma_start3A_53 : memref<10000x128xf32, #tpu.memory_space<hbm>>) target(%arg13 : memref<40x128xf32, #tpu.memory_space<vmem>>) offsets(%dma_start3A_50 : memref<40xi32, #tpu.memory_space<vmem>>) semaphore(%arg17 : memref<!tpu.dma_semaphore, #tpu.memory_space<semaphore_mem>>)
        %dma_start3A_54 = arith.constant 120 : i32
        %dma_start3A_55 = tpu.memref_slice %arg9[%dma_start3A_54] : memref<4000xi32, #tpu.memory_space<vmem>> -> memref<40xi32, #tpu.memory_space<vmem>>
        %dma_start3A_56 = arith.constant 0 : i32
        %dma_start3A_57 = arith.constant 0 : i32
        %dma_start3A_58 = tpu.memref_slice %arg3[%dma_start3A_56, %dma_start3A_57] : memref<10000x128xf32, #tpu.memory_space<hbm>> -> memref<10000x128xf32, #tpu.memory_space<hbm>>
        tpu.enqueue_indirect_dma source(%dma_start3A_58 : memref<10000x128xf32, #tpu.memory_space<hbm>>) target(%arg14 : memref<40x128xf32, #tpu.memory_space<vmem>>) offsets(%dma_start3A_55 : memref<40xi32, #tpu.memory_space<vmem>>) semaphore(%arg18 : memref<!tpu.dma_semaphore, #tpu.memory_space<semaphore_mem>>)
        %scan3A_59 = arith.constant 0 : i32
        %scan3A_60 = arith.constant 0 : i32
        %scan3A_61 = arith.constant 24 : i32
        %scan3A_62 = arith.addi %scan3A_60, %scan3A_61 : i32
        %scan3A_63 = arith.constant 1 : i32
        %scan3A_64 = scf.for %scan3A_126 = %scan3A_60 to %scan3A_62 step %scan3A_63 iter_args(%scan3A_127 = %scan3A_59) -> (i32)  : i32 {
          %mul3A_128 = arith.constant 4 : i32
          %mul3A_129 = arith.muli %scan3A_126, %mul3A_128 : i32
          %add3A_130 = arith.constant 0 : i32
          %add3A_131 = arith.addi %mul3A_129, %add3A_130 : i32
          %add3A_132 = arith.constant 0 : i32
          %add3A_133 = arith.addi %add3A_131, %add3A_132 : i32
          %mul3A_134 = arith.constant 40 : i32
          %mul3A_135 = arith.muli %add3A_133, %mul3A_134 : i32
          %dma_wait3A_136 = tpu.memref_slice %arg9[%mul3A_135] : memref<4000xi32, #tpu.memory_space<vmem>> -> memref<40xi32, #tpu.memory_space<vmem>>
          %dma_wait3A_137 = arith.constant 0 : i32
          %dma_wait3A_138 = arith.constant 0 : i32
          %dma_wait3A_139 = tpu.memref_slice %arg3[%dma_wait3A_137, %dma_wait3A_138] : memref<10000x128xf32, #tpu.memory_space<hbm>> -> memref<10000x128xf32, #tpu.memory_space<hbm>>
          tpu.wait_indirect_dma semaphore(%arg15 : memref<!tpu.dma_semaphore, #tpu.memory_space<semaphore_mem>>) src(%dma_wait3A_139 : memref<10000x128xf32, #tpu.memory_space<hbm>>) dst(%arg11 : memref<40x128xf32, #tpu.memory_space<vmem>>)
          %add3A_140 = arith.constant 0 : i32
          %add3A_141 = arith.addi %mul3A_129, %add3A_140 : i32
          %add3A_142 = arith.constant 0 : i32
          %add3A_143 = arith.addi %add3A_141, %add3A_142 : i32
          %mul3A_144 = arith.constant 40 : i32
          %mul3A_145 = arith.muli %add3A_143, %mul3A_144 : i32
          %dma_start3A_146 = tpu.memref_slice %arg10[%mul3A_145] : memref<4000xi32, #tpu.memory_space<vmem>> -> memref<40xi32, #tpu.memory_space<vmem>>
          %dma_start3A_147 = arith.constant 0 : i32
          %dma_start3A_148 = arith.constant 0 : i32
          %dma_start3A_149 = tpu.memref_slice %arg23[%dma_start3A_147, %dma_start3A_148] : memref<10000x128xf32, #tpu.memory_space<vmem_shared>> -> memref<10000x128xf32, #tpu.memory_space<vmem_shared>>
          tpu.enqueue_indirect_dma source(%arg11 : memref<40x128xf32, #tpu.memory_space<vmem>>) target(%dma_start3A_149 : memref<10000x128xf32, #tpu.memory_space<vmem_shared>>) offsets(%dma_start3A_146 : memref<40xi32, #tpu.memory_space<vmem>>) semaphore(%arg19 : memref<!tpu.dma_semaphore, #tpu.memory_space<semaphore_mem>>) {add = true}
          %add3A_150 = arith.constant 0 : i32
          %add3A_151 = arith.addi %mul3A_129, %add3A_150 : i32
          %add3A_152 = arith.constant 1 : i32
          %add3A_153 = arith.addi %add3A_151, %add3A_152 : i32
          %mul3A_154 = arith.constant 40 : i32
          %mul3A_155 = arith.muli %add3A_153, %mul3A_154 : i32
          %dma_wait3A_156 = tpu.memref_slice %arg9[%mul3A_155] : memref<4000xi32, #tpu.memory_space<vmem>> -> memref<40xi32, #tpu.memory_space<vmem>>
          %dma_wait3A_157 = arith.constant 0 : i32
          %dma_wait3A_158 = arith.constant 0 : i32
          %dma_wait3A_159 = tpu.memref_slice %arg3[%dma_wait3A_157, %dma_wait3A_158] : memref<10000x128xf32, #tpu.memory_space<hbm>> -> memref<10000x128xf32, #tpu.memory_space<hbm>>
          tpu.wait_indirect_dma semaphore(%arg16 : memref<!tpu.dma_semaphore, #tpu.memory_space<semaphore_mem>>) src(%dma_wait3A_159 : memref<10000x128xf32, #tpu.memory_space<hbm>>) dst(%arg12 : memref<40x128xf32, #tpu.memory_space<vmem>>)
          %add3A_160 = arith.constant 0 : i32
          %add3A_161 = arith.addi %mul3A_129, %add3A_160 : i32
          %add3A_162 = arith.constant 1 : i32
          %add3A_163 = arith.addi %add3A_161, %add3A_162 : i32
          %mul3A_164 = arith.constant 40 : i32
          %mul3A_165 = arith.muli %add3A_163, %mul3A_164 : i32
          %dma_start3A_166 = tpu.memref_slice %arg10[%mul3A_165] : memref<4000xi32, #tpu.memory_space<vmem>> -> memref<40xi32, #tpu.memory_space<vmem>>
          %dma_start3A_167 = arith.constant 0 : i32
          %dma_start3A_168 = arith.constant 0 : i32
          %dma_start3A_169 = tpu.memref_slice %arg23[%dma_start3A_167, %dma_start3A_168] : memref<10000x128xf32, #tpu.memory_space<vmem_shared>> -> memref<10000x128xf32, #tpu.memory_space<vmem_shared>>
          tpu.enqueue_indirect_dma source(%arg12 : memref<40x128xf32, #tpu.memory_space<vmem>>) target(%dma_start3A_169 : memref<10000x128xf32, #tpu.memory_space<vmem_shared>>) offsets(%dma_start3A_166 : memref<40xi32, #tpu.memory_space<vmem>>) semaphore(%arg20 : memref<!tpu.dma_semaphore, #tpu.memory_space<semaphore_mem>>) {add = true}
          %add3A_170 = arith.constant 0 : i32
          %add3A_171 = arith.addi %mul3A_129, %add3A_170 : i32
          %add3A_172 = arith.constant 0 : i32
          %add3A_173 = arith.addi %add3A_171, %add3A_172 : i32
          %mul3A_174 = arith.constant 40 : i32
          %mul3A_175 = arith.muli %add3A_173, %mul3A_174 : i32
          %dma_wait3A_176 = tpu.memref_slice %arg10[%mul3A_175] : memref<4000xi32, #tpu.memory_space<vmem>> -> memref<40xi32, #tpu.memory_space<vmem>>
          %dma_wait3A_177 = arith.constant 0 : i32
          %dma_wait3A_178 = arith.constant 0 : i32
          %dma_wait3A_179 = tpu.memref_slice %arg23[%dma_wait3A_177, %dma_wait3A_178] : memref<10000x128xf32, #tpu.memory_space<vmem_shared>> -> memref<10000x128xf32, #tpu.memory_space<vmem_shared>>
          tpu.wait_indirect_dma semaphore(%arg19 : memref<!tpu.dma_semaphore, #tpu.memory_space<semaphore_mem>>) src(%arg11 : memref<40x128xf32, #tpu.memory_space<vmem>>) dst(%dma_wait3A_179 : memref<10000x128xf32, #tpu.memory_space<vmem_shared>>)
          %add3A_180 = arith.constant 4 : i32
          %add3A_181 = arith.addi %mul3A_129, %add3A_180 : i32
          %add3A_182 = arith.constant 0 : i32
          %add3A_183 = arith.addi %add3A_181, %add3A_182 : i32
          %add3A_184 = arith.constant 0 : i32
          %add3A_185 = arith.addi %add3A_183, %add3A_184 : i32
          %mul3A_186 = arith.constant 40 : i32
          %mul3A_187 = arith.muli %add3A_185, %mul3A_186 : i32
          %dma_start3A_188 = tpu.memref_slice %arg9[%mul3A_187] : memref<4000xi32, #tpu.memory_space<vmem>> -> memref<40xi32, #tpu.memory_space<vmem>>
          %dma_start3A_189 = arith.constant 0 : i32
          %dma_start3A_190 = arith.constant 0 : i32
          %dma_start3A_191 = tpu.memref_slice %arg3[%dma_start3A_189, %dma_start3A_190] : memref<10000x128xf32, #tpu.memory_space<hbm>> -> memref<10000x128xf32, #tpu.memory_space<hbm>>
          tpu.enqueue_indirect_dma source(%dma_start3A_191 : memref<10000x128xf32, #tpu.memory_space<hbm>>) target(%arg11 : memref<40x128xf32, #tpu.memory_space<vmem>>) offsets(%dma_start3A_188 : memref<40xi32, #tpu.memory_space<vmem>>) semaphore(%arg15 : memref<!tpu.dma_semaphore, #tpu.memory_space<semaphore_mem>>)
          %add3A_192 = arith.constant 0 : i32
          %add3A_193 = arith.addi %mul3A_129, %add3A_192 : i32
          %add3A_194 = arith.constant 1 : i32
          %add3A_195 = arith.addi %add3A_193, %add3A_194 : i32
          %mul3A_196 = arith.constant 40 : i32
          %mul3A_197 = arith.muli %add3A_195, %mul3A_196 : i32
          %dma_wait3A_198 = tpu.memref_slice %arg10[%mul3A_197] : memref<4000xi32, #tpu.memory_space<vmem>> -> memref<40xi32, #tpu.memory_space<vmem>>
          %dma_wait3A_199 = arith.constant 0 : i32
          %dma_wait3A_200 = arith.constant 0 : i32
          %dma_wait3A_201 = tpu.memref_slice %arg23[%dma_wait3A_199, %dma_wait3A_200] : memref<10000x128xf32, #tpu.memory_space<vmem_shared>> -> memref<10000x128xf32, #tpu.memory_space<vmem_shared>>
          tpu.wait_indirect_dma semaphore(%arg20 : memref<!tpu.dma_semaphore, #tpu.memory_space<semaphore_mem>>) src(%arg12 : memref<40x128xf32, #tpu.memory_space<vmem>>) dst(%dma_wait3A_201 : memref<10000x128xf32, #tpu.memory_space<vmem_shared>>)
          %add3A_202 = arith.constant 4 : i32
          %add3A_203 = arith.addi %mul3A_129, %add3A_202 : i32
          %add3A_204 = arith.constant 0 : i32
          %add3A_205 = arith.addi %add3A_203, %add3A_204 : i32
          %add3A_206 = arith.constant 1 : i32
          %add3A_207 = arith.addi %add3A_205, %add3A_206 : i32
          %mul3A_208 = arith.constant 40 : i32
          %mul3A_209 = arith.muli %add3A_207, %mul3A_208 : i32
          %dma_start3A_210 = tpu.memref_slice %arg9[%mul3A_209] : memref<4000xi32, #tpu.memory_space<vmem>> -> memref<40xi32, #tpu.memory_space<vmem>>
          %dma_start3A_211 = arith.constant 0 : i32
          %dma_start3A_212 = arith.constant 0 : i32
          %dma_start3A_213 = tpu.memref_slice %arg3[%dma_start3A_211, %dma_start3A_212] : memref<10000x128xf32, #tpu.memory_space<hbm>> -> memref<10000x128xf32, #tpu.memory_space<hbm>>
          tpu.enqueue_indirect_dma source(%dma_start3A_213 : memref<10000x128xf32, #tpu.memory_space<hbm>>) target(%arg12 : memref<40x128xf32, #tpu.memory_space<vmem>>) offsets(%dma_start3A_210 : memref<40xi32, #tpu.memory_space<vmem>>) semaphore(%arg16 : memref<!tpu.dma_semaphore, #tpu.memory_space<semaphore_mem>>)
          %add3A_214 = arith.constant 2 : i32
          %add3A_215 = arith.addi %mul3A_129, %add3A_214 : i32
          %add3A_216 = arith.constant 0 : i32
          %add3A_217 = arith.addi %add3A_215, %add3A_216 : i32
          %mul3A_218 = arith.constant 40 : i32
          %mul3A_219 = arith.muli %add3A_217, %mul3A_218 : i32
          %dma_wait3A_220 = tpu.memref_slice %arg9[%mul3A_219] : memref<4000xi32, #tpu.memory_space<vmem>> -> memref<40xi32, #tpu.memory_space<vmem>>
          %dma_wait3A_221 = arith.constant 0 : i32
          %dma_wait3A_222 = arith.constant 0 : i32
          %dma_wait3A_223 = tpu.memref_slice %arg3[%dma_wait3A_221, %dma_wait3A_222] : memref<10000x128xf32, #tpu.memory_space<hbm>> -> memref<10000x128xf32, #tpu.memory_space<hbm>>
          tpu.wait_indirect_dma semaphore(%arg17 : memref<!tpu.dma_semaphore, #tpu.memory_space<semaphore_mem>>) src(%dma_wait3A_223 : memref<10000x128xf32, #tpu.memory_space<hbm>>) dst(%arg13 : memref<40x128xf32, #tpu.memory_space<vmem>>)
          %add3A_224 = arith.constant 2 : i32
          %add3A_225 = arith.addi %mul3A_129, %add3A_224 : i32
          %add3A_226 = arith.constant 0 : i32
          %add3A_227 = arith.addi %add3A_225, %add3A_226 : i32
          %mul3A_228 = arith.constant 40 : i32
          %mul3A_229 = arith.muli %add3A_227, %mul3A_228 : i32
          %dma_start3A_230 = tpu.memref_slice %arg10[%mul3A_229] : memref<4000xi32, #tpu.memory_space<vmem>> -> memref<40xi32, #tpu.memory_space<vmem>>
          %dma_start3A_231 = arith.constant 0 : i32
          %dma_start3A_232 = arith.constant 0 : i32
          %dma_start3A_233 = tpu.memref_slice %arg23[%dma_start3A_231, %dma_start3A_232] : memref<10000x128xf32, #tpu.memory_space<vmem_shared>> -> memref<10000x128xf32, #tpu.memory_space<vmem_shared>>
          tpu.enqueue_indirect_dma source(%arg13 : memref<40x128xf32, #tpu.memory_space<vmem>>) target(%dma_start3A_233 : memref<10000x128xf32, #tpu.memory_space<vmem_shared>>) offsets(%dma_start3A_230 : memref<40xi32, #tpu.memory_space<vmem>>) semaphore(%arg21 : memref<!tpu.dma_semaphore, #tpu.memory_space<semaphore_mem>>) {add = true}
          %add3A_234 = arith.constant 2 : i32
          %add3A_235 = arith.addi %mul3A_129, %add3A_234 : i32
          %add3A_236 = arith.constant 1 : i32
          %add3A_237 = arith.addi %add3A_235, %add3A_236 : i32
          %mul3A_238 = arith.constant 40 : i32
          %mul3A_239 = arith.muli %add3A_237, %mul3A_238 : i32
          %dma_wait3A_240 = tpu.memref_slice %arg9[%mul3A_239] : memref<4000xi32, #tpu.memory_space<vmem>> -> memref<40xi32, #tpu.memory_space<vmem>>
          %dma_wait3A_241 = arith.constant 0 : i32
          %dma_wait3A_242 = arith.constant 0 : i32
          %dma_wait3A_243 = tpu.memref_slice %arg3[%dma_wait3A_241, %dma_wait3A_242] : memref<10000x128xf32, #tpu.memory_space<hbm>> -> memref<10000x128xf32, #tpu.memory_space<hbm>>
          tpu.wait_indirect_dma semaphore(%arg18 : memref<!tpu.dma_semaphore, #tpu.memory_space<semaphore_mem>>) src(%dma_wait3A_243 : memref<10000x128xf32, #tpu.memory_space<hbm>>) dst(%arg14 : memref<40x128xf32, #tpu.memory_space<vmem>>)
          %add3A_244 = arith.constant 2 : i32
          %add3A_245 = arith.addi %mul3A_129, %add3A_244 : i32
          %add3A_246 = arith.constant 1 : i32
          %add3A_247 = arith.addi %add3A_245, %add3A_246 : i32
          %mul3A_248 = arith.constant 40 : i32
          %mul3A_249 = arith.muli %add3A_247, %mul3A_248 : i32
          %dma_start3A_250 = tpu.memref_slice %arg10[%mul3A_249] : memref<4000xi32, #tpu.memory_space<vmem>> -> memref<40xi32, #tpu.memory_space<vmem>>
          %dma_start3A_251 = arith.constant 0 : i32
          %dma_start3A_252 = arith.constant 0 : i32
          %dma_start3A_253 = tpu.memref_slice %arg23[%dma_start3A_251, %dma_start3A_252] : memref<10000x128xf32, #tpu.memory_space<vmem_shared>> -> memref<10000x128xf32, #tpu.memory_space<vmem_shared>>
          tpu.enqueue_indirect_dma source(%arg14 : memref<40x128xf32, #tpu.memory_space<vmem>>) target(%dma_start3A_253 : memref<10000x128xf32, #tpu.memory_space<vmem_shared>>) offsets(%dma_start3A_250 : memref<40xi32, #tpu.memory_space<vmem>>) semaphore(%arg22 : memref<!tpu.dma_semaphore, #tpu.memory_space<semaphore_mem>>) {add = true}
          %add3A_254 = arith.constant 2 : i32
          %add3A_255 = arith.addi %mul3A_129, %add3A_254 : i32
          %add3A_256 = arith.constant 0 : i32
          %add3A_257 = arith.addi %add3A_255, %add3A_256 : i32
          %mul3A_258 = arith.constant 40 : i32
          %mul3A_259 = arith.muli %add3A_257, %mul3A_258 : i32
          %dma_wait3A_260 = tpu.memref_slice %arg10[%mul3A_259] : memref<4000xi32, #tpu.memory_space<vmem>> -> memref<40xi32, #tpu.memory_space<vmem>>
          %dma_wait3A_261 = arith.constant 0 : i32
          %dma_wait3A_262 = arith.constant 0 : i32
          %dma_wait3A_263 = tpu.memref_slice %arg23[%dma_wait3A_261, %dma_wait3A_262] : memref<10000x128xf32, #tpu.memory_space<vmem_shared>> -> memref<10000x128xf32, #tpu.memory_space<vmem_shared>>
          tpu.wait_indirect_dma semaphore(%arg21 : memref<!tpu.dma_semaphore, #tpu.memory_space<semaphore_mem>>) src(%arg13 : memref<40x128xf32, #tpu.memory_space<vmem>>) dst(%dma_wait3A_263 : memref<10000x128xf32, #tpu.memory_space<vmem_shared>>)
          %add3A_264 = arith.constant 4 : i32
          %add3A_265 = arith.addi %mul3A_129, %add3A_264 : i32
          %add3A_266 = arith.constant 2 : i32
          %add3A_267 = arith.addi %add3A_265, %add3A_266 : i32
          %add3A_268 = arith.constant 0 : i32
          %add3A_269 = arith.addi %add3A_267, %add3A_268 : i32
          %mul3A_270 = arith.constant 40 : i32
          %mul3A_271 = arith.muli %add3A_269, %mul3A_270 : i32
          %dma_start3A_272 = tpu.memref_slice %arg9[%mul3A_271] : memref<4000xi32, #tpu.memory_space<vmem>> -> memref<40xi32, #tpu.memory_space<vmem>>
          %dma_start3A_273 = arith.constant 0 : i32
          %dma_start3A_274 = arith.constant 0 : i32
          %dma_start3A_275 = tpu.memref_slice %arg3[%dma_start3A_273, %dma_start3A_274] : memref<10000x128xf32, #tpu.memory_space<hbm>> -> memref<10000x128xf32, #tpu.memory_space<hbm>>
          tpu.enqueue_indirect_dma source(%dma_start3A_275 : memref<10000x128xf32, #tpu.memory_space<hbm>>) target(%arg13 : memref<40x128xf32, #tpu.memory_space<vmem>>) offsets(%dma_start3A_272 : memref<40xi32, #tpu.memory_space<vmem>>) semaphore(%arg17 : memref<!tpu.dma_semaphore, #tpu.memory_space<semaphore_mem>>)
          %add3A_276 = arith.constant 2 : i32
          %add3A_277 = arith.addi %mul3A_129, %add3A_276 : i32
          %add3A_278 = arith.constant 1 : i32
          %add3A_279 = arith.addi %add3A_277, %add3A_278 : i32
          %mul3A_280 = arith.constant 40 : i32
          %mul3A_281 = arith.muli %add3A_279, %mul3A_280 : i32
          %dma_wait3A_282 = tpu.memref_slice %arg10[%mul3A_281] : memref<4000xi32, #tpu.memory_space<vmem>> -> memref<40xi32, #tpu.memory_space<vmem>>
          %dma_wait3A_283 = arith.constant 0 : i32
          %dma_wait3A_284 = arith.constant 0 : i32
          %dma_wait3A_285 = tpu.memref_slice %arg23[%dma_wait3A_283, %dma_wait3A_284] : memref<10000x128xf32, #tpu.memory_space<vmem_shared>> -> memref<10000x128xf32, #tpu.memory_space<vmem_shared>>
          tpu.wait_indirect_dma semaphore(%arg22 : memref<!tpu.dma_semaphore, #tpu.memory_space<semaphore_mem>>) src(%arg14 : memref<40x128xf32, #tpu.memory_space<vmem>>) dst(%dma_wait3A_285 : memref<10000x128xf32, #tpu.memory_space<vmem_shared>>)
          %add3A_286 = arith.constant 4 : i32
          %add3A_287 = arith.addi %mul3A_129, %add3A_286 : i32
          %add3A_288 = arith.constant 2 : i32
          %add3A_289 = arith.addi %add3A_287, %add3A_288 : i32
          %add3A_290 = arith.constant 1 : i32
          %add3A_291 = arith.addi %add3A_289, %add3A_290 : i32
          %mul3A_292 = arith.constant 40 : i32
          %mul3A_293 = arith.muli %add3A_291, %mul3A_292 : i32
          %dma_start3A_294 = tpu.memref_slice %arg9[%mul3A_293] : memref<4000xi32, #tpu.memory_space<vmem>> -> memref<40xi32, #tpu.memory_space<vmem>>
          %dma_start3A_295 = arith.constant 0 : i32
          %dma_start3A_296 = arith.constant 0 : i32
          %dma_start3A_297 = tpu.memref_slice %arg3[%dma_start3A_295, %dma_start3A_296] : memref<10000x128xf32, #tpu.memory_space<hbm>> -> memref<10000x128xf32, #tpu.memory_space<hbm>>
          tpu.enqueue_indirect_dma source(%dma_start3A_297 : memref<10000x128xf32, #tpu.memory_space<hbm>>) target(%arg14 : memref<40x128xf32, #tpu.memory_space<vmem>>) offsets(%dma_start3A_294 : memref<40xi32, #tpu.memory_space<vmem>>) semaphore(%arg18 : memref<!tpu.dma_semaphore, #tpu.memory_space<semaphore_mem>>)
          %scan3A_298 = arith.constant 0 : i32
          scf.yield %scan3A_298 : i32
        }
        %scan3A_65 = arith.constant 24 : i32
        %dma_wait3A = arith.constant 3840 : i32
        %dma_wait3A_66 = tpu.memref_slice %arg9[%dma_wait3A] : memref<4000xi32, #tpu.memory_space<vmem>> -> memref<40xi32, #tpu.memory_space<vmem>>
        %dma_wait3A_67 = arith.constant 0 : i32
        %dma_wait3A_68 = arith.constant 0 : i32
        %dma_wait3A_69 = tpu.memref_slice %arg3[%dma_wait3A_67, %dma_wait3A_68] : memref<10000x128xf32, #tpu.memory_space<hbm>> -> memref<10000x128xf32, #tpu.memory_space<hbm>>
        tpu.wait_indirect_dma semaphore(%arg15 : memref<!tpu.dma_semaphore, #tpu.memory_space<semaphore_mem>>) src(%dma_wait3A_69 : memref<10000x128xf32, #tpu.memory_space<hbm>>) dst(%arg11 : memref<40x128xf32, #tpu.memory_space<vmem>>)
        %dma_start3A_70 = arith.constant 3840 : i32
        %dma_start3A_71 = tpu.memref_slice %arg10[%dma_start3A_70] : memref<4000xi32, #tpu.memory_space<vmem>> -> memref<40xi32, #tpu.memory_space<vmem>>
        %dma_start3A_72 = arith.constant 0 : i32
        %dma_start3A_73 = arith.constant 0 : i32
        %dma_start3A_74 = tpu.memref_slice %arg23[%dma_start3A_72, %dma_start3A_73] : memref<10000x128xf32, #tpu.memory_space<vmem_shared>> -> memref<10000x128xf32, #tpu.memory_space<vmem_shared>>
        tpu.enqueue_indirect_dma source(%arg11 : memref<40x128xf32, #tpu.memory_space<vmem>>) target(%dma_start3A_74 : memref<10000x128xf32, #tpu.memory_space<vmem_shared>>) offsets(%dma_start3A_71 : memref<40xi32, #tpu.memory_space<vmem>>) semaphore(%arg19 : memref<!tpu.dma_semaphore, #tpu.memory_space<semaphore_mem>>) {add = true}
        %dma_wait3A_75 = arith.constant 3880 : i32
        %dma_wait3A_76 = tpu.memref_slice %arg9[%dma_wait3A_75] : memref<4000xi32, #tpu.memory_space<vmem>> -> memref<40xi32, #tpu.memory_space<vmem>>
        %dma_wait3A_77 = arith.constant 0 : i32
        %dma_wait3A_78 = arith.constant 0 : i32
        %dma_wait3A_79 = tpu.memref_slice %arg3[%dma_wait3A_77, %dma_wait3A_78] : memref<10000x128xf32, #tpu.memory_space<hbm>> -> memref<10000x128xf32, #tpu.memory_space<hbm>>
        tpu.wait_indirect_dma semaphore(%arg16 : memref<!tpu.dma_semaphore, #tpu.memory_space<semaphore_mem>>) src(%dma_wait3A_79 : memref<10000x128xf32, #tpu.memory_space<hbm>>) dst(%arg12 : memref<40x128xf32, #tpu.memory_space<vmem>>)
        %dma_start3A_80 = arith.constant 3880 : i32
        %dma_start3A_81 = tpu.memref_slice %arg10[%dma_start3A_80] : memref<4000xi32, #tpu.memory_space<vmem>> -> memref<40xi32, #tpu.memory_space<vmem>>
        %dma_start3A_82 = arith.constant 0 : i32
        %dma_start3A_83 = arith.constant 0 : i32
        %dma_start3A_84 = tpu.memref_slice %arg23[%dma_start3A_82, %dma_start3A_83] : memref<10000x128xf32, #tpu.memory_space<vmem_shared>> -> memref<10000x128xf32, #tpu.memory_space<vmem_shared>>
        tpu.enqueue_indirect_dma source(%arg12 : memref<40x128xf32, #tpu.memory_space<vmem>>) target(%dma_start3A_84 : memref<10000x128xf32, #tpu.memory_space<vmem_shared>>) offsets(%dma_start3A_81 : memref<40xi32, #tpu.memory_space<vmem>>) semaphore(%arg20 : memref<!tpu.dma_semaphore, #tpu.memory_space<semaphore_mem>>) {add = true}
        %dma_wait3A_85 = arith.constant 3920 : i32
        %dma_wait3A_86 = tpu.memref_slice %arg9[%dma_wait3A_85] : memref<4000xi32, #tpu.memory_space<vmem>> -> memref<40xi32, #tpu.memory_space<vmem>>
        %dma_wait3A_87 = arith.constant 0 : i32
        %dma_wait3A_88 = arith.constant 0 : i32
        %dma_wait3A_89 = tpu.memref_slice %arg3[%dma_wait3A_87, %dma_wait3A_88] : memref<10000x128xf32, #tpu.memory_space<hbm>> -> memref<10000x128xf32, #tpu.memory_space<hbm>>
        tpu.wait_indirect_dma semaphore(%arg17 : memref<!tpu.dma_semaphore, #tpu.memory_space<semaphore_mem>>) src(%dma_wait3A_89 : memref<10000x128xf32, #tpu.memory_space<hbm>>) dst(%arg13 : memref<40x128xf32, #tpu.memory_space<vmem>>)
        %dma_start3A_90 = arith.constant 3920 : i32
        %dma_start3A_91 = tpu.memref_slice %arg10[%dma_start3A_90] : memref<4000xi32, #tpu.memory_space<vmem>> -> memref<40xi32, #tpu.memory_space<vmem>>
        %dma_start3A_92 = arith.constant 0 : i32
        %dma_start3A_93 = arith.constant 0 : i32
        %dma_start3A_94 = tpu.memref_slice %arg23[%dma_start3A_92, %dma_start3A_93] : memref<10000x128xf32, #tpu.memory_space<vmem_shared>> -> memref<10000x128xf32, #tpu.memory_space<vmem_shared>>
        tpu.enqueue_indirect_dma source(%arg13 : memref<40x128xf32, #tpu.memory_space<vmem>>) target(%dma_start3A_94 : memref<10000x128xf32, #tpu.memory_space<vmem_shared>>) offsets(%dma_start3A_91 : memref<40xi32, #tpu.memory_space<vmem>>) semaphore(%arg21 : memref<!tpu.dma_semaphore, #tpu.memory_space<semaphore_mem>>) {add = true}
        %dma_wait3A_95 = arith.constant 3960 : i32
        %dma_wait3A_96 = tpu.memref_slice %arg9[%dma_wait3A_95] : memref<4000xi32, #tpu.memory_space<vmem>> -> memref<40xi32, #tpu.memory_space<vmem>>
        %dma_wait3A_97 = arith.constant 0 : i32
        %dma_wait3A_98 = arith.constant 0 : i32
        %dma_wait3A_99 = tpu.memref_slice %arg3[%dma_wait3A_97, %dma_wait3A_98] : memref<10000x128xf32, #tpu.memory_space<hbm>> -> memref<10000x128xf32, #tpu.memory_space<hbm>>
        tpu.wait_indirect_dma semaphore(%arg18 : memref<!tpu.dma_semaphore, #tpu.memory_space<semaphore_mem>>) src(%dma_wait3A_99 : memref<10000x128xf32, #tpu.memory_space<hbm>>) dst(%arg14 : memref<40x128xf32, #tpu.memory_space<vmem>>)
        %dma_start3A_100 = arith.constant 3960 : i32
        %dma_start3A_101 = tpu.memref_slice %arg10[%dma_start3A_100] : memref<4000xi32, #tpu.memory_space<vmem>> -> memref<40xi32, #tpu.memory_space<vmem>>
        %dma_start3A_102 = arith.constant 0 : i32
        %dma_start3A_103 = arith.constant 0 : i32
        %dma_start3A_104 = tpu.memref_slice %arg23[%dma_start3A_102, %dma_start3A_103] : memref<10000x128xf32, #tpu.memory_space<vmem_shared>> -> memref<10000x128xf32, #tpu.memory_space<vmem_shared>>
        tpu.enqueue_indirect_dma source(%arg14 : memref<40x128xf32, #tpu.memory_space<vmem>>) target(%dma_start3A_104 : memref<10000x128xf32, #tpu.memory_space<vmem_shared>>) offsets(%dma_start3A_101 : memref<40xi32, #tpu.memory_space<vmem>>) semaphore(%arg22 : memref<!tpu.dma_semaphore, #tpu.memory_space<semaphore_mem>>) {add = true}
        %dma_wait3A_105 = arith.constant 3840 : i32
        %dma_wait3A_106 = tpu.memref_slice %arg10[%dma_wait3A_105] : memref<4000xi32, #tpu.memory_space<vmem>> -> memref<40xi32, #tpu.memory_space<vmem>>
        %dma_wait3A_107 = arith.constant 0 : i32
        %dma_wait3A_108 = arith.constant 0 : i32
        %dma_wait3A_109 = tpu.memref_slice %arg23[%dma_wait3A_107, %dma_wait3A_108] : memref<10000x128xf32, #tpu.memory_space<vmem_shared>> -> memref<10000x128xf32, #tpu.memory_space<vmem_shared>>
        tpu.wait_indirect_dma semaphore(%arg19 : memref<!tpu.dma_semaphore, #tpu.memory_space<semaphore_mem>>) src(%arg11 : memref<40x128xf32, #tpu.memory_space<vmem>>) dst(%dma_wait3A_109 : memref<10000x128xf32, #tpu.memory_space<vmem_shared>>)
        %dma_wait3A_110 = arith.constant 3880 : i32
        %dma_wait3A_111 = tpu.memref_slice %arg10[%dma_wait3A_110] : memref<4000xi32, #tpu.memory_space<vmem>> -> memref<40xi32, #tpu.memory_space<vmem>>
        %dma_wait3A_112 = arith.constant 0 : i32
        %dma_wait3A_113 = arith.constant 0 : i32
        %dma_wait3A_114 = tpu.memref_slice %arg23[%dma_wait3A_112, %dma_wait3A_113] : memref<10000x128xf32, #tpu.memory_space<vmem_shared>> -> memref<10000x128xf32, #tpu.memory_space<vmem_shared>>
        tpu.wait_indirect_dma semaphore(%arg20 : memref<!tpu.dma_semaphore, #tpu.memory_space<semaphore_mem>>) src(%arg12 : memref<40x128xf32, #tpu.memory_space<vmem>>) dst(%dma_wait3A_114 : memref<10000x128xf32, #tpu.memory_space<vmem_shared>>)
        %dma_wait3A_115 = arith.constant 3920 : i32
        %dma_wait3A_116 = tpu.memref_slice %arg10[%dma_wait3A_115] : memref<4000xi32, #tpu.memory_space<vmem>> -> memref<40xi32, #tpu.memory_space<vmem>>
        %dma_wait3A_117 = arith.constant 0 : i32
        %dma_wait3A_118 = arith.constant 0 : i32
        %dma_wait3A_119 = tpu.memref_slice %arg23[%dma_wait3A_117, %dma_wait3A_118] : memref<10000x128xf32, #tpu.memory_space<vmem_shared>> -> memref<10000x128xf32, #tpu.memory_space<vmem_shared>>
        tpu.wait_indirect_dma semaphore(%arg21 : memref<!tpu.dma_semaphore, #tpu.memory_space<semaphore_mem>>) src(%arg13 : memref<40x128xf32, #tpu.memory_space<vmem>>) dst(%dma_wait3A_119 : memref<10000x128xf32, #tpu.memory_space<vmem_shared>>)
        %dma_wait3A_120 = arith.constant 3960 : i32
        %dma_wait3A_121 = tpu.memref_slice %arg10[%dma_wait3A_120] : memref<4000xi32, #tpu.memory_space<vmem>> -> memref<40xi32, #tpu.memory_space<vmem>>
        %dma_wait3A_122 = arith.constant 0 : i32
        %dma_wait3A_123 = arith.constant 0 : i32
        %dma_wait3A_124 = tpu.memref_slice %arg23[%dma_wait3A_122, %dma_wait3A_123] : memref<10000x128xf32, #tpu.memory_space<vmem_shared>> -> memref<10000x128xf32, #tpu.memory_space<vmem_shared>>
        tpu.wait_indirect_dma semaphore(%arg22 : memref<!tpu.dma_semaphore, #tpu.memory_space<semaphore_mem>>) src(%arg14 : memref<40x128xf32, #tpu.memory_space<vmem>>) dst(%dma_wait3A_124 : memref<10000x128xf32, #tpu.memory_space<vmem_shared>>)
        %scan3A_125 = arith.constant 0 : i32
        scf.yield %scan3A_125 : i32
      }
      %scan3A_33 = arith.constant 5 : i32
    } else {
    }
    %barrier3A_17 = arith.constant 0 : index
    tpu.barrier barrier_id(%barrier3A_17)
    %eq3A_18 = arith.constant 0 : i32
    %eq3A_19 = arith.cmpi eq, %arg0, %eq3A_18 : i32
    %convert_element_type3A_20 = arith.extui %eq3A_19 : i1 to i32
    %cond3A_21 = arith.constant 0 : i32
    %cond3A_22 = arith.cmpi ne, %convert_element_type3A_20, %cond3A_21 : i32
    scf.if %cond3A_22 {
      %lt3A_28 = arith.constant 15 : i32
      %lt3A_29 = arith.cmpi slt, %arg1, %lt3A_28 : i32
      %convert_element_type3A_30 = arith.extui %lt3A_29 : i1 to i32
      %cond3A_31 = arith.constant 0 : i32
      %cond3A_32 = arith.cmpi ne, %convert_element_type3A_30, %cond3A_31 : i32
      scf.if %cond3A_32 {
        "tpu.region"() ({
          %run_scoped3A = tpu.sem_alloc : memref<!tpu.dma_semaphore, #tpu.memory_space<semaphore_mem>>
          %dma_start3A = arith.constant 0 : i32
          %dma_start3A_38 = tpu.memref_slice %arg7[%mul3A_0, %dma_start3A] : memref<10000x128xf32, #tpu.memory_space<hbm>> -> memref<624x128xf32, #tpu.memory_space<hbm>>
          %dma_start3A_39 = arith.constant 0 : i32
          %dma_start3A_40 = tpu.memref_slice %arg23[%mul3A_0, %dma_start3A_39] : memref<10000x128xf32, #tpu.memory_space<vmem_shared>> -> memref<624x128xf32, #tpu.memory_space<vmem_shared>>
          tpu.enqueue_dma source(%dma_start3A_40 : memref<624x128xf32, #tpu.memory_space<vmem_shared>>) target(%dma_start3A_38 : memref<624x128xf32, #tpu.memory_space<hbm>>) target_semaphore(%run_scoped3A : memref<!tpu.dma_semaphore, #tpu.memory_space<semaphore_mem>>)
          %dma_wait3A = arith.constant 0 : i32
          %dma_wait3A_41 = tpu.memref_slice %arg7[%mul3A_0, %dma_wait3A] : memref<10000x128xf32, #tpu.memory_space<hbm>> -> memref<624x128xf32, #tpu.memory_space<hbm>>
          %dma_wait3A_42 = arith.constant 0 : i32
          %dma_wait3A_43 = tpu.memref_slice %arg23[%mul3A_0, %dma_wait3A_42] : memref<10000x128xf32, #tpu.memory_space<vmem_shared>> -> memref<624x128xf32, #tpu.memory_space<vmem_shared>>
          tpu.wait_dma2 semaphore(%run_scoped3A : memref<!tpu.dma_semaphore, #tpu.memory_space<semaphore_mem>>) src(%dma_wait3A_43 : memref<624x128xf32, #tpu.memory_space<vmem_shared>>) dst(%dma_wait3A_41 : memref<624x128xf32, #tpu.memory_space<hbm>>)
          tpu.yield
        }) : () -> ()
      } else {
      }
      %eq3A_33 = arith.constant 15 : i32
      %eq3A_34 = arith.cmpi eq, %arg1, %eq3A_33 : i32
      %convert_element_type3A_35 = arith.extui %eq3A_34 : i1 to i32
      %cond3A_36 = arith.constant 0 : i32
      %cond3A_37 = arith.cmpi ne, %convert_element_type3A_35, %cond3A_36 : i32
      scf.if %cond3A_37 {
        "tpu.region"() ({
          %run_scoped3A = tpu.sem_alloc : memref<!tpu.dma_semaphore, #tpu.memory_space<semaphore_mem>>
          %dma_start3A = arith.constant 0 : i32
          %dma_start3A_38 = tpu.memref_slice %arg7[%mul3A_0, %dma_start3A] : memref<10000x128xf32, #tpu.memory_space<hbm>> -> memref<640x128xf32, #tpu.memory_space<hbm>>
          %dma_start3A_39 = arith.constant 0 : i32
          %dma_start3A_40 = tpu.memref_slice %arg23[%mul3A_0, %dma_start3A_39] : memref<10000x128xf32, #tpu.memory_space<vmem_shared>> -> memref<640x128xf32, #tpu.memory_space<vmem_shared>>
          tpu.enqueue_dma source(%dma_start3A_40 : memref<640x128xf32, #tpu.memory_space<vmem_shared>>) target(%dma_start3A_38 : memref<640x128xf32, #tpu.memory_space<hbm>>) target_semaphore(%run_scoped3A : memref<!tpu.dma_semaphore, #tpu.memory_space<semaphore_mem>>)
          %dma_wait3A = arith.constant 0 : i32
          %dma_wait3A_41 = tpu.memref_slice %arg7[%mul3A_0, %dma_wait3A] : memref<10000x128xf32, #tpu.memory_space<hbm>> -> memref<640x128xf32, #tpu.memory_space<hbm>>
          %dma_wait3A_42 = arith.constant 0 : i32
          %dma_wait3A_43 = tpu.memref_slice %arg23[%mul3A_0, %dma_wait3A_42] : memref<10000x128xf32, #tpu.memory_space<vmem_shared>> -> memref<640x128xf32, #tpu.memory_space<vmem_shared>>
          tpu.wait_dma2 semaphore(%run_scoped3A : memref<!tpu.dma_semaphore, #tpu.memory_space<semaphore_mem>>) src(%dma_wait3A_43 : memref<640x128xf32, #tpu.memory_space<vmem_shared>>) dst(%dma_wait3A_41 : memref<640x128xf32, #tpu.memory_space<hbm>>)
          tpu.yield
        }) : () -> ()
      } else {
      }
    } else {
    }
    %eq3A_23 = arith.constant 1 : i32
    %eq3A_24 = arith.cmpi eq, %arg0, %eq3A_23 : i32
    %convert_element_type3A_25 = arith.extui %eq3A_24 : i1 to i32
    %cond3A_26 = arith.constant 0 : i32
    %cond3A_27 = arith.cmpi ne, %convert_element_type3A_25, %cond3A_26 : i32
    scf.if %cond3A_27 {
      %lt3A_28 = arith.constant 15 : i32
      %lt3A_29 = arith.cmpi slt, %arg1, %lt3A_28 : i32
      %convert_element_type3A_30 = arith.extui %lt3A_29 : i1 to i32
      %cond3A_31 = arith.constant 0 : i32
      %cond3A_32 = arith.cmpi ne, %convert_element_type3A_30, %cond3A_31 : i32
      scf.if %cond3A_32 {
        "tpu.region"() ({
          %run_scoped3A = tpu.sem_alloc : memref<!tpu.dma_semaphore, #tpu.memory_space<semaphore_mem>>
          %dma_start3A = arith.constant 0 : i32
          %dma_start3A_38 = tpu.memref_slice %arg8[%mul3A_0, %dma_start3A] : memref<10000x128xf32, #tpu.memory_space<hbm>> -> memref<624x128xf32, #tpu.memory_space<hbm>>
          %dma_start3A_39 = arith.constant 0 : i32
          %dma_start3A_40 = tpu.memref_slice %arg23[%mul3A_0, %dma_start3A_39] : memref<10000x128xf32, #tpu.memory_space<vmem_shared>> -> memref<624x128xf32, #tpu.memory_space<vmem_shared>>
          tpu.enqueue_dma source(%dma_start3A_40 : memref<624x128xf32, #tpu.memory_space<vmem_shared>>) target(%dma_start3A_38 : memref<624x128xf32, #tpu.memory_space<hbm>>) target_semaphore(%run_scoped3A : memref<!tpu.dma_semaphore, #tpu.memory_space<semaphore_mem>>)
          %dma_wait3A = arith.constant 0 : i32
          %dma_wait3A_41 = tpu.memref_slice %arg8[%mul3A_0, %dma_wait3A] : memref<10000x128xf32, #tpu.memory_space<hbm>> -> memref<624x128xf32, #tpu.memory_space<hbm>>
          %dma_wait3A_42 = arith.constant 0 : i32
          %dma_wait3A_43 = tpu.memref_slice %arg23[%mul3A_0, %dma_wait3A_42] : memref<10000x128xf32, #tpu.memory_space<vmem_shared>> -> memref<624x128xf32, #tpu.memory_space<vmem_shared>>
          tpu.wait_dma2 semaphore(%run_scoped3A : memref<!tpu.dma_semaphore, #tpu.memory_space<semaphore_mem>>) src(%dma_wait3A_43 : memref<624x128xf32, #tpu.memory_space<vmem_shared>>) dst(%dma_wait3A_41 : memref<624x128xf32, #tpu.memory_space<hbm>>)
          tpu.yield
        }) : () -> ()
      } else {
      }
      %eq3A_33 = arith.constant 15 : i32
      %eq3A_34 = arith.cmpi eq, %arg1, %eq3A_33 : i32
      %convert_element_type3A_35 = arith.extui %eq3A_34 : i1 to i32
      %cond3A_36 = arith.constant 0 : i32
      %cond3A_37 = arith.cmpi ne, %convert_element_type3A_35, %cond3A_36 : i32
      scf.if %cond3A_37 {
        "tpu.region"() ({
          %run_scoped3A = tpu.sem_alloc : memref<!tpu.dma_semaphore, #tpu.memory_space<semaphore_mem>>
          %dma_start3A = arith.constant 0 : i32
          %dma_start3A_38 = tpu.memref_slice %arg8[%mul3A_0, %dma_start3A] : memref<10000x128xf32, #tpu.memory_space<hbm>> -> memref<640x128xf32, #tpu.memory_space<hbm>>
          %dma_start3A_39 = arith.constant 0 : i32
          %dma_start3A_40 = tpu.memref_slice %arg23[%mul3A_0, %dma_start3A_39] : memref<10000x128xf32, #tpu.memory_space<vmem_shared>> -> memref<640x128xf32, #tpu.memory_space<vmem_shared>>
          tpu.enqueue_dma source(%dma_start3A_40 : memref<640x128xf32, #tpu.memory_space<vmem_shared>>) target(%dma_start3A_38 : memref<640x128xf32, #tpu.memory_space<hbm>>) target_semaphore(%run_scoped3A : memref<!tpu.dma_semaphore, #tpu.memory_space<semaphore_mem>>)
          %dma_wait3A = arith.constant 0 : i32
          %dma_wait3A_41 = tpu.memref_slice %arg8[%mul3A_0, %dma_wait3A] : memref<10000x128xf32, #tpu.memory_space<hbm>> -> memref<640x128xf32, #tpu.memory_space<hbm>>
          %dma_wait3A_42 = arith.constant 0 : i32
          %dma_wait3A_43 = tpu.memref_slice %arg23[%mul3A_0, %dma_wait3A_42] : memref<10000x128xf32, #tpu.memory_space<vmem_shared>> -> memref<640x128xf32, #tpu.memory_space<vmem_shared>>
          tpu.wait_dma2 semaphore(%run_scoped3A : memref<!tpu.dma_semaphore, #tpu.memory_space<semaphore_mem>>) src(%dma_wait3A_43 : memref<640x128xf32, #tpu.memory_space<vmem_shared>>) dst(%dma_wait3A_41 : memref<640x128xf32, #tpu.memory_space<hbm>>)
          tpu.yield
        }) : () -> ()
      } else {
      }
    } else {
    }
    return
  }
}

module attributes {stable_mosaic.version = 14 : i64} {
  func.func @_tc_dense_body(%arg0: i32, %arg1: memref<1000x128xf32, #tpu.memory_space<vmem>>, %arg2: memref<1000x128xf32, #tpu.memory_space<vmem>>, %arg3: memref<1000x128xf32, #tpu.memory_space<vmem>>, %arg4: memref<1000x128xf32, #tpu.memory_space<vmem>>, %arg5: memref<1x128x128xf32, #tpu.memory_space<vmem>>, %arg6: memref<1x128x128xf32, #tpu.memory_space<vmem>>, %arg7: memref<1x1x128xf32, #tpu.memory_space<vmem>>, %arg8: memref<1x128x128xf32, #tpu.memory_space<vmem>>, %arg9: memref<1x128x128xf32, #tpu.memory_space<vmem>>, %arg10: memref<1x1x128xf32, #tpu.memory_space<vmem>>, %arg11: memref<1000x128xf32, #tpu.memory_space<vmem>>, %arg12: memref<1000x128xf32, #tpu.memory_space<vmem>>) attributes {dimension_semantics = [#tpu.dimension_semantics<arbitrary>], iteration_bounds = array<i64: 10>, scalar_prefetch = 0 : i64, scratch_operands = 0 : i64, tpu.core_type = #tpu.core_type<tc>, window_params = [{transform_indices = @transform_0, window_bounds = array<i64: 1000, 128>}, {transform_indices = @transform_1, window_bounds = array<i64: 1000, 128>}, {transform_indices = @transform_2, window_bounds = array<i64: 1000, 128>}, {transform_indices = @transform_3, window_bounds = array<i64: 1000, 128>}, {transform_indices = @transform_4, window_bounds = array<i64: 1, 128, 128>}, {transform_indices = @transform_5, window_bounds = array<i64: 1, 128, 128>}, {transform_indices = @transform_6, window_bounds = array<i64: 1, 1, 128>}, {transform_indices = @transform_7, window_bounds = array<i64: 1, 128, 128>}, {transform_indices = @transform_8, window_bounds = array<i64: 1, 128, 128>}, {transform_indices = @transform_9, window_bounds = array<i64: 1, 1, 128>}, {transform_indices = @transform_10, window_bounds = array<i64: 1000, 128>}, {transform_indices = @transform_11, window_bounds = array<i64: 1000, 128>}]} {
    %get3A = arith.constant 0 : index
    %get3A_0 = arith.constant 0 : index
    %get3A_1 = vector.load %arg1[%get3A, %get3A_0] : memref<1000x128xf32, #tpu.memory_space<vmem>>, vector<1000x128xf32>
    %get3A_2 = arith.constant 0 : index
    %get3A_3 = arith.constant 0 : index
    %get3A_4 = arith.constant 0 : index
    %get3A_5 = vector.load %arg5[%get3A_2, %get3A_3, %get3A_4] : memref<1x128x128xf32, #tpu.memory_space<vmem>>, vector<1x128x128xf32>
    %get3A_6 = vector.shape_cast %get3A_5 : vector<1x128x128xf32> to vector<128x128xf32>
    %dot_general3A = arith.constant dense<0.000000e+00> : vector<1000x128xf32>
    %dot_general3A_7 = tpu.matmul %get3A_1, %get3A_6, %dot_general3A {dimension_numbers = #tpu.dot_dimension_numbers<[1], [0], [0], [1], [0, 0, 1, 1], [], []>, transpose_lhs_hint = false} : vector<1000x128xf32>, vector<128x128xf32>, vector<1000x128xf32> -> vector<1000x128xf32>
    %get3A_8 = arith.constant 0 : index
    %get3A_9 = arith.constant 0 : index
    %get3A_10 = vector.load %arg2[%get3A_8, %get3A_9] : memref<1000x128xf32, #tpu.memory_space<vmem>>, vector<1000x128xf32>
    %get3A_11 = arith.constant 0 : index
    %get3A_12 = arith.constant 0 : index
    %get3A_13 = arith.constant 0 : index
    %get3A_14 = vector.load %arg6[%get3A_11, %get3A_12, %get3A_13] : memref<1x128x128xf32, #tpu.memory_space<vmem>>, vector<1x128x128xf32>
    %get3A_15 = vector.shape_cast %get3A_14 : vector<1x128x128xf32> to vector<128x128xf32>
    %dot_general3A_16 = arith.constant dense<0.000000e+00> : vector<1000x128xf32>
    %dot_general3A_17 = tpu.matmul %get3A_10, %get3A_15, %dot_general3A_16 {dimension_numbers = #tpu.dot_dimension_numbers<[1], [0], [0], [1], [0, 0, 1, 1], [], []>, transpose_lhs_hint = false} : vector<1000x128xf32>, vector<128x128xf32>, vector<1000x128xf32> -> vector<1000x128xf32>
    %add3A = arith.addf %dot_general3A_7, %dot_general3A_17 : vector<1000x128xf32>
    %get3A_18 = arith.constant 0 : index
    %get3A_19 = arith.constant 0 : index
    %get3A_20 = arith.constant 0 : index
    %get3A_21 = vector.load %arg7[%get3A_18, %get3A_19, %get3A_20] : memref<1x1x128xf32, #tpu.memory_space<vmem>>, vector<1x1x128xf32>
    %get3A_22 = vector.shape_cast %get3A_21 : vector<1x1x128xf32> to vector<1x128xf32>
    %add3A_23 = vector.broadcast %get3A_22 : vector<1x128xf32> to vector<1000x128xf32>
    %add3A_24 = arith.addf %add3A, %add3A_23 : vector<1000x128xf32>
    %max3A = arith.constant 0.000000e+00 : f32
    %max3A_25 = vector.broadcast %max3A : f32 to vector<1000x128xf32>
    %max3A_26 = arith.maximumf %add3A_24, %max3A_25 : vector<1000x128xf32>
    %swap3A = arith.constant 0 : index
    %swap3A_27 = arith.constant 0 : index
    %swap3A_28 = vector.load %arg11[%swap3A, %swap3A_27] : memref<1000x128xf32, #tpu.memory_space<vmem>>, vector<1000x128xf32>
    tpu.vector_store %arg11[%swap3A, %swap3A_27], %max3A_26 {strides = array<i32>} : memref<1000x128xf32, #tpu.memory_space<vmem>>, vector<1000x128xf32>,
    %get3A_29 = arith.constant 0 : index
    %get3A_30 = arith.constant 0 : index
    %get3A_31 = vector.load %arg3[%get3A_29, %get3A_30] : memref<1000x128xf32, #tpu.memory_space<vmem>>, vector<1000x128xf32>
    %get3A_32 = arith.constant 0 : index
    %get3A_33 = arith.constant 0 : index
    %get3A_34 = arith.constant 0 : index
    %get3A_35 = vector.load %arg8[%get3A_32, %get3A_33, %get3A_34] : memref<1x128x128xf32, #tpu.memory_space<vmem>>, vector<1x128x128xf32>
    %get3A_36 = vector.shape_cast %get3A_35 : vector<1x128x128xf32> to vector<128x128xf32>
    %dot_general3A_37 = arith.constant dense<0.000000e+00> : vector<1000x128xf32>
    %dot_general3A_38 = tpu.matmul %get3A_31, %get3A_36, %dot_general3A_37 {dimension_numbers = #tpu.dot_dimension_numbers<[1], [0], [0], [1], [0, 0, 1, 1], [], []>, transpose_lhs_hint = false} : vector<1000x128xf32>, vector<128x128xf32>, vector<1000x128xf32> -> vector<1000x128xf32>
    %get3A_39 = arith.constant 0 : index
    %get3A_40 = arith.constant 0 : index
    %get3A_41 = vector.load %arg4[%get3A_39, %get3A_40] : memref<1000x128xf32, #tpu.memory_space<vmem>>, vector<1000x128xf32>
    %get3A_42 = arith.constant 0 : index
    %get3A_43 = arith.constant 0 : index
    %get3A_44 = arith.constant 0 : index
    %get3A_45 = vector.load %arg9[%get3A_42, %get3A_43, %get3A_44] : memref<1x128x128xf32, #tpu.memory_space<vmem>>, vector<1x128x128xf32>
    %get3A_46 = vector.shape_cast %get3A_45 : vector<1x128x128xf32> to vector<128x128xf32>
    %dot_general3A_47 = arith.constant dense<0.000000e+00> : vector<1000x128xf32>
    %dot_general3A_48 = tpu.matmul %get3A_41, %get3A_46, %dot_general3A_47 {dimension_numbers = #tpu.dot_dimension_numbers<[1], [0], [0], [1], [0, 0, 1, 1], [], []>, transpose_lhs_hint = false} : vector<1000x128xf32>, vector<128x128xf32>, vector<1000x128xf32> -> vector<1000x128xf32>
    %add3A_49 = arith.addf %dot_general3A_38, %dot_general3A_48 : vector<1000x128xf32>
    %get3A_50 = arith.constant 0 : index
    %get3A_51 = arith.constant 0 : index
    %get3A_52 = arith.constant 0 : index
    %get3A_53 = vector.load %arg10[%get3A_50, %get3A_51, %get3A_52] : memref<1x1x128xf32, #tpu.memory_space<vmem>>, vector<1x1x128xf32>
    %get3A_54 = vector.shape_cast %get3A_53 : vector<1x1x128xf32> to vector<1x128xf32>
    %add3A_55 = vector.broadcast %get3A_54 : vector<1x128xf32> to vector<1000x128xf32>
    %add3A_56 = arith.addf %add3A_49, %add3A_55 : vector<1000x128xf32>
    %max3A_57 = arith.constant 0.000000e+00 : f32
    %max3A_58 = vector.broadcast %max3A_57 : f32 to vector<1000x128xf32>
    %max3A_59 = arith.maximumf %add3A_56, %max3A_58 : vector<1000x128xf32>
    %swap3A_60 = arith.constant 0 : index
    %swap3A_61 = arith.constant 0 : index
    %swap3A_62 = vector.load %arg12[%swap3A_60, %swap3A_61] : memref<1000x128xf32, #tpu.memory_space<vmem>>, vector<1000x128xf32>
    tpu.vector_store %arg12[%swap3A_60, %swap3A_61], %max3A_59 {strides = array<i32>} : memref<1000x128xf32, #tpu.memory_space<vmem>>, vector<1000x128xf32>,
    return
  }
  func.func @transform_0(%arg0: i32) -> (i32, i32) {
    %c0_i32 = arith.constant 0 : i32
    %c0_i32_0 = arith.constant 0 : i32
    return %arg0, %c0_i32 : i32, i32
  }
  func.func @transform_1(%arg0: i32) -> (i32, i32) {
    %c0_i32 = arith.constant 0 : i32
    %c0_i32_0 = arith.constant 0 : i32
    return %arg0, %c0_i32 : i32, i32
  }
  func.func @transform_2(%arg0: i32) -> (i32, i32) {
    %c0_i32 = arith.constant 0 : i32
    %c0_i32_0 = arith.constant 0 : i32
    return %arg0, %c0_i32 : i32, i32
  }
  func.func @transform_3(%arg0: i32) -> (i32, i32) {
    %c0_i32 = arith.constant 0 : i32
    %c0_i32_0 = arith.constant 0 : i32
    return %arg0, %c0_i32 : i32, i32
  }
  func.func @transform_4(%arg0: i32) -> (i32, i32, i32) {
    %c0_i32 = arith.constant 0 : i32
    %c0_i32_0 = arith.constant 0 : i32
    %c0_i32_1 = arith.constant 0 : i32
    %c0_i32_2 = arith.constant 0 : i32
    return %c0_i32, %c0_i32_0, %c0_i32_1 : i32, i32, i32
  }
  func.func @transform_5(%arg0: i32) -> (i32, i32, i32) {
    %c0_i32 = arith.constant 0 : i32
    %c0_i32_0 = arith.constant 0 : i32
    %c0_i32_1 = arith.constant 0 : i32
    %c0_i32_2 = arith.constant 0 : i32
    return %c0_i32, %c0_i32_0, %c0_i32_1 : i32, i32, i32
  }
  func.func @transform_6(%arg0: i32) -> (i32, i32, i32) {
    %c0_i32 = arith.constant 0 : i32
    %c0_i32_0 = arith.constant 0 : i32
    %c0_i32_1 = arith.constant 0 : i32
    %c0_i32_2 = arith.constant 0 : i32
    return %c0_i32, %c0_i32_0, %c0_i32_1 : i32, i32, i32
  }
  func.func @transform_7(%arg0: i32) -> (i32, i32, i32) {
    %c0_i32 = arith.constant 0 : i32
    %c0_i32_0 = arith.constant 0 : i32
    %c0_i32_1 = arith.constant 0 : i32
    %c0_i32_2 = arith.constant 0 : i32
    return %c0_i32, %c0_i32_0, %c0_i32_1 : i32, i32, i32
  }
  func.func @transform_8(%arg0: i32) -> (i32, i32, i32) {
    %c0_i32 = arith.constant 0 : i32
    %c0_i32_0 = arith.constant 0 : i32
    %c0_i32_1 = arith.constant 0 : i32
    %c0_i32_2 = arith.constant 0 : i32
    return %c0_i32, %c0_i32_0, %c0_i32_1 : i32, i32, i32
  }
  func.func @transform_9(%arg0: i32) -> (i32, i32, i32) {
    %c0_i32 = arith.constant 0 : i32
    %c0_i32_0 = arith.constant 0 : i32
    %c0_i32_1 = arith.constant 0 : i32
    %c0_i32_2 = arith.constant 0 : i32
    return %c0_i32, %c0_i32_0, %c0_i32_1 : i32, i32, i32
  }
  func.func @transform_10(%arg0: i32) -> (i32, i32) {
    %c0_i32 = arith.constant 0 : i32
    %c0_i32_0 = arith.constant 0 : i32
    return %arg0, %c0_i32 : i32, i32
  }
  func.func @transform_11(%arg0: i32) -> (i32, i32) {
    %c0_i32 = arith.constant 0 : i32
    %c0_i32_0 = arith.constant 0 : i32
    return %arg0, %c0_i32 : i32, i32
  }
}

module attributes {stable_mosaic.version = 14 : i64} {
  func.func @_tc_dense_body(%arg0: i32, %arg1: memref<1000x128xf32, #tpu.memory_space<vmem>>, %arg2: memref<1000x128xf32, #tpu.memory_space<vmem>>, %arg3: memref<1000x128xf32, #tpu.memory_space<vmem>>, %arg4: memref<1000x128xf32, #tpu.memory_space<vmem>>, %arg5: memref<1x128x128xf32, #tpu.memory_space<vmem>>, %arg6: memref<1x128x128xf32, #tpu.memory_space<vmem>>, %arg7: memref<1x1x128xf32, #tpu.memory_space<vmem>>, %arg8: memref<1x128x128xf32, #tpu.memory_space<vmem>>, %arg9: memref<1x128x128xf32, #tpu.memory_space<vmem>>, %arg10: memref<1x1x128xf32, #tpu.memory_space<vmem>>, %arg11: memref<1000x128xf32, #tpu.memory_space<vmem>>, %arg12: memref<1000x128xf32, #tpu.memory_space<vmem>>) attributes {dimension_semantics = [#tpu.dimension_semantics<arbitrary>], iteration_bounds = array<i64: 10>, scalar_prefetch = 0 : i64, scratch_operands = 0 : i64, tpu.core_type = #tpu.core_type<tc>, window_params = [{transform_indices = @transform_0, window_bounds = array<i64: 1000, 128>}, {transform_indices = @transform_1, window_bounds = array<i64: 1000, 128>}, {transform_indices = @transform_2, window_bounds = array<i64: 1000, 128>}, {transform_indices = @transform_3, window_bounds = array<i64: 1000, 128>}, {transform_indices = @transform_4, window_bounds = array<i64: 1, 128, 128>}, {transform_indices = @transform_5, window_bounds = array<i64: 1, 128, 128>}, {transform_indices = @transform_6, window_bounds = array<i64: 1, 1, 128>}, {transform_indices = @transform_7, window_bounds = array<i64: 1, 128, 128>}, {transform_indices = @transform_8, window_bounds = array<i64: 1, 128, 128>}, {transform_indices = @transform_9, window_bounds = array<i64: 1, 1, 128>}, {transform_indices = @transform_10, window_bounds = array<i64: 1000, 128>}, {transform_indices = @transform_11, window_bounds = array<i64: 1000, 128>}]} {
    %get3A = arith.constant 0 : index
    %get3A_0 = arith.constant 0 : index
    %get3A_1 = vector.load %arg1[%get3A, %get3A_0] : memref<1000x128xf32, #tpu.memory_space<vmem>>, vector<1000x128xf32>
    %get3A_2 = arith.constant 0 : index
    %get3A_3 = arith.constant 0 : index
    %get3A_4 = arith.constant 0 : index
    %get3A_5 = vector.load %arg5[%get3A_2, %get3A_3, %get3A_4] : memref<1x128x128xf32, #tpu.memory_space<vmem>>, vector<1x128x128xf32>
    %get3A_6 = vector.shape_cast %get3A_5 : vector<1x128x128xf32> to vector<128x128xf32>
    %dot_general3A = arith.constant dense<0.000000e+00> : vector<1000x128xf32>
    %dot_general3A_7 = tpu.matmul %get3A_1, %get3A_6, %dot_general3A {dimension_numbers = #tpu.dot_dimension_numbers<[1], [0], [0], [1], [0, 0, 1, 1], [], []>, transpose_lhs_hint = false} : vector<1000x128xf32>, vector<128x128xf32>, vector<1000x128xf32> -> vector<1000x128xf32>
    %get3A_8 = arith.constant 0 : index
    %get3A_9 = arith.constant 0 : index
    %get3A_10 = vector.load %arg2[%get3A_8, %get3A_9] : memref<1000x128xf32, #tpu.memory_space<vmem>>, vector<1000x128xf32>
    %get3A_11 = arith.constant 0 : index
    %get3A_12 = arith.constant 0 : index
    %get3A_13 = arith.constant 0 : index
    %get3A_14 = vector.load %arg6[%get3A_11, %get3A_12, %get3A_13] : memref<1x128x128xf32, #tpu.memory_space<vmem>>, vector<1x128x128xf32>
    %get3A_15 = vector.shape_cast %get3A_14 : vector<1x128x128xf32> to vector<128x128xf32>
    %dot_general3A_16 = arith.constant dense<0.000000e+00> : vector<1000x128xf32>
    %dot_general3A_17 = tpu.matmul %get3A_10, %get3A_15, %dot_general3A_16 {dimension_numbers = #tpu.dot_dimension_numbers<[1], [0], [0], [1], [0, 0, 1, 1], [], []>, transpose_lhs_hint = false} : vector<1000x128xf32>, vector<128x128xf32>, vector<1000x128xf32> -> vector<1000x128xf32>
    %add3A = arith.addf %dot_general3A_7, %dot_general3A_17 : vector<1000x128xf32>
    %get3A_18 = arith.constant 0 : index
    %get3A_19 = arith.constant 0 : index
    %get3A_20 = arith.constant 0 : index
    %get3A_21 = vector.load %arg7[%get3A_18, %get3A_19, %get3A_20] : memref<1x1x128xf32, #tpu.memory_space<vmem>>, vector<1x1x128xf32>
    %get3A_22 = vector.shape_cast %get3A_21 : vector<1x1x128xf32> to vector<1x128xf32>
    %add3A_23 = vector.broadcast %get3A_22 : vector<1x128xf32> to vector<1000x128xf32>
    %add3A_24 = arith.addf %add3A, %add3A_23 : vector<1000x128xf32>
    %max3A = arith.constant 0.000000e+00 : f32
    %max3A_25 = vector.broadcast %max3A : f32 to vector<1000x128xf32>
    %max3A_26 = arith.maximumf %add3A_24, %max3A_25 : vector<1000x128xf32>
    %swap3A = arith.constant 0 : index
    %swap3A_27 = arith.constant 0 : index
    %swap3A_28 = vector.load %arg11[%swap3A, %swap3A_27] : memref<1000x128xf32, #tpu.memory_space<vmem>>, vector<1000x128xf32>
    tpu.vector_store %arg11[%swap3A, %swap3A_27], %max3A_26 {strides = array<i32>} : memref<1000x128xf32, #tpu.memory_space<vmem>>, vector<1000x128xf32>,
    %get3A_29 = arith.constant 0 : index
    %get3A_30 = arith.constant 0 : index
    %get3A_31 = vector.load %arg3[%get3A_29, %get3A_30] : memref<1000x128xf32, #tpu.memory_space<vmem>>, vector<1000x128xf32>
    %get3A_32 = arith.constant 0 : index
    %get3A_33 = arith.constant 0 : index
    %get3A_34 = arith.constant 0 : index
    %get3A_35 = vector.load %arg8[%get3A_32, %get3A_33, %get3A_34] : memref<1x128x128xf32, #tpu.memory_space<vmem>>, vector<1x128x128xf32>
    %get3A_36 = vector.shape_cast %get3A_35 : vector<1x128x128xf32> to vector<128x128xf32>
    %dot_general3A_37 = arith.constant dense<0.000000e+00> : vector<1000x128xf32>
    %dot_general3A_38 = tpu.matmul %get3A_31, %get3A_36, %dot_general3A_37 {dimension_numbers = #tpu.dot_dimension_numbers<[1], [0], [0], [1], [0, 0, 1, 1], [], []>, transpose_lhs_hint = false} : vector<1000x128xf32>, vector<128x128xf32>, vector<1000x128xf32> -> vector<1000x128xf32>
    %get3A_39 = arith.constant 0 : index
    %get3A_40 = arith.constant 0 : index
    %get3A_41 = vector.load %arg4[%get3A_39, %get3A_40] : memref<1000x128xf32, #tpu.memory_space<vmem>>, vector<1000x128xf32>
    %get3A_42 = arith.constant 0 : index
    %get3A_43 = arith.constant 0 : index
    %get3A_44 = arith.constant 0 : index
    %get3A_45 = vector.load %arg9[%get3A_42, %get3A_43, %get3A_44] : memref<1x128x128xf32, #tpu.memory_space<vmem>>, vector<1x128x128xf32>
    %get3A_46 = vector.shape_cast %get3A_45 : vector<1x128x128xf32> to vector<128x128xf32>
    %dot_general3A_47 = arith.constant dense<0.000000e+00> : vector<1000x128xf32>
    %dot_general3A_48 = tpu.matmul %get3A_41, %get3A_46, %dot_general3A_47 {dimension_numbers = #tpu.dot_dimension_numbers<[1], [0], [0], [1], [0, 0, 1, 1], [], []>, transpose_lhs_hint = false} : vector<1000x128xf32>, vector<128x128xf32>, vector<1000x128xf32> -> vector<1000x128xf32>
    %add3A_49 = arith.addf %dot_general3A_38, %dot_general3A_48 : vector<1000x128xf32>
    %get3A_50 = arith.constant 0 : index
    %get3A_51 = arith.constant 0 : index
    %get3A_52 = arith.constant 0 : index
    %get3A_53 = vector.load %arg10[%get3A_50, %get3A_51, %get3A_52] : memref<1x1x128xf32, #tpu.memory_space<vmem>>, vector<1x1x128xf32>
    %get3A_54 = vector.shape_cast %get3A_53 : vector<1x1x128xf32> to vector<1x128xf32>
    %add3A_55 = vector.broadcast %get3A_54 : vector<1x128xf32> to vector<1000x128xf32>
    %add3A_56 = arith.addf %add3A_49, %add3A_55 : vector<1000x128xf32>
    %max3A_57 = arith.constant 0.000000e+00 : f32
    %max3A_58 = vector.broadcast %max3A_57 : f32 to vector<1000x128xf32>
    %max3A_59 = arith.maximumf %add3A_56, %max3A_58 : vector<1000x128xf32>
    %swap3A_60 = arith.constant 0 : index
    %swap3A_61 = arith.constant 0 : index
    %swap3A_62 = vector.load %arg12[%swap3A_60, %swap3A_61] : memref<1000x128xf32, #tpu.memory_space<vmem>>, vector<1000x128xf32>
    tpu.vector_store %arg12[%swap3A_60, %swap3A_61], %max3A_59 {strides = array<i32>} : memref<1000x128xf32, #tpu.memory_space<vmem>>, vector<1000x128xf32>,
    return
  }
  func.func @transform_0(%arg0: i32) -> (i32, i32) {
    %c0_i32 = arith.constant 0 : i32
    %c0_i32_0 = arith.constant 0 : i32
    return %arg0, %c0_i32 : i32, i32
  }
  func.func @transform_1(%arg0: i32) -> (i32, i32) {
    %c0_i32 = arith.constant 0 : i32
    %c0_i32_0 = arith.constant 0 : i32
    return %arg0, %c0_i32 : i32, i32
  }
  func.func @transform_2(%arg0: i32) -> (i32, i32) {
    %c0_i32 = arith.constant 0 : i32
    %c0_i32_0 = arith.constant 0 : i32
    return %arg0, %c0_i32 : i32, i32
  }
  func.func @transform_3(%arg0: i32) -> (i32, i32) {
    %c0_i32 = arith.constant 0 : i32
    %c0_i32_0 = arith.constant 0 : i32
    return %arg0, %c0_i32 : i32, i32
  }
  func.func @transform_4(%arg0: i32) -> (i32, i32, i32) {
    %c1_i32 = arith.constant 1 : i32
    %c0_i32 = arith.constant 0 : i32
    %c0_i32_0 = arith.constant 0 : i32
    %c0_i32_1 = arith.constant 0 : i32
    return %c1_i32, %c0_i32, %c0_i32_0 : i32, i32, i32
  }
  func.func @transform_5(%arg0: i32) -> (i32, i32, i32) {
    %c1_i32 = arith.constant 1 : i32
    %c0_i32 = arith.constant 0 : i32
    %c0_i32_0 = arith.constant 0 : i32
    %c0_i32_1 = arith.constant 0 : i32
    return %c1_i32, %c0_i32, %c0_i32_0 : i32, i32, i32
  }
  func.func @transform_6(%arg0: i32) -> (i32, i32, i32) {
    %c1_i32 = arith.constant 1 : i32
    %c0_i32 = arith.constant 0 : i32
    %c0_i32_0 = arith.constant 0 : i32
    %c0_i32_1 = arith.constant 0 : i32
    return %c1_i32, %c0_i32, %c0_i32_0 : i32, i32, i32
  }
  func.func @transform_7(%arg0: i32) -> (i32, i32, i32) {
    %c1_i32 = arith.constant 1 : i32
    %c0_i32 = arith.constant 0 : i32
    %c0_i32_0 = arith.constant 0 : i32
    %c0_i32_1 = arith.constant 0 : i32
    return %c1_i32, %c0_i32, %c0_i32_0 : i32, i32, i32
  }
  func.func @transform_8(%arg0: i32) -> (i32, i32, i32) {
    %c1_i32 = arith.constant 1 : i32
    %c0_i32 = arith.constant 0 : i32
    %c0_i32_0 = arith.constant 0 : i32
    %c0_i32_1 = arith.constant 0 : i32
    return %c1_i32, %c0_i32, %c0_i32_0 : i32, i32, i32
  }
  func.func @transform_9(%arg0: i32) -> (i32, i32, i32) {
    %c1_i32 = arith.constant 1 : i32
    %c0_i32 = arith.constant 0 : i32
    %c0_i32_0 = arith.constant 0 : i32
    %c0_i32_1 = arith.constant 0 : i32
    return %c1_i32, %c0_i32, %c0_i32_0 : i32, i32, i32
  }
  func.func @transform_10(%arg0: i32) -> (i32, i32) {
    %c0_i32 = arith.constant 0 : i32
    %c0_i32_0 = arith.constant 0 : i32
    return %arg0, %c0_i32 : i32, i32
  }
  func.func @transform_11(%arg0: i32) -> (i32, i32) {
    %c0_i32 = arith.constant 0 : i32
    %c0_i32_0 = arith.constant 0 : i32
    return %arg0, %c0_i32 : i32, i32
  }
}

module attributes {stable_mosaic.version = 14 : i64} {
  func.func @_tc_head_body(%arg0: i32, %arg1: memref<512x128xf32, #tpu.memory_space<vmem>>, %arg2: memref<512x128xf32, #tpu.memory_space<vmem>>, %arg3: memref<512x128xf32, #tpu.memory_space<vmem>>, %arg4: memref<512x128xf32, #tpu.memory_space<vmem>>, %arg5: memref<1x128x128xf32, #tpu.memory_space<vmem>>, %arg6: memref<1x128x128xf32, #tpu.memory_space<vmem>>, %arg7: memref<1x1x128xf32, #tpu.memory_space<vmem>>, %arg8: memref<1x128x128xf32, #tpu.memory_space<vmem>>, %arg9: memref<1x128x128xf32, #tpu.memory_space<vmem>>, %arg10: memref<1x1x128xf32, #tpu.memory_space<vmem>>, %arg11: memref<128x256xf32, #tpu.memory_space<vmem>>, %arg12: memref<128x256xf32, #tpu.memory_space<vmem>>, %arg13: memref<1x256xf32, #tpu.memory_space<vmem>>, %arg14: memref<256x256xf32, #tpu.memory_space<vmem>>, %arg15: memref<1x256xf32, #tpu.memory_space<vmem>>, %arg16: memref<256x10xf32, #tpu.memory_space<vmem>>, %arg17: memref<1x10xf32, #tpu.memory_space<vmem>>, %arg18: memref<512x10xf32, #tpu.memory_space<vmem>>) attributes {dimension_semantics = [#tpu.dimension_semantics<arbitrary>], iteration_bounds = array<i64: 1>, scalar_prefetch = 0 : i64, scratch_operands = 0 : i64, tpu.core_type = #tpu.core_type<tc>, window_params = [{pipeline_mode = #tpu.pipeline_mode<synchronous>, transform_indices = @transform_0, window_bounds = array<i64: 512, 128>}, {pipeline_mode = #tpu.pipeline_mode<synchronous>, transform_indices = @transform_1, window_bounds = array<i64: 512, 128>}, {pipeline_mode = #tpu.pipeline_mode<synchronous>, transform_indices = @transform_2, window_bounds = array<i64: 512, 128>}, {pipeline_mode = #tpu.pipeline_mode<synchronous>, transform_indices = @transform_3, window_bounds = array<i64: 512, 128>}, {transform_indices = @transform_4, window_bounds = array<i64: 1, 128, 128>}, {transform_indices = @transform_5, window_bounds = array<i64: 1, 128, 128>}, {transform_indices = @transform_6, window_bounds = array<i64: 1, 1, 128>}, {transform_indices = @transform_7, window_bounds = array<i64: 1, 128, 128>}, {transform_indices = @transform_8, window_bounds = array<i64: 1, 128, 128>}, {transform_indices = @transform_9, window_bounds = array<i64: 1, 1, 128>}, {transform_indices = @transform_10, window_bounds = array<i64: 128, 256>}, {transform_indices = @transform_11, window_bounds = array<i64: 128, 256>}, {pipeline_mode = #tpu.pipeline_mode<synchronous>, transform_indices = @transform_12, window_bounds = array<i64: 1, 256>}, {pipeline_mode = #tpu.pipeline_mode<synchronous>, transform_indices = @transform_13, window_bounds = array<i64: 256, 256>}, {pipeline_mode = #tpu.pipeline_mode<synchronous>, transform_indices = @transform_14, window_bounds = array<i64: 1, 256>}, {pipeline_mode = #tpu.pipeline_mode<synchronous>, transform_indices = @transform_15, window_bounds = array<i64: 256, 10>}, {pipeline_mode = #tpu.pipeline_mode<synchronous>, transform_indices = @transform_16, window_bounds = array<i64: 1, 10>}, {pipeline_mode = #tpu.pipeline_mode<synchronous>, transform_indices = @transform_17, window_bounds = array<i64: 512, 10>}]} {
    %get3A = arith.constant 0 : index
    %get3A_0 = arith.constant 0 : index
    %get3A_1 = vector.load %arg1[%get3A, %get3A_0] : memref<512x128xf32, #tpu.memory_space<vmem>>, vector<512x128xf32>
    %get3A_2 = arith.constant 0 : index
    %get3A_3 = arith.constant 0 : index
    %get3A_4 = arith.constant 0 : index
    %get3A_5 = vector.load %arg5[%get3A_2, %get3A_3, %get3A_4] : memref<1x128x128xf32, #tpu.memory_space<vmem>>, vector<1x128x128xf32>
    %get3A_6 = vector.shape_cast %get3A_5 : vector<1x128x128xf32> to vector<128x128xf32>
    %dot_general3A = arith.constant dense<0.000000e+00> : vector<512x128xf32>
    %dot_general3A_7 = tpu.matmul %get3A_1, %get3A_6, %dot_general3A {dimension_numbers = #tpu.dot_dimension_numbers<[1], [0], [0], [1], [0, 0, 1, 1], [], []>, transpose_lhs_hint = false} : vector<512x128xf32>, vector<128x128xf32>, vector<512x128xf32> -> vector<512x128xf32>
    %get3A_8 = arith.constant 0 : index
    %get3A_9 = arith.constant 0 : index
    %get3A_10 = vector.load %arg2[%get3A_8, %get3A_9] : memref<512x128xf32, #tpu.memory_space<vmem>>, vector<512x128xf32>
    %get3A_11 = arith.constant 0 : index
    %get3A_12 = arith.constant 0 : index
    %get3A_13 = arith.constant 0 : index
    %get3A_14 = vector.load %arg6[%get3A_11, %get3A_12, %get3A_13] : memref<1x128x128xf32, #tpu.memory_space<vmem>>, vector<1x128x128xf32>
    %get3A_15 = vector.shape_cast %get3A_14 : vector<1x128x128xf32> to vector<128x128xf32>
    %dot_general3A_16 = arith.constant dense<0.000000e+00> : vector<512x128xf32>
    %dot_general3A_17 = tpu.matmul %get3A_10, %get3A_15, %dot_general3A_16 {dimension_numbers = #tpu.dot_dimension_numbers<[1], [0], [0], [1], [0, 0, 1, 1], [], []>, transpose_lhs_hint = false} : vector<512x128xf32>, vector<128x128xf32>, vector<512x128xf32> -> vector<512x128xf32>
    %add3A = arith.addf %dot_general3A_7, %dot_general3A_17 : vector<512x128xf32>
    %get3A_18 = arith.constant 0 : index
    %get3A_19 = arith.constant 0 : index
    %get3A_20 = arith.constant 0 : index
    %get3A_21 = vector.load %arg7[%get3A_18, %get3A_19, %get3A_20] : memref<1x1x128xf32, #tpu.memory_space<vmem>>, vector<1x1x128xf32>
    %get3A_22 = vector.shape_cast %get3A_21 : vector<1x1x128xf32> to vector<1x128xf32>
    %add3A_23 = vector.broadcast %get3A_22 : vector<1x128xf32> to vector<512x128xf32>
    %add3A_24 = arith.addf %add3A, %add3A_23 : vector<512x128xf32>
    %max3A = arith.constant 0.000000e+00 : f32
    %max3A_25 = vector.broadcast %max3A : f32 to vector<512x128xf32>
    %max3A_26 = arith.maximumf %add3A_24, %max3A_25 : vector<512x128xf32>
    %get3A_27 = arith.constant 0 : index
    %get3A_28 = arith.constant 0 : index
    %get3A_29 = vector.load %arg3[%get3A_27, %get3A_28] : memref<512x128xf32, #tpu.memory_space<vmem>>, vector<512x128xf32>
    %get3A_30 = arith.constant 0 : index
    %get3A_31 = arith.constant 0 : index
    %get3A_32 = arith.constant 0 : index
    %get3A_33 = vector.load %arg8[%get3A_30, %get3A_31, %get3A_32] : memref<1x128x128xf32, #tpu.memory_space<vmem>>, vector<1x128x128xf32>
    %get3A_34 = vector.shape_cast %get3A_33 : vector<1x128x128xf32> to vector<128x128xf32>
    %dot_general3A_35 = arith.constant dense<0.000000e+00> : vector<512x128xf32>
    %dot_general3A_36 = tpu.matmul %get3A_29, %get3A_34, %dot_general3A_35 {dimension_numbers = #tpu.dot_dimension_numbers<[1], [0], [0], [1], [0, 0, 1, 1], [], []>, transpose_lhs_hint = false} : vector<512x128xf32>, vector<128x128xf32>, vector<512x128xf32> -> vector<512x128xf32>
    %get3A_37 = arith.constant 0 : index
    %get3A_38 = arith.constant 0 : index
    %get3A_39 = vector.load %arg4[%get3A_37, %get3A_38] : memref<512x128xf32, #tpu.memory_space<vmem>>, vector<512x128xf32>
    %get3A_40 = arith.constant 0 : index
    %get3A_41 = arith.constant 0 : index
    %get3A_42 = arith.constant 0 : index
    %get3A_43 = vector.load %arg9[%get3A_40, %get3A_41, %get3A_42] : memref<1x128x128xf32, #tpu.memory_space<vmem>>, vector<1x128x128xf32>
    %get3A_44 = vector.shape_cast %get3A_43 : vector<1x128x128xf32> to vector<128x128xf32>
    %dot_general3A_45 = arith.constant dense<0.000000e+00> : vector<512x128xf32>
    %dot_general3A_46 = tpu.matmul %get3A_39, %get3A_44, %dot_general3A_45 {dimension_numbers = #tpu.dot_dimension_numbers<[1], [0], [0], [1], [0, 0, 1, 1], [], []>, transpose_lhs_hint = false} : vector<512x128xf32>, vector<128x128xf32>, vector<512x128xf32> -> vector<512x128xf32>
    %add3A_47 = arith.addf %dot_general3A_36, %dot_general3A_46 : vector<512x128xf32>
    %get3A_48 = arith.constant 0 : index
    %get3A_49 = arith.constant 0 : index
    %get3A_50 = arith.constant 0 : index
    %get3A_51 = vector.load %arg10[%get3A_48, %get3A_49, %get3A_50] : memref<1x1x128xf32, #tpu.memory_space<vmem>>, vector<1x1x128xf32>
    %get3A_52 = vector.shape_cast %get3A_51 : vector<1x1x128xf32> to vector<1x128xf32>
    %add3A_53 = vector.broadcast %get3A_52 : vector<1x128xf32> to vector<512x128xf32>
    %add3A_54 = arith.addf %add3A_47, %add3A_53 : vector<512x128xf32>
    %max3A_55 = arith.constant 0.000000e+00 : f32
    %max3A_56 = vector.broadcast %max3A_55 : f32 to vector<512x128xf32>
    %max3A_57 = arith.maximumf %add3A_54, %max3A_56 : vector<512x128xf32>
    %get3A_58 = arith.constant 0 : index
    %get3A_59 = arith.constant 0 : index
    %get3A_60 = vector.load %arg11[%get3A_58, %get3A_59] : memref<128x256xf32, #tpu.memory_space<vmem>>, vector<128x256xf32>
    %dot_general3A_61 = arith.constant dense<0.000000e+00> : vector<512x256xf32>
    %dot_general3A_62 = tpu.matmul %max3A_26, %get3A_60, %dot_general3A_61 {dimension_numbers = #tpu.dot_dimension_numbers<[1], [0], [0], [1], [0, 0, 1, 1], [], []>, transpose_lhs_hint = false} : vector<512x128xf32>, vector<128x256xf32>, vector<512x256xf32> -> vector<512x256xf32>
    %get3A_63 = arith.constant 0 : index
    %get3A_64 = arith.constant 0 : index
    %get3A_65 = vector.load %arg12[%get3A_63, %get3A_64] : memref<128x256xf32, #tpu.memory_space<vmem>>, vector<128x256xf32>
    %dot_general3A_66 = arith.constant dense<0.000000e+00> : vector<512x256xf32>
    %dot_general3A_67 = tpu.matmul %max3A_57, %get3A_65, %dot_general3A_66 {dimension_numbers = #tpu.dot_dimension_numbers<[1], [0], [0], [1], [0, 0, 1, 1], [], []>, transpose_lhs_hint = false} : vector<512x128xf32>, vector<128x256xf32>, vector<512x256xf32> -> vector<512x256xf32>
    %add3A_68 = arith.addf %dot_general3A_62, %dot_general3A_67 : vector<512x256xf32>
    %get3A_69 = arith.constant 0 : index
    %get3A_70 = arith.constant 0 : index
    %get3A_71 = vector.load %arg13[%get3A_69, %get3A_70] : memref<1x256xf32, #tpu.memory_space<vmem>>, vector<1x256xf32>
    %add3A_72 = vector.broadcast %get3A_71 : vector<1x256xf32> to vector<512x256xf32>
    %add3A_73 = arith.addf %add3A_68, %add3A_72 : vector<512x256xf32>
    %max3A_74 = arith.constant 0.000000e+00 : f32
    %max3A_75 = vector.broadcast %max3A_74 : f32 to vector<512x256xf32>
    %max3A_76 = arith.maximumf %add3A_73, %max3A_75 : vector<512x256xf32>
    %get3A_77 = arith.constant 0 : index
    %get3A_78 = arith.constant 0 : index
    %get3A_79 = vector.load %arg14[%get3A_77, %get3A_78] : memref<256x256xf32, #tpu.memory_space<vmem>>, vector<256x256xf32>
    %dot_general3A_80 = arith.constant dense<0.000000e+00> : vector<512x256xf32>
    %dot_general3A_81 = tpu.matmul %max3A_76, %get3A_79, %dot_general3A_80 {dimension_numbers = #tpu.dot_dimension_numbers<[1], [0], [0], [1], [0, 0, 1, 1], [], []>, transpose_lhs_hint = false} : vector<512x256xf32>, vector<256x256xf32>, vector<512x256xf32> -> vector<512x256xf32>
    %get3A_82 = arith.constant 0 : index
    %get3A_83 = arith.constant 0 : index
    %get3A_84 = vector.load %arg15[%get3A_82, %get3A_83] : memref<1x256xf32, #tpu.memory_space<vmem>>, vector<1x256xf32>
    %add3A_85 = vector.broadcast %get3A_84 : vector<1x256xf32> to vector<512x256xf32>
    %add3A_86 = arith.addf %dot_general3A_81, %add3A_85 : vector<512x256xf32>
    %max3A_87 = arith.constant 0.000000e+00 : f32
    %max3A_88 = vector.broadcast %max3A_87 : f32 to vector<512x256xf32>
    %max3A_89 = arith.maximumf %add3A_86, %max3A_88 : vector<512x256xf32>
    %get3A_90 = arith.constant 0 : index
    %get3A_91 = arith.constant 0 : index
    %get3A_92 = vector.load %arg16[%get3A_90, %get3A_91] : memref<256x10xf32, #tpu.memory_space<vmem>>, vector<256x10xf32>
    %dot_general3A_93 = arith.constant dense<0.000000e+00> : vector<512x10xf32>
    %dot_general3A_94 = tpu.matmul %max3A_89, %get3A_92, %dot_general3A_93 {dimension_numbers = #tpu.dot_dimension_numbers<[1], [0], [0], [1], [0, 0, 1, 1], [], []>, transpose_lhs_hint = false} : vector<512x256xf32>, vector<256x10xf32>, vector<512x10xf32> -> vector<512x10xf32>
    %get3A_95 = arith.constant 0 : index
    %get3A_96 = arith.constant 0 : index
    %get3A_97 = vector.load %arg17[%get3A_95, %get3A_96] : memref<1x10xf32, #tpu.memory_space<vmem>>, vector<1x10xf32>
    %add3A_98 = vector.broadcast %get3A_97 : vector<1x10xf32> to vector<512x10xf32>
    %add3A_99 = arith.addf %dot_general3A_94, %add3A_98 : vector<512x10xf32>
    %swap3A = arith.constant 0 : index
    %swap3A_100 = arith.constant 0 : index
    %swap3A_101 = vector.load %arg18[%swap3A, %swap3A_100] : memref<512x10xf32, #tpu.memory_space<vmem>>, vector<512x10xf32>
    tpu.vector_store %arg18[%swap3A, %swap3A_100], %add3A_99 {strides = array<i32>} : memref<512x10xf32, #tpu.memory_space<vmem>>, vector<512x10xf32>,
    return
  }
  func.func @transform_0(%arg0: i32) -> (i32, i32) {
    %c0_i32 = arith.constant 0 : i32
    %c0_i32_0 = arith.constant 0 : i32
    %c0_i32_1 = arith.constant 0 : i32
    return %c0_i32, %c0_i32_0 : i32, i32
  }
  func.func @transform_1(%arg0: i32) -> (i32, i32) {
    %c0_i32 = arith.constant 0 : i32
    %c0_i32_0 = arith.constant 0 : i32
    %c0_i32_1 = arith.constant 0 : i32
    return %c0_i32, %c0_i32_0 : i32, i32
  }
  func.func @transform_2(%arg0: i32) -> (i32, i32) {
    %c0_i32 = arith.constant 0 : i32
    %c0_i32_0 = arith.constant 0 : i32
    %c0_i32_1 = arith.constant 0 : i32
    return %c0_i32, %c0_i32_0 : i32, i32
  }
  func.func @transform_3(%arg0: i32) -> (i32, i32) {
    %c0_i32 = arith.constant 0 : i32
    %c0_i32_0 = arith.constant 0 : i32
    %c0_i32_1 = arith.constant 0 : i32
    return %c0_i32, %c0_i32_0 : i32, i32
  }
  func.func @transform_4(%arg0: i32) -> (i32, i32, i32) {
    %c2_i32 = arith.constant 2 : i32
    %c0_i32 = arith.constant 0 : i32
    %c0_i32_0 = arith.constant 0 : i32
    %c0_i32_1 = arith.constant 0 : i32
    return %c2_i32, %c0_i32, %c0_i32_0 : i32, i32, i32
  }
  func.func @transform_5(%arg0: i32) -> (i32, i32, i32) {
    %c2_i32 = arith.constant 2 : i32
    %c0_i32 = arith.constant 0 : i32
    %c0_i32_0 = arith.constant 0 : i32
    %c0_i32_1 = arith.constant 0 : i32
    return %c2_i32, %c0_i32, %c0_i32_0 : i32, i32, i32
  }
  func.func @transform_6(%arg0: i32) -> (i32, i32, i32) {
    %c2_i32 = arith.constant 2 : i32
    %c0_i32 = arith.constant 0 : i32
    %c0_i32_0 = arith.constant 0 : i32
    %c0_i32_1 = arith.constant 0 : i32
    return %c2_i32, %c0_i32, %c0_i32_0 : i32, i32, i32
  }
  func.func @transform_7(%arg0: i32) -> (i32, i32, i32) {
    %c2_i32 = arith.constant 2 : i32
    %c0_i32 = arith.constant 0 : i32
    %c0_i32_0 = arith.constant 0 : i32
    %c0_i32_1 = arith.constant 0 : i32
    return %c2_i32, %c0_i32, %c0_i32_0 : i32, i32, i32
  }
  func.func @transform_8(%arg0: i32) -> (i32, i32, i32) {
    %c2_i32 = arith.constant 2 : i32
    %c0_i32 = arith.constant 0 : i32
    %c0_i32_0 = arith.constant 0 : i32
    %c0_i32_1 = arith.constant 0 : i32
    return %c2_i32, %c0_i32, %c0_i32_0 : i32, i32, i32
  }
  func.func @transform_9(%arg0: i32) -> (i32, i32, i32) {
    %c2_i32 = arith.constant 2 : i32
    %c0_i32 = arith.constant 0 : i32
    %c0_i32_0 = arith.constant 0 : i32
    %c0_i32_1 = arith.constant 0 : i32
    return %c2_i32, %c0_i32, %c0_i32_0 : i32, i32, i32
  }
  func.func @transform_10(%arg0: i32) -> (i32, i32) {
    %c0_i32 = arith.constant 0 : i32
    %c0_i32_0 = arith.constant 0 : i32
    %c0_i32_1 = arith.constant 0 : i32
    return %c0_i32, %c0_i32_0 : i32, i32
  }
  func.func @transform_11(%arg0: i32) -> (i32, i32) {
    %c1_i32 = arith.constant 1 : i32
    %c0_i32 = arith.constant 0 : i32
    %c0_i32_0 = arith.constant 0 : i32
    return %c1_i32, %c0_i32 : i32, i32
  }
  func.func @transform_12(%arg0: i32) -> (i32, i32) {
    %c0_i32 = arith.constant 0 : i32
    %c0_i32_0 = arith.constant 0 : i32
    %c0_i32_1 = arith.constant 0 : i32
    return %c0_i32, %c0_i32_0 : i32, i32
  }
  func.func @transform_13(%arg0: i32) -> (i32, i32) {
    %c0_i32 = arith.constant 0 : i32
    %c0_i32_0 = arith.constant 0 : i32
    %c0_i32_1 = arith.constant 0 : i32
    return %c0_i32, %c0_i32_0 : i32, i32
  }
  func.func @transform_14(%arg0: i32) -> (i32, i32) {
    %c0_i32 = arith.constant 0 : i32
    %c0_i32_0 = arith.constant 0 : i32
    %c0_i32_1 = arith.constant 0 : i32
    return %c0_i32, %c0_i32_0 : i32, i32
  }
  func.func @transform_15(%arg0: i32) -> (i32, i32) {
    %c0_i32 = arith.constant 0 : i32
    %c0_i32_0 = arith.constant 0 : i32
    %c0_i32_1 = arith.constant 0 : i32
    return %c0_i32, %c0_i32_0 : i32, i32
  }
  func.func @transform_16(%arg0: i32) -> (i32, i32) {
    %c0_i32 = arith.constant 0 : i32
    %c0_i32_0 = arith.constant 0 : i32
    %c0_i32_1 = arith.constant 0 : i32
    return %c0_i32, %c0_i32_0 : i32, i32
  }
  func.func @transform_17(%arg0: i32) -> (i32, i32) {
    %c0_i32 = arith.constant 0 : i32
    %c0_i32_0 = arith.constant 0 : i32
    %c0_i32_1 = arith.constant 0 : i32
    return %c0_i32, %c0_i32_0 : i32, i32
  }
}

</mosaic_0001>

<sc_bundles>
// kernel: kernel.12.cloned.1.call-start
scs
__scs_entry_jumppad:
0x0: {  	(pc) =	sbr.rel $0x88, $3  }
0x1: {  	(tag) =	ssettag $0x0;
	lr =	simm.s32 $0x1  }
0x2: {  	[smem:$0x3F92] =	sst lr;
	_ =	strace $0xD0000000  }
0x3: {  	_ = 	snop  }
0x4: {  	_ = 	snop  }
0x5: {  	_ = 	snop  }
0x6: {  	_ = 	snop  }
0x7: {  	_ = 	snop  }
__scs_overlays_trampoline_lowered:
0x8: {  	[smem:$0x3FA1] =	sst s0  }
0x9: {  	[smem:$0x3FA2] =	sst s1  }
0xa: {  	[smem:$0x3FA3] =	sst s2  }
0xb: {  	[smem:$0x3FA4] =	sst s3  }
0xc: {  	[smem:$0x3FA5] =	sst s4  }
0xd: {  	[smem:$0x3FA6] =	sst s5  }
0xe: {  	[smem:$0x3FA7] =	sst s6  }
0xf: {  	[smem:$0x3FA8] =	sst s7  }
0x10: {  	[smem:$0x3FA9] =	sst s8  }
0x11: {  	[smem:$0x3FAA] =	sst s9;
	s0 =	simm.s32 @!p0 $0x0  }
0x12: {  	s1 =	sld [smem:$0x3F90];
	s0 =	simm.s32 @p0 $0x1  }
0x13: {  	[smem:$0x3FAB] =	sst s0;
	s0 =	simm.s32 @!p1 $0x0  }
0x14: {  	s2 =	sld [smem:$0x3F8F];
	s0 =	simm.s32 @p1 $0x1  }
0x15: {  	[smem:$0x3FAC] =	sst s0;
	s0 =	simm.s32 @!p2 $0x0  }
0x16: {  	s3 =	sld [smem:$0x3FDB];
	s0 =	simm.s32 @p2 $0x1  }
0x17: {  	s4 =	simm.s32 $0x1BF5;
	[smem:$0x3FAE] =	sst s0  }
0x18: {  	s0 =	sld [smem:$0x3F91];
	_ =	swait.ge [sflag:s4], $0x0  }
0x19: {  	s7 =	sld [smem:$0x3F92]  }
0x1a: {  	s8 =	sadd.s32 $0xFFFFE003, lr  }
0x1b: {  	s9 =	sadd.s32 $0xFFFFFEF7, lr;
	s5 =	simm.s32 $0xFFFFFFFF;
	p2 =	slt.u32 s8, $0xFFFFF086  }
0x1c: {  	p1 =	slt.u32 s9, $0xF7A;
	s5 =	simm.s32 @!p2 $0x0  }
0x1d: {  	s5 =	simm.s32 @p1 $0x1;
	p0 =	seq.s32 s7, s2  }
0x1e: {  	s7 =	smul.u32 @!p0 $0xF7A, s2;
	p2 =	seq.s32 @!p0 s5, $0x0  }
0x1f: {  	s9 =	smul.u32 $0xF7A, s1;
	s8 =	simm.s32 @!p0 $0x1BF5;
	p2 =	por !p2, p0  }
0x20: {  	[sflag:s8] =	ssyncset.s32 @!p0 $0xFFFFF086;
	s6 =	sadd.s32 @!p0 s3, s7;
	s7 =	simm.s32 @!p0 $0x108  }
0x21: {  	s3 =	sadd.s32 s3, s9;
	s6 =	sadd.s32 @!p0 $0x88, s6;
	s7 =	simm.s32 @p2 $0x1082  }
0x22: {  	[simem:s7], [sflag:s8] =	dma.local @!p0 [hbm:s6], $0xF7A  }
0x23: {  	s9 =	sor.u32 $0xD0000000, s2;
	s6 =	simm.s32 $0x108;
	_ =	swait.ge @!p0 [sflag:s8], $0x0  }
0x24: {  	s3 =	sadd.s32 $0x88, s3;
	s6 =	simm.s32 @!p1 $0x1082;
	[sflag:s4] =	ssyncset.s32 $0xFFFFF086  }
0x25: {  	[simem:s6], [sflag:s4] =	dma.local [hbm:s3], $0xF7A  }
0x26: {  	[smem:$0x3F92] =	sst s1;
	(tag) =	ssettag s2;
	_ =	strace s9  }
0x27: {  	s1 =	sld [smem:$0x3FA2]  }
0x28: {  	s2 =	sld [smem:$0x3FA3]  }
0x29: {  	s4 =	sld [smem:$0x3FA5]  }
0x2a: {  	p0 =	seq.s32 s5, $0x0;
	s5 =	sld [smem:$0x3FA6]  }
0x2b: {  	s6 =	sld [smem:$0x3FA7]  }
0x2c: {  	s7 =	sld [smem:$0x3FA8]  }
0x2d: {  	s3 =	simm.s32 $0x108;
	s8 =	sld [smem:$0x3FA9]  }
0x2e: {  	s3 =	simm.s32 @!p0 $0x1082;
	s9 =	sld [smem:$0x3FAA]  }
0x2f: {  	lr =	sadd.s32 s0, s3;
	s0 =	sld [smem:$0x3FA1]  }
0x30: {  	s3 =	sld [smem:$0x3FA4]  }
0x31: {  	[smem:$0x3FAD] =	sst s10  }
0x32: {  	s10 =	sld [smem:$0x3FAB];
	_ =	sdelay $0x3  }
0x33: {  	p0 =	seq.s32 s10, $0x1;
	s10 =	sld [smem:$0x3FAD];
	_ =	sdelay $0x3  }
0x34: {  	[smem:$0x3FAD] =	sst s10  }
0x35: {  	s10 =	sld [smem:$0x3FAC];
	_ =	sdelay $0x3  }
0x36: {  	p1 =	seq.s32 s10, $0x1;
	s10 =	sld [smem:$0x3FAD];
	_ =	sdelay $0x3  }
0x37: {  	[smem:$0x3FAD] =	sst s10  }
0x38: {  	s10 =	sld [smem:$0x3FAE]  }
0x39: {  	_ = 	snop;
	(pc) =	sbr.ind lr, $3  }
0x3a: {  	_ = 	snop  }
0x3b: {  	_ = 	snop  }
0x3c: {  	p2 =	seq.s32 s10, $0x1;
	s10 =	sld [smem:$0x3FAD]  }
0x3d: {  	_ =	shalt  }
0x3e: {  	_ =	shalt  }
0x3f: {  	_ =	shalt  }
0x40: {  	_ =	shalt  }
0x41: {  	_ =	shalt  }
0x42: {  	_ =	shalt  }
0x43: {  	_ =	shalt  }
0x44: {  	_ =	shalt  }
0x45: {  	_ =	shalt  }
0x46: {  	_ =	shalt  }
0x47: {  	_ =	shalt  }
0x48: {  	_ =	shalt  }
0x49: {  	_ =	shalt  }
0x4a: {  	_ =	shalt  }
0x4b: {  	_ =	shalt  }
0x4c: {  	_ =	shalt  }
0x4d: {  	_ =	shalt  }
0x4e: {  	_ =	shalt  }
0x4f: {  	_ =	shalt  }
0x50: {  	_ =	shalt  }
0x51: {  	_ =	shalt  }
0x52: {  	_ =	shalt  }
0x53: {  	_ =	shalt  }
0x54: {  	_ =	shalt  }
0x55: {  	_ =	shalt  }
0x56: {  	_ =	shalt  }
0x57: {  	_ =	shalt  }
0x58: {  	_ =	shalt  }
0x59: {  	_ =	shalt  }
0x5a: {  	_ =	shalt  }
0x5b: {  	_ =	shalt  }
0x5c: {  	_ =	shalt  }
0x5d: {  	_ =	shalt  }
0x5e: {  	_ =	shalt  }
0x5f: {  	_ =	shalt  }
0x60: {  	_ =	shalt  }
0x61: {  	_ =	shalt  }
0x62: {  	_ =	shalt  }
0x63: {  	_ =	shalt  }
0x64: {  	_ =	shalt  }
0x65: {  	_ =	shalt  }
0x66: {  	_ =	shalt  }
0x67: {  	_ =	shalt  }
0x68: {  	_ =	shalt  }
0x69: {  	_ =	shalt  }
0x6a: {  	_ =	shalt  }
0x6b: {  	_ =	shalt  }
0x6c: {  	_ =	shalt  }
0x6d: {  	_ =	shalt  }
0x6e: {  	_ =	shalt  }
0x6f: {  	_ =	shalt  }
0x70: {  	_ =	shalt  }
0x71: {  	_ =	shalt  }
0x72: {  	_ =	shalt  }
0x73: {  	_ =	shalt  }
0x74: {  	_ =	shalt  }
0x75: {  	_ =	shalt  }
0x76: {  	_ =	shalt  }
0x77: {  	_ =	shalt  }
0x78: {  	_ =	shalt  }
0x79: {  	_ =	shalt  }
0x7a: {  	_ =	shalt  }
0x7b: {  	_ =	shalt  }
0x7c: {  	_ =	shalt  }
0x7d: {  	_ =	shalt  }
0x7e: {  	_ =	shalt  }
0x7f: {  	_ =	shalt  }
0x80: {  	_ =	shalt  }
0x81: {  	_ =	shalt  }
0x82: {  	_ =	shalt  }
0x83: {  	_ =	shalt  }
0x84: {  	_ =	shalt  }
0x85: {  	_ =	shalt  }
0x86: {  	_ =	shalt  }
0x87: {  	_ =	shalt  }
.Lfunc_end0:
.L_simem_size_0:
called_computation.1_lowered:
.L_overlay_start_0:
0x88: {  	s2 =	sld [smem:$0x3FD9]  }
0x89: {  	s3 =	sld [smem:$0x3FFE];
	_ =	sdelay $0x1  }
0x8a: {  	s1 =	srdreg.scid  }
0x8b: {  	s0 =	sand.u32 $0x1, s1  }
0x8c: {  	s16 =	sshll.u32 s0, $0xA;
	s2 =	sadd.s32 s3, s2  }
0x8d: {  	s2 =	sadd.s32 s2, s16  }
0x8e: {  	[smem:$0x3FB9] =	sst s2  }
0x8f: {  	_ = 	snop  }
0x90: {  	(tm) =	ssettm $0x1  }
0x91: {  	s17 =	sld [smem:$0x3FFB];
	_ =	sdelay $0x3  }
0x92: {  	_ =	strace s17  }
0x93: {  	s2 =	sld [smem:$0x3FFC];
	_ =	sdelay $0x3  }
0x94: {  	_ =	strace s2  }
0x95: {  	s2 =	sld [smem:$0x3FFD];
	_ =	sdelay $0x3  }
0x96: {  	_ =	strace s2  }
0x97: {  	_ =	strace $0x8FFFFFFF  }
0x98: {  	s18 =	sld [smem:$0x3FDB];
	_ =	sdelay $0x1  }
0x99: {  	s19 =	simm.s32 $_scs_section_size  }
0x9a: {  	s4 =	simm.s32 $_size__tile_overlayer_lowered;
	s5 =	simm.s32 $_tile_overlayer_lowered  }
0x9b: {  	s22 =	simm.s32 $0x1BFF;
	s21 =	sshll.u32 s5, $0x1;
	s2 =	sadd.s32 s19, s18  }
0x9c: {  	s6 =	simm.s32 $0x0;
	s20 =	sshll.u32 s4, $0x1;
	s4 =	sadd.s32 s21, s2  }
0x9d: {  	[timem:s6], [sflag:s22] =	dma.local [hbm:s4], s20  }
0x9e: {  	_ =	swait.ge [sflag:s22], s20  }
0x9f: {  	s3 =	ssub.s32 $0x0, s20;
	[sflag:s22] =	ssyncset.done $0x0  }
0xa0: {  	[sflag:s22] =	ssyncadd.s32 s3;
	_ =	sdelay $0x1  }
0xa1: {  	s23 =	simm.s32 $0x1B8B  }
0xa2: {  	_ =	swait.ge [sflag:s23], $0x1  }
0xa3: {  	[sflag:s23] =	ssyncset.done $0x0  }
0xa4: {  	s25 =	simm.s32 $0x1B8E;
	s24 =	sld [smem:$0x3FFE];
	[sflag:s23] =	ssyncadd.s32 $0xFFFFFFFF  }
0xa5: {  	s26 =	simm.s32 $execute0_lowered;
	[smem:$0x3FD2] =	sst s25  }
0xa6: {  	s4 =	sshll.u32 s26, $0x1;
	_ =	strace $0x80000049;
	[dreg:$0x1] =	wrdreg $0xFFFFFFFF  }
0xa7: {  	s28 =	simm.s32 $_size_execute0_lowered;
	s2 =	sadd.s32 s2, s4;
	[dreg:$0x0] =	wrdreg $0x0  }
0xa8: {  	s4 =	sshll.u32 s28, $0x1;
	[dreg:$0x2] =	wrdreg s2  }
0xa9: {  	[dreg:$0x3] =	wrdreg s4  }
0xaa: {  	[dreg:$0x4] =	wrdreg $0xC0  }
0xab: {  	_ =	task [dreg:s6], $0x5FFFF  }
0xac: {  	[dreg:$0x1] =	wrdreg $0xFFFFFFFF  }
0xad: {  	[dreg:$0x0] =	wrdreg $0x60  }
0xae: {  	[dreg:$0x2] =	wrdreg s24  }
0xaf: {  	[dreg:$0x3] =	wrdreg $0x70000  }
0xb0: {  	[dreg:$0x4] =	wrdreg $0x9  }
0xb1: {  	_ =	task.clear_ibuf [dreg:s6], $0x5FFFF;
	_ =	strace $0x90000049  }
0xb2: {  	s29 =	simm.s32 $0x9;
	_ =	strace $0x8000004B  }
0xb3: {  	_ =	swait.ge [sflag:s29], $0x1  }
0xb4: {  	[sflag:s29] =	ssyncadd.s32 $0xFFFFFFFF  }
0xb5: {  	_ =	strace $0x9000004B  }
0xb6: {  	_ =	sfence  }
0xb7: {  	s30 =	sld [smem:$0x0];
	_ =	sdelay $0x2  }
0xb8: {  	s31 =	sshll.u32 s1, $0xD;
	s1 =	sshrl.u32 s1, $0x2  }
0xb9: {  	s3 =	sand.u32 $0x4000, s31;
	s1 =	sadd.s32 s1, s30  }
0xba: {  	s0 =	sor.u32 s3, s0;
	s1 =	sshll.u32 s1, $0x11  }
0xbb: {  	s0 =	sor.u32 s1, s0  }
0xbc: {  	s0 =	sadd.s32 $0x8F2B, s0  }
0xbd: {  	[sflag:s0] =	ssyncadd.remote.s32 $0x1  }
0xbe: {  	_ =	sfence.sel $0xFFFF  }
0xbf: {  	[dreg:$0x0] =	wrdreg $0xFFFFFFFF;
	(pc) =	sbr.abs _section_cstart, $3  }
0xc0: {  	[dreg:$0x1] =	wrdreg $0xFFFFFFFF  }
0xc1: {  	_ =	task.clear_ibuf [dreg:s6], $0x2FFFF;
	_ =	strace $0x9FFFFFFF  }
0xc2: {  	(tm) =	ssettm $0x7FFFFFFF  }
0xc3: {  	_ =	shalt  }
tec
execute0_lowered:
.L_overlay_start_1:
0x0: {  	(tag) =	ssettag $0x1  }
0x1: {  	s0 =	rddreg [dreg:$0x0]  }
0x2: {  	s1 =	rddreg [dreg:$0x1]  }
0x3: {  	s15 =	simm.s32 $0x0;
	s3 =	stileid.u32;
	s7 =	srdreg.scid  }
0x4: {  	s18 =	simm.s32 $0x9;
	s19 =	simm.s32 $0x1000;
	s20 =	simm.s32 $0x28  }
0x5: {  	s21 =	simm.s32 $0x2000;
	s22 =	simm.s32 $0x3400;
	s23 =	simm.s32 $0x50  }
0x6: {  	s28 =	simm.s32 $0x1;
	s29 =	simm.s32 $0x2;
	s30 =	simm.s32 $0x5  }
0x7: {  	s31 =	simm.s32 $0x6;
	s14 =	simm.s32 $0x1F50;
	[smem:$0x7FF] =	sst s15  }
0x8: {  	s4 =	sadd.s32 $0x1B600, s0;
	s5 =	sadd.s32 $0x42800, s0;
	s2 =	smul.u32 $0x2700, s3  }
0x9: {  	s6 =	sadd.s32 $0xF000, s0;
	s8 =	sand.u32 $0x1, s7;
	s9 =	smul.u32 $0x4E000, s3  }
0xa: {  	s7 =	sadd.s32 $0x5200, s0;
	s10 =	sadd.s32 $0x18E00, s0;
	s12 =	sadd.s32 $0x124800, s1  }
0xb: {  	s25 =	sadd.s32 $0xB5500, s0;
	_ =	strace $0x8000004A;
	[dreg:$0x4] =	wrdreg s10  }
0xc: {  	p0 =	seq.s32 s3, $0xF;
	s24 =	ssub.s32 $0x2, s8;
	[dreg:$0x6] =	wrdreg s25  }
0xd: {  	s16 =	sshrl.u32 @p0 s12, $0x3;
	p1 =	sne.s32 s8, $0x0;
	s25 =	simm.s32 $0x78  }
0xe: {  	s12 =	simm.s32 $0x1F00;
	s8 =	simm.s32 $0x1F78;
	s2 =	sadd.s32 s2, s0  }
0xf: {  	s11 =	sshrl.u32 s24, $0x1;
	s9 =	sshrl.u32 s9, $0x2;
	s0 =	sadd.s32 $0x8E300, s0  }
0x10: {  	[dreg:$0xa] =	wrdreg s16;
	s10 =	ssub.s32 s24, s11;
	s11 =	sadd.s32 s9, s1  }
0x11: {  	s9 =	smul.u32 $0x4E20, s3;
	s13 =	sadd.s32 $0x90C00, s2;
	[dreg:$0x8] =	wrdreg s0  }
0x12: {  	s2 =	sadd.s32 $0x69A00, s2;
	s0 =	sshll.u32 @!p0 s3, $0x6;
	[dreg:$0x5] =	wrdreg s13  }
.Ltmp0:
0x13: {  	s24 =	simm.s32 $0x4800;
	[dreg:$0x7] =	wrdreg s2;
	(pc) =	sbr.rel .LBB2_1-.Ltmp0, $4  }
0x14: {  	s26 =	smax.u32 s10, $0x1;
	s17 =	sor.u32 @!p0 $0x1C09, s0;
	s0 =	sshrl.u32 @!p0 s11, $0x3  }
0x15: {  	s2 =	simm.s32 $0x4;
	s10 =	simm.s32 $0x7;
	[dreg:$0x9] =	wrdreg s26  }
0x16: {  	s11 =	simm.s32 $0x8;
	s13 =	simm.s32 $0x1F28;
	[dreg:$0xc] =	wrdreg s0  }
0x17: {  	s26 =	simm.s32 $0x5C00;
	s0 =	simm.s32 $0x3;
	[dreg:$0xb] =	wrdreg s17  }
.LBB2_10:
0x18: {  	s15 =	sadd.s32 $0x1, s15;
	s3 =	rddreg [dreg:$0x9]  }
0x19: {  	p2 =	sne.s32 s15, s3  }
.Ltmp1:
0x1a: {  	_ = 	snop;
	(pc) =	sbr.rel @!p2 .LBB2_11-.Ltmp1, $1  }
0x1b: {  	_ =	sdelay $0x3  }
.LBB2_1:
0x1c: {  	[dreg:$0x3] =	wrdreg s15  }
0x1d: {  	s15 =	simm.s32 @p0 $0x1FC9;
	s3 =	rddreg [dreg:$0x4]  }
0x1e: {  	[spmem:s16], [sflag:s15] =	dma.local @p0 [hbm:s3], $0x2800  }
0x1f: {  	s15 =	simm.s32 @p0 $0x9  }
0x20: {  	_ =	swait.ge @p0 [sflag:s15], $0x2800  }
0x21: {  	[sflag:s15] =	ssyncset.done @p0 $0x0  }
0x22: {  	[sflag:s15] =	ssyncadd.s32 @p0 $0xFFFFD800;
	s15 =	rddreg [dreg:$0xc]  }
0x23: {  	[spmem:s15], [sflag:s17] =	dma.local @!p0 [hbm:s3], $0x2700  }
0x24: {  	s15 =	simm.s32 @!p0 $0x9  }
.Ltmp2:
0x25: {  	_ =	swait.ge @!p0 [sflag:s15], $0x2700;
	(pc) =	sbr.rel @p1 .LBB2_6-.Ltmp2, $4  }
0x26: {  	[sflag:s15] =	ssyncset.done @!p0 $0x0  }
0x27: {  	[sflag:s15] =	ssyncadd.s32 @!p0 $0xFFFFD900  }
0x28: {  	[bflag:$0x0] =	sbarrier.arrive $0xFFFF  }
0x29: {  	s16 =	simm.s32 $0x0;
	s15 =	simm.s32 $0x0  }
.LBB2_2:
0x2a: {  	s16 =	smul.u32 $0xFA0, s15;
	_ =	sdelay $0x1  }
0x2b: {  	s16 =	sadd.s32 s9, s16  }
0x2c: {  	s16 =	sshrl.u32 s16, $0x3  }
0x2d: {  	s3 =	simm.s32 $0x0;
	s17 =	sadd.s32 s6, s16  }
0x2e: {  	[tilespmem:s3], [sflag:$0x9] =	stream.linear.gather [hbm4b:s17+s3], $0xFA0, $0x38;
	[tilespmem:$0x1A880] =	vst v63  }
0x2f: {  	_ =	swait.ge [sflag:s18], $0xFA0  }
0x30: {  	[sflag:s18] =	ssyncset.done $0x0  }
0x31: {  	s16 =	sadd.s32 s7, s16;
	[sflag:s18] =	ssyncadd.s32 $0xFFFFF060  }
0x32: {  	[tilespmem:s19], [sflag:$0x9] =	stream.linear.gather [hbm4b:s16+s3], $0xFA0, $0x38;
	[tilespmem:$0x1A880] =	vst v63  }
0x33: {  	_ =	swait.ge [sflag:s18], $0xFA0  }
0x34: {  	[sflag:s18] =	ssyncset.done $0x0  }
0x35: {  	[sflag:s18] =	ssyncadd.s32 $0xFFFFF060  }
0x36: {  	[tilespmem:s21], [sflag:$0x1] =	stream.indirect.gather [hbm4b:s4+s20], $0x80, s3, s20, $0xb8;
	[tilespmem:$0x1A880] =	vst v63  }
0x37: {  	_ = 	snop  }
0x38: {  	[tilespmem:s22], [sflag:$0x2] =	stream.indirect.gather [hbm4b:s4+s20], $0x80, s20, s20, $0xb8;
	[tilespmem:$0x1A880] =	vst v63  }
0x39: {  	_ = 	snop  }
0x3a: {  	[tilespmem:s24], [sflag:$0x3] =	stream.indirect.gather [hbm4b:s4+s20], $0x80, s23, s20, $0xb8;
	[tilespmem:$0x1A880] =	vst v63  }
0x3b: {  	_ = 	snop  }
0x3c: {  	[tilespmem:s26], [sflag:$0x4] =	stream.indirect.gather [hbm4b:s4+s20], $0x80, s25, s20, $0xb8;
	[tilespmem:$0x1A880] =	vst v63  }
0x3d: {  	_ =	swait.ge [sflag:s28], $0x1400  }
0x3e: {  	[sflag:s28] =	ssyncset.done $0x0  }
0x3f: {  	s17 =	simm.s32 $0x1000;
	[sflag:s28] =	ssyncadd.s32 $0xFFFFEC00  }
0x40: {  	[spmem:s1] =	stream.indirect.scatter.add.f32 [tilespmem:s21], [sflag:$0x5], $0x80, s17, s20, $0xb8;
	[tilespmem:$0x1A880] =	vst v63  }
0x41: {  	_ =	swait.ge [sflag:s29], $0x1400  }
0x42: {  	[sflag:s29] =	ssyncset.done $0x0  }
0x43: {  	s16 =	simm.s32 $0x1028;
	[sflag:s29] =	ssyncadd.s32 $0xFFFFEC00  }
0x44: {  	[spmem:s1] =	stream.indirect.scatter.add.f32 [tilespmem:s22], [sflag:$0x6], $0x80, s16, s20, $0xb8;
	[tilespmem:$0x1A880] =	vst v63  }
0x45: {  	_ =	swait.ge [sflag:s30], $0x1400  }
0x46: {  	[sflag:s30] =	ssyncset.done $0x0  }
0x47: {  	s17 =	simm.s32 $0xA0;
	[sflag:s30] =	ssyncadd.s32 $0xFFFFEC00  }
0x48: {  	[tilespmem:s21], [sflag:$0x1] =	stream.indirect.gather [hbm4b:s4+s20], $0x80, s17, s20, $0xb8;
	[tilespmem:$0x1A880] =	vst v63  }
0x49: {  	_ =	swait.ge [sflag:s31], $0x1400  }
0x4a: {  	[sflag:s31] =	ssyncset.done $0x0  }
0x4b: {  	s16 =	simm.s32 $0xC8;
	[sflag:s31] =	ssyncadd.s32 $0xFFFFEC00  }
0x4c: {  	[tilespmem:s22], [sflag:$0x2] =	stream.indirect.gather [hbm4b:s4+s20], $0x80, s16, s20, $0xb8;
	[tilespmem:$0x1A880] =	vst v63  }
0x4d: {  	_ =	swait.ge [sflag:s0], $0x1400  }
0x4e: {  	[sflag:s0] =	ssyncset.done $0x0  }
0x4f: {  	s17 =	simm.s32 $0x1050;
	[sflag:s0] =	ssyncadd.s32 $0xFFFFEC00  }
0x50: {  	[spmem:s1] =	stream.indirect.scatter.add.f32 [tilespmem:s24], [sflag:$0x7], $0x80, s17, s20, $0xb8;
	[tilespmem:$0x1A880] =	vst v63  }
0x51: {  	_ =	swait.ge [sflag:s2], $0x1400  }
0x52: {  	[sflag:s2] =	ssyncset.done $0x0  }
0x53: {  	s16 =	simm.s32 $0x1078;
	[sflag:s2] =	ssyncadd.s32 $0xFFFFEC00  }
0x54: {  	[spmem:s1] =	stream.indirect.scatter.add.f32 [tilespmem:s26], [sflag:$0x8], $0x80, s16, s20, $0xb8;
	[tilespmem:$0x1A880] =	vst v63  }
0x55: {  	_ =	swait.ge [sflag:s10], $0x1400  }
0x56: {  	[sflag:s10] =	ssyncset.done $0x0  }
0x57: {  	s17 =	simm.s32 $0xF0;
	[sflag:s10] =	ssyncadd.s32 $0xFFFFEC00  }
0x58: {  	[tilespmem:s24], [sflag:$0x3] =	stream.indirect.gather [hbm4b:s4+s20], $0x80, s17, s20, $0xb8;
	[tilespmem:$0x1A880] =	vst v63  }
0x59: {  	_ =	swait.ge [sflag:s11], $0x1400  }
0x5a: {  	[sflag:s11] =	ssyncset.done $0x0  }
0x5b: {  	s16 =	simm.s32 $0x280;
	s17 =	simm.s32 $0x118;
	[sflag:s11] =	ssyncadd.s32 $0xFFFFEC00  }
.LBB2_3:
0x5c: {  	[tilespmem:s26], [sflag:$0x4] =	stream.indirect.gather [hbm4b:s4+s20], $0x80, s17, s20, $0xb8;
	[tilespmem:$0x1A880] =	vst v63  }
0x5d: {  	s3 =	smov.u32 s16  }
0x5e: {  	p2 =	sne.s32 s16, $0x3980;
	s16 =	sadd.s32 $0x280, s16;
	_ =	swait.ge [sflag:s28], $0x1400  }
0x5f: {  	s17 =	sshra.s32 s3, $0x2;
	[sflag:s28] =	ssyncset.done $0x0  }
0x60: {  	s3 =	sadd.s32 $0x1000, s17;
	[sflag:s28] =	ssyncadd.s32 $0xFFFFEC00  }
0x61: {  	[spmem:s1] =	stream.indirect.scatter.add.f32 [tilespmem:s21], [sflag:$0x5], $0x80, s3, s20, $0xb8;
	[tilespmem:$0x1A880] =	vst v63  }
0x62: {  	_ =	swait.ge [sflag:s29], $0x1400  }
0x63: {  	[sflag:s29] =	ssyncset.done $0x0  }
0x64: {  	s3 =	sadd.s32 $0x1028, s17;
	[sflag:s29] =	ssyncadd.s32 $0xFFFFEC00  }
0x65: {  	[spmem:s1] =	stream.indirect.scatter.add.f32 [tilespmem:s22], [sflag:$0x6], $0x80, s3, s20, $0xb8;
	[tilespmem:$0x1A880] =	vst v63  }
0x66: {  	_ =	swait.ge [sflag:s30], $0x1400  }
0x67: {  	[sflag:s30] =	ssyncset.done $0x0  }
0x68: {  	s3 =	sadd.s32 $0xA0, s17;
	[sflag:s30] =	ssyncadd.s32 $0xFFFFEC00  }
0x69: {  	[tilespmem:s21], [sflag:$0x1] =	stream.indirect.gather [hbm4b:s4+s20], $0x80, s3, s20, $0xb8;
	[tilespmem:$0x1A880] =	vst v63  }
0x6a: {  	_ =	swait.ge [sflag:s31], $0x1400  }
0x6b: {  	[sflag:s31] =	ssyncset.done $0x0  }
0x6c: {  	s3 =	sadd.s32 $0xC8, s17;
	[sflag:s31] =	ssyncadd.s32 $0xFFFFEC00  }
0x6d: {  	[tilespmem:s22], [sflag:$0x2] =	stream.indirect.gather [hbm4b:s4+s20], $0x80, s3, s20, $0xb8;
	[tilespmem:$0x1A880] =	vst v63  }
0x6e: {  	_ =	swait.ge [sflag:s0], $0x1400  }
0x6f: {  	[sflag:s0] =	ssyncset.done $0x0  }
0x70: {  	s3 =	sadd.s32 $0x1050, s17;
	[sflag:s0] =	ssyncadd.s32 $0xFFFFEC00  }
0x71: {  	[spmem:s1] =	stream.indirect.scatter.add.f32 [tilespmem:s24], [sflag:$0x7], $0x80, s3, s20, $0xb8;
	[tilespmem:$0x1A880] =	vst v63  }
0x72: {  	_ =	swait.ge [sflag:s2], $0x1400  }
0x73: {  	[sflag:s2] =	ssyncset.done $0x0  }
0x74: {  	s3 =	sadd.s32 $0x1078, s17;
	[sflag:s2] =	ssyncadd.s32 $0xFFFFEC00  }
0x75: {  	[spmem:s1] =	stream.indirect.scatter.add.f32 [tilespmem:s26], [sflag:$0x8], $0x80, s3, s20, $0xb8;
	[tilespmem:$0x1A880] =	vst v63  }
0x76: {  	_ =	swait.ge [sflag:s10], $0x1400  }
0x77: {  	[sflag:s10] =	ssyncset.done $0x0  }
.Ltmp3:
0x78: {  	s3 =	sadd.s32 $0xF0, s17;
	[sflag:s10] =	ssyncadd.s32 $0xFFFFEC00;
	(pc) =	sbr.rel @p2 .LBB2_3-.Ltmp3, $4  }
0x79: {  	[tilespmem:s24], [sflag:$0x3] =	stream.indirect.gather [hbm4b:s4+s20], $0x80, s3, s20, $0xb8;
	[tilespmem:$0x1A880] =	vst v63  }
0x7a: {  	_ =	swait.ge [sflag:s11], $0x1400  }
0x7b: {  	[sflag:s11] =	ssyncset.done $0x0  }
0x7c: {  	s17 =	sadd.s32 $0x118, s17;
	[sflag:s11] =	ssyncadd.s32 $0xFFFFEC00  }
0x7d: {  	[tilespmem:s26], [sflag:$0x4] =	stream.indirect.gather [hbm4b:s4+s20], $0x80, s17, s20, $0xb8;
	[tilespmem:$0x1A880] =	vst v63  }
0x7e: {  	_ =	swait.ge [sflag:s28], $0x1400  }
0x7f: {  	[sflag:s28] =	ssyncset.done $0x0  }
0x80: {  	[sflag:s28] =	ssyncadd.s32 $0xFFFFEC00  }
0x81: {  	[spmem:s1] =	stream.indirect.scatter.add.f32 [tilespmem:s21], [sflag:$0x5], $0x80, s12, s20, $0xb8;
	[tilespmem:$0x1A880] =	vst v63  }
0x82: {  	_ =	swait.ge [sflag:s29], $0x1400  }
0x83: {  	[sflag:s29] =	ssyncset.done $0x0  }
0x84: {  	[sflag:s29] =	ssyncadd.s32 $0xFFFFEC00  }
0x85: {  	[spmem:s1] =	stream.indirect.scatter.add.f32 [tilespmem:s22], [sflag:$0x6], $0x80, s13, s20, $0xb8;
	[tilespmem:$0x1A880] =	vst v63  }
0x86: {  	_ =	swait.ge [sflag:s0], $0x1400  }
0x87: {  	[sflag:s0] =	ssyncset.done $0x0  }
0x88: {  	[sflag:s0] =	ssyncadd.s32 $0xFFFFEC00  }
0x89: {  	[spmem:s1] =	stream.indirect.scatter.add.f32 [tilespmem:s24], [sflag:$0x7], $0x80, s14, s20, $0xb8;
	[tilespmem:$0x1A880] =	vst v63  }
0x8a: {  	_ =	swait.ge [sflag:s2], $0x1400  }
0x8b: {  	[sflag:s2] =	ssyncset.done $0x0  }
0x8c: {  	[sflag:s2] =	ssyncadd.s32 $0xFFFFEC00  }
0x8d: {  	[spmem:s1] =	stream.indirect.scatter.add.f32 [tilespmem:s26], [sflag:$0x8], $0x80, s8, s20, $0xb8;
	[tilespmem:$0x1A880] =	vst v63  }
0x8e: {  	_ =	swait.ge [sflag:s30], $0x1400  }
0x8f: {  	[sflag:s30] =	ssyncset.done $0x0  }
0x90: {  	[sflag:s30] =	ssyncadd.s32 $0xFFFFEC00  }
0x91: {  	_ =	swait.ge [sflag:s31], $0x1400  }
0x92: {  	[sflag:s31] =	ssyncset.done $0x0  }
0x93: {  	s15 =	sadd.s32 $0x1, s15;
	[sflag:s31] =	ssyncadd.s32 $0xFFFFEC00  }
0x94: {  	p2 =	sne.s32 s15, $0x5;
	_ =	swait.ge [sflag:s10], $0x1400  }
.Ltmp4:
0x95: {  	[sflag:s10] =	ssyncset.done $0x0;
	(pc) =	sbr.rel @p2 .LBB2_2-.Ltmp4, $4  }
0x96: {  	[sflag:s10] =	ssyncadd.s32 $0xFFFFEC00  }
0x97: {  	_ =	swait.ge [sflag:s11], $0x1400  }
0x98: {  	[sflag:s11] =	ssyncset.done $0x0  }
0x99: {  	[sflag:s11] =	ssyncadd.s32 $0xFFFFEC00  }
0x9a: {  	[bflag:$0x0] =	sbarrier.arrive $0xFFFF  }
0x9b: {  	s15 =	rddreg [dreg:$0x8]  }
0x9c: {  	s3 =	simm.s32 @p0 $0x1FC9;
	s16 =	rddreg [dreg:$0xa]  }
0x9d: {  	[hbm:s15], [sflag:s3] =	dma.local @p0 [spmem:s16], $0x2800  }
0x9e: {  	s3 =	simm.s32 @p0 $0x9  }
0x9f: {  	_ =	swait.ge @p0 [sflag:s3], $0x2800  }
0xa0: {  	s17 =	rddreg [dreg:$0xb]  }
0xa1: {  	[sflag:s3] =	ssyncset.done @p0 $0x0;
	s15 =	rddreg [dreg:$0xc]  }
0xa2: {  	[sflag:s3] =	ssyncadd.s32 @p0 $0xFFFFD800;
	s3 =	rddreg [dreg:$0x7]  }
0xa3: {  	[hbm:s3], [sflag:s17] =	dma.local @!p0 [spmem:s15], $0x2700  }
.Ltmp5:
0xa4: {  	_ = 	snop;
	(pc) =	sbr.rel .LBB2_10-.Ltmp5, $4  }
0xa5: {  	s3 =	simm.s32 @!p0 $0x9  }
0xa6: {  	_ =	swait.ge @!p0 [sflag:s3], $0x2700  }
0xa7: {  	[sflag:s3] =	ssyncset.done @!p0 $0x0  }
0xa8: {  	s15 =	rddreg [dreg:$0x3];
	[sflag:s3] =	ssyncadd.s32 @!p0 $0xFFFFD900  }
.LBB2_6:
0xa9: {  	s3 =	smul.u32 $0xFA0, s16;
	_ =	sdelay $0x1  }
0xaa: {  	s3 =	sadd.s32 s9, s3  }
0xab: {  	s3 =	sshrl.u32 s3, $0x3  }
0xac: {  	s17 =	simm.s32 $0x0;
	s15 =	sadd.s32 s7, s3  }
0xad: {  	[tilespmem:s17], [sflag:$0x9] =	stream.linear.gather [hbm4b:s15+s17], $0xFA0, $0x38;
	[tilespmem:$0x1A880] =	vst v63  }
0xae: {  	_ =	swait.ge [sflag:s18], $0xFA0  }
0xaf: {  	[sflag:s18] =	ssyncset.done $0x0  }
0xb0: {  	s3 =	sadd.s32 s6, s3;
	[sflag:s18] =	ssyncadd.s32 $0xFFFFF060  }
0xb1: {  	[tilespmem:s19], [sflag:$0x9] =	stream.linear.gather [hbm4b:s3+s17], $0xFA0, $0x38;
	[tilespmem:$0x1A880] =	vst v63  }
0xb2: {  	_ =	swait.ge [sflag:s18], $0xFA0  }
0xb3: {  	[sflag:s18] =	ssyncset.done $0x0  }
0xb4: {  	[sflag:s18] =	ssyncadd.s32 $0xFFFFF060  }
0xb5: {  	[tilespmem:s21], [sflag:$0x1] =	stream.indirect.gather [hbm4b:s5+s20], $0x80, s17, s20, $0xb8;
	[tilespmem:$0x1A880] =	vst v63  }
0xb6: {  	_ = 	snop  }
0xb7: {  	[tilespmem:s22], [sflag:$0x2] =	stream.indirect.gather [hbm4b:s5+s20], $0x80, s20, s20, $0xb8;
	[tilespmem:$0x1A880] =	vst v63  }
0xb8: {  	_ = 	snop  }
0xb9: {  	[tilespmem:s24], [sflag:$0x3] =	stream.indirect.gather [hbm4b:s5+s20], $0x80, s23, s20, $0xb8;
	[tilespmem:$0x1A880] =	vst v63  }
0xba: {  	_ = 	snop  }
0xbb: {  	[tilespmem:s26], [sflag:$0x4] =	stream.indirect.gather [hbm4b:s5+s20], $0x80, s25, s20, $0xb8;
	[tilespmem:$0x1A880] =	vst v63  }
0xbc: {  	_ =	swait.ge [sflag:s28], $0x1400  }
0xbd: {  	[sflag:s28] =	ssyncset.done $0x0  }
0xbe: {  	s17 =	simm.s32 $0x1000;
	[sflag:s28] =	ssyncadd.s32 $0xFFFFEC00  }
0xbf: {  	[spmem:s1] =	stream.indirect.scatter.add.f32 [tilespmem:s21], [sflag:$0x5], $0x80, s17, s20, $0xb8;
	[tilespmem:$0x1A880] =	vst v63  }
0xc0: {  	_ =	swait.ge [sflag:s29], $0x1400  }
0xc1: {  	[sflag:s29] =	ssyncset.done $0x0  }
0xc2: {  	s15 =	simm.s32 $0x1028;
	[sflag:s29] =	ssyncadd.s32 $0xFFFFEC00  }
0xc3: {  	[spmem:s1] =	stream.indirect.scatter.add.f32 [tilespmem:s22], [sflag:$0x6], $0x80, s15, s20, $0xb8;
	[tilespmem:$0x1A880] =	vst v63  }
0xc4: {  	_ =	swait.ge [sflag:s30], $0x1400  }
0xc5: {  	[sflag:s30] =	ssyncset.done $0x0  }
0xc6: {  	s17 =	simm.s32 $0xA0;
	[sflag:s30] =	ssyncadd.s32 $0xFFFFEC00  }
0xc7: {  	[tilespmem:s21], [sflag:$0x1] =	stream.indirect.gather [hbm4b:s5+s20], $0x80, s17, s20, $0xb8;
	[tilespmem:$0x1A880] =	vst v63  }
0xc8: {  	_ =	swait.ge [sflag:s31], $0x1400  }
0xc9: {  	[sflag:s31] =	ssyncset.done $0x0  }
0xca: {  	s15 =	simm.s32 $0xC8;
	[sflag:s31] =	ssyncadd.s32 $0xFFFFEC00  }
0xcb: {  	[tilespmem:s22], [sflag:$0x2] =	stream.indirect.gather [hbm4b:s5+s20], $0x80, s15, s20, $0xb8;
	[tilespmem:$0x1A880] =	vst v63  }
0xcc: {  	_ =	swait.ge [sflag:s0], $0x1400  }
0xcd: {  	[sflag:s0] =	ssyncset.done $0x0  }
0xce: {  	s17 =	simm.s32 $0x1050;
	[sflag:s0] =	ssyncadd.s32 $0xFFFFEC00  }
0xcf: {  	[spmem:s1] =	stream.indirect.scatter.add.f32 [tilespmem:s24], [sflag:$0x7], $0x80, s17, s20, $0xb8;
	[tilespmem:$0x1A880] =	vst v63  }
0xd0: {  	_ =	swait.ge [sflag:s2], $0x1400  }
0xd1: {  	[sflag:s2] =	ssyncset.done $0x0  }
0xd2: {  	s15 =	simm.s32 $0x1078;
	[sflag:s2] =	ssyncadd.s32 $0xFFFFEC00  }
0xd3: {  	[spmem:s1] =	stream.indirect.scatter.add.f32 [tilespmem:s26], [sflag:$0x8], $0x80, s15, s20, $0xb8;
	[tilespmem:$0x1A880] =	vst v63  }
0xd4: {  	_ =	swait.ge [sflag:s10], $0x1400  }
0xd5: {  	[sflag:s10] =	ssyncset.done $0x0  }
0xd6: {  	s17 =	simm.s32 $0xF0;
	[sflag:s10] =	ssyncadd.s32 $0xFFFFEC00  }
0xd7: {  	[tilespmem:s24], [sflag:$0x3] =	stream.indirect.gather [hbm4b:s5+s20], $0x80, s17, s20, $0xb8;
	[tilespmem:$0x1A880] =	vst v63  }
0xd8: {  	_ =	swait.ge [sflag:s11], $0x1400  }
0xd9: {  	[sflag:s11] =	ssyncset.done $0x0  }
0xda: {  	s15 =	simm.s32 $0x280;
	s17 =	simm.s32 $0x118;
	[sflag:s11] =	ssyncadd.s32 $0xFFFFEC00  }
.LBB2_7:
0xdb: {  	[tilespmem:s26], [sflag:$0x4] =	stream.indirect.gather [hbm4b:s5+s20], $0x80, s17, s20, $0xb8;
	[tilespmem:$0x1A880] =	vst v63  }
0xdc: {  	s3 =	smov.u32 s15  }
0xdd: {  	p2 =	sne.s32 s15, $0x3980;
	s15 =	sadd.s32 $0x280, s15;
	_ =	swait.ge [sflag:s28], $0x1400  }
0xde: {  	s17 =	sshra.s32 s3, $0x2;
	[sflag:s28] =	ssyncset.done $0x0  }
0xdf: {  	s3 =	sadd.s32 $0x1000, s17;
	[sflag:s28] =	ssyncadd.s32 $0xFFFFEC00  }
0xe0: {  	[spmem:s1] =	stream.indirect.scatter.add.f32 [tilespmem:s21], [sflag:$0x5], $0x80, s3, s20, $0xb8;
	[tilespmem:$0x1A880] =	vst v63  }
0xe1: {  	_ =	swait.ge [sflag:s29], $0x1400  }
0xe2: {  	[sflag:s29] =	ssyncset.done $0x0  }
0xe3: {  	s3 =	sadd.s32 $0x1028, s17;
	[sflag:s29] =	ssyncadd.s32 $0xFFFFEC00  }
0xe4: {  	[spmem:s1] =	stream.indirect.scatter.add.f32 [tilespmem:s22], [sflag:$0x6], $0x80, s3, s20, $0xb8;
	[tilespmem:$0x1A880] =	vst v63  }
0xe5: {  	_ =	swait.ge [sflag:s30], $0x1400  }
0xe6: {  	[sflag:s30] =	ssyncset.done $0x0  }
0xe7: {  	s3 =	sadd.s32 $0xA0, s17;
	[sflag:s30] =	ssyncadd.s32 $0xFFFFEC00  }
0xe8: {  	[tilespmem:s21], [sflag:$0x1] =	stream.indirect.gather [hbm4b:s5+s20], $0x80, s3, s20, $0xb8;
	[tilespmem:$0x1A880] =	vst v63  }
0xe9: {  	_ =	swait.ge [sflag:s31], $0x1400  }
0xea: {  	[sflag:s31] =	ssyncset.done $0x0  }
0xeb: {  	s3 =	sadd.s32 $0xC8, s17;
	[sflag:s31] =	ssyncadd.s32 $0xFFFFEC00  }
0xec: {  	[tilespmem:s22], [sflag:$0x2] =	stream.indirect.gather [hbm4b:s5+s20], $0x80, s3, s20, $0xb8;
	[tilespmem:$0x1A880] =	vst v63  }
0xed: {  	_ =	swait.ge [sflag:s0], $0x1400  }
0xee: {  	[sflag:s0] =	ssyncset.done $0x0  }
0xef: {  	s3 =	sadd.s32 $0x1050, s17;
	[sflag:s0] =	ssyncadd.s32 $0xFFFFEC00  }
0xf0: {  	[spmem:s1] =	stream.indirect.scatter.add.f32 [tilespmem:s24], [sflag:$0x7], $0x80, s3, s20, $0xb8;
	[tilespmem:$0x1A880] =	vst v63  }
0xf1: {  	_ =	swait.ge [sflag:s2], $0x1400  }
0xf2: {  	[sflag:s2] =	ssyncset.done $0x0  }
0xf3: {  	s3 =	sadd.s32 $0x1078, s17;
	[sflag:s2] =	ssyncadd.s32 $0xFFFFEC00  }
0xf4: {  	[spmem:s1] =	stream.indirect.scatter.add.f32 [tilespmem:s26], [sflag:$0x8], $0x80, s3, s20, $0xb8;
	[tilespmem:$0x1A880] =	vst v63  }
0xf5: {  	_ =	swait.ge [sflag:s10], $0x1400  }
0xf6: {  	[sflag:s10] =	ssyncset.done $0x0  }
.Ltmp6:
0xf7: {  	s3 =	sadd.s32 $0xF0, s17;
	[sflag:s10] =	ssyncadd.s32 $0xFFFFEC00;
	(pc) =	sbr.rel @p2 .LBB2_7-.Ltmp6, $4  }
0xf8: {  	[tilespmem:s24], [sflag:$0x3] =	stream.indirect.gather [hbm4b:s5+s20], $0x80, s3, s20, $0xb8;
	[tilespmem:$0x1A880] =	vst v63  }
0xf9: {  	_ =	swait.ge [sflag:s11], $0x1400  }
0xfa: {  	[sflag:s11] =	ssyncset.done $0x0  }
0xfb: {  	s17 =	sadd.s32 $0x118, s17;
	[sflag:s11] =	ssyncadd.s32 $0xFFFFEC00  }
0xfc: {  	[tilespmem:s26], [sflag:$0x4] =	stream.indirect.gather [hbm4b:s5+s20], $0x80, s17, s20, $0xb8;
	[tilespmem:$0x1A880] =	vst v63  }
0xfd: {  	_ =	swait.ge [sflag:s28], $0x1400  }
0xfe: {  	[sflag:s28] =	ssyncset.done $0x0  }
0xff: {  	[sflag:s28] =	ssyncadd.s32 $0xFFFFEC00  }
0x100: {  	[spmem:s1] =	stream.indirect.scatter.add.f32 [tilespmem:s21], [sflag:$0x5], $0x80, s12, s20, $0xb8;
	[tilespmem:$0x1A880] =	vst v63  }
0x101: {  	_ =	swait.ge [sflag:s29], $0x1400  }
0x102: {  	[sflag:s29] =	ssyncset.done $0x0  }
0x103: {  	[sflag:s29] =	ssyncadd.s32 $0xFFFFEC00  }
0x104: {  	[spmem:s1] =	stream.indirect.scatter.add.f32 [tilespmem:s22], [sflag:$0x6], $0x80, s13, s20, $0xb8;
	[tilespmem:$0x1A880] =	vst v63  }
0x105: {  	_ =	swait.ge [sflag:s0], $0x1400  }
0x106: {  	[sflag:s0] =	ssyncset.done $0x0  }
0x107: {  	[sflag:s0] =	ssyncadd.s32 $0xFFFFEC00  }
0x108: {  	[spmem:s1] =	stream.indirect.scatter.add.f32 [tilespmem:s24], [sflag:$0x7], $0x80, s14, s20, $0xb8;
	[tilespmem:$0x1A880] =	vst v63  }
0x109: {  	_ =	swait.ge [sflag:s2], $0x1400  }
0x10a: {  	[sflag:s2] =	ssyncset.done $0x0  }
0x10b: {  	[sflag:s2] =	ssyncadd.s32 $0xFFFFEC00  }
0x10c: {  	[spmem:s1] =	stream.indirect.scatter.add.f32 [tilespmem:s26], [sflag:$0x8], $0x80, s8, s20, $0xb8;
	[tilespmem:$0x1A880] =	vst v63  }
0x10d: {  	_ =	swait.ge [sflag:s30], $0x1400  }
0x10e: {  	[sflag:s30] =	ssyncset.done $0x0  }
0x10f: {  	[sflag:s30] =	ssyncadd.s32 $0xFFFFEC00  }
0x110: {  	_ =	swait.ge [sflag:s31], $0x1400  }
0x111: {  	[sflag:s31] =	ssyncset.done $0x0  }
0x112: {  	s16 =	sadd.s32 $0x1, s16;
	[sflag:s31] =	ssyncadd.s32 $0xFFFFEC00  }
0x113: {  	p2 =	sne.s32 s16, $0x5;
	_ =	swait.ge [sflag:s10], $0x1400  }
.Ltmp7:
0x114: {  	[sflag:s10] =	ssyncset.done $0x0;
	(pc) =	sbr.rel @p2 .LBB2_6-.Ltmp7, $4  }
0x115: {  	[sflag:s10] =	ssyncadd.s32 $0xFFFFEC00  }
0x116: {  	_ =	swait.ge [sflag:s11], $0x1400  }
0x117: {  	[sflag:s11] =	ssyncset.done $0x0  }
0x118: {  	[sflag:s11] =	ssyncadd.s32 $0xFFFFEC00  }
0x119: {  	[bflag:$0x0] =	sbarrier.arrive $0xFFFF  }
0x11a: {  	s15 =	rddreg [dreg:$0x6]  }
0x11b: {  	s3 =	simm.s32 @p0 $0x1FC9;
	s16 =	rddreg [dreg:$0xa]  }
0x11c: {  	[hbm:s15], [sflag:s3] =	dma.local @p0 [spmem:s16], $0x2800  }
0x11d: {  	s3 =	simm.s32 @p0 $0x9  }
0x11e: {  	_ =	swait.ge @p0 [sflag:s3], $0x2800  }
0x11f: {  	s17 =	rddreg [dreg:$0xb]  }
0x120: {  	[sflag:s3] =	ssyncset.done @p0 $0x0;
	s15 =	rddreg [dreg:$0xc]  }
0x121: {  	[sflag:s3] =	ssyncadd.s32 @p0 $0xFFFFD800;
	s3 =	rddreg [dreg:$0x5]  }
0x122: {  	[hbm:s3], [sflag:s17] =	dma.local @!p0 [spmem:s15], $0x2700  }
.Ltmp8:
0x123: {  	_ = 	snop;
	(pc) =	sbr.rel .LBB2_10-.Ltmp8, $4  }
0x124: {  	s3 =	simm.s32 @!p0 $0x9  }
0x125: {  	_ =	swait.ge @!p0 [sflag:s3], $0x2700  }
0x126: {  	[sflag:s3] =	ssyncset.done @!p0 $0x0  }
0x127: {  	s15 =	rddreg [dreg:$0x3];
	[sflag:s3] =	ssyncadd.s32 @!p0 $0xFFFFD900  }
.LBB2_11:
0x128: {  	_ =	sfence.sel $0x180000  }
0x129: {  	[bflag:$0x0] =	sbarrier.arrive $0xFFFF  }
0x12a: {  	_ =	strace $0x9000004A  }
0x12b: {  	s0 =	stileid.u32;
	[bflag:$0x2] =	sbarrier.arrive $0xFFFF  }
0x12c: {  	p0 =	sne.s32 s0, $0x0;
	s0 =	rddreg [dreg:$0x2]  }
0x12d: {  	s0 =	sadd.s32 @!p0 $0x100000, s0  }
0x12e: {  	[sflag:s0] =	ssyncadd.tile.s32 @!p0 $0x1;
	_ =	shalt  }
.Lfunc_end2:
_tile_overlayer_lowered:
.L_overlay_start_2:
0x12f: {  	(tag) =	ssettag $0x2  }
0x130: {  	s0 =	rddreg [dreg:$0x0];
	s2 =	stileid.u32  }
0x131: {  	s1 =	rddreg [dreg:$0x1];
	p0 =	sne.s32 s2, $0x0  }
0x132: {  	s3 =	rddreg [dreg:$0x2];
	[bflag:$0x3] =	sbarrier.arrive $0xFFFF;
	s2 =	simm.s32 @!p0 $0x1C09  }
0x133: {  	[timem:s3], [sflag:s2] =	dma.local @!p0 [hbm:s0], s1  }
0x134: {  	s0 =	simm.s32 @!p0 $0x9  }
0x135: {  	_ =	swait.ge @!p0 [sflag:s0], s1  }
0x136: {  	s1 =	ssub.s32 @!p0 $0x0, s1;
	[sflag:s0] =	ssyncset.done @!p0 $0x0  }
0x137: {  	[sflag:s0] =	ssyncadd.s32 @!p0 s1  }
0x138: {  	[bflag:$0x3] =	sbarrier.arrive $0xFFFF  }
0x139: {  	_ =	shalt  }

// kernel: kernel.15.cloned.1.call-start
scs
__scs_entry_jumppad:
0x0: {  	(pc) =	sbr.rel $0x88, $3  }
0x1: {  	(tag) =	ssettag $0x0;
	lr =	simm.s32 $0x1  }
0x2: {  	[smem:$0x3F92] =	sst lr;
	_ =	strace $0xD0000000  }
0x3: {  	_ = 	snop  }
0x4: {  	_ = 	snop  }
0x5: {  	_ = 	snop  }
0x6: {  	_ = 	snop  }
0x7: {  	_ = 	snop  }
__scs_overlays_trampoline_lowered:
0x8: {  	[smem:$0x3FA1] =	sst s0  }
0x9: {  	[smem:$0x3FA2] =	sst s1  }
0xa: {  	[smem:$0x3FA3] =	sst s2  }
0xb: {  	[smem:$0x3FA4] =	sst s3  }
0xc: {  	[smem:$0x3FA5] =	sst s4  }
0xd: {  	[smem:$0x3FA6] =	sst s5  }
0xe: {  	[smem:$0x3FA7] =	sst s6  }
0xf: {  	[smem:$0x3FA8] =	sst s7  }
0x10: {  	[smem:$0x3FA9] =	sst s8  }
0x11: {  	[smem:$0x3FAA] =	sst s9;
	s0 =	simm.s32 @!p0 $0x0  }
0x12: {  	s1 =	sld [smem:$0x3F90];
	s0 =	simm.s32 @p0 $0x1  }
0x13: {  	[smem:$0x3FAB] =	sst s0;
	s0 =	simm.s32 @!p1 $0x0  }
0x14: {  	s2 =	sld [smem:$0x3F8F];
	s0 =	simm.s32 @p1 $0x1  }
0x15: {  	[smem:$0x3FAC] =	sst s0;
	s0 =	simm.s32 @!p2 $0x0  }
0x16: {  	s3 =	sld [smem:$0x3FDB];
	s0 =	simm.s32 @p2 $0x1  }
0x17: {  	s4 =	simm.s32 $0x1BF5;
	[smem:$0x3FAE] =	sst s0  }
0x18: {  	s0 =	sld [smem:$0x3F91];
	_ =	swait.ge [sflag:s4], $0x0  }
0x19: {  	s7 =	sld [smem:$0x3F92]  }
0x1a: {  	s8 =	sadd.s32 $0xFFFFE003, lr  }
0x1b: {  	s9 =	sadd.s32 $0xFFFFFEF7, lr;
	s5 =	simm.s32 $0xFFFFFFFF;
	p2 =	slt.u32 s8, $0xFFFFF086  }
0x1c: {  	p1 =	slt.u32 s9, $0xF7A;
	s5 =	simm.s32 @!p2 $0x0  }
0x1d: {  	s5 =	simm.s32 @p1 $0x1;
	p0 =	seq.s32 s7, s2  }
0x1e: {  	s7 =	smul.u32 @!p0 $0xF7A, s2;
	p2 =	seq.s32 @!p0 s5, $0x0  }
0x1f: {  	s9 =	smul.u32 $0xF7A, s1;
	s8 =	simm.s32 @!p0 $0x1BF5;
	p2 =	por !p2, p0  }
0x20: {  	[sflag:s8] =	ssyncset.s32 @!p0 $0xFFFFF086;
	s6 =	sadd.s32 @!p0 s3, s7;
	s7 =	simm.s32 @!p0 $0x108  }
0x21: {  	s3 =	sadd.s32 s3, s9;
	s6 =	sadd.s32 @!p0 $0x88, s6;
	s7 =	simm.s32 @p2 $0x1082  }
0x22: {  	[simem:s7], [sflag:s8] =	dma.local @!p0 [hbm:s6], $0xF7A  }
0x23: {  	s9 =	sor.u32 $0xD0000000, s2;
	s6 =	simm.s32 $0x108;
	_ =	swait.ge @!p0 [sflag:s8], $0x0  }
0x24: {  	s3 =	sadd.s32 $0x88, s3;
	s6 =	simm.s32 @!p1 $0x1082;
	[sflag:s4] =	ssyncset.s32 $0xFFFFF086  }
0x25: {  	[simem:s6], [sflag:s4] =	dma.local [hbm:s3], $0xF7A  }
0x26: {  	[smem:$0x3F92] =	sst s1;
	(tag) =	ssettag s2;
	_ =	strace s9  }
0x27: {  	s1 =	sld [smem:$0x3FA2]  }
0x28: {  	s2 =	sld [smem:$0x3FA3]  }
0x29: {  	s4 =	sld [smem:$0x3FA5]  }
0x2a: {  	p0 =	seq.s32 s5, $0x0;
	s5 =	sld [smem:$0x3FA6]  }
0x2b: {  	s6 =	sld [smem:$0x3FA7]  }
0x2c: {  	s7 =	sld [smem:$0x3FA8]  }
0x2d: {  	s3 =	simm.s32 $0x108;
	s8 =	sld [smem:$0x3FA9]  }
0x2e: {  	s3 =	simm.s32 @!p0 $0x1082;
	s9 =	sld [smem:$0x3FAA]  }
0x2f: {  	lr =	sadd.s32 s0, s3;
	s0 =	sld [smem:$0x3FA1]  }
0x30: {  	s3 =	sld [smem:$0x3FA4]  }
0x31: {  	[smem:$0x3FAD] =	sst s10  }
0x32: {  	s10 =	sld [smem:$0x3FAB];
	_ =	sdelay $0x3  }
0x33: {  	p0 =	seq.s32 s10, $0x1;
	s10 =	sld [smem:$0x3FAD];
	_ =	sdelay $0x3  }
0x34: {  	[smem:$0x3FAD] =	sst s10  }
0x35: {  	s10 =	sld [smem:$0x3FAC];
	_ =	sdelay $0x3  }
0x36: {  	p1 =	seq.s32 s10, $0x1;
	s10 =	sld [smem:$0x3FAD];
	_ =	sdelay $0x3  }
0x37: {  	[smem:$0x3FAD] =	sst s10  }
0x38: {  	s10 =	sld [smem:$0x3FAE]  }
0x39: {  	_ = 	snop;
	(pc) =	sbr.ind lr, $3  }
0x3a: {  	_ = 	snop  }
0x3b: {  	_ = 	snop  }
0x3c: {  	p2 =	seq.s32 s10, $0x1;
	s10 =	sld [smem:$0x3FAD]  }
0x3d: {  	_ =	shalt  }
0x3e: {  	_ =	shalt  }
0x3f: {  	_ =	shalt  }
0x40: {  	_ =	shalt  }
0x41: {  	_ =	shalt  }
0x42: {  	_ =	shalt  }
0x43: {  	_ =	shalt  }
0x44: {  	_ =	shalt  }
0x45: {  	_ =	shalt  }
0x46: {  	_ =	shalt  }
0x47: {  	_ =	shalt  }
0x48: {  	_ =	shalt  }
0x49: {  	_ =	shalt  }
0x4a: {  	_ =	shalt  }
0x4b: {  	_ =	shalt  }
0x4c: {  	_ =	shalt  }
0x4d: {  	_ =	shalt  }
0x4e: {  	_ =	shalt  }
0x4f: {  	_ =	shalt  }
0x50: {  	_ =	shalt  }
0x51: {  	_ =	shalt  }
0x52: {  	_ =	shalt  }
0x53: {  	_ =	shalt  }
0x54: {  	_ =	shalt  }
0x55: {  	_ =	shalt  }
0x56: {  	_ =	shalt  }
0x57: {  	_ =	shalt  }
0x58: {  	_ =	shalt  }
0x59: {  	_ =	shalt  }
0x5a: {  	_ =	shalt  }
0x5b: {  	_ =	shalt  }
0x5c: {  	_ =	shalt  }
0x5d: {  	_ =	shalt  }
0x5e: {  	_ =	shalt  }
0x5f: {  	_ =	shalt  }
0x60: {  	_ =	shalt  }
0x61: {  	_ =	shalt  }
0x62: {  	_ =	shalt  }
0x63: {  	_ =	shalt  }
0x64: {  	_ =	shalt  }
0x65: {  	_ =	shalt  }
0x66: {  	_ =	shalt  }
0x67: {  	_ =	shalt  }
0x68: {  	_ =	shalt  }
0x69: {  	_ =	shalt  }
0x6a: {  	_ =	shalt  }
0x6b: {  	_ =	shalt  }
0x6c: {  	_ =	shalt  }
0x6d: {  	_ =	shalt  }
0x6e: {  	_ =	shalt  }
0x6f: {  	_ =	shalt  }
0x70: {  	_ =	shalt  }
0x71: {  	_ =	shalt  }
0x72: {  	_ =	shalt  }
0x73: {  	_ =	shalt  }
0x74: {  	_ =	shalt  }
0x75: {  	_ =	shalt  }
0x76: {  	_ =	shalt  }
0x77: {  	_ =	shalt  }
0x78: {  	_ =	shalt  }
0x79: {  	_ =	shalt  }
0x7a: {  	_ =	shalt  }
0x7b: {  	_ =	shalt  }
0x7c: {  	_ =	shalt  }
0x7d: {  	_ =	shalt  }
0x7e: {  	_ =	shalt  }
0x7f: {  	_ =	shalt  }
0x80: {  	_ =	shalt  }
0x81: {  	_ =	shalt  }
0x82: {  	_ =	shalt  }
0x83: {  	_ =	shalt  }
0x84: {  	_ =	shalt  }
0x85: {  	_ =	shalt  }
0x86: {  	_ =	shalt  }
0x87: {  	_ =	shalt  }
.Lfunc_end0:
.L_simem_size_0:
called_computation.2_lowered:
.L_overlay_start_0:
0x88: {  	s2 =	sld [smem:$0x3FD9]  }
0x89: {  	s3 =	sld [smem:$0x3FFE];
	_ =	sdelay $0x1  }
0x8a: {  	s1 =	srdreg.scid  }
0x8b: {  	s0 =	sand.u32 $0x1, s1  }
0x8c: {  	s16 =	sshll.u32 s0, $0xA;
	s2 =	sadd.s32 s3, s2  }
0x8d: {  	s2 =	sadd.s32 s2, s16  }
0x8e: {  	[smem:$0x3FB9] =	sst s2  }
0x8f: {  	_ = 	snop  }
0x90: {  	(tm) =	ssettm $0x1  }
0x91: {  	s17 =	sld [smem:$0x3FFB];
	_ =	sdelay $0x3  }
0x92: {  	_ =	strace s17  }
0x93: {  	s2 =	sld [smem:$0x3FFC];
	_ =	sdelay $0x3  }
0x94: {  	_ =	strace s2  }
0x95: {  	s2 =	sld [smem:$0x3FFD];
	_ =	sdelay $0x3  }
0x96: {  	_ =	strace s2  }
0x97: {  	_ =	strace $0x8FFFFFFF  }
0x98: {  	s18 =	sld [smem:$0x3FDB];
	_ =	sdelay $0x1  }
0x99: {  	s19 =	simm.s32 $_scs_section_size  }
0x9a: {  	s4 =	simm.s32 $_size__tile_overlayer_lowered;
	s5 =	simm.s32 $_tile_overlayer_lowered  }
0x9b: {  	s22 =	simm.s32 $0x1BFF;
	s21 =	sshll.u32 s5, $0x1;
	s2 =	sadd.s32 s19, s18  }
0x9c: {  	s6 =	simm.s32 $0x0;
	s20 =	sshll.u32 s4, $0x1;
	s4 =	sadd.s32 s21, s2  }
0x9d: {  	[timem:s6], [sflag:s22] =	dma.local [hbm:s4], s20  }
0x9e: {  	_ =	swait.ge [sflag:s22], s20  }
0x9f: {  	s3 =	ssub.s32 $0x0, s20;
	[sflag:s22] =	ssyncset.done $0x0  }
0xa0: {  	[sflag:s22] =	ssyncadd.s32 s3;
	_ =	sdelay $0x1  }
0xa1: {  	s23 =	simm.s32 $0x1B8B  }
0xa2: {  	_ =	swait.ge [sflag:s23], $0x1  }
0xa3: {  	[sflag:s23] =	ssyncset.done $0x0  }
0xa4: {  	s25 =	simm.s32 $0x1B8E;
	s24 =	sld [smem:$0x3FFE];
	[sflag:s23] =	ssyncadd.s32 $0xFFFFFFFF  }
0xa5: {  	s26 =	simm.s32 $execute0_lowered;
	[smem:$0x3FD2] =	sst s25  }
0xa6: {  	s4 =	sshll.u32 s26, $0x1;
	_ =	strace $0x8000004C;
	[dreg:$0x1] =	wrdreg $0xFFFFFFFF  }
0xa7: {  	s28 =	simm.s32 $_size_execute0_lowered;
	s2 =	sadd.s32 s2, s4;
	[dreg:$0x0] =	wrdreg $0x0  }
0xa8: {  	s4 =	sshll.u32 s28, $0x1;
	[dreg:$0x2] =	wrdreg s2  }
0xa9: {  	[dreg:$0x3] =	wrdreg s4  }
0xaa: {  	[dreg:$0x4] =	wrdreg $0xC0  }
0xab: {  	_ =	task [dreg:s6], $0x5FFFF  }
0xac: {  	[dreg:$0x1] =	wrdreg $0xFFFFFFFF  }
0xad: {  	[dreg:$0x0] =	wrdreg $0x60  }
0xae: {  	[dreg:$0x2] =	wrdreg s24  }
0xaf: {  	[dreg:$0x3] =	wrdreg $0x70000  }
0xb0: {  	[dreg:$0x4] =	wrdreg $0x9  }
0xb1: {  	_ =	task.clear_ibuf [dreg:s6], $0x5FFFF;
	_ =	strace $0x9000004C  }
0xb2: {  	s29 =	simm.s32 $0x9;
	_ =	strace $0x8000004E  }
0xb3: {  	_ =	swait.ge [sflag:s29], $0x1  }
0xb4: {  	[sflag:s29] =	ssyncadd.s32 $0xFFFFFFFF  }
0xb5: {  	_ =	strace $0x9000004E  }
0xb6: {  	_ =	sfence  }
0xb7: {  	s30 =	sld [smem:$0x0];
	_ =	sdelay $0x2  }
0xb8: {  	s31 =	sshll.u32 s1, $0xD;
	s1 =	sshrl.u32 s1, $0x2  }
0xb9: {  	s3 =	sand.u32 $0x4000, s31;
	s1 =	sadd.s32 s1, s30  }
0xba: {  	s0 =	sor.u32 s3, s0;
	s1 =	sshll.u32 s1, $0x11  }
0xbb: {  	s0 =	sor.u32 s1, s0  }
0xbc: {  	s0 =	sadd.s32 $0x8F2B, s0  }
0xbd: {  	[sflag:s0] =	ssyncadd.remote.s32 $0x1  }
0xbe: {  	_ =	sfence.sel $0xFFFF  }
0xbf: {  	[dreg:$0x0] =	wrdreg $0xFFFFFFFF;
	(pc) =	sbr.abs _section_cstart, $3  }
0xc0: {  	[dreg:$0x1] =	wrdreg $0xFFFFFFFF  }
0xc1: {  	_ =	task.clear_ibuf [dreg:s6], $0x2FFFF;
	_ =	strace $0x9FFFFFFF  }
0xc2: {  	(tm) =	ssettm $0x7FFFFFFF  }
0xc3: {  	_ =	shalt  }
tec
execute0_lowered:
.L_overlay_start_1:
0x0: {  	(tag) =	ssettag $0x1  }
0x1: {  	s0 =	rddreg [dreg:$0x0]  }
0x2: {  	s1 =	rddreg [dreg:$0x1]  }
0x3: {  	s15 =	simm.s32 $0x0;
	s3 =	stileid.u32;
	s7 =	srdreg.scid  }
0x4: {  	s18 =	simm.s32 $0x9;
	s19 =	simm.s32 $0x1000;
	s20 =	simm.s32 $0x28  }
0x5: {  	s21 =	simm.s32 $0x2000;
	s22 =	simm.s32 $0x3400;
	s23 =	simm.s32 $0x50  }
0x6: {  	s28 =	simm.s32 $0x1;
	s29 =	simm.s32 $0x2;
	s30 =	simm.s32 $0x5  }
0x7: {  	s31 =	simm.s32 $0x6;
	s14 =	simm.s32 $0x1F50;
	[smem:$0x7FF] =	sst s15  }
0x8: {  	s4 =	sadd.s32 $0x1B600, s0;
	s5 =	sadd.s32 $0x42800, s0;
	s2 =	smul.u32 $0x2700, s3  }
0x9: {  	s6 =	sadd.s32 $0xF000, s0;
	s8 =	sand.u32 $0x1, s7;
	s9 =	smul.u32 $0x4E000, s3  }
0xa: {  	s7 =	sadd.s32 $0x5200, s0;
	s10 =	sadd.s32 $0x18E00, s0;
	s12 =	sadd.s32 $0x124800, s1  }
0xb: {  	s25 =	sadd.s32 $0xB5500, s0;
	_ =	strace $0x8000004D;
	[dreg:$0x4] =	wrdreg s10  }
0xc: {  	p0 =	seq.s32 s3, $0xF;
	s24 =	ssub.s32 $0x2, s8;
	[dreg:$0x6] =	wrdreg s25  }
0xd: {  	s16 =	sshrl.u32 @p0 s12, $0x3;
	p1 =	sne.s32 s8, $0x0;
	s25 =	simm.s32 $0x78  }
0xe: {  	s12 =	simm.s32 $0x1F00;
	s8 =	simm.s32 $0x1F78;
	s2 =	sadd.s32 s2, s0  }
0xf: {  	s11 =	sshrl.u32 s24, $0x1;
	s9 =	sshrl.u32 s9, $0x2;
	s0 =	sadd.s32 $0x8E300, s0  }
0x10: {  	[dreg:$0xa] =	wrdreg s16;
	s10 =	ssub.s32 s24, s11;
	s11 =	sadd.s32 s9, s1  }
0x11: {  	s9 =	smul.u32 $0x4E20, s3;
	s13 =	sadd.s32 $0x90C00, s2;
	[dreg:$0x8] =	wrdreg s0  }
0x12: {  	s2 =	sadd.s32 $0x69A00, s2;
	s0 =	sshll.u32 @!p0 s3, $0x6;
	[dreg:$0x5] =	wrdreg s13  }
.Ltmp0:
0x13: {  	s24 =	simm.s32 $0x4800;
	[dreg:$0x7] =	wrdreg s2;
	(pc) =	sbr.rel .LBB2_1-.Ltmp0, $4  }
0x14: {  	s26 =	smax.u32 s10, $0x1;
	s17 =	sor.u32 @!p0 $0x1C09, s0;
	s0 =	sshrl.u32 @!p0 s11, $0x3  }
0x15: {  	s2 =	simm.s32 $0x4;
	s10 =	simm.s32 $0x7;
	[dreg:$0x9] =	wrdreg s26  }
0x16: {  	s11 =	simm.s32 $0x8;
	s13 =	simm.s32 $0x1F28;
	[dreg:$0xc] =	wrdreg s0  }
0x17: {  	s26 =	simm.s32 $0x5C00;
	s0 =	simm.s32 $0x3;
	[dreg:$0xb] =	wrdreg s17  }
.LBB2_10:
0x18: {  	s15 =	sadd.s32 $0x1, s15;
	s3 =	rddreg [dreg:$0x9]  }
0x19: {  	p2 =	sne.s32 s15, s3  }
.Ltmp1:
0x1a: {  	_ = 	snop;
	(pc) =	sbr.rel @!p2 .LBB2_11-.Ltmp1, $1  }
0x1b: {  	_ =	sdelay $0x3  }
.LBB2_1:
0x1c: {  	[dreg:$0x3] =	wrdreg s15  }
0x1d: {  	s15 =	simm.s32 @p0 $0x1FC9;
	s3 =	rddreg [dreg:$0x4]  }
0x1e: {  	[spmem:s16], [sflag:s15] =	dma.local @p0 [hbm:s3], $0x2800  }
0x1f: {  	s15 =	simm.s32 @p0 $0x9  }
0x20: {  	_ =	swait.ge @p0 [sflag:s15], $0x2800  }
0x21: {  	[sflag:s15] =	ssyncset.done @p0 $0x0  }
0x22: {  	[sflag:s15] =	ssyncadd.s32 @p0 $0xFFFFD800;
	s15 =	rddreg [dreg:$0xc]  }
0x23: {  	[spmem:s15], [sflag:s17] =	dma.local @!p0 [hbm:s3], $0x2700  }
0x24: {  	s15 =	simm.s32 @!p0 $0x9  }
.Ltmp2:
0x25: {  	_ =	swait.ge @!p0 [sflag:s15], $0x2700;
	(pc) =	sbr.rel @p1 .LBB2_6-.Ltmp2, $4  }
0x26: {  	[sflag:s15] =	ssyncset.done @!p0 $0x0  }
0x27: {  	[sflag:s15] =	ssyncadd.s32 @!p0 $0xFFFFD900  }
0x28: {  	[bflag:$0x0] =	sbarrier.arrive $0xFFFF  }
0x29: {  	s16 =	simm.s32 $0x0;
	s15 =	simm.s32 $0x0  }
.LBB2_2:
0x2a: {  	s16 =	smul.u32 $0xFA0, s15;
	_ =	sdelay $0x1  }
0x2b: {  	s16 =	sadd.s32 s9, s16  }
0x2c: {  	s16 =	sshrl.u32 s16, $0x3  }
0x2d: {  	s3 =	simm.s32 $0x0;
	s17 =	sadd.s32 s6, s16  }
0x2e: {  	[tilespmem:s3], [sflag:$0x9] =	stream.linear.gather [hbm4b:s17+s3], $0xFA0, $0x38;
	[tilespmem:$0x1A880] =	vst v63  }
0x2f: {  	_ =	swait.ge [sflag:s18], $0xFA0  }
0x30: {  	[sflag:s18] =	ssyncset.done $0x0  }
0x31: {  	s16 =	sadd.s32 s7, s16;
	[sflag:s18] =	ssyncadd.s32 $0xFFFFF060  }
0x32: {  	[tilespmem:s19], [sflag:$0x9] =	stream.linear.gather [hbm4b:s16+s3], $0xFA0, $0x38;
	[tilespmem:$0x1A880] =	vst v63  }
0x33: {  	_ =	swait.ge [sflag:s18], $0xFA0  }
0x34: {  	[sflag:s18] =	ssyncset.done $0x0  }
0x35: {  	[sflag:s18] =	ssyncadd.s32 $0xFFFFF060  }
0x36: {  	[tilespmem:s21], [sflag:$0x1] =	stream.indirect.gather [hbm4b:s4+s20], $0x80, s3, s20, $0xb8;
	[tilespmem:$0x1A880] =	vst v63  }
0x37: {  	_ = 	snop  }
0x38: {  	[tilespmem:s22], [sflag:$0x2] =	stream.indirect.gather [hbm4b:s4+s20], $0x80, s20, s20, $0xb8;
	[tilespmem:$0x1A880] =	vst v63  }
0x39: {  	_ = 	snop  }
0x3a: {  	[tilespmem:s24], [sflag:$0x3] =	stream.indirect.gather [hbm4b:s4+s20], $0x80, s23, s20, $0xb8;
	[tilespmem:$0x1A880] =	vst v63  }
0x3b: {  	_ = 	snop  }
0x3c: {  	[tilespmem:s26], [sflag:$0x4] =	stream.indirect.gather [hbm4b:s4+s20], $0x80, s25, s20, $0xb8;
	[tilespmem:$0x1A880] =	vst v63  }
0x3d: {  	_ =	swait.ge [sflag:s28], $0x1400  }
0x3e: {  	[sflag:s28] =	ssyncset.done $0x0  }
0x3f: {  	s17 =	simm.s32 $0x1000;
	[sflag:s28] =	ssyncadd.s32 $0xFFFFEC00  }
0x40: {  	[spmem:s1] =	stream.indirect.scatter.add.f32 [tilespmem:s21], [sflag:$0x5], $0x80, s17, s20, $0xb8;
	[tilespmem:$0x1A880] =	vst v63  }
0x41: {  	_ =	swait.ge [sflag:s29], $0x1400  }
0x42: {  	[sflag:s29] =	ssyncset.done $0x0  }
0x43: {  	s16 =	simm.s32 $0x1028;
	[sflag:s29] =	ssyncadd.s32 $0xFFFFEC00  }
0x44: {  	[spmem:s1] =	stream.indirect.scatter.add.f32 [tilespmem:s22], [sflag:$0x6], $0x80, s16, s20, $0xb8;
	[tilespmem:$0x1A880] =	vst v63  }
0x45: {  	_ =	swait.ge [sflag:s30], $0x1400  }
0x46: {  	[sflag:s30] =	ssyncset.done $0x0  }
0x47: {  	s17 =	simm.s32 $0xA0;
	[sflag:s30] =	ssyncadd.s32 $0xFFFFEC00  }
0x48: {  	[tilespmem:s21], [sflag:$0x1] =	stream.indirect.gather [hbm4b:s4+s20], $0x80, s17, s20, $0xb8;
	[tilespmem:$0x1A880] =	vst v63  }
0x49: {  	_ =	swait.ge [sflag:s31], $0x1400  }
0x4a: {  	[sflag:s31] =	ssyncset.done $0x0  }
0x4b: {  	s16 =	simm.s32 $0xC8;
	[sflag:s31] =	ssyncadd.s32 $0xFFFFEC00  }
0x4c: {  	[tilespmem:s22], [sflag:$0x2] =	stream.indirect.gather [hbm4b:s4+s20], $0x80, s16, s20, $0xb8;
	[tilespmem:$0x1A880] =	vst v63  }
0x4d: {  	_ =	swait.ge [sflag:s0], $0x1400  }
0x4e: {  	[sflag:s0] =	ssyncset.done $0x0  }
0x4f: {  	s17 =	simm.s32 $0x1050;
	[sflag:s0] =	ssyncadd.s32 $0xFFFFEC00  }
0x50: {  	[spmem:s1] =	stream.indirect.scatter.add.f32 [tilespmem:s24], [sflag:$0x7], $0x80, s17, s20, $0xb8;
	[tilespmem:$0x1A880] =	vst v63  }
0x51: {  	_ =	swait.ge [sflag:s2], $0x1400  }
0x52: {  	[sflag:s2] =	ssyncset.done $0x0  }
0x53: {  	s16 =	simm.s32 $0x1078;
	[sflag:s2] =	ssyncadd.s32 $0xFFFFEC00  }
0x54: {  	[spmem:s1] =	stream.indirect.scatter.add.f32 [tilespmem:s26], [sflag:$0x8], $0x80, s16, s20, $0xb8;
	[tilespmem:$0x1A880] =	vst v63  }
0x55: {  	_ =	swait.ge [sflag:s10], $0x1400  }
0x56: {  	[sflag:s10] =	ssyncset.done $0x0  }
0x57: {  	s17 =	simm.s32 $0xF0;
	[sflag:s10] =	ssyncadd.s32 $0xFFFFEC00  }
0x58: {  	[tilespmem:s24], [sflag:$0x3] =	stream.indirect.gather [hbm4b:s4+s20], $0x80, s17, s20, $0xb8;
	[tilespmem:$0x1A880] =	vst v63  }
0x59: {  	_ =	swait.ge [sflag:s11], $0x1400  }
0x5a: {  	[sflag:s11] =	ssyncset.done $0x0  }
0x5b: {  	s16 =	simm.s32 $0x280;
	s17 =	simm.s32 $0x118;
	[sflag:s11] =	ssyncadd.s32 $0xFFFFEC00  }
.LBB2_3:
0x5c: {  	[tilespmem:s26], [sflag:$0x4] =	stream.indirect.gather [hbm4b:s4+s20], $0x80, s17, s20, $0xb8;
	[tilespmem:$0x1A880] =	vst v63  }
0x5d: {  	s3 =	smov.u32 s16  }
0x5e: {  	p2 =	sne.s32 s16, $0x3980;
	s16 =	sadd.s32 $0x280, s16;
	_ =	swait.ge [sflag:s28], $0x1400  }
0x5f: {  	s17 =	sshra.s32 s3, $0x2;
	[sflag:s28] =	ssyncset.done $0x0  }
0x60: {  	s3 =	sadd.s32 $0x1000, s17;
	[sflag:s28] =	ssyncadd.s32 $0xFFFFEC00  }
0x61: {  	[spmem:s1] =	stream.indirect.scatter.add.f32 [tilespmem:s21], [sflag:$0x5], $0x80, s3, s20, $0xb8;
	[tilespmem:$0x1A880] =	vst v63  }
0x62: {  	_ =	swait.ge [sflag:s29], $0x1400  }
0x63: {  	[sflag:s29] =	ssyncset.done $0x0  }
0x64: {  	s3 =	sadd.s32 $0x1028, s17;
	[sflag:s29] =	ssyncadd.s32 $0xFFFFEC00  }
0x65: {  	[spmem:s1] =	stream.indirect.scatter.add.f32 [tilespmem:s22], [sflag:$0x6], $0x80, s3, s20, $0xb8;
	[tilespmem:$0x1A880] =	vst v63  }
0x66: {  	_ =	swait.ge [sflag:s30], $0x1400  }
0x67: {  	[sflag:s30] =	ssyncset.done $0x0  }
0x68: {  	s3 =	sadd.s32 $0xA0, s17;
	[sflag:s30] =	ssyncadd.s32 $0xFFFFEC00  }
0x69: {  	[tilespmem:s21], [sflag:$0x1] =	stream.indirect.gather [hbm4b:s4+s20], $0x80, s3, s20, $0xb8;
	[tilespmem:$0x1A880] =	vst v63  }
0x6a: {  	_ =	swait.ge [sflag:s31], $0x1400  }
0x6b: {  	[sflag:s31] =	ssyncset.done $0x0  }
0x6c: {  	s3 =	sadd.s32 $0xC8, s17;
	[sflag:s31] =	ssyncadd.s32 $0xFFFFEC00  }
0x6d: {  	[tilespmem:s22], [sflag:$0x2] =	stream.indirect.gather [hbm4b:s4+s20], $0x80, s3, s20, $0xb8;
	[tilespmem:$0x1A880] =	vst v63  }
0x6e: {  	_ =	swait.ge [sflag:s0], $0x1400  }
0x6f: {  	[sflag:s0] =	ssyncset.done $0x0  }
0x70: {  	s3 =	sadd.s32 $0x1050, s17;
	[sflag:s0] =	ssyncadd.s32 $0xFFFFEC00  }
0x71: {  	[spmem:s1] =	stream.indirect.scatter.add.f32 [tilespmem:s24], [sflag:$0x7], $0x80, s3, s20, $0xb8;
	[tilespmem:$0x1A880] =	vst v63  }
0x72: {  	_ =	swait.ge [sflag:s2], $0x1400  }
0x73: {  	[sflag:s2] =	ssyncset.done $0x0  }
0x74: {  	s3 =	sadd.s32 $0x1078, s17;
	[sflag:s2] =	ssyncadd.s32 $0xFFFFEC00  }
0x75: {  	[spmem:s1] =	stream.indirect.scatter.add.f32 [tilespmem:s26], [sflag:$0x8], $0x80, s3, s20, $0xb8;
	[tilespmem:$0x1A880] =	vst v63  }
0x76: {  	_ =	swait.ge [sflag:s10], $0x1400  }
0x77: {  	[sflag:s10] =	ssyncset.done $0x0  }
.Ltmp3:
0x78: {  	s3 =	sadd.s32 $0xF0, s17;
	[sflag:s10] =	ssyncadd.s32 $0xFFFFEC00;
	(pc) =	sbr.rel @p2 .LBB2_3-.Ltmp3, $4  }
0x79: {  	[tilespmem:s24], [sflag:$0x3] =	stream.indirect.gather [hbm4b:s4+s20], $0x80, s3, s20, $0xb8;
	[tilespmem:$0x1A880] =	vst v63  }
0x7a: {  	_ =	swait.ge [sflag:s11], $0x1400  }
0x7b: {  	[sflag:s11] =	ssyncset.done $0x0  }
0x7c: {  	s17 =	sadd.s32 $0x118, s17;
	[sflag:s11] =	ssyncadd.s32 $0xFFFFEC00  }
0x7d: {  	[tilespmem:s26], [sflag:$0x4] =	stream.indirect.gather [hbm4b:s4+s20], $0x80, s17, s20, $0xb8;
	[tilespmem:$0x1A880] =	vst v63  }
0x7e: {  	_ =	swait.ge [sflag:s28], $0x1400  }
0x7f: {  	[sflag:s28] =	ssyncset.done $0x0  }
0x80: {  	[sflag:s28] =	ssyncadd.s32 $0xFFFFEC00  }
0x81: {  	[spmem:s1] =	stream.indirect.scatter.add.f32 [tilespmem:s21], [sflag:$0x5], $0x80, s12, s20, $0xb8;
	[tilespmem:$0x1A880] =	vst v63  }
0x82: {  	_ =	swait.ge [sflag:s29], $0x1400  }
0x83: {  	[sflag:s29] =	ssyncset.done $0x0  }
0x84: {  	[sflag:s29] =	ssyncadd.s32 $0xFFFFEC00  }
0x85: {  	[spmem:s1] =	stream.indirect.scatter.add.f32 [tilespmem:s22], [sflag:$0x6], $0x80, s13, s20, $0xb8;
	[tilespmem:$0x1A880] =	vst v63  }
0x86: {  	_ =	swait.ge [sflag:s0], $0x1400  }
0x87: {  	[sflag:s0] =	ssyncset.done $0x0  }
0x88: {  	[sflag:s0] =	ssyncadd.s32 $0xFFFFEC00  }
0x89: {  	[spmem:s1] =	stream.indirect.scatter.add.f32 [tilespmem:s24], [sflag:$0x7], $0x80, s14, s20, $0xb8;
	[tilespmem:$0x1A880] =	vst v63  }
0x8a: {  	_ =	swait.ge [sflag:s2], $0x1400  }
0x8b: {  	[sflag:s2] =	ssyncset.done $0x0  }
0x8c: {  	[sflag:s2] =	ssyncadd.s32 $0xFFFFEC00  }
0x8d: {  	[spmem:s1] =	stream.indirect.scatter.add.f32 [tilespmem:s26], [sflag:$0x8], $0x80, s8, s20, $0xb8;
	[tilespmem:$0x1A880] =	vst v63  }
0x8e: {  	_ =	swait.ge [sflag:s30], $0x1400  }
0x8f: {  	[sflag:s30] =	ssyncset.done $0x0  }
0x90: {  	[sflag:s30] =	ssyncadd.s32 $0xFFFFEC00  }
0x91: {  	_ =	swait.ge [sflag:s31], $0x1400  }
0x92: {  	[sflag:s31] =	ssyncset.done $0x0  }
0x93: {  	s15 =	sadd.s32 $0x1, s15;
	[sflag:s31] =	ssyncadd.s32 $0xFFFFEC00  }
0x94: {  	p2 =	sne.s32 s15, $0x5;
	_ =	swait.ge [sflag:s10], $0x1400  }
.Ltmp4:
0x95: {  	[sflag:s10] =	ssyncset.done $0x0;
	(pc) =	sbr.rel @p2 .LBB2_2-.Ltmp4, $4  }
0x96: {  	[sflag:s10] =	ssyncadd.s32 $0xFFFFEC00  }
0x97: {  	_ =	swait.ge [sflag:s11], $0x1400  }
0x98: {  	[sflag:s11] =	ssyncset.done $0x0  }
0x99: {  	[sflag:s11] =	ssyncadd.s32 $0xFFFFEC00  }
0x9a: {  	[bflag:$0x0] =	sbarrier.arrive $0xFFFF  }
0x9b: {  	s15 =	rddreg [dreg:$0x8]  }
0x9c: {  	s3 =	simm.s32 @p0 $0x1FC9;
	s16 =	rddreg [dreg:$0xa]  }
0x9d: {  	[hbm:s15], [sflag:s3] =	dma.local @p0 [spmem:s16], $0x2800  }
0x9e: {  	s3 =	simm.s32 @p0 $0x9  }
0x9f: {  	_ =	swait.ge @p0 [sflag:s3], $0x2800  }
0xa0: {  	s17 =	rddreg [dreg:$0xb]  }
0xa1: {  	[sflag:s3] =	ssyncset.done @p0 $0x0;
	s15 =	rddreg [dreg:$0xc]  }
0xa2: {  	[sflag:s3] =	ssyncadd.s32 @p0 $0xFFFFD800;
	s3 =	rddreg [dreg:$0x7]  }
0xa3: {  	[hbm:s3], [sflag:s17] =	dma.local @!p0 [spmem:s15], $0x2700  }
.Ltmp5:
0xa4: {  	_ = 	snop;
	(pc) =	sbr.rel .LBB2_10-.Ltmp5, $4  }
0xa5: {  	s3 =	simm.s32 @!p0 $0x9  }
0xa6: {  	_ =	swait.ge @!p0 [sflag:s3], $0x2700  }
0xa7: {  	[sflag:s3] =	ssyncset.done @!p0 $0x0  }
0xa8: {  	s15 =	rddreg [dreg:$0x3];
	[sflag:s3] =	ssyncadd.s32 @!p0 $0xFFFFD900  }
.LBB2_6:
0xa9: {  	s3 =	smul.u32 $0xFA0, s16;
	_ =	sdelay $0x1  }
0xaa: {  	s3 =	sadd.s32 s9, s3  }
0xab: {  	s3 =	sshrl.u32 s3, $0x3  }
0xac: {  	s17 =	simm.s32 $0x0;
	s15 =	sadd.s32 s7, s3  }
0xad: {  	[tilespmem:s17], [sflag:$0x9] =	stream.linear.gather [hbm4b:s15+s17], $0xFA0, $0x38;
	[tilespmem:$0x1A880] =	vst v63  }
0xae: {  	_ =	swait.ge [sflag:s18], $0xFA0  }
0xaf: {  	[sflag:s18] =	ssyncset.done $0x0  }
0xb0: {  	s3 =	sadd.s32 s6, s3;
	[sflag:s18] =	ssyncadd.s32 $0xFFFFF060  }
0xb1: {  	[tilespmem:s19], [sflag:$0x9] =	stream.linear.gather [hbm4b:s3+s17], $0xFA0, $0x38;
	[tilespmem:$0x1A880] =	vst v63  }
0xb2: {  	_ =	swait.ge [sflag:s18], $0xFA0  }
0xb3: {  	[sflag:s18] =	ssyncset.done $0x0  }
0xb4: {  	[sflag:s18] =	ssyncadd.s32 $0xFFFFF060  }
0xb5: {  	[tilespmem:s21], [sflag:$0x1] =	stream.indirect.gather [hbm4b:s5+s20], $0x80, s17, s20, $0xb8;
	[tilespmem:$0x1A880] =	vst v63  }
0xb6: {  	_ = 	snop  }
0xb7: {  	[tilespmem:s22], [sflag:$0x2] =	stream.indirect.gather [hbm4b:s5+s20], $0x80, s20, s20, $0xb8;
	[tilespmem:$0x1A880] =	vst v63  }
0xb8: {  	_ = 	snop  }
0xb9: {  	[tilespmem:s24], [sflag:$0x3] =	stream.indirect.gather [hbm4b:s5+s20], $0x80, s23, s20, $0xb8;
	[tilespmem:$0x1A880] =	vst v63  }
0xba: {  	_ = 	snop  }
0xbb: {  	[tilespmem:s26], [sflag:$0x4] =	stream.indirect.gather [hbm4b:s5+s20], $0x80, s25, s20, $0xb8;
	[tilespmem:$0x1A880] =	vst v63  }
0xbc: {  	_ =	swait.ge [sflag:s28], $0x1400  }
0xbd: {  	[sflag:s28] =	ssyncset.done $0x0  }
0xbe: {  	s17 =	simm.s32 $0x1000;
	[sflag:s28] =	ssyncadd.s32 $0xFFFFEC00  }
0xbf: {  	[spmem:s1] =	stream.indirect.scatter.add.f32 [tilespmem:s21], [sflag:$0x5], $0x80, s17, s20, $0xb8;
	[tilespmem:$0x1A880] =	vst v63  }
0xc0: {  	_ =	swait.ge [sflag:s29], $0x1400  }
0xc1: {  	[sflag:s29] =	ssyncset.done $0x0  }
0xc2: {  	s15 =	simm.s32 $0x1028;
	[sflag:s29] =	ssyncadd.s32 $0xFFFFEC00  }
0xc3: {  	[spmem:s1] =	stream.indirect.scatter.add.f32 [tilespmem:s22], [sflag:$0x6], $0x80, s15, s20, $0xb8;
	[tilespmem:$0x1A880] =	vst v63  }
0xc4: {  	_ =	swait.ge [sflag:s30], $0x1400  }
0xc5: {  	[sflag:s30] =	ssyncset.done $0x0  }
0xc6: {  	s17 =	simm.s32 $0xA0;
	[sflag:s30] =	ssyncadd.s32 $0xFFFFEC00  }
0xc7: {  	[tilespmem:s21], [sflag:$0x1] =	stream.indirect.gather [hbm4b:s5+s20], $0x80, s17, s20, $0xb8;
	[tilespmem:$0x1A880] =	vst v63  }
0xc8: {  	_ =	swait.ge [sflag:s31], $0x1400  }
0xc9: {  	[sflag:s31] =	ssyncset.done $0x0  }
0xca: {  	s15 =	simm.s32 $0xC8;
	[sflag:s31] =	ssyncadd.s32 $0xFFFFEC00  }
0xcb: {  	[tilespmem:s22], [sflag:$0x2] =	stream.indirect.gather [hbm4b:s5+s20], $0x80, s15, s20, $0xb8;
	[tilespmem:$0x1A880] =	vst v63  }
0xcc: {  	_ =	swait.ge [sflag:s0], $0x1400  }
0xcd: {  	[sflag:s0] =	ssyncset.done $0x0  }
0xce: {  	s17 =	simm.s32 $0x1050;
	[sflag:s0] =	ssyncadd.s32 $0xFFFFEC00  }
0xcf: {  	[spmem:s1] =	stream.indirect.scatter.add.f32 [tilespmem:s24], [sflag:$0x7], $0x80, s17, s20, $0xb8;
	[tilespmem:$0x1A880] =	vst v63  }
0xd0: {  	_ =	swait.ge [sflag:s2], $0x1400  }
0xd1: {  	[sflag:s2] =	ssyncset.done $0x0  }
0xd2: {  	s15 =	simm.s32 $0x1078;
	[sflag:s2] =	ssyncadd.s32 $0xFFFFEC00  }
0xd3: {  	[spmem:s1] =	stream.indirect.scatter.add.f32 [tilespmem:s26], [sflag:$0x8], $0x80, s15, s20, $0xb8;
	[tilespmem:$0x1A880] =	vst v63  }
0xd4: {  	_ =	swait.ge [sflag:s10], $0x1400  }
0xd5: {  	[sflag:s10] =	ssyncset.done $0x0  }
0xd6: {  	s17 =	simm.s32 $0xF0;
	[sflag:s10] =	ssyncadd.s32 $0xFFFFEC00  }
0xd7: {  	[tilespmem:s24], [sflag:$0x3] =	stream.indirect.gather [hbm4b:s5+s20], $0x80, s17, s20, $0xb8;
	[tilespmem:$0x1A880] =	vst v63  }
0xd8: {  	_ =	swait.ge [sflag:s11], $0x1400  }
0xd9: {  	[sflag:s11] =	ssyncset.done $0x0  }
0xda: {  	s15 =	simm.s32 $0x280;
	s17 =	simm.s32 $0x118;
	[sflag:s11] =	ssyncadd.s32 $0xFFFFEC00  }
.LBB2_7:
0xdb: {  	[tilespmem:s26], [sflag:$0x4] =	stream.indirect.gather [hbm4b:s5+s20], $0x80, s17, s20, $0xb8;
	[tilespmem:$0x1A880] =	vst v63  }
0xdc: {  	s3 =	smov.u32 s15  }
0xdd: {  	p2 =	sne.s32 s15, $0x3980;
	s15 =	sadd.s32 $0x280, s15;
	_ =	swait.ge [sflag:s28], $0x1400  }
0xde: {  	s17 =	sshra.s32 s3, $0x2;
	[sflag:s28] =	ssyncset.done $0x0  }
0xdf: {  	s3 =	sadd.s32 $0x1000, s17;
	[sflag:s28] =	ssyncadd.s32 $0xFFFFEC00  }
0xe0: {  	[spmem:s1] =	stream.indirect.scatter.add.f32 [tilespmem:s21], [sflag:$0x5], $0x80, s3, s20, $0xb8;
	[tilespmem:$0x1A880] =	vst v63  }
0xe1: {  	_ =	swait.ge [sflag:s29], $0x1400  }
0xe2: {  	[sflag:s29] =	ssyncset.done $0x0  }
0xe3: {  	s3 =	sadd.s32 $0x1028, s17;
	[sflag:s29] =	ssyncadd.s32 $0xFFFFEC00  }
0xe4: {  	[spmem:s1] =	stream.indirect.scatter.add.f32 [tilespmem:s22], [sflag:$0x6], $0x80, s3, s20, $0xb8;
	[tilespmem:$0x1A880] =	vst v63  }
0xe5: {  	_ =	swait.ge [sflag:s30], $0x1400  }
0xe6: {  	[sflag:s30] =	ssyncset.done $0x0  }
0xe7: {  	s3 =	sadd.s32 $0xA0, s17;
	[sflag:s30] =	ssyncadd.s32 $0xFFFFEC00  }
0xe8: {  	[tilespmem:s21], [sflag:$0x1] =	stream.indirect.gather [hbm4b:s5+s20], $0x80, s3, s20, $0xb8;
	[tilespmem:$0x1A880] =	vst v63  }
0xe9: {  	_ =	swait.ge [sflag:s31], $0x1400  }
0xea: {  	[sflag:s31] =	ssyncset.done $0x0  }
0xeb: {  	s3 =	sadd.s32 $0xC8, s17;
	[sflag:s31] =	ssyncadd.s32 $0xFFFFEC00  }
0xec: {  	[tilespmem:s22], [sflag:$0x2] =	stream.indirect.gather [hbm4b:s5+s20], $0x80, s3, s20, $0xb8;
	[tilespmem:$0x1A880] =	vst v63  }
0xed: {  	_ =	swait.ge [sflag:s0], $0x1400  }
0xee: {  	[sflag:s0] =	ssyncset.done $0x0  }
0xef: {  	s3 =	sadd.s32 $0x1050, s17;
	[sflag:s0] =	ssyncadd.s32 $0xFFFFEC00  }
0xf0: {  	[spmem:s1] =	stream.indirect.scatter.add.f32 [tilespmem:s24], [sflag:$0x7], $0x80, s3, s20, $0xb8;
	[tilespmem:$0x1A880] =	vst v63  }
0xf1: {  	_ =	swait.ge [sflag:s2], $0x1400  }
0xf2: {  	[sflag:s2] =	ssyncset.done $0x0  }
0xf3: {  	s3 =	sadd.s32 $0x1078, s17;
	[sflag:s2] =	ssyncadd.s32 $0xFFFFEC00  }
0xf4: {  	[spmem:s1] =	stream.indirect.scatter.add.f32 [tilespmem:s26], [sflag:$0x8], $0x80, s3, s20, $0xb8;
	[tilespmem:$0x1A880] =	vst v63  }
0xf5: {  	_ =	swait.ge [sflag:s10], $0x1400  }
0xf6: {  	[sflag:s10] =	ssyncset.done $0x0  }
.Ltmp6:
0xf7: {  	s3 =	sadd.s32 $0xF0, s17;
	[sflag:s10] =	ssyncadd.s32 $0xFFFFEC00;
	(pc) =	sbr.rel @p2 .LBB2_7-.Ltmp6, $4  }
0xf8: {  	[tilespmem:s24], [sflag:$0x3] =	stream.indirect.gather [hbm4b:s5+s20], $0x80, s3, s20, $0xb8;
	[tilespmem:$0x1A880] =	vst v63  }
0xf9: {  	_ =	swait.ge [sflag:s11], $0x1400  }
0xfa: {  	[sflag:s11] =	ssyncset.done $0x0  }
0xfb: {  	s17 =	sadd.s32 $0x118, s17;
	[sflag:s11] =	ssyncadd.s32 $0xFFFFEC00  }
0xfc: {  	[tilespmem:s26], [sflag:$0x4] =	stream.indirect.gather [hbm4b:s5+s20], $0x80, s17, s20, $0xb8;
	[tilespmem:$0x1A880] =	vst v63  }
0xfd: {  	_ =	swait.ge [sflag:s28], $0x1400  }
0xfe: {  	[sflag:s28] =	ssyncset.done $0x0  }
0xff: {  	[sflag:s28] =	ssyncadd.s32 $0xFFFFEC00  }
0x100: {  	[spmem:s1] =	stream.indirect.scatter.add.f32 [tilespmem:s21], [sflag:$0x5], $0x80, s12, s20, $0xb8;
	[tilespmem:$0x1A880] =	vst v63  }
0x101: {  	_ =	swait.ge [sflag:s29], $0x1400  }
0x102: {  	[sflag:s29] =	ssyncset.done $0x0  }
0x103: {  	[sflag:s29] =	ssyncadd.s32 $0xFFFFEC00  }
0x104: {  	[spmem:s1] =	stream.indirect.scatter.add.f32 [tilespmem:s22], [sflag:$0x6], $0x80, s13, s20, $0xb8;
	[tilespmem:$0x1A880] =	vst v63  }
0x105: {  	_ =	swait.ge [sflag:s0], $0x1400  }
0x106: {  	[sflag:s0] =	ssyncset.done $0x0  }
0x107: {  	[sflag:s0] =	ssyncadd.s32 $0xFFFFEC00  }
0x108: {  	[spmem:s1] =	stream.indirect.scatter.add.f32 [tilespmem:s24], [sflag:$0x7], $0x80, s14, s20, $0xb8;
	[tilespmem:$0x1A880] =	vst v63  }
0x109: {  	_ =	swait.ge [sflag:s2], $0x1400  }
0x10a: {  	[sflag:s2] =	ssyncset.done $0x0  }
0x10b: {  	[sflag:s2] =	ssyncadd.s32 $0xFFFFEC00  }
0x10c: {  	[spmem:s1] =	stream.indirect.scatter.add.f32 [tilespmem:s26], [sflag:$0x8], $0x80, s8, s20, $0xb8;
	[tilespmem:$0x1A880] =	vst v63  }
0x10d: {  	_ =	swait.ge [sflag:s30], $0x1400  }
0x10e: {  	[sflag:s30] =	ssyncset.done $0x0  }
0x10f: {  	[sflag:s30] =	ssyncadd.s32 $0xFFFFEC00  }
0x110: {  	_ =	swait.ge [sflag:s31], $0x1400  }
0x111: {  	[sflag:s31] =	ssyncset.done $0x0  }
0x112: {  	s16 =	sadd.s32 $0x1, s16;
	[sflag:s31] =	ssyncadd.s32 $0xFFFFEC00  }
0x113: {  	p2 =	sne.s32 s16, $0x5;
	_ =	swait.ge [sflag:s10], $0x1400  }
.Ltmp7:
0x114: {  	[sflag:s10] =	ssyncset.done $0x0;
	(pc) =	sbr.rel @p2 .LBB2_6-.Ltmp7, $4  }
0x115: {  	[sflag:s10] =	ssyncadd.s32 $0xFFFFEC00  }
0x116: {  	_ =	swait.ge [sflag:s11], $0x1400  }
0x117: {  	[sflag:s11] =	ssyncset.done $0x0  }
0x118: {  	[sflag:s11] =	ssyncadd.s32 $0xFFFFEC00  }
0x119: {  	[bflag:$0x0] =	sbarrier.arrive $0xFFFF  }
0x11a: {  	s15 =	rddreg [dreg:$0x6]  }
0x11b: {  	s3 =	simm.s32 @p0 $0x1FC9;
	s16 =	rddreg [dreg:$0xa]  }
0x11c: {  	[hbm:s15], [sflag:s3] =	dma.local @p0 [spmem:s16], $0x2800  }
0x11d: {  	s3 =	simm.s32 @p0 $0x9  }
0x11e: {  	_ =	swait.ge @p0 [sflag:s3], $0x2800  }
0x11f: {  	s17 =	rddreg [dreg:$0xb]  }
0x120: {  	[sflag:s3] =	ssyncset.done @p0 $0x0;
	s15 =	rddreg [dreg:$0xc]  }
0x121: {  	[sflag:s3] =	ssyncadd.s32 @p0 $0xFFFFD800;
	s3 =	rddreg [dreg:$0x5]  }
0x122: {  	[hbm:s3], [sflag:s17] =	dma.local @!p0 [spmem:s15], $0x2700  }
.Ltmp8:
0x123: {  	_ = 	snop;
	(pc) =	sbr.rel .LBB2_10-.Ltmp8, $4  }
0x124: {  	s3 =	simm.s32 @!p0 $0x9  }
0x125: {  	_ =	swait.ge @!p0 [sflag:s3], $0x2700  }
0x126: {  	[sflag:s3] =	ssyncset.done @!p0 $0x0  }
0x127: {  	s15 =	rddreg [dreg:$0x3];
	[sflag:s3] =	ssyncadd.s32 @!p0 $0xFFFFD900  }
.LBB2_11:
0x128: {  	_ =	sfence.sel $0x180000  }
0x129: {  	[bflag:$0x0] =	sbarrier.arrive $0xFFFF  }
0x12a: {  	_ =	strace $0x9000004D  }
0x12b: {  	s0 =	stileid.u32;
	[bflag:$0x2] =	sbarrier.arrive $0xFFFF  }
0x12c: {  	p0 =	sne.s32 s0, $0x0;
	s0 =	rddreg [dreg:$0x2]  }
0x12d: {  	s0 =	sadd.s32 @!p0 $0x100000, s0  }
0x12e: {  	[sflag:s0] =	ssyncadd.tile.s32 @!p0 $0x1;
	_ =	shalt  }
.Lfunc_end2:
_tile_overlayer_lowered:
.L_overlay_start_2:
0x12f: {  	(tag) =	ssettag $0x2  }
0x130: {  	s0 =	rddreg [dreg:$0x0];
	s2 =	stileid.u32  }
0x131: {  	s1 =	rddreg [dreg:$0x1];
	p0 =	sne.s32 s2, $0x0  }
0x132: {  	s3 =	rddreg [dreg:$0x2];
	[bflag:$0x3] =	sbarrier.arrive $0xFFFF;
	s2 =	simm.s32 @!p0 $0x1C09  }
0x133: {  	[timem:s3], [sflag:s2] =	dma.local @!p0 [hbm:s0], s1  }
0x134: {  	s0 =	simm.s32 @!p0 $0x9  }
0x135: {  	_ =	swait.ge @!p0 [sflag:s0], s1  }
0x136: {  	s1 =	ssub.s32 @!p0 $0x0, s1;
	[sflag:s0] =	ssyncset.done @!p0 $0x0  }
0x137: {  	[sflag:s0] =	ssyncadd.s32 @!p0 s1  }
0x138: {  	[bflag:$0x3] =	sbarrier.arrive $0xFFFF  }
0x139: {  	_ =	shalt  }

// kernel: kernel.18.cloned.1.call-start
scs
__scs_entry_jumppad:
0x0: {  	(pc) =	sbr.rel $0x88, $3  }
0x1: {  	(tag) =	ssettag $0x0;
	lr =	simm.s32 $0x1  }
0x2: {  	[smem:$0x3F92] =	sst lr;
	_ =	strace $0xD0000000  }
0x3: {  	_ = 	snop  }
0x4: {  	_ = 	snop  }
0x5: {  	_ = 	snop  }
0x6: {  	_ = 	snop  }
0x7: {  	_ = 	snop  }
__scs_overlays_trampoline_lowered:
0x8: {  	[smem:$0x3FA1] =	sst s0  }
0x9: {  	[smem:$0x3FA2] =	sst s1  }
0xa: {  	[smem:$0x3FA3] =	sst s2  }
0xb: {  	[smem:$0x3FA4] =	sst s3  }
0xc: {  	[smem:$0x3FA5] =	sst s4  }
0xd: {  	[smem:$0x3FA6] =	sst s5  }
0xe: {  	[smem:$0x3FA7] =	sst s6  }
0xf: {  	[smem:$0x3FA8] =	sst s7  }
0x10: {  	[smem:$0x3FA9] =	sst s8  }
0x11: {  	[smem:$0x3FAA] =	sst s9;
	s0 =	simm.s32 @!p0 $0x0  }
0x12: {  	s1 =	sld [smem:$0x3F90];
	s0 =	simm.s32 @p0 $0x1  }
0x13: {  	[smem:$0x3FAB] =	sst s0;
	s0 =	simm.s32 @!p1 $0x0  }
0x14: {  	s2 =	sld [smem:$0x3F8F];
	s0 =	simm.s32 @p1 $0x1  }
0x15: {  	[smem:$0x3FAC] =	sst s0;
	s0 =	simm.s32 @!p2 $0x0  }
0x16: {  	s3 =	sld [smem:$0x3FDB];
	s0 =	simm.s32 @p2 $0x1  }
0x17: {  	s4 =	simm.s32 $0x1BF5;
	[smem:$0x3FAE] =	sst s0  }
0x18: {  	s0 =	sld [smem:$0x3F91];
	_ =	swait.ge [sflag:s4], $0x0  }
0x19: {  	s7 =	sld [smem:$0x3F92]  }
0x1a: {  	s8 =	sadd.s32 $0xFFFFE003, lr  }
0x1b: {  	s9 =	sadd.s32 $0xFFFFFEF7, lr;
	s5 =	simm.s32 $0xFFFFFFFF;
	p2 =	slt.u32 s8, $0xFFFFF086  }
0x1c: {  	p1 =	slt.u32 s9, $0xF7A;
	s5 =	simm.s32 @!p2 $0x0  }
0x1d: {  	s5 =	simm.s32 @p1 $0x1;
	p0 =	seq.s32 s7, s2  }
0x1e: {  	s7 =	smul.u32 @!p0 $0xF7A, s2;
	p2 =	seq.s32 @!p0 s5, $0x0  }
0x1f: {  	s9 =	smul.u32 $0xF7A, s1;
	s8 =	simm.s32 @!p0 $0x1BF5;
	p2 =	por !p2, p0  }
0x20: {  	[sflag:s8] =	ssyncset.s32 @!p0 $0xFFFFF086;
	s6 =	sadd.s32 @!p0 s3, s7;
	s7 =	simm.s32 @!p0 $0x108  }
0x21: {  	s3 =	sadd.s32 s3, s9;
	s6 =	sadd.s32 @!p0 $0x88, s6;
	s7 =	simm.s32 @p2 $0x1082  }
0x22: {  	[simem:s7], [sflag:s8] =	dma.local @!p0 [hbm:s6], $0xF7A  }
0x23: {  	s9 =	sor.u32 $0xD0000000, s2;
	s6 =	simm.s32 $0x108;
	_ =	swait.ge @!p0 [sflag:s8], $0x0  }
0x24: {  	s3 =	sadd.s32 $0x88, s3;
	s6 =	simm.s32 @!p1 $0x1082;
	[sflag:s4] =	ssyncset.s32 $0xFFFFF086  }
0x25: {  	[simem:s6], [sflag:s4] =	dma.local [hbm:s3], $0xF7A  }
0x26: {  	[smem:$0x3F92] =	sst s1;
	(tag) =	ssettag s2;
	_ =	strace s9  }
0x27: {  	s1 =	sld [smem:$0x3FA2]  }
0x28: {  	s2 =	sld [smem:$0x3FA3]  }
0x29: {  	s4 =	sld [smem:$0x3FA5]  }
0x2a: {  	p0 =	seq.s32 s5, $0x0;
	s5 =	sld [smem:$0x3FA6]  }
0x2b: {  	s6 =	sld [smem:$0x3FA7]  }
0x2c: {  	s7 =	sld [smem:$0x3FA8]  }
0x2d: {  	s3 =	simm.s32 $0x108;
	s8 =	sld [smem:$0x3FA9]  }
0x2e: {  	s3 =	simm.s32 @!p0 $0x1082;
	s9 =	sld [smem:$0x3FAA]  }
0x2f: {  	lr =	sadd.s32 s0, s3;
	s0 =	sld [smem:$0x3FA1]  }
0x30: {  	s3 =	sld [smem:$0x3FA4]  }
0x31: {  	[smem:$0x3FAD] =	sst s10  }
0x32: {  	s10 =	sld [smem:$0x3FAB];
	_ =	sdelay $0x3  }
0x33: {  	p0 =	seq.s32 s10, $0x1;
	s10 =	sld [smem:$0x3FAD];
	_ =	sdelay $0x3  }
0x34: {  	[smem:$0x3FAD] =	sst s10  }
0x35: {  	s10 =	sld [smem:$0x3FAC];
	_ =	sdelay $0x3  }
0x36: {  	p1 =	seq.s32 s10, $0x1;
	s10 =	sld [smem:$0x3FAD];
	_ =	sdelay $0x3  }
0x37: {  	[smem:$0x3FAD] =	sst s10  }
0x38: {  	s10 =	sld [smem:$0x3FAE]  }
0x39: {  	_ = 	snop;
	(pc) =	sbr.ind lr, $3  }
0x3a: {  	_ = 	snop  }
0x3b: {  	_ = 	snop  }
0x3c: {  	p2 =	seq.s32 s10, $0x1;
	s10 =	sld [smem:$0x3FAD]  }
0x3d: {  	_ =	shalt  }
0x3e: {  	_ =	shalt  }
0x3f: {  	_ =	shalt  }
0x40: {  	_ =	shalt  }
0x41: {  	_ =	shalt  }
0x42: {  	_ =	shalt  }
0x43: {  	_ =	shalt  }
0x44: {  	_ =	shalt  }
0x45: {  	_ =	shalt  }
0x46: {  	_ =	shalt  }
0x47: {  	_ =	shalt  }
0x48: {  	_ =	shalt  }
0x49: {  	_ =	shalt  }
0x4a: {  	_ =	shalt  }
0x4b: {  	_ =	shalt  }
0x4c: {  	_ =	shalt  }
0x4d: {  	_ =	shalt  }
0x4e: {  	_ =	shalt  }
0x4f: {  	_ =	shalt  }
0x50: {  	_ =	shalt  }
0x51: {  	_ =	shalt  }
0x52: {  	_ =	shalt  }
0x53: {  	_ =	shalt  }
0x54: {  	_ =	shalt  }
0x55: {  	_ =	shalt  }
0x56: {  	_ =	shalt  }
0x57: {  	_ =	shalt  }
0x58: {  	_ =	shalt  }
0x59: {  	_ =	shalt  }
0x5a: {  	_ =	shalt  }
0x5b: {  	_ =	shalt  }
0x5c: {  	_ =	shalt  }
0x5d: {  	_ =	shalt  }
0x5e: {  	_ =	shalt  }
0x5f: {  	_ =	shalt  }
0x60: {  	_ =	shalt  }
0x61: {  	_ =	shalt  }
0x62: {  	_ =	shalt  }
0x63: {  	_ =	shalt  }
0x64: {  	_ =	shalt  }
0x65: {  	_ =	shalt  }
0x66: {  	_ =	shalt  }
0x67: {  	_ =	shalt  }
0x68: {  	_ =	shalt  }
0x69: {  	_ =	shalt  }
0x6a: {  	_ =	shalt  }
0x6b: {  	_ =	shalt  }
0x6c: {  	_ =	shalt  }
0x6d: {  	_ =	shalt  }
0x6e: {  	_ =	shalt  }
0x6f: {  	_ =	shalt  }
0x70: {  	_ =	shalt  }
0x71: {  	_ =	shalt  }
0x72: {  	_ =	shalt  }
0x73: {  	_ =	shalt  }
0x74: {  	_ =	shalt  }
0x75: {  	_ =	shalt  }
0x76: {  	_ =	shalt  }
0x77: {  	_ =	shalt  }
0x78: {  	_ =	shalt  }
0x79: {  	_ =	shalt  }
0x7a: {  	_ =	shalt  }
0x7b: {  	_ =	shalt  }
0x7c: {  	_ =	shalt  }
0x7d: {  	_ =	shalt  }
0x7e: {  	_ =	shalt  }
0x7f: {  	_ =	shalt  }
0x80: {  	_ =	shalt  }
0x81: {  	_ =	shalt  }
0x82: {  	_ =	shalt  }
0x83: {  	_ =	shalt  }
0x84: {  	_ =	shalt  }
0x85: {  	_ =	shalt  }
0x86: {  	_ =	shalt  }
0x87: {  	_ =	shalt  }
.Lfunc_end0:
.L_simem_size_0:
called_computation.3_lowered:
.L_overlay_start_0:
0x88: {  	s2 =	sld [smem:$0x3FD9]  }
0x89: {  	s3 =	sld [smem:$0x3FFE];
	_ =	sdelay $0x1  }
0x8a: {  	s1 =	srdreg.scid  }
0x8b: {  	s0 =	sand.u32 $0x1, s1  }
0x8c: {  	s17 =	sshll.u32 s0, $0xA;
	s2 =	sadd.s32 s3, s2  }
0x8d: {  	s2 =	sadd.s32 s2, s17  }
0x8e: {  	[smem:$0x3FB9] =	sst s2  }
0x8f: {  	_ = 	snop  }
0x90: {  	s2 =	sld [smem:$0x3FC7];
	(tm) =	ssettm $0x1  }
0x91: {  	s18 =	sld [smem:$0x3FFB];
	_ =	sdelay $0x3  }
0x92: {  	_ =	strace s18  }
0x93: {  	s3 =	sld [smem:$0x3FFC];
	_ =	sdelay $0x3  }
0x94: {  	_ =	strace s3  }
0x95: {  	s3 =	sld [smem:$0x3FFD];
	_ =	sdelay $0x3  }
0x96: {  	_ =	strace s3  }
0x97: {  	_ =	strace $0x8FFFFFFF  }
0x98: {  	s19 =	sld [smem:$0x3FDB];
	_ =	sdelay $0x1  }
0x99: {  	s4 =	simm.s32 $_scs_section_size  }
0x9a: {  	s5 =	simm.s32 $_size__tile_overlayer_lowered;
	s6 =	simm.s32 $_tile_overlayer_lowered  }
0x9b: {  	s22 =	simm.s32 $0x1BFF;
	s21 =	sshll.u32 s6, $0x1;
	s3 =	sadd.s32 s4, s19  }
0x9c: {  	s7 =	simm.s32 $0x0;
	s20 =	sshll.u32 s5, $0x1;
	s5 =	sadd.s32 s21, s3  }
0x9d: {  	[timem:s7], [sflag:s22] =	dma.local [hbm:s5], s20  }
0x9e: {  	_ =	swait.ge [sflag:s22], s20  }
0x9f: {  	s4 =	ssub.s32 $0x0, s20;
	[sflag:s22] =	ssyncset.done $0x0  }
0xa0: {  	[sflag:s22] =	ssyncadd.s32 s4;
	_ =	sdelay $0x1  }
0xa1: {  	s23 =	simm.s32 $0x1B8B  }
0xa2: {  	_ =	swait.ge [sflag:s23], $0x1  }
0xa3: {  	[sflag:s23] =	ssyncset.done $0x0  }
0xa4: {  	s25 =	simm.s32 $0x1B8E;
	s24 =	sld [smem:$0x3FFE];
	[sflag:s23] =	ssyncadd.s32 $0xFFFFFFFF  }
0xa5: {  	s26 =	simm.s32 $execute0_lowered;
	[smem:$0x3FD2] =	sst s25  }
0xa6: {  	s5 =	sshll.u32 s26, $0x1;
	_ =	strace $0x8000004F;
	[dreg:$0x1] =	wrdreg $0xFFFFFFFF  }
0xa7: {  	s28 =	simm.s32 $_size_execute0_lowered;
	s3 =	sadd.s32 s3, s5;
	[dreg:$0x0] =	wrdreg $0x0  }
0xa8: {  	s5 =	sshll.u32 s28, $0x1;
	[dreg:$0x2] =	wrdreg s3  }
0xa9: {  	[dreg:$0x3] =	wrdreg s5  }
0xaa: {  	[dreg:$0x4] =	wrdreg $0xC0  }
0xab: {  	_ =	task [dreg:s7], $0x5FFFF  }
0xac: {  	[dreg:$0x1] =	wrdreg $0xFFFFFFFF  }
0xad: {  	[dreg:$0x0] =	wrdreg $0x60  }
0xae: {  	[dreg:$0x2] =	wrdreg s24  }
0xaf: {  	[dreg:$0x3] =	wrdreg s2  }
0xb0: {  	[dreg:$0x4] =	wrdreg $0x9  }
0xb1: {  	_ =	task.clear_ibuf [dreg:s7], $0x5FFFF;
	_ =	strace $0x9000004F  }
0xb2: {  	s29 =	simm.s32 $0x9;
	_ =	strace $0x80000051  }
0xb3: {  	_ =	swait.ge [sflag:s29], $0x1  }
0xb4: {  	[sflag:s29] =	ssyncadd.s32 $0xFFFFFFFF  }
0xb5: {  	_ =	strace $0x90000051  }
0xb6: {  	_ =	sfence  }
0xb7: {  	s30 =	sld [smem:$0x0];
	_ =	sdelay $0x2  }
0xb8: {  	s31 =	sshll.u32 s1, $0xD;
	s1 =	sshrl.u32 s1, $0x2  }
0xb9: {  	s3 =	sand.u32 $0x4000, s31;
	s1 =	sadd.s32 s1, s30  }
0xba: {  	s0 =	sor.u32 s3, s0;
	s1 =	sshll.u32 s1, $0x11  }
0xbb: {  	s0 =	sor.u32 s1, s0  }
0xbc: {  	s0 =	sadd.s32 $0x8F2B, s0  }
0xbd: {  	[sflag:s0] =	ssyncadd.remote.s32 $0x1  }
0xbe: {  	_ =	sfence.sel $0xFFFF  }
0xbf: {  	[dreg:$0x0] =	wrdreg $0xFFFFFFFF;
	(pc) =	sbr.abs _section_cstart, $3  }
0xc0: {  	[dreg:$0x1] =	wrdreg $0xFFFFFFFF  }
0xc1: {  	_ =	task.clear_ibuf [dreg:s7], $0x2FFFF;
	_ =	strace $0x9FFFFFFF  }
0xc2: {  	(tm) =	ssettm $0x7FFFFFFF  }
0xc3: {  	_ =	shalt  }
tec
execute0_lowered:
.L_overlay_start_1:
0x0: {  	(tag) =	ssettag $0x1  }
0x1: {  	s13 =	rddreg [dreg:$0x0]  }
0x2: {  	s5 =	rddreg [dreg:$0x1]  }
0x3: {  	s0 =	rddreg [dreg:$0x2];
	s2 =	simm.s32 $0x0;
	s1 =	stileid.u32  }
0x4: {  	s6 =	srdreg.scid;
	s8 =	simm.s32 $0x80;
	[smem:$0x7FF] =	sst s2  }
0x5: {  	s3 =	sadd.s32 $0x69A00, s13;
	s7 =	sshll.u32 s1, $0x2;
	s12 =	sand.u32 $0x1, s6  }
0x6: {  	_ =	strace $0x80000050;
	s6 =	sadd.s32 s5, s7;
	s5 =	simm.s32 $0x3  }
0x7: {  	[tilespmem:s2], [sflag:$0x3] =	stream.linear.gather [hbm4b:s6+s2], $0x20, $0x38;
	[tilespmem:$0x2080] =	vst v63  }
0x8: {  	s4 =	sadd.s32 $0x1B600, s13;
	s9 =	sadd.s32 $0x42800, s13;
	_ =	swait.ge [sflag:s5], $0x20  }
0x9: {  	s7 =	sadd.s32 $0x90C00, s13;
	p0 =	seq.s32 s12, $0x1;
	[sflag:s5] =	ssyncset.done $0x0  }
0xa: {  	s3 =	smov.u32 @p0 s7;
	s7 =	simm.s32 $0x20;
	[sflag:s5] =	ssyncadd.s32 $0xFFFFFFE0  }
0xb: {  	[tilespmem:s8], [sflag:$0x1] =	stream.indirect.gather [hbm4b:s3+s7], $0x80, s2, s7, $0xb8;
	[tilespmem:$0x2080] =	vst v63  }
0xc: {  	s10 =	simm.s32 $0x1;
	s4 =	smov.u32 @p0 s9;
	s9 =	simm.s32 $0x1080  }
0xd: {  	[tilespmem:s9], [sflag:$0x2] =	stream.indirect.gather [hbm4b:s4+s7], $0x80, s2, s7, $0xb8;
	[tilespmem:$0x2080] =	vst v63  }
0xe: {  	s11 =	sadd.s32 $0x5200, s13;
	s14 =	sadd.s32 $0x9200, s13;
	_ =	swait.ge [sflag:s10], $0x1000  }
0xf: {  	s15 =	sshll.u32 s1, $0x9;
	s11 =	smov.u32 @p0 s14;
	[sflag:s10] =	ssyncset.done $0x0  }
0x10: {  	s16 =	ssub.s32 $0x2, s12;
	s11 =	sadd.s32 s11, s15;
	[sflag:s10] =	ssyncadd.s32 $0xFFFFF000  }
0x11: {  	[hbm4b:s11+s2] =	stream.linear.scatter [tilespmem:s8], [sflag:$0x3], $0x1000, $0x38;
	[tilespmem:$0x2080] =	vst v63  }
0x12: {  	s12 =	simm.s32 $0x2;
	s17 =	sshrl.u32 s16, $0x1;
	_ =	swait.ge [sflag:s5], $0x1000  }
0x13: {  	s14 =	sadd.s32 $0x7200, s13;
	s16 =	ssub.s32 s16, s17;
	[sflag:s5] =	ssyncset.done $0x0  }
0x14: {  	s13 =	sadd.s32 $0xB200, s13;
	s31 =	smax.u32 s16, $0x1;
	[sflag:s5] =	ssyncadd.s32 $0xFFFFF000  }
0x15: {  	s14 =	smov.u32 @p0 s13;
	p0 =	sne.s32 s31, $0x1;
	_ =	swait.ge [sflag:s12], $0x1000  }
.Ltmp0:
0x16: {  	[sflag:s12] =	ssyncset.done $0x0;
	(pc) =	sbr.rel @!p0 .LBB2_2-.Ltmp0, $4  }
0x17: {  	s13 =	sadd.s32 s14, s15;
	[sflag:s12] =	ssyncadd.s32 $0xFFFFF000  }
0x18: {  	[hbm4b:s13+s2] =	stream.linear.scatter [tilespmem:s9], [sflag:$0x3], $0x1000, $0x38;
	[tilespmem:$0x2080] =	vst v63  }
0x19: {  	_ =	swait.ge [sflag:s5], $0x1000  }
0x1a: {  	s14 =	sadd.s32 $0xFFFFFFFF, s31;
	[sflag:s5] =	ssyncset.done $0x0  }
.LBB2_1:
0x1b: {  	p0 =	sne.s32 s14, $0x1;
	s14 =	sadd.s32 $0xFFFFFFFF, s14;
	[sflag:s5] =	ssyncadd.s32 $0xFFFFF000  }
0x1c: {  	[tilespmem:s2], [sflag:$0x3] =	stream.linear.gather [hbm4b:s6+s2], $0x20, $0x38;
	[tilespmem:$0x2080] =	vst v63  }
0x1d: {  	_ =	swait.ge [sflag:s5], $0x20  }
0x1e: {  	[sflag:s5] =	ssyncset.done $0x0  }
0x1f: {  	[sflag:s5] =	ssyncadd.s32 $0xFFFFFFE0  }
0x20: {  	[tilespmem:s8], [sflag:$0x1] =	stream.indirect.gather [hbm4b:s3+s7], $0x80, s2, s7, $0xb8;
	[tilespmem:$0x2080] =	vst v63  }
0x21: {  	_ = 	snop  }
0x22: {  	[tilespmem:s9], [sflag:$0x2] =	stream.indirect.gather [hbm4b:s4+s7], $0x80, s2, s7, $0xb8;
	[tilespmem:$0x2080] =	vst v63  }
0x23: {  	_ =	swait.ge [sflag:s10], $0x1000  }
0x24: {  	[sflag:s10] =	ssyncset.done $0x0  }
0x25: {  	[sflag:s10] =	ssyncadd.s32 $0xFFFFF000  }
0x26: {  	[hbm4b:s11+s2] =	stream.linear.scatter [tilespmem:s8], [sflag:$0x3], $0x1000, $0x38;
	[tilespmem:$0x2080] =	vst v63  }
0x27: {  	_ =	swait.ge [sflag:s5], $0x1000  }
0x28: {  	[sflag:s5] =	ssyncset.done $0x0  }
0x29: {  	[sflag:s5] =	ssyncadd.s32 $0xFFFFF000  }
0x2a: {  	_ =	swait.ge [sflag:s12], $0x1000  }
.Ltmp1:
0x2b: {  	[sflag:s12] =	ssyncset.done $0x0;
	(pc) =	sbr.rel @p0 .LBB2_1-.Ltmp1, $4  }
0x2c: {  	[sflag:s12] =	ssyncadd.s32 $0xFFFFF000  }
0x2d: {  	[hbm4b:s13+s2] =	stream.linear.scatter [tilespmem:s9], [sflag:$0x3], $0x1000, $0x38;
	[tilespmem:$0x2080] =	vst v63  }
0x2e: {  	_ =	swait.ge [sflag:s5], $0x1000  }
0x2f: {  	[sflag:s5] =	ssyncset.done $0x0  }
.LBB2_2:
0x30: {  	[sflag:s5] =	ssyncadd.s32 $0xFFFFF000  }
0x31: {  	_ =	sfence.sel $0x180000  }
0x32: {  	[bflag:$0x0] =	sbarrier.arrive $0xFFFF  }
0x33: {  	p0 =	sne.s32 s1, $0x0;
	_ =	strace $0x90000050  }
0x34: {  	s0 =	sadd.s32 @!p0 $0x100000, s0;
	[bflag:$0x2] =	sbarrier.arrive $0xFFFF  }
0x35: {  	[sflag:s0] =	ssyncadd.tile.s32 @!p0 $0x1;
	_ =	shalt  }
.Lfunc_end2:
_tile_overlayer_lowered:
.L_overlay_start_2:
0x36: {  	(tag) =	ssettag $0x2  }
0x37: {  	s0 =	rddreg [dreg:$0x0];
	s2 =	stileid.u32  }
0x38: {  	s1 =	rddreg [dreg:$0x1];
	p0 =	sne.s32 s2, $0x0  }
0x39: {  	s3 =	rddreg [dreg:$0x2];
	[bflag:$0x3] =	sbarrier.arrive $0xFFFF;
	s2 =	simm.s32 @!p0 $0x1C03  }
0x3a: {  	[timem:s3], [sflag:s2] =	dma.local @!p0 [hbm:s0], s1  }
0x3b: {  	s0 =	simm.s32 @!p0 $0x3  }
0x3c: {  	_ =	swait.ge @!p0 [sflag:s0], s1  }
0x3d: {  	s1 =	ssub.s32 @!p0 $0x0, s1;
	[sflag:s0] =	ssyncset.done @!p0 $0x0  }
0x3e: {  	[sflag:s0] =	ssyncadd.s32 @!p0 s1  }
0x3f: {  	[bflag:$0x3] =	sbarrier.arrive $0xFFFF  }
0x40: {  	_ =	shalt  }

// kernel: kernel.9.cloned.1.call-start
scs
__scs_entry_jumppad:
0x0: {  	(pc) =	sbr.rel $0x88, $3  }
0x1: {  	(tag) =	ssettag $0x0;
	lr =	simm.s32 $0x1  }
0x2: {  	[smem:$0x3F92] =	sst lr;
	_ =	strace $0xD0000000  }
0x3: {  	_ = 	snop  }
0x4: {  	_ = 	snop  }
0x5: {  	_ = 	snop  }
0x6: {  	_ = 	snop  }
0x7: {  	_ = 	snop  }
__scs_overlays_trampoline_lowered:
0x8: {  	[smem:$0x3FA1] =	sst s0  }
0x9: {  	[smem:$0x3FA2] =	sst s1  }
0xa: {  	[smem:$0x3FA3] =	sst s2  }
0xb: {  	[smem:$0x3FA4] =	sst s3  }
0xc: {  	[smem:$0x3FA5] =	sst s4  }
0xd: {  	[smem:$0x3FA6] =	sst s5  }
0xe: {  	[smem:$0x3FA7] =	sst s6  }
0xf: {  	[smem:$0x3FA8] =	sst s7  }
0x10: {  	[smem:$0x3FA9] =	sst s8  }
0x11: {  	[smem:$0x3FAA] =	sst s9;
	s0 =	simm.s32 @!p0 $0x0  }
0x12: {  	s1 =	sld [smem:$0x3F90];
	s0 =	simm.s32 @p0 $0x1  }
0x13: {  	[smem:$0x3FAB] =	sst s0;
	s0 =	simm.s32 @!p1 $0x0  }
0x14: {  	s2 =	sld [smem:$0x3F8F];
	s0 =	simm.s32 @p1 $0x1  }
0x15: {  	[smem:$0x3FAC] =	sst s0;
	s0 =	simm.s32 @!p2 $0x0  }
0x16: {  	s3 =	sld [smem:$0x3FDB];
	s0 =	simm.s32 @p2 $0x1  }
0x17: {  	s4 =	simm.s32 $0x1BF5;
	[smem:$0x3FAE] =	sst s0  }
0x18: {  	s0 =	sld [smem:$0x3F91];
	_ =	swait.ge [sflag:s4], $0x0  }
0x19: {  	s7 =	sld [smem:$0x3F92]  }
0x1a: {  	s8 =	sadd.s32 $0xFFFFE003, lr  }
0x1b: {  	s9 =	sadd.s32 $0xFFFFFEF7, lr;
	s5 =	simm.s32 $0xFFFFFFFF;
	p2 =	slt.u32 s8, $0xFFFFF086  }
0x1c: {  	p1 =	slt.u32 s9, $0xF7A;
	s5 =	simm.s32 @!p2 $0x0  }
0x1d: {  	s5 =	simm.s32 @p1 $0x1;
	p0 =	seq.s32 s7, s2  }
0x1e: {  	s7 =	smul.u32 @!p0 $0xF7A, s2;
	p2 =	seq.s32 @!p0 s5, $0x0  }
0x1f: {  	s9 =	smul.u32 $0xF7A, s1;
	s8 =	simm.s32 @!p0 $0x1BF5;
	p2 =	por !p2, p0  }
0x20: {  	[sflag:s8] =	ssyncset.s32 @!p0 $0xFFFFF086;
	s6 =	sadd.s32 @!p0 s3, s7;
	s7 =	simm.s32 @!p0 $0x108  }
0x21: {  	s3 =	sadd.s32 s3, s9;
	s6 =	sadd.s32 @!p0 $0x88, s6;
	s7 =	simm.s32 @p2 $0x1082  }
0x22: {  	[simem:s7], [sflag:s8] =	dma.local @!p0 [hbm:s6], $0xF7A  }
0x23: {  	s9 =	sor.u32 $0xD0000000, s2;
	s6 =	simm.s32 $0x108;
	_ =	swait.ge @!p0 [sflag:s8], $0x0  }
0x24: {  	s3 =	sadd.s32 $0x88, s3;
	s6 =	simm.s32 @!p1 $0x1082;
	[sflag:s4] =	ssyncset.s32 $0xFFFFF086  }
0x25: {  	[simem:s6], [sflag:s4] =	dma.local [hbm:s3], $0xF7A  }
0x26: {  	[smem:$0x3F92] =	sst s1;
	(tag) =	ssettag s2;
	_ =	strace s9  }
0x27: {  	s1 =	sld [smem:$0x3FA2]  }
0x28: {  	s2 =	sld [smem:$0x3FA3]  }
0x29: {  	s4 =	sld [smem:$0x3FA5]  }
0x2a: {  	p0 =	seq.s32 s5, $0x0;
	s5 =	sld [smem:$0x3FA6]  }
0x2b: {  	s6 =	sld [smem:$0x3FA7]  }
0x2c: {  	s7 =	sld [smem:$0x3FA8]  }
0x2d: {  	s3 =	simm.s32 $0x108;
	s8 =	sld [smem:$0x3FA9]  }
0x2e: {  	s3 =	simm.s32 @!p0 $0x1082;
	s9 =	sld [smem:$0x3FAA]  }
0x2f: {  	lr =	sadd.s32 s0, s3;
	s0 =	sld [smem:$0x3FA1]  }
0x30: {  	s3 =	sld [smem:$0x3FA4]  }
0x31: {  	[smem:$0x3FAD] =	sst s10  }
0x32: {  	s10 =	sld [smem:$0x3FAB];
	_ =	sdelay $0x3  }
0x33: {  	p0 =	seq.s32 s10, $0x1;
	s10 =	sld [smem:$0x3FAD];
	_ =	sdelay $0x3  }
0x34: {  	[smem:$0x3FAD] =	sst s10  }
0x35: {  	s10 =	sld [smem:$0x3FAC];
	_ =	sdelay $0x3  }
0x36: {  	p1 =	seq.s32 s10, $0x1;
	s10 =	sld [smem:$0x3FAD];
	_ =	sdelay $0x3  }
0x37: {  	[smem:$0x3FAD] =	sst s10  }
0x38: {  	s10 =	sld [smem:$0x3FAE]  }
0x39: {  	_ = 	snop;
	(pc) =	sbr.ind lr, $3  }
0x3a: {  	_ = 	snop  }
0x3b: {  	_ = 	snop  }
0x3c: {  	p2 =	seq.s32 s10, $0x1;
	s10 =	sld [smem:$0x3FAD]  }
0x3d: {  	_ =	shalt  }
0x3e: {  	_ =	shalt  }
0x3f: {  	_ =	shalt  }
0x40: {  	_ =	shalt  }
0x41: {  	_ =	shalt  }
0x42: {  	_ =	shalt  }
0x43: {  	_ =	shalt  }
0x44: {  	_ =	shalt  }
0x45: {  	_ =	shalt  }
0x46: {  	_ =	shalt  }
0x47: {  	_ =	shalt  }
0x48: {  	_ =	shalt  }
0x49: {  	_ =	shalt  }
0x4a: {  	_ =	shalt  }
0x4b: {  	_ =	shalt  }
0x4c: {  	_ =	shalt  }
0x4d: {  	_ =	shalt  }
0x4e: {  	_ =	shalt  }
0x4f: {  	_ =	shalt  }
0x50: {  	_ =	shalt  }
0x51: {  	_ =	shalt  }
0x52: {  	_ =	shalt  }
0x53: {  	_ =	shalt  }
0x54: {  	_ =	shalt  }
0x55: {  	_ =	shalt  }
0x56: {  	_ =	shalt  }
0x57: {  	_ =	shalt  }
0x58: {  	_ =	shalt  }
0x59: {  	_ =	shalt  }
0x5a: {  	_ =	shalt  }
0x5b: {  	_ =	shalt  }
0x5c: {  	_ =	shalt  }
0x5d: {  	_ =	shalt  }
0x5e: {  	_ =	shalt  }
0x5f: {  	_ =	shalt  }
0x60: {  	_ =	shalt  }
0x61: {  	_ =	shalt  }
0x62: {  	_ =	shalt  }
0x63: {  	_ =	shalt  }
0x64: {  	_ =	shalt  }
0x65: {  	_ =	shalt  }
0x66: {  	_ =	shalt  }
0x67: {  	_ =	shalt  }
0x68: {  	_ =	shalt  }
0x69: {  	_ =	shalt  }
0x6a: {  	_ =	shalt  }
0x6b: {  	_ =	shalt  }
0x6c: {  	_ =	shalt  }
0x6d: {  	_ =	shalt  }
0x6e: {  	_ =	shalt  }
0x6f: {  	_ =	shalt  }
0x70: {  	_ =	shalt  }
0x71: {  	_ =	shalt  }
0x72: {  	_ =	shalt  }
0x73: {  	_ =	shalt  }
0x74: {  	_ =	shalt  }
0x75: {  	_ =	shalt  }
0x76: {  	_ =	shalt  }
0x77: {  	_ =	shalt  }
0x78: {  	_ =	shalt  }
0x79: {  	_ =	shalt  }
0x7a: {  	_ =	shalt  }
0x7b: {  	_ =	shalt  }
0x7c: {  	_ =	shalt  }
0x7d: {  	_ =	shalt  }
0x7e: {  	_ =	shalt  }
0x7f: {  	_ =	shalt  }
0x80: {  	_ =	shalt  }
0x81: {  	_ =	shalt  }
0x82: {  	_ =	shalt  }
0x83: {  	_ =	shalt  }
0x84: {  	_ =	shalt  }
0x85: {  	_ =	shalt  }
0x86: {  	_ =	shalt  }
0x87: {  	_ =	shalt  }
.Lfunc_end0:
.L_simem_size_0:
called_computation_lowered:
.L_overlay_start_0:
0x88: {  	s2 =	sld [smem:$0x3FD9]  }
0x89: {  	s3 =	sld [smem:$0x3FFE];
	_ =	sdelay $0x1  }
0x8a: {  	s1 =	srdreg.scid  }
0x8b: {  	s0 =	sand.u32 $0x1, s1  }
0x8c: {  	s17 =	sshll.u32 s0, $0xA;
	s2 =	sadd.s32 s3, s2  }
0x8d: {  	s2 =	sadd.s32 s2, s17  }
0x8e: {  	[smem:$0x3FB9] =	sst s2  }
0x8f: {  	_ = 	snop  }
0x90: {  	s2 =	sld [smem:$0x3FC9];
	(tm) =	ssettm $0x1  }
0x91: {  	s18 =	sld [smem:$0x3FFB];
	_ =	sdelay $0x3  }
0x92: {  	_ =	strace s18  }
0x93: {  	s3 =	sld [smem:$0x3FFC];
	_ =	sdelay $0x3  }
0x94: {  	_ =	strace s3  }
0x95: {  	s3 =	sld [smem:$0x3FFD];
	_ =	sdelay $0x3  }
0x96: {  	_ =	strace s3  }
0x97: {  	_ =	strace $0x8FFFFFFF  }
0x98: {  	s19 =	sld [smem:$0x3FDB];
	_ =	sdelay $0x1  }
0x99: {  	s4 =	simm.s32 $_scs_section_size  }
0x9a: {  	s5 =	simm.s32 $_size__tile_overlayer_lowered;
	s6 =	simm.s32 $_tile_overlayer_lowered  }
0x9b: {  	s22 =	simm.s32 $0x1BFF;
	s21 =	sshll.u32 s6, $0x1;
	s3 =	sadd.s32 s4, s19  }
0x9c: {  	s7 =	simm.s32 $0x0;
	s20 =	sshll.u32 s5, $0x1;
	s5 =	sadd.s32 s21, s3  }
0x9d: {  	[timem:s7], [sflag:s22] =	dma.local [hbm:s5], s20  }
0x9e: {  	_ =	swait.ge [sflag:s22], s20  }
0x9f: {  	s4 =	ssub.s32 $0x0, s20;
	[sflag:s22] =	ssyncset.done $0x0  }
0xa0: {  	[sflag:s22] =	ssyncadd.s32 s4;
	_ =	sdelay $0x1  }
0xa1: {  	s23 =	simm.s32 $0x1B8B  }
0xa2: {  	_ =	swait.ge [sflag:s23], $0x1  }
0xa3: {  	[sflag:s23] =	ssyncset.done $0x0  }
0xa4: {  	s25 =	simm.s32 $0x1B8E;
	s24 =	sld [smem:$0x3FFE];
	[sflag:s23] =	ssyncadd.s32 $0xFFFFFFFF  }
0xa5: {  	s26 =	simm.s32 $execute0_lowered;
	[smem:$0x3FD2] =	sst s25  }
0xa6: {  	s5 =	sshll.u32 s26, $0x1;
	_ =	strace $0x80000046;
	[dreg:$0x1] =	wrdreg $0xFFFFFFFF  }
0xa7: {  	s28 =	simm.s32 $_size_execute0_lowered;
	s3 =	sadd.s32 s3, s5;
	[dreg:$0x0] =	wrdreg $0x0  }
0xa8: {  	s5 =	sshll.u32 s28, $0x1;
	[dreg:$0x2] =	wrdreg s3  }
0xa9: {  	[dreg:$0x3] =	wrdreg s5  }
0xaa: {  	[dreg:$0x4] =	wrdreg $0xC0  }
0xab: {  	_ =	task [dreg:s7], $0x5FFFF  }
0xac: {  	[dreg:$0x1] =	wrdreg $0xFFFFFFFF  }
0xad: {  	[dreg:$0x0] =	wrdreg $0x60  }
0xae: {  	[dreg:$0x2] =	wrdreg s2  }
0xaf: {  	[dreg:$0x3] =	wrdreg s24  }
0xb0: {  	[dreg:$0x4] =	wrdreg $0x70000  }
0xb1: {  	[dreg:$0x5] =	wrdreg $0x9  }
0xb2: {  	_ =	task.clear_ibuf [dreg:s7], $0x6FFFF;
	_ =	strace $0x90000046  }
0xb3: {  	s29 =	simm.s32 $0x9;
	_ =	strace $0x80000048  }
0xb4: {  	_ =	swait.ge [sflag:s29], $0x1  }
0xb5: {  	[sflag:s29] =	ssyncadd.s32 $0xFFFFFFFF  }
0xb6: {  	_ =	strace $0x90000048  }
0xb7: {  	_ =	sfence  }
0xb8: {  	s30 =	sld [smem:$0x0];
	_ =	sdelay $0x2  }
0xb9: {  	s31 =	sshll.u32 s1, $0xD;
	s1 =	sshrl.u32 s1, $0x2  }
0xba: {  	s3 =	sand.u32 $0x4000, s31;
	s1 =	sadd.s32 s1, s30  }
0xbb: {  	s0 =	sor.u32 s3, s0;
	s1 =	sshll.u32 s1, $0x11  }
0xbc: {  	s0 =	sor.u32 s1, s0  }
0xbd: {  	s0 =	sadd.s32 $0x8F2B, s0  }
0xbe: {  	[sflag:s0] =	ssyncadd.remote.s32 $0x1  }
0xbf: {  	_ =	sfence.sel $0xFFFF  }
0xc0: {  	[dreg:$0x0] =	wrdreg $0xFFFFFFFF;
	(pc) =	sbr.abs _section_cstart, $3  }
0xc1: {  	[dreg:$0x1] =	wrdreg $0xFFFFFFFF  }
0xc2: {  	_ =	task.clear_ibuf [dreg:s7], $0x2FFFF;
	_ =	strace $0x9FFFFFFF  }
0xc3: {  	(tm) =	ssettm $0x7FFFFFFF  }
tec
execute0_lowered:
.L_overlay_start_1:
0x0: {  	(tag) =	ssettag $0x1  }
0x1: {  	s1 =	rddreg [dreg:$0x0]  }
0x2: {  	s0 =	rddreg [dreg:$0x1]  }
0x3: {  	s3 =	rddreg [dreg:$0x2];
	s4 =	simm.s32 $0x0  }
0x4: {  	s12 =	stileid.u32;
	s6 =	srdreg.scid;
	s17 =	simm.s32 $0x9  }
0x5: {  	s18 =	simm.s32 $0x1000;
	s19 =	simm.s32 $0x28;
	s20 =	simm.s32 $0x2000  }
0x6: {  	s21 =	simm.s32 $0x3400;
	s22 =	simm.s32 $0x50;
	s23 =	simm.s32 $0x4800  }
0x7: {  	s28 =	simm.s32 $0x2;
	s29 =	simm.s32 $0x5;
	s30 =	simm.s32 $0x6  }
0x8: {  	s31 =	simm.s32 $0x3;
	[smem:$0x7FF] =	sst s4;
	s2 =	smul.u32 $0x2700, s12  }
0x9: {  	s5 =	sadd.s32 $0xF000, s0;
	s7 =	sand.u32 $0x1, s6;
	s8 =	smul.u32 $0x4E000, s12  }
0xa: {  	s6 =	sadd.s32 $0x5200, s0;
	s9 =	sadd.s32 $0x18E00, s0;
	s11 =	sadd.s32 $0x124800, s3  }
0xb: {  	s25 =	sadd.s32 $0x67100, s0;
	_ =	strace $0x80000047;
	[dreg:$0x4] =	wrdreg s9  }
0xc: {  	p0 =	seq.s32 s12, $0xF;
	s24 =	ssub.s32 $0x2, s7;
	[dreg:$0x6] =	wrdreg s25  }
0xd: {  	s15 =	sshrl.u32 @p0 s11, $0x3;
	p1 =	sne.s32 s7, $0x0;
	s25 =	simm.s32 $0x5C00  }
0xe: {  	s11 =	simm.s32 $0x1F28;
	s2 =	sadd.s32 s2, s0;
	s10 =	sshrl.u32 s24, $0x1  }
0xf: {  	s8 =	sshrl.u32 s8, $0x2;
	s0 =	sadd.s32 $0x3FF00, s0;
	[dreg:$0xa] =	wrdreg s15  }
0x10: {  	s9 =	ssub.s32 s24, s10;
	s10 =	sadd.s32 s8, s3;
	s8 =	smul.u32 $0x4E20, s12  }
0x11: {  	s13 =	sadd.s32 $0x42800, s2;
	s2 =	sadd.s32 $0x1B600, s2;
	[dreg:$0x8] =	wrdreg s0  }
0x12: {  	s0 =	sshll.u32 @!p0 s12, $0x6;
	s24 =	simm.s32 $0x78;
	[dreg:$0x5] =	wrdreg s13  }
.Ltmp0:
0x13: {  	s12 =	simm.s32 $0x1F50;
	[dreg:$0x7] =	wrdreg s2;
	(pc) =	sbr.rel .LBB2_1-.Ltmp0, $4  }
0x14: {  	s26 =	smax.u32 s9, $0x1;
	s16 =	sor.u32 @!p0 $0x1C09, s0;
	s0 =	sshrl.u32 @!p0 s10, $0x3  }
0x15: {  	s2 =	simm.s32 $0x7;
	s9 =	simm.s32 $0x8;
	[dreg:$0x9] =	wrdreg s26  }
0x16: {  	s10 =	simm.s32 $0x1F00;
	s13 =	simm.s32 $0x1F78;
	[dreg:$0xc] =	wrdreg s0  }
0x17: {  	s26 =	simm.s32 $0x1;
	s0 =	simm.s32 $0x4;
	[dreg:$0xb] =	wrdreg s16  }
.LBB2_10:
0x18: {  	s4 =	sadd.s32 $0x1, s4;
	s7 =	rddreg [dreg:$0x9]  }
0x19: {  	p2 =	sne.s32 s4, s7  }
.Ltmp1:
0x1a: {  	_ = 	snop;
	(pc) =	sbr.rel @!p2 .LBB2_11-.Ltmp1, $1  }
0x1b: {  	_ =	sdelay $0x3  }
.LBB2_1:
0x1c: {  	s7 =	simm.s32 @p0 $0x1FC9;
	s14 =	rddreg [dreg:$0x4]  }
0x1d: {  	[spmem:s15], [sflag:s7] =	dma.local @p0 [hbm:s14], $0x2800  }
0x1e: {  	s7 =	simm.s32 @p0 $0x9  }
0x1f: {  	_ =	swait.ge @p0 [sflag:s7], $0x2800  }
0x20: {  	[sflag:s7] =	ssyncset.done @p0 $0x0  }
0x21: {  	[sflag:s7] =	ssyncadd.s32 @p0 $0xFFFFD800;
	s7 =	rddreg [dreg:$0xc]  }
0x22: {  	[spmem:s7], [sflag:s16] =	dma.local @!p0 [hbm:s14], $0x2700  }
0x23: {  	s7 =	simm.s32 @!p0 $0x9  }
.Ltmp2:
0x24: {  	_ =	swait.ge @!p0 [sflag:s7], $0x2700;
	(pc) =	sbr.rel @p1 .LBB2_6-.Ltmp2, $4  }
0x25: {  	[sflag:s7] =	ssyncset.done @!p0 $0x0  }
0x26: {  	[sflag:s7] =	ssyncadd.s32 @!p0 $0xFFFFD900  }
0x27: {  	[bflag:$0x0] =	sbarrier.arrive $0xFFFF  }
0x28: {  	s14 =	simm.s32 $0x0;
	s7 =	simm.s32 $0x0  }
.LBB2_2:
0x29: {  	s14 =	smul.u32 $0xFA0, s7;
	_ =	sdelay $0x1  }
0x2a: {  	s14 =	sadd.s32 s8, s14  }
0x2b: {  	s14 =	sshrl.u32 s14, $0x3  }
0x2c: {  	s16 =	simm.s32 $0x0;
	s15 =	sadd.s32 s5, s14  }
0x2d: {  	[tilespmem:s16], [sflag:$0x9] =	stream.linear.gather [hbm4b:s15+s16], $0xFA0, $0x38;
	[tilespmem:$0x1A880] =	vst v63  }
0x2e: {  	_ =	swait.ge [sflag:s17], $0xFA0  }
0x2f: {  	[sflag:s17] =	ssyncset.done $0x0  }
0x30: {  	s14 =	sadd.s32 s6, s14;
	[sflag:s17] =	ssyncadd.s32 $0xFFFFF060  }
0x31: {  	[tilespmem:s18], [sflag:$0x9] =	stream.linear.gather [hbm4b:s14+s16], $0xFA0, $0x38;
	[tilespmem:$0x1A880] =	vst v63  }
0x32: {  	_ =	swait.ge [sflag:s17], $0xFA0  }
0x33: {  	[sflag:s17] =	ssyncset.done $0x0  }
0x34: {  	[sflag:s17] =	ssyncadd.s32 $0xFFFFF060  }
0x35: {  	[tilespmem:s20], [sflag:$0x1] =	stream.indirect.gather [hbm4b:s1+s19], $0x80, s16, s19, $0xb8;
	[tilespmem:$0x1A880] =	vst v63  }
0x36: {  	_ = 	snop  }
0x37: {  	[tilespmem:s21], [sflag:$0x2] =	stream.indirect.gather [hbm4b:s1+s19], $0x80, s19, s19, $0xb8;
	[tilespmem:$0x1A880] =	vst v63  }
0x38: {  	_ = 	snop  }
0x39: {  	[tilespmem:s23], [sflag:$0x3] =	stream.indirect.gather [hbm4b:s1+s19], $0x80, s22, s19, $0xb8;
	[tilespmem:$0x1A880] =	vst v63  }
0x3a: {  	_ = 	snop  }
0x3b: {  	[tilespmem:s25], [sflag:$0x4] =	stream.indirect.gather [hbm4b:s1+s19], $0x80, s24, s19, $0xb8;
	[tilespmem:$0x1A880] =	vst v63  }
0x3c: {  	_ =	swait.ge [sflag:s26], $0x1400  }
0x3d: {  	[sflag:s26] =	ssyncset.done $0x0  }
0x3e: {  	s16 =	simm.s32 $0x1000;
	[sflag:s26] =	ssyncadd.s32 $0xFFFFEC00  }
0x3f: {  	[spmem:s3] =	stream.indirect.scatter.add.f32 [tilespmem:s20], [sflag:$0x5], $0x80, s16, s19, $0xb8;
	[tilespmem:$0x1A880] =	vst v63  }
0x40: {  	_ =	swait.ge [sflag:s28], $0x1400  }
0x41: {  	[sflag:s28] =	ssyncset.done $0x0  }
0x42: {  	s15 =	simm.s32 $0x1028;
	[sflag:s28] =	ssyncadd.s32 $0xFFFFEC00  }
0x43: {  	[spmem:s3] =	stream.indirect.scatter.add.f32 [tilespmem:s21], [sflag:$0x6], $0x80, s15, s19, $0xb8;
	[tilespmem:$0x1A880] =	vst v63  }
0x44: {  	_ =	swait.ge [sflag:s29], $0x1400  }
0x45: {  	[sflag:s29] =	ssyncset.done $0x0  }
0x46: {  	s16 =	simm.s32 $0xA0;
	[sflag:s29] =	ssyncadd.s32 $0xFFFFEC00  }
0x47: {  	[tilespmem:s20], [sflag:$0x1] =	stream.indirect.gather [hbm4b:s1+s19], $0x80, s16, s19, $0xb8;
	[tilespmem:$0x1A880] =	vst v63  }
0x48: {  	_ =	swait.ge [sflag:s30], $0x1400  }
0x49: {  	[sflag:s30] =	ssyncset.done $0x0  }
0x4a: {  	s15 =	simm.s32 $0xC8;
	[sflag:s30] =	ssyncadd.s32 $0xFFFFEC00  }
0x4b: {  	[tilespmem:s21], [sflag:$0x2] =	stream.indirect.gather [hbm4b:s1+s19], $0x80, s15, s19, $0xb8;
	[tilespmem:$0x1A880] =	vst v63  }
0x4c: {  	_ =	swait.ge [sflag:s31], $0x1400  }
0x4d: {  	[sflag:s31] =	ssyncset.done $0x0  }
0x4e: {  	s16 =	simm.s32 $0x1050;
	[sflag:s31] =	ssyncadd.s32 $0xFFFFEC00  }
0x4f: {  	[spmem:s3] =	stream.indirect.scatter.add.f32 [tilespmem:s23], [sflag:$0x7], $0x80, s16, s19, $0xb8;
	[tilespmem:$0x1A880] =	vst v63  }
0x50: {  	_ =	swait.ge [sflag:s0], $0x1400  }
0x51: {  	[sflag:s0] =	ssyncset.done $0x0  }
0x52: {  	s15 =	simm.s32 $0x1078;
	[sflag:s0] =	ssyncadd.s32 $0xFFFFEC00  }
0x53: {  	[spmem:s3] =	stream.indirect.scatter.add.f32 [tilespmem:s25], [sflag:$0x8], $0x80, s15, s19, $0xb8;
	[tilespmem:$0x1A880] =	vst v63  }
0x54: {  	_ =	swait.ge [sflag:s2], $0x1400  }
0x55: {  	[sflag:s2] =	ssyncset.done $0x0  }
0x56: {  	s16 =	simm.s32 $0xF0;
	[sflag:s2] =	ssyncadd.s32 $0xFFFFEC00  }
0x57: {  	[tilespmem:s23], [sflag:$0x3] =	stream.indirect.gather [hbm4b:s1+s19], $0x80, s16, s19, $0xb8;
	[tilespmem:$0x1A880] =	vst v63  }
0x58: {  	_ =	swait.ge [sflag:s9], $0x1400  }
0x59: {  	[sflag:s9] =	ssyncset.done $0x0  }
0x5a: {  	s14 =	simm.s32 $0x280;
	s15 =	simm.s32 $0x118;
	[sflag:s9] =	ssyncadd.s32 $0xFFFFEC00  }
.LBB2_3:
0x5b: {  	[tilespmem:s25], [sflag:$0x4] =	stream.indirect.gather [hbm4b:s1+s19], $0x80, s15, s19, $0xb8;
	[tilespmem:$0x1A880] =	vst v63  }
0x5c: {  	s15 =	smov.u32 s14  }
0x5d: {  	p2 =	sne.s32 s14, $0x3980;
	s14 =	sadd.s32 $0x280, s14;
	_ =	swait.ge [sflag:s26], $0x1400  }
0x5e: {  	s15 =	sshra.s32 s15, $0x2;
	[sflag:s26] =	ssyncset.done $0x0  }
0x5f: {  	s16 =	sadd.s32 $0x1000, s15;
	[sflag:s26] =	ssyncadd.s32 $0xFFFFEC00  }
0x60: {  	[spmem:s3] =	stream.indirect.scatter.add.f32 [tilespmem:s20], [sflag:$0x5], $0x80, s16, s19, $0xb8;
	[tilespmem:$0x1A880] =	vst v63  }
0x61: {  	_ =	swait.ge [sflag:s28], $0x1400  }
0x62: {  	[sflag:s28] =	ssyncset.done $0x0  }
0x63: {  	s16 =	sadd.s32 $0x1028, s15;
	[sflag:s28] =	ssyncadd.s32 $0xFFFFEC00  }
0x64: {  	[spmem:s3] =	stream.indirect.scatter.add.f32 [tilespmem:s21], [sflag:$0x6], $0x80, s16, s19, $0xb8;
	[tilespmem:$0x1A880] =	vst v63  }
0x65: {  	_ =	swait.ge [sflag:s29], $0x1400  }
0x66: {  	[sflag:s29] =	ssyncset.done $0x0  }
0x67: {  	s16 =	sadd.s32 $0xA0, s15;
	[sflag:s29] =	ssyncadd.s32 $0xFFFFEC00  }
0x68: {  	[tilespmem:s20], [sflag:$0x1] =	stream.indirect.gather [hbm4b:s1+s19], $0x80, s16, s19, $0xb8;
	[tilespmem:$0x1A880] =	vst v63  }
0x69: {  	_ =	swait.ge [sflag:s30], $0x1400  }
0x6a: {  	[sflag:s30] =	ssyncset.done $0x0  }
0x6b: {  	s16 =	sadd.s32 $0xC8, s15;
	[sflag:s30] =	ssyncadd.s32 $0xFFFFEC00  }
0x6c: {  	[tilespmem:s21], [sflag:$0x2] =	stream.indirect.gather [hbm4b:s1+s19], $0x80, s16, s19, $0xb8;
	[tilespmem:$0x1A880] =	vst v63  }
0x6d: {  	_ =	swait.ge [sflag:s31], $0x1400  }
0x6e: {  	[sflag:s31] =	ssyncset.done $0x0  }
0x6f: {  	s16 =	sadd.s32 $0x1050, s15;
	[sflag:s31] =	ssyncadd.s32 $0xFFFFEC00  }
0x70: {  	[spmem:s3] =	stream.indirect.scatter.add.f32 [tilespmem:s23], [sflag:$0x7], $0x80, s16, s19, $0xb8;
	[tilespmem:$0x1A880] =	vst v63  }
0x71: {  	_ =	swait.ge [sflag:s0], $0x1400  }
0x72: {  	[sflag:s0] =	ssyncset.done $0x0  }
0x73: {  	s16 =	sadd.s32 $0x1078, s15;
	[sflag:s0] =	ssyncadd.s32 $0xFFFFEC00  }
0x74: {  	[spmem:s3] =	stream.indirect.scatter.add.f32 [tilespmem:s25], [sflag:$0x8], $0x80, s16, s19, $0xb8;
	[tilespmem:$0x1A880] =	vst v63  }
0x75: {  	_ =	swait.ge [sflag:s2], $0x1400  }
0x76: {  	[sflag:s2] =	ssyncset.done $0x0  }
.Ltmp3:
0x77: {  	s16 =	sadd.s32 $0xF0, s15;
	[sflag:s2] =	ssyncadd.s32 $0xFFFFEC00;
	(pc) =	sbr.rel @p2 .LBB2_3-.Ltmp3, $4  }
0x78: {  	[tilespmem:s23], [sflag:$0x3] =	stream.indirect.gather [hbm4b:s1+s19], $0x80, s16, s19, $0xb8;
	[tilespmem:$0x1A880] =	vst v63  }
0x79: {  	_ =	swait.ge [sflag:s9], $0x1400  }
0x7a: {  	[sflag:s9] =	ssyncset.done $0x0  }
0x7b: {  	s15 =	sadd.s32 $0x118, s15;
	[sflag:s9] =	ssyncadd.s32 $0xFFFFEC00  }
0x7c: {  	[tilespmem:s25], [sflag:$0x4] =	stream.indirect.gather [hbm4b:s1+s19], $0x80, s15, s19, $0xb8;
	[tilespmem:$0x1A880] =	vst v63  }
0x7d: {  	_ =	swait.ge [sflag:s26], $0x1400  }
0x7e: {  	[sflag:s26] =	ssyncset.done $0x0  }
0x7f: {  	[sflag:s26] =	ssyncadd.s32 $0xFFFFEC00  }
0x80: {  	[spmem:s3] =	stream.indirect.scatter.add.f32 [tilespmem:s20], [sflag:$0x5], $0x80, s10, s19, $0xb8;
	[tilespmem:$0x1A880] =	vst v63  }
0x81: {  	_ =	swait.ge [sflag:s28], $0x1400  }
0x82: {  	[sflag:s28] =	ssyncset.done $0x0  }
0x83: {  	[sflag:s28] =	ssyncadd.s32 $0xFFFFEC00  }
0x84: {  	[spmem:s3] =	stream.indirect.scatter.add.f32 [tilespmem:s21], [sflag:$0x6], $0x80, s11, s19, $0xb8;
	[tilespmem:$0x1A880] =	vst v63  }
0x85: {  	_ =	swait.ge [sflag:s31], $0x1400  }
0x86: {  	[sflag:s31] =	ssyncset.done $0x0  }
0x87: {  	[sflag:s31] =	ssyncadd.s32 $0xFFFFEC00  }
0x88: {  	[spmem:s3] =	stream.indirect.scatter.add.f32 [tilespmem:s23], [sflag:$0x7], $0x80, s12, s19, $0xb8;
	[tilespmem:$0x1A880] =	vst v63  }
0x89: {  	_ =	swait.ge [sflag:s0], $0x1400  }
0x8a: {  	[sflag:s0] =	ssyncset.done $0x0  }
0x8b: {  	[sflag:s0] =	ssyncadd.s32 $0xFFFFEC00  }
0x8c: {  	[spmem:s3] =	stream.indirect.scatter.add.f32 [tilespmem:s25], [sflag:$0x8], $0x80, s13, s19, $0xb8;
	[tilespmem:$0x1A880] =	vst v63  }
0x8d: {  	_ =	swait.ge [sflag:s29], $0x1400  }
0x8e: {  	[sflag:s29] =	ssyncset.done $0x0  }
0x8f: {  	[sflag:s29] =	ssyncadd.s32 $0xFFFFEC00  }
0x90: {  	_ =	swait.ge [sflag:s30], $0x1400  }
0x91: {  	[sflag:s30] =	ssyncset.done $0x0  }
0x92: {  	s7 =	sadd.s32 $0x1, s7;
	[sflag:s30] =	ssyncadd.s32 $0xFFFFEC00  }
0x93: {  	p2 =	sne.s32 s7, $0x5;
	_ =	swait.ge [sflag:s2], $0x1400  }
.Ltmp4:
0x94: {  	[sflag:s2] =	ssyncset.done $0x0;
	(pc) =	sbr.rel @p2 .LBB2_2-.Ltmp4, $4  }
0x95: {  	[sflag:s2] =	ssyncadd.s32 $0xFFFFEC00  }
0x96: {  	_ =	swait.ge [sflag:s9], $0x1400  }
0x97: {  	[sflag:s9] =	ssyncset.done $0x0  }
0x98: {  	[sflag:s9] =	ssyncadd.s32 $0xFFFFEC00  }
0x99: {  	[bflag:$0x0] =	sbarrier.arrive $0xFFFF  }
0x9a: {  	s14 =	rddreg [dreg:$0x8]  }
0x9b: {  	s7 =	simm.s32 @p0 $0x1FC9;
	s15 =	rddreg [dreg:$0xa]  }
0x9c: {  	[hbm:s14], [sflag:s7] =	dma.local @p0 [spmem:s15], $0x2800  }
0x9d: {  	s7 =	simm.s32 @p0 $0x9  }
0x9e: {  	_ =	swait.ge @p0 [sflag:s7], $0x2800  }
0x9f: {  	s16 =	rddreg [dreg:$0xb]  }
0xa0: {  	[sflag:s7] =	ssyncset.done @p0 $0x0;
	s14 =	rddreg [dreg:$0xc]  }
0xa1: {  	[sflag:s7] =	ssyncadd.s32 @p0 $0xFFFFD800;
	s7 =	rddreg [dreg:$0x7]  }
0xa2: {  	[hbm:s7], [sflag:s16] =	dma.local @!p0 [spmem:s14], $0x2700  }
.Ltmp5:
0xa3: {  	_ = 	snop;
	(pc) =	sbr.rel .LBB2_10-.Ltmp5, $4  }
0xa4: {  	s7 =	simm.s32 @!p0 $0x9  }
0xa5: {  	_ =	swait.ge @!p0 [sflag:s7], $0x2700  }
0xa6: {  	[sflag:s7] =	ssyncset.done @!p0 $0x0  }
0xa7: {  	[sflag:s7] =	ssyncadd.s32 @!p0 $0xFFFFD900  }
.LBB2_6:
0xa8: {  	s7 =	smul.u32 $0xFA0, s14;
	_ =	sdelay $0x1  }
0xa9: {  	s7 =	sadd.s32 s8, s7  }
0xaa: {  	s7 =	sshrl.u32 s7, $0x3  }
0xab: {  	s16 =	simm.s32 $0x0;
	s15 =	sadd.s32 s6, s7  }
0xac: {  	[tilespmem:s16], [sflag:$0x9] =	stream.linear.gather [hbm4b:s15+s16], $0xFA0, $0x38;
	[tilespmem:$0x1A880] =	vst v63  }
0xad: {  	_ =	swait.ge [sflag:s17], $0xFA0  }
0xae: {  	[sflag:s17] =	ssyncset.done $0x0  }
0xaf: {  	s7 =	sadd.s32 s5, s7;
	[sflag:s17] =	ssyncadd.s32 $0xFFFFF060  }
0xb0: {  	[tilespmem:s18], [sflag:$0x9] =	stream.linear.gather [hbm4b:s7+s16], $0xFA0, $0x38;
	[tilespmem:$0x1A880] =	vst v63  }
0xb1: {  	_ =	swait.ge [sflag:s17], $0xFA0  }
0xb2: {  	[sflag:s17] =	ssyncset.done $0x0  }
0xb3: {  	[sflag:s17] =	ssyncadd.s32 $0xFFFFF060  }
0xb4: {  	[tilespmem:s20], [sflag:$0x1] =	stream.indirect.gather [hbm4b:s1+s19], $0x80, s16, s19, $0xb8;
	[tilespmem:$0x1A880] =	vst v63  }
0xb5: {  	_ = 	snop  }
0xb6: {  	[tilespmem:s21], [sflag:$0x2] =	stream.indirect.gather [hbm4b:s1+s19], $0x80, s19, s19, $0xb8;
	[tilespmem:$0x1A880] =	vst v63  }
0xb7: {  	_ = 	snop  }
0xb8: {  	[tilespmem:s23], [sflag:$0x3] =	stream.indirect.gather [hbm4b:s1+s19], $0x80, s22, s19, $0xb8;
	[tilespmem:$0x1A880] =	vst v63  }
0xb9: {  	_ = 	snop  }
0xba: {  	[tilespmem:s25], [sflag:$0x4] =	stream.indirect.gather [hbm4b:s1+s19], $0x80, s24, s19, $0xb8;
	[tilespmem:$0x1A880] =	vst v63  }
0xbb: {  	_ =	swait.ge [sflag:s26], $0x1400  }
0xbc: {  	[sflag:s26] =	ssyncset.done $0x0  }
0xbd: {  	s16 =	simm.s32 $0x1000;
	[sflag:s26] =	ssyncadd.s32 $0xFFFFEC00  }
0xbe: {  	[spmem:s3] =	stream.indirect.scatter.add.f32 [tilespmem:s20], [sflag:$0x5], $0x80, s16, s19, $0xb8;
	[tilespmem:$0x1A880] =	vst v63  }
0xbf: {  	_ =	swait.ge [sflag:s28], $0x1400  }
0xc0: {  	[sflag:s28] =	ssyncset.done $0x0  }
0xc1: {  	s15 =	simm.s32 $0x1028;
	[sflag:s28] =	ssyncadd.s32 $0xFFFFEC00  }
0xc2: {  	[spmem:s3] =	stream.indirect.scatter.add.f32 [tilespmem:s21], [sflag:$0x6], $0x80, s15, s19, $0xb8;
	[tilespmem:$0x1A880] =	vst v63  }
0xc3: {  	_ =	swait.ge [sflag:s29], $0x1400  }
0xc4: {  	[sflag:s29] =	ssyncset.done $0x0  }
0xc5: {  	s16 =	simm.s32 $0xA0;
	[sflag:s29] =	ssyncadd.s32 $0xFFFFEC00  }
0xc6: {  	[tilespmem:s20], [sflag:$0x1] =	stream.indirect.gather [hbm4b:s1+s19], $0x80, s16, s19, $0xb8;
	[tilespmem:$0x1A880] =	vst v63  }
0xc7: {  	_ =	swait.ge [sflag:s30], $0x1400  }
0xc8: {  	[sflag:s30] =	ssyncset.done $0x0  }
0xc9: {  	s15 =	simm.s32 $0xC8;
	[sflag:s30] =	ssyncadd.s32 $0xFFFFEC00  }
0xca: {  	[tilespmem:s21], [sflag:$0x2] =	stream.indirect.gather [hbm4b:s1+s19], $0x80, s15, s19, $0xb8;
	[tilespmem:$0x1A880] =	vst v63  }
0xcb: {  	_ =	swait.ge [sflag:s31], $0x1400  }
0xcc: {  	[sflag:s31] =	ssyncset.done $0x0  }
0xcd: {  	s16 =	simm.s32 $0x1050;
	[sflag:s31] =	ssyncadd.s32 $0xFFFFEC00  }
0xce: {  	[spmem:s3] =	stream.indirect.scatter.add.f32 [tilespmem:s23], [sflag:$0x7], $0x80, s16, s19, $0xb8;
	[tilespmem:$0x1A880] =	vst v63  }
0xcf: {  	_ =	swait.ge [sflag:s0], $0x1400  }
0xd0: {  	[sflag:s0] =	ssyncset.done $0x0  }
0xd1: {  	s15 =	simm.s32 $0x1078;
	[sflag:s0] =	ssyncadd.s32 $0xFFFFEC00  }
0xd2: {  	[spmem:s3] =	stream.indirect.scatter.add.f32 [tilespmem:s25], [sflag:$0x8], $0x80, s15, s19, $0xb8;
	[tilespmem:$0x1A880] =	vst v63  }
0xd3: {  	_ =	swait.ge [sflag:s2], $0x1400  }
0xd4: {  	[sflag:s2] =	ssyncset.done $0x0  }
0xd5: {  	s16 =	simm.s32 $0xF0;
	[sflag:s2] =	ssyncadd.s32 $0xFFFFEC00  }
0xd6: {  	[tilespmem:s23], [sflag:$0x3] =	stream.indirect.gather [hbm4b:s1+s19], $0x80, s16, s19, $0xb8;
	[tilespmem:$0x1A880] =	vst v63  }
0xd7: {  	_ =	swait.ge [sflag:s9], $0x1400  }
0xd8: {  	[sflag:s9] =	ssyncset.done $0x0  }
0xd9: {  	s7 =	simm.s32 $0x280;
	s15 =	simm.s32 $0x118;
	[sflag:s9] =	ssyncadd.s32 $0xFFFFEC00  }
.LBB2_7:
0xda: {  	[tilespmem:s25], [sflag:$0x4] =	stream.indirect.gather [hbm4b:s1+s19], $0x80, s15, s19, $0xb8;
	[tilespmem:$0x1A880] =	vst v63  }
0xdb: {  	s15 =	smov.u32 s7  }
0xdc: {  	p2 =	sne.s32 s7, $0x3980;
	s7 =	sadd.s32 $0x280, s7;
	_ =	swait.ge [sflag:s26], $0x1400  }
0xdd: {  	s15 =	sshra.s32 s15, $0x2;
	[sflag:s26] =	ssyncset.done $0x0  }
0xde: {  	s16 =	sadd.s32 $0x1000, s15;
	[sflag:s26] =	ssyncadd.s32 $0xFFFFEC00  }
0xdf: {  	[spmem:s3] =	stream.indirect.scatter.add.f32 [tilespmem:s20], [sflag:$0x5], $0x80, s16, s19, $0xb8;
	[tilespmem:$0x1A880] =	vst v63  }
0xe0: {  	_ =	swait.ge [sflag:s28], $0x1400  }
0xe1: {  	[sflag:s28] =	ssyncset.done $0x0  }
0xe2: {  	s16 =	sadd.s32 $0x1028, s15;
	[sflag:s28] =	ssyncadd.s32 $0xFFFFEC00  }
0xe3: {  	[spmem:s3] =	stream.indirect.scatter.add.f32 [tilespmem:s21], [sflag:$0x6], $0x80, s16, s19, $0xb8;
	[tilespmem:$0x1A880] =	vst v63  }
0xe4: {  	_ =	swait.ge [sflag:s29], $0x1400  }
0xe5: {  	[sflag:s29] =	ssyncset.done $0x0  }
0xe6: {  	s16 =	sadd.s32 $0xA0, s15;
	[sflag:s29] =	ssyncadd.s32 $0xFFFFEC00  }
0xe7: {  	[tilespmem:s20], [sflag:$0x1] =	stream.indirect.gather [hbm4b:s1+s19], $0x80, s16, s19, $0xb8;
	[tilespmem:$0x1A880] =	vst v63  }
0xe8: {  	_ =	swait.ge [sflag:s30], $0x1400  }
0xe9: {  	[sflag:s30] =	ssyncset.done $0x0  }
0xea: {  	s16 =	sadd.s32 $0xC8, s15;
	[sflag:s30] =	ssyncadd.s32 $0xFFFFEC00  }
0xeb: {  	[tilespmem:s21], [sflag:$0x2] =	stream.indirect.gather [hbm4b:s1+s19], $0x80, s16, s19, $0xb8;
	[tilespmem:$0x1A880] =	vst v63  }
0xec: {  	_ =	swait.ge [sflag:s31], $0x1400  }
0xed: {  	[sflag:s31] =	ssyncset.done $0x0  }
0xee: {  	s16 =	sadd.s32 $0x1050, s15;
	[sflag:s31] =	ssyncadd.s32 $0xFFFFEC00  }
0xef: {  	[spmem:s3] =	stream.indirect.scatter.add.f32 [tilespmem:s23], [sflag:$0x7], $0x80, s16, s19, $0xb8;
	[tilespmem:$0x1A880] =	vst v63  }
0xf0: {  	_ =	swait.ge [sflag:s0], $0x1400  }
0xf1: {  	[sflag:s0] =	ssyncset.done $0x0  }
0xf2: {  	s16 =	sadd.s32 $0x1078, s15;
	[sflag:s0] =	ssyncadd.s32 $0xFFFFEC00  }
0xf3: {  	[spmem:s3] =	stream.indirect.scatter.add.f32 [tilespmem:s25], [sflag:$0x8], $0x80, s16, s19, $0xb8;
	[tilespmem:$0x1A880] =	vst v63  }
0xf4: {  	_ =	swait.ge [sflag:s2], $0x1400  }
0xf5: {  	[sflag:s2] =	ssyncset.done $0x0  }
.Ltmp6:
0xf6: {  	s16 =	sadd.s32 $0xF0, s15;
	[sflag:s2] =	ssyncadd.s32 $0xFFFFEC00;
	(pc) =	sbr.rel @p2 .LBB2_7-.Ltmp6, $4  }
0xf7: {  	[tilespmem:s23], [sflag:$0x3] =	stream.indirect.gather [hbm4b:s1+s19], $0x80, s16, s19, $0xb8;
	[tilespmem:$0x1A880] =	vst v63  }
0xf8: {  	_ =	swait.ge [sflag:s9], $0x1400  }
0xf9: {  	[sflag:s9] =	ssyncset.done $0x0  }
0xfa: {  	s15 =	sadd.s32 $0x118, s15;
	[sflag:s9] =	ssyncadd.s32 $0xFFFFEC00  }
0xfb: {  	[tilespmem:s25], [sflag:$0x4] =	stream.indirect.gather [hbm4b:s1+s19], $0x80, s15, s19, $0xb8;
	[tilespmem:$0x1A880] =	vst v63  }
0xfc: {  	_ =	swait.ge [sflag:s26], $0x1400  }
0xfd: {  	[sflag:s26] =	ssyncset.done $0x0  }
0xfe: {  	[sflag:s26] =	ssyncadd.s32 $0xFFFFEC00  }
0xff: {  	[spmem:s3] =	stream.indirect.scatter.add.f32 [tilespmem:s20], [sflag:$0x5], $0x80, s10, s19, $0xb8;
	[tilespmem:$0x1A880] =	vst v63  }
0x100: {  	_ =	swait.ge [sflag:s28], $0x1400  }
0x101: {  	[sflag:s28] =	ssyncset.done $0x0  }
0x102: {  	[sflag:s28] =	ssyncadd.s32 $0xFFFFEC00  }
0x103: {  	[spmem:s3] =	stream.indirect.scatter.add.f32 [tilespmem:s21], [sflag:$0x6], $0x80, s11, s19, $0xb8;
	[tilespmem:$0x1A880] =	vst v63  }
0x104: {  	_ =	swait.ge [sflag:s31], $0x1400  }
0x105: {  	[sflag:s31] =	ssyncset.done $0x0  }
0x106: {  	[sflag:s31] =	ssyncadd.s32 $0xFFFFEC00  }
0x107: {  	[spmem:s3] =	stream.indirect.scatter.add.f32 [tilespmem:s23], [sflag:$0x7], $0x80, s12, s19, $0xb8;
	[tilespmem:$0x1A880] =	vst v63  }
0x108: {  	_ =	swait.ge [sflag:s0], $0x1400  }
0x109: {  	[sflag:s0] =	ssyncset.done $0x0  }
0x10a: {  	[sflag:s0] =	ssyncadd.s32 $0xFFFFEC00  }
0x10b: {  	[spmem:s3] =	stream.indirect.scatter.add.f32 [tilespmem:s25], [sflag:$0x8], $0x80, s13, s19, $0xb8;
	[tilespmem:$0x1A880] =	vst v63  }
0x10c: {  	_ =	swait.ge [sflag:s29], $0x1400  }
0x10d: {  	[sflag:s29] =	ssyncset.done $0x0  }
0x10e: {  	[sflag:s29] =	ssyncadd.s32 $0xFFFFEC00  }
0x10f: {  	_ =	swait.ge [sflag:s30], $0x1400  }
0x110: {  	[sflag:s30] =	ssyncset.done $0x0  }
0x111: {  	s14 =	sadd.s32 $0x1, s14;
	[sflag:s30] =	ssyncadd.s32 $0xFFFFEC00  }
0x112: {  	p2 =	sne.s32 s14, $0x5;
	_ =	swait.ge [sflag:s2], $0x1400  }
.Ltmp7:
0x113: {  	[sflag:s2] =	ssyncset.done $0x0;
	(pc) =	sbr.rel @p2 .LBB2_6-.Ltmp7, $4  }
0x114: {  	[sflag:s2] =	ssyncadd.s32 $0xFFFFEC00  }
0x115: {  	_ =	swait.ge [sflag:s9], $0x1400  }
0x116: {  	[sflag:s9] =	ssyncset.done $0x0  }
0x117: {  	[sflag:s9] =	ssyncadd.s32 $0xFFFFEC00  }
0x118: {  	[bflag:$0x0] =	sbarrier.arrive $0xFFFF  }
0x119: {  	s14 =	rddreg [dreg:$0x6]  }
0x11a: {  	s7 =	simm.s32 @p0 $0x1FC9;
	s15 =	rddreg [dreg:$0xa]  }
0x11b: {  	[hbm:s14], [sflag:s7] =	dma.local @p0 [spmem:s15], $0x2800  }
0x11c: {  	s7 =	simm.s32 @p0 $0x9  }
0x11d: {  	_ =	swait.ge @p0 [sflag:s7], $0x2800  }
0x11e: {  	s16 =	rddreg [dreg:$0xb]  }
0x11f: {  	[sflag:s7] =	ssyncset.done @p0 $0x0;
	s14 =	rddreg [dreg:$0xc]  }
0x120: {  	[sflag:s7] =	ssyncadd.s32 @p0 $0xFFFFD800;
	s7 =	rddreg [dreg:$0x5]  }
0x121: {  	[hbm:s7], [sflag:s16] =	dma.local @!p0 [spmem:s14], $0x2700  }
.Ltmp8:
0x122: {  	_ = 	snop;
	(pc) =	sbr.rel .LBB2_10-.Ltmp8, $4  }
0x123: {  	s7 =	simm.s32 @!p0 $0x9  }
0x124: {  	_ =	swait.ge @!p0 [sflag:s7], $0x2700  }
0x125: {  	[sflag:s7] =	ssyncset.done @!p0 $0x0  }
0x126: {  	[sflag:s7] =	ssyncadd.s32 @!p0 $0xFFFFD900  }
.LBB2_11:
0x127: {  	_ =	sfence.sel $0x180000  }
0x128: {  	[bflag:$0x0] =	sbarrier.arrive $0xFFFF  }
0x129: {  	_ =	strace $0x90000047  }
0x12a: {  	s0 =	stileid.u32;
	[bflag:$0x2] =	sbarrier.arrive $0xFFFF  }
0x12b: {  	p0 =	sne.s32 s0, $0x0;
	s0 =	rddreg [dreg:$0x3]  }
0x12c: {  	s0 =	sadd.s32 @!p0 $0x100000, s0  }
0x12d: {  	[sflag:s0] =	ssyncadd.tile.s32 @!p0 $0x1;
	_ =	shalt  }
.Lfunc_end2:
_tile_overlayer_lowered:
.L_overlay_start_2:
0x12e: {  	(tag) =	ssettag $0x2  }
0x12f: {  	s0 =	rddreg [dreg:$0x0];
	s2 =	stileid.u32  }
0x130: {  	s1 =	rddreg [dreg:$0x1];
	p0 =	sne.s32 s2, $0x0  }
0x131: {  	s3 =	rddreg [dreg:$0x2];
	[bflag:$0x3] =	sbarrier.arrive $0xFFFF;
	s2 =	simm.s32 @!p0 $0x1C09  }
0x132: {  	[timem:s3], [sflag:s2] =	dma.local @!p0 [hbm:s0], s1  }
0x133: {  	s0 =	simm.s32 @!p0 $0x9  }
0x134: {  	_ =	swait.ge @!p0 [sflag:s0], s1  }
0x135: {  	s1 =	ssub.s32 @!p0 $0x0, s1;
	[sflag:s0] =	ssyncset.done @!p0 $0x0  }
0x136: {  	[sflag:s0] =	ssyncadd.s32 @!p0 s1  }
0x137: {  	[bflag:$0x3] =	sbarrier.arrive $0xFFFF  }
0x138: {  	_ =	shalt  }

</sc_bundles>
